<compile_context>
chip_gen: v7x
topology: tpu7x:2x2x1
jax: 0.10.2.dev20260603
libtpu: 0.0.44.dev20260713+nightly
codegen_flags: <defaults>
</compile_context>

<pallas_src>
import functools

import jax
import jax.numpy as jnp
from jax import lax
from jax.experimental import pallas as pl
from jax.experimental.pallas import tpu as pltpu
from jax.experimental.pallas import tpu_sc as plsc

N = 10000
E = 320000
D = 128
DE = 4
NF = 64

NC = 2
NS = 16
LN = 16
NW = NC * NS
EPW = E // NW
C = 80
NCHUNK = EPW // C
G = C // LN
NP = 10240
RPT = NP // NS
ZR = C
ZC = 64


def _sc_body(x_hbm, row_hbm, col_hbm, attrT_hbm, w_hbm,
             m_hbm, num_hbm, cnt_hbm,
             row_v, col_v, attr_v, w_v, src_v, m_v,
             ones_v, eo_v, zc_v, num_s, cnt_s, sem):
    cid = lax.axis_index("c")
    sid = lax.axis_index("s")
    wid = sid * NC + cid

    def fill_src0(r, _):
        for j in range(D // LN):
            src_v[r, pl.ds(j * LN, LN)] = jnp.zeros((LN,), jnp.float32)
        return 0
    lax.fori_loop(0, ZR, fill_src0, 0)

    def fill_zc(r, _):
        zc_v[r, :] = jnp.zeros((LN,), jnp.float32)
        return 0
    lax.fori_loop(0, ZC, fill_zc, 0)

    def fill_ones(r, _):
        ones_v[r, :] = jnp.ones((LN,), jnp.float32)
        return 0
    lax.fori_loop(0, C, fill_ones, 0)

    for q in range(RPT // ZR):
        pltpu.sync_copy(src_v, num_s.at[pl.ds(sid * RPT + q * ZR, ZR)])
    for q in range(RPT // ZC):
        pltpu.sync_copy(zc_v, cnt_s.at[pl.ds(sid * RPT + q * ZC, ZC)])

    pltpu.sync_copy(w_hbm, w_v)

    plsc.subcore_barrier()

    def chunk_body(i, _):
        pltpu.sync_copy(row_hbm.at[wid, i], row_v)
        pltpu.sync_copy(col_hbm.at[wid, i], col_v)
        pltpu.sync_copy(attrT_hbm.at[wid, i], attr_v)
        cp1 = pltpu.async_copy(x_hbm.at[row_v], src_v, sem)
        cp2 = pltpu.async_copy(x_hbm.at[col_v], m_v, sem)
        cp1.wait()
        cp2.wait()

        lane = lax.iota(jnp.int32, LN)
        for g in range(G):
            e0 = g * LN

            def edge_body(e, r2v):
                acc = jnp.zeros((LN,), jnp.float32)
                for j in range(D // LN):
                    s = src_v[e0 + e, pl.ds(j * LN, LN)]
                    t = m_v[e0 + e, pl.ds(j * LN, LN)]
                    d = s - t
                    m_v[e0 + e, pl.ds(j * LN, LN)] = d
                    acc = acc + d * d
                return jnp.where(lane == e, jnp.sum(acc), r2v)
            r2 = lax.fori_loop(0, LN, edge_body,
                               jnp.zeros((LN,), jnp.float32))

            bi = lax.bitcast_convert_type(r2, jnp.int32)
            yi = jnp.int32(0x5F3759DF) - lax.shift_right_logical(bi, 1)
            y = lax.bitcast_convert_type(yi, jnp.float32)
            h2 = 0.5 * r2
            for _u in range(3):
                y = y * (1.5 - h2 * y * y)
            radial = jnp.where(r2 > 0.0, r2 * y, 0.0)

            a1 = attr_v[0, pl.ds(e0, LN)]
            a2 = attr_v[1, pl.ds(e0, LN)]
            a3 = attr_v[2, pl.ds(e0, LN)]
            a4 = attr_v[3, pl.ds(e0, LN)]

            def mlp_body(j, acc):
                w = w_v[pl.ds(j * 8, LN)]
                h = (radial * w[0] + a1 * w[1] + a2 * w[2]
                     + a3 * w[3] + a4 * w[4] + w[5])
                return acc + h * w[6] + jnp.abs(h) * w[7]
            eo = lax.fori_loop(0, NF, mlp_body, jnp.zeros((LN,), jnp.float32))
            eo_v[:] = eo

            def mpass(e, _):
                s = plsc.load_gather(eo_v, [jnp.full((LN,), e, jnp.int32)])
                for j in range(D // LN):
                    m_v[e0 + e, pl.ds(j * LN, LN)] = (
                        m_v[e0 + e, pl.ds(j * LN, LN)] * s)
                return 0
            lax.fori_loop(0, LN, mpass, 0)

        base_e = wid * EPW + i * C
        pltpu.sync_copy(m_v, m_hbm.at[pl.ds(base_e, C)])
        pltpu.sync_copy(m_v, num_s.at[row_v], add=True)
        pltpu.sync_copy(ones_v, cnt_s.at[row_v], add=True)
        return 0

    lax.fori_loop(0, NCHUNK, chunk_body, 0)

    plsc.subcore_barrier()

    for q in range(RPT // ZR):
        pltpu.sync_copy(num_s.at[pl.ds(sid * RPT + q * ZR, ZR)], src_v)
        pltpu.sync_copy(src_v, num_hbm.at[cid, pl.ds(sid * RPT + q * ZR, ZR)])
    for q in range(RPT // ZC):
        pltpu.sync_copy(cnt_s.at[pl.ds(sid * RPT + q * ZC, ZC)], zc_v)
        pltpu.sync_copy(zc_v, cnt_hbm.at[cid, pl.ds(sid * RPT + q * ZC, ZC)])


_sc_kernel = functools.partial(
    pl.kernel,
    out_type=[
        jax.ShapeDtypeStruct((E, D), jnp.float32),
        jax.ShapeDtypeStruct((NC, NP, D), jnp.float32),
        jax.ShapeDtypeStruct((NC, NP, LN), jnp.float32),
    ],
    mesh=plsc.VectorSubcoreMesh(
        core_axis_name="c", subcore_axis_name="s",
        num_cores=NC, num_subcores=NS),
    compiler_params=pltpu.CompilerParams(
        needs_layout_passes=False, use_tc_tiling_on_sc=False),
    scratch_types=[
        pltpu.VMEM((C,), jnp.int32),
        pltpu.VMEM((C,), jnp.int32),
        pltpu.VMEM((DE, C), jnp.float32),
        pltpu.VMEM((NF * 8 + 8,), jnp.float32),
        pltpu.VMEM((C, D), jnp.float32),
        pltpu.VMEM((C, D), jnp.float32),
        pltpu.VMEM((C, LN), jnp.float32),
        pltpu.VMEM((LN,), jnp.float32),
        pltpu.VMEM((ZC, LN), jnp.float32),
        pltpu.VMEM_SHARED((NP, D), jnp.float32),
        pltpu.VMEM_SHARED((NP, LN), jnp.float32),
        pltpu.SemaphoreType.DMA,
    ],
)(_sc_body)


def _combine_body(x_ref, num_ref, cnt_ref, out_ref):
    n = num_ref[0] + num_ref[1]
    c = cnt_ref[0] + cnt_ref[1]
    c0 = c[:, 0:1]
    out_ref[...] = x_ref[...] + n / jnp.maximum(c0, 1.0)


_ROWS_BLK = 1000


def _combine(x, num, cnt):
    grid = N // _ROWS_BLK
    return pl.pallas_call(
        _combine_body,
        grid=(grid,),
        in_specs=[
            pl.BlockSpec((_ROWS_BLK, D), lambda i: (i, 0)),
            pl.BlockSpec((NC, _ROWS_BLK, D), lambda i: (0, i, 0)),
            pl.BlockSpec((NC, _ROWS_BLK, LN), lambda i: (0, i, 0)),
        ],
        out_specs=pl.BlockSpec((_ROWS_BLK, D), lambda i: (i, 0)),
        out_shape=jax.ShapeDtypeStruct((N, D), jnp.float32),
    )(x, num, cnt)


def kernel(x, edge_index, edge_attr, W1, b1, W2):
    row = edge_index[0].reshape(NW, NCHUNK, C)
    col = edge_index[1].reshape(NW, NCHUNK, C)
    attrT = edge_attr.reshape(NW, NCHUNK, C, DE).transpose(0, 1, 3, 2)
    w2f = W2.reshape(NF)
    wvec = jnp.concatenate(
        [W1, b1[:, None], (0.6 * w2f)[:, None], (0.4 * w2f)[:, None]],
        axis=1).reshape(-1)
    wvec = jnp.concatenate([wvec, jnp.zeros((8,), jnp.float32)])
    m_ij, num, cnt = _sc_kernel(x, row, col, attrT, wvec)
    x_out = _combine(x, num, cnt)
    return (x_out, m_ij)

# --- scband reference (transcript-rebuilt; emitter-appended) ---
"""Pipeline reference for scband-gcl-rf-1898375545388 (READ-ONLY COPY).

The authoritative reference and input builder live on the scoring server;
editing this copy changes nothing except your own understanding.
"""

import jax, jax.numpy as jnp
import numpy as np

N = 10000
E = 320000
D = 128
DE = 4
NF = 64
REG = 0.0


def setup_inputs(seed: int = 0) -> dict:
    key = jax.random.key(seed)
    k1, k2, k3, k4, k5 = jax.random.split(key, 5)
    x = jax.random.normal(k1, (N, D), dtype=jnp.float32)
    edge_index = jax.random.randint(k2, (2, E), 0, N, dtype=jnp.int32)
    edge_attr = jax.random.normal(k3, (E, DE), dtype=jnp.float32)
    # phi = Linear(DE+1 -> NF) + LeakyReLU(0.2) + Linear(NF -> 1, no bias, xavier gain=0.001)
    W1 = jax.random.normal(k4, (NF, DE + 1), dtype=jnp.float32) * (1.0 / np.sqrt(DE + 1))
    b1 = jnp.zeros((NF,), dtype=jnp.float32)
    W2 = jax.random.normal(k5, (1, NF), dtype=jnp.float32) * 0.001
    return {"x": x, "edge_index": edge_index, "edge_attr": edge_attr, "W1": W1, "b1": b1, "W2": W2}


def _leaky_relu(h):
    return jnp.where(h > 0, h, 0.2 * h)


def reference(x, edge_index, edge_attr, W1, b1, W2):
    row = edge_index[0]
    col = edge_index[1]
    source = jnp.take(x, row, axis=0)
    target = jnp.take(x, col, axis=0)
    x_diff = source - target
    radial = jnp.sqrt(jnp.sum(x_diff ** 2, axis=1, keepdims=True))
    e_input = jnp.concatenate([radial, edge_attr], axis=1)
    h = e_input @ W1.T + b1
    h = _leaky_relu(h)
    e_out = h @ W2.T
    m_ij = x_diff * e_out  # edge_feat
    # unsorted_segment_mean over destination row
    num = jnp.zeros((x.shape[0], x.shape[1]), x.dtype).at[row].add(m_ij)
    cnt = jnp.zeros((x.shape[0], x.shape[1]), x.dtype).at[row].add(jnp.ones_like(m_ij))
    agg = num / jnp.clip(cnt, 1.0, None)
    x_out = x + agg - x * REG
    return (x_out, m_ij)

if __name__ == "__main__":
    import jax
    _d = setup_inputs()
    print(jax.jit(kernel)(*tuple(_d.values())))

</pallas_src>

<mosaic_0001>
#map = affine_map<(d0, d1) -> (0, 0)>
#map1 = affine_map<(d0, d1) -> (0, 0, 0)>
#map2 = affine_map<(d0, d1) -> (0, 0, 0, 0)>
#map3 = affine_map<(d0, d1) -> (0)>
module attributes {stable_mosaic.version = 14 : i64} {
  func.func @_sc_body(%arg0: i32, %arg1: i32, %arg2: memref<10000x128xf32, #tpu.memory_space<hbm>>, %arg3: memref<32x125x80xi32, #tpu.memory_space<hbm>>, %arg4: memref<32x125x80xi32, #tpu.memory_space<hbm>>, %arg5: memref<32x125x4x80xf32, #tpu.memory_space<hbm>>, %arg6: memref<520xf32, #tpu.memory_space<hbm>>, %arg7: memref<320000x128xf32, #tpu.memory_space<hbm>>, %arg8: memref<2x10240x128xf32, #tpu.memory_space<hbm>>, %arg9: memref<2x10240x16xf32, #tpu.memory_space<hbm>>, %arg10: memref<80xi32, #tpu.memory_space<vmem>>, %arg11: memref<80xi32, #tpu.memory_space<vmem>>, %arg12: memref<4x80xf32, #tpu.memory_space<vmem>>, %arg13: memref<520xf32, #tpu.memory_space<vmem>>, %arg14: memref<80x128xf32, #tpu.memory_space<vmem>>, %arg15: memref<80x128xf32, #tpu.memory_space<vmem>>, %arg16: memref<80x16xf32, #tpu.memory_space<vmem>>, %arg17: memref<16xf32, #tpu.memory_space<vmem>>, %arg18: memref<64x16xf32, #tpu.memory_space<vmem>>, %arg19: memref<10240x128xf32, #tpu.memory_space<vmem_shared>>, %arg20: memref<10240x16xf32, #tpu.memory_space<vmem_shared>>, %arg21: memref<!tpu.dma_semaphore, #tpu.memory_space<semaphore_mem>>) attributes {dimension_semantics = [#tpu.dimension_semantics<core_parallel>, #tpu.dimension_semantics<subcore_parallel>], iteration_bounds = array<i64: 2, 16>, scalar_prefetch = 0 : i64, scratch_operands = 12 : i64, tpu.core_type = #tpu.core_type<sc_vector_subcore>, window_params = [{transform_indices = #map}, {transform_indices = #map1}, {transform_indices = #map1}, {transform_indices = #map2}, {transform_indices = #map3}, {transform_indices = #map}, {transform_indices = #map1}, {transform_indices = #map1}]} {
    %mul3A = arith.constant 2 : i32
    %mul3A_0 = arith.muli %arg1, %mul3A : i32
    %add3A = arith.addi %mul3A_0, %arg0 : i32
    %scan3A = arith.constant 0 : i32
    %scan3A_1 = arith.constant 0 : i32
    %scan3A_2 = arith.constant 80 : i32
    %scan3A_3 = arith.addi %scan3A_1, %scan3A_2 : i32
    %scan3A_4 = arith.constant 1 : i32
    %scan3A_5 = scf.for %scan3A_245 = %scan3A_1 to %scan3A_3 step %scan3A_4 iter_args(%scan3A_246 = %scan3A) -> (i32)  : i32 {
      %broadcast_in_dim3A = arith.constant 0.000000e+00 : f32
      %broadcast_in_dim3A_247 = vector.broadcast %broadcast_in_dim3A : f32 to vector<16xf32>
      %swap3A = arith.index_cast %scan3A_245 : i32 to index
      %swap3A_248 = arith.constant 0 : index
      %swap3A_249 = tpu.vector_load %arg14[%swap3A, %swap3A_248] {strides = array<i32>} : memref<80x128xf32, #tpu.memory_space<vmem>>, vector<16xf32>,
      tpu.vector_store %arg14[%swap3A, %swap3A_248], %broadcast_in_dim3A_247 {strides = array<i32>} : memref<80x128xf32, #tpu.memory_space<vmem>>, vector<16xf32>,
      %broadcast_in_dim3A_250 = arith.constant 0.000000e+00 : f32
      %broadcast_in_dim3A_251 = vector.broadcast %broadcast_in_dim3A_250 : f32 to vector<16xf32>
      %swap3A_252 = arith.index_cast %scan3A_245 : i32 to index
      %swap3A_253 = arith.constant 16 : index
      %swap3A_254 = tpu.vector_load %arg14[%swap3A_252, %swap3A_253] {strides = array<i32>} : memref<80x128xf32, #tpu.memory_space<vmem>>, vector<16xf32>,
      tpu.vector_store %arg14[%swap3A_252, %swap3A_253], %broadcast_in_dim3A_251 {strides = array<i32>} : memref<80x128xf32, #tpu.memory_space<vmem>>, vector<16xf32>,
      %broadcast_in_dim3A_255 = arith.constant 0.000000e+00 : f32
      %broadcast_in_dim3A_256 = vector.broadcast %broadcast_in_dim3A_255 : f32 to vector<16xf32>
      %swap3A_257 = arith.index_cast %scan3A_245 : i32 to index
      %swap3A_258 = arith.constant 32 : index
      %swap3A_259 = tpu.vector_load %arg14[%swap3A_257, %swap3A_258] {strides = array<i32>} : memref<80x128xf32, #tpu.memory_space<vmem>>, vector<16xf32>,
      tpu.vector_store %arg14[%swap3A_257, %swap3A_258], %broadcast_in_dim3A_256 {strides = array<i32>} : memref<80x128xf32, #tpu.memory_space<vmem>>, vector<16xf32>,
      %broadcast_in_dim3A_260 = arith.constant 0.000000e+00 : f32
      %broadcast_in_dim3A_261 = vector.broadcast %broadcast_in_dim3A_260 : f32 to vector<16xf32>
      %swap3A_262 = arith.index_cast %scan3A_245 : i32 to index
      %swap3A_263 = arith.constant 48 : index
      %swap3A_264 = tpu.vector_load %arg14[%swap3A_262, %swap3A_263] {strides = array<i32>} : memref<80x128xf32, #tpu.memory_space<vmem>>, vector<16xf32>,
      tpu.vector_store %arg14[%swap3A_262, %swap3A_263], %broadcast_in_dim3A_261 {strides = array<i32>} : memref<80x128xf32, #tpu.memory_space<vmem>>, vector<16xf32>,
      %broadcast_in_dim3A_265 = arith.constant 0.000000e+00 : f32
      %broadcast_in_dim3A_266 = vector.broadcast %broadcast_in_dim3A_265 : f32 to vector<16xf32>
      %swap3A_267 = arith.index_cast %scan3A_245 : i32 to index
      %swap3A_268 = arith.constant 64 : index
      %swap3A_269 = tpu.vector_load %arg14[%swap3A_267, %swap3A_268] {strides = array<i32>} : memref<80x128xf32, #tpu.memory_space<vmem>>, vector<16xf32>,
      tpu.vector_store %arg14[%swap3A_267, %swap3A_268], %broadcast_in_dim3A_266 {strides = array<i32>} : memref<80x128xf32, #tpu.memory_space<vmem>>, vector<16xf32>,
      %broadcast_in_dim3A_270 = arith.constant 0.000000e+00 : f32
      %broadcast_in_dim3A_271 = vector.broadcast %broadcast_in_dim3A_270 : f32 to vector<16xf32>
      %swap3A_272 = arith.index_cast %scan3A_245 : i32 to index
      %swap3A_273 = arith.constant 80 : index
      %swap3A_274 = tpu.vector_load %arg14[%swap3A_272, %swap3A_273] {strides = array<i32>} : memref<80x128xf32, #tpu.memory_space<vmem>>, vector<16xf32>,
      tpu.vector_store %arg14[%swap3A_272, %swap3A_273], %broadcast_in_dim3A_271 {strides = array<i32>} : memref<80x128xf32, #tpu.memory_space<vmem>>, vector<16xf32>,
      %broadcast_in_dim3A_275 = arith.constant 0.000000e+00 : f32
      %broadcast_in_dim3A_276 = vector.broadcast %broadcast_in_dim3A_275 : f32 to vector<16xf32>
      %swap3A_277 = arith.index_cast %scan3A_245 : i32 to index
      %swap3A_278 = arith.constant 96 : index
      %swap3A_279 = tpu.vector_load %arg14[%swap3A_277, %swap3A_278] {strides = array<i32>} : memref<80x128xf32, #tpu.memory_space<vmem>>, vector<16xf32>,
      tpu.vector_store %arg14[%swap3A_277, %swap3A_278], %broadcast_in_dim3A_276 {strides = array<i32>} : memref<80x128xf32, #tpu.memory_space<vmem>>, vector<16xf32>,
      %broadcast_in_dim3A_280 = arith.constant 0.000000e+00 : f32
      %broadcast_in_dim3A_281 = vector.broadcast %broadcast_in_dim3A_280 : f32 to vector<16xf32>
      %swap3A_282 = arith.index_cast %scan3A_245 : i32 to index
      %swap3A_283 = arith.constant 112 : index
      %swap3A_284 = tpu.vector_load %arg14[%swap3A_282, %swap3A_283] {strides = array<i32>} : memref<80x128xf32, #tpu.memory_space<vmem>>, vector<16xf32>,
      tpu.vector_store %arg14[%swap3A_282, %swap3A_283], %broadcast_in_dim3A_281 {strides = array<i32>} : memref<80x128xf32, #tpu.memory_space<vmem>>, vector<16xf32>,
      %scan3A_285 = arith.constant 0 : i32
      scf.yield %scan3A_285 : i32
    }
    %scan3A_6 = arith.constant 80 : i32
    %scan3A_7 = arith.constant 0 : i32
    %scan3A_8 = arith.constant 0 : i32
    %scan3A_9 = arith.constant 64 : i32
    %scan3A_10 = arith.addi %scan3A_8, %scan3A_9 : i32
    %scan3A_11 = arith.constant 1 : i32
    %scan3A_12 = scf.for %scan3A_245 = %scan3A_8 to %scan3A_10 step %scan3A_11 iter_args(%scan3A_246 = %scan3A_7) -> (i32)  : i32 {
      %broadcast_in_dim3A = arith.constant 0.000000e+00 : f32
      %broadcast_in_dim3A_247 = vector.broadcast %broadcast_in_dim3A : f32 to vector<16xf32>
      %swap3A = arith.index_cast %scan3A_245 : i32 to index
      %swap3A_248 = arith.constant 0 : index
      %swap3A_249 = tpu.vector_load %arg18[%swap3A, %swap3A_248] {strides = array<i32>} : memref<64x16xf32, #tpu.memory_space<vmem>>, vector<16xf32>,
      tpu.vector_store %arg18[%swap3A, %swap3A_248], %broadcast_in_dim3A_247 {strides = array<i32>} : memref<64x16xf32, #tpu.memory_space<vmem>>, vector<16xf32>,
      %scan3A_250 = arith.constant 0 : i32
      scf.yield %scan3A_250 : i32
    }
    %scan3A_13 = arith.constant 64 : i32
    %scan3A_14 = arith.constant 0 : i32
    %scan3A_15 = arith.constant 0 : i32
    %scan3A_16 = arith.constant 80 : i32
    %scan3A_17 = arith.addi %scan3A_15, %scan3A_16 : i32
    %scan3A_18 = arith.constant 1 : i32
    %scan3A_19 = scf.for %scan3A_245 = %scan3A_15 to %scan3A_17 step %scan3A_18 iter_args(%scan3A_246 = %scan3A_14) -> (i32)  : i32 {
      %broadcast_in_dim3A = arith.constant 1.000000e+00 : f32
      %broadcast_in_dim3A_247 = vector.broadcast %broadcast_in_dim3A : f32 to vector<16xf32>
      %swap3A = arith.index_cast %scan3A_245 : i32 to index
      %swap3A_248 = arith.constant 0 : index
      %swap3A_249 = tpu.vector_load %arg16[%swap3A, %swap3A_248] {strides = array<i32>} : memref<80x16xf32, #tpu.memory_space<vmem>>, vector<16xf32>,
      tpu.vector_store %arg16[%swap3A, %swap3A_248], %broadcast_in_dim3A_247 {strides = array<i32>} : memref<80x16xf32, #tpu.memory_space<vmem>>, vector<16xf32>,
      %scan3A_250 = arith.constant 0 : i32
      scf.yield %scan3A_250 : i32
    }
    %scan3A_20 = arith.constant 80 : i32
    %mul3A_21 = arith.constant 640 : i32
    %mul3A_22 = arith.muli %arg1, %mul3A_21 : i32
    %add3A_23 = arith.constant 0 : i32
    %add3A_24 = arith.addi %mul3A_22, %add3A_23 : i32
    "tpu.region"() ({
      %run_scoped3A = tpu.sem_alloc : memref<!tpu.dma_semaphore, #tpu.memory_space<semaphore_mem>>
      %dma_start3A = arith.constant 0 : i32
      %dma_start3A_245 = tpu.memref_slice %arg19[%add3A_24, %dma_start3A] : memref<10240x128xf32, #tpu.memory_space<vmem_shared>> -> memref<80x128xf32, #tpu.memory_space<vmem_shared>>
      %dma_start3A_246 = arith.constant 0 : i32
      %dma_start3A_247 = tpu.memref_slice %arg19[%add3A_24, %dma_start3A_246] : memref<10240x128xf32, #tpu.memory_space<vmem_shared>> -> memref<80x128xf32, #tpu.memory_space<vmem_shared>>
      tpu.enqueue_dma source(%arg14 : memref<80x128xf32, #tpu.memory_space<vmem>>) target(%dma_start3A_247 : memref<80x128xf32, #tpu.memory_space<vmem_shared>>) target_semaphore(%run_scoped3A : memref<!tpu.dma_semaphore, #tpu.memory_space<semaphore_mem>>)
      %dma_wait3A = arith.constant 0 : i32
      %dma_wait3A_248 = tpu.memref_slice %arg19[%add3A_24, %dma_wait3A] : memref<10240x128xf32, #tpu.memory_space<vmem_shared>> -> memref<80x128xf32, #tpu.memory_space<vmem_shared>>
      %dma_wait3A_249 = arith.constant 0 : i32
      %dma_wait3A_250 = tpu.memref_slice %arg19[%add3A_24, %dma_wait3A_249] : memref<10240x128xf32, #tpu.memory_space<vmem_shared>> -> memref<80x128xf32, #tpu.memory_space<vmem_shared>>
      tpu.wait_dma2 semaphore(%run_scoped3A : memref<!tpu.dma_semaphore, #tpu.memory_space<semaphore_mem>>) src(%arg14 : memref<80x128xf32, #tpu.memory_space<vmem>>) dst(%dma_wait3A_250 : memref<80x128xf32, #tpu.memory_space<vmem_shared>>)
      tpu.yield
    }) : () -> ()
    %mul3A_25 = arith.constant 640 : i32
    %mul3A_26 = arith.muli %arg1, %mul3A_25 : i32
    %add3A_27 = arith.constant 80 : i32
    %add3A_28 = arith.addi %mul3A_26, %add3A_27 : i32
    "tpu.region"() ({
      %run_scoped3A = tpu.sem_alloc : memref<!tpu.dma_semaphore, #tpu.memory_space<semaphore_mem>>
      %dma_start3A = arith.constant 0 : i32
      %dma_start3A_245 = tpu.memref_slice %arg19[%add3A_28, %dma_start3A] : memref<10240x128xf32, #tpu.memory_space<vmem_shared>> -> memref<80x128xf32, #tpu.memory_space<vmem_shared>>
      %dma_start3A_246 = arith.constant 0 : i32
      %dma_start3A_247 = tpu.memref_slice %arg19[%add3A_28, %dma_start3A_246] : memref<10240x128xf32, #tpu.memory_space<vmem_shared>> -> memref<80x128xf32, #tpu.memory_space<vmem_shared>>
      tpu.enqueue_dma source(%arg14 : memref<80x128xf32, #tpu.memory_space<vmem>>) target(%dma_start3A_247 : memref<80x128xf32, #tpu.memory_space<vmem_shared>>) target_semaphore(%run_scoped3A : memref<!tpu.dma_semaphore, #tpu.memory_space<semaphore_mem>>)
      %dma_wait3A = arith.constant 0 : i32
      %dma_wait3A_248 = tpu.memref_slice %arg19[%add3A_28, %dma_wait3A] : memref<10240x128xf32, #tpu.memory_space<vmem_shared>> -> memref<80x128xf32, #tpu.memory_space<vmem_shared>>
      %dma_wait3A_249 = arith.constant 0 : i32
      %dma_wait3A_250 = tpu.memref_slice %arg19[%add3A_28, %dma_wait3A_249] : memref<10240x128xf32, #tpu.memory_space<vmem_shared>> -> memref<80x128xf32, #tpu.memory_space<vmem_shared>>
      tpu.wait_dma2 semaphore(%run_scoped3A : memref<!tpu.dma_semaphore, #tpu.memory_space<semaphore_mem>>) src(%arg14 : memref<80x128xf32, #tpu.memory_space<vmem>>) dst(%dma_wait3A_250 : memref<80x128xf32, #tpu.memory_space<vmem_shared>>)
      tpu.yield
    }) : () -> ()
    %mul3A_29 = arith.constant 640 : i32
    %mul3A_30 = arith.muli %arg1, %mul3A_29 : i32
    %add3A_31 = arith.constant 160 : i32
    %add3A_32 = arith.addi %mul3A_30, %add3A_31 : i32
    "tpu.region"() ({
      %run_scoped3A = tpu.sem_alloc : memref<!tpu.dma_semaphore, #tpu.memory_space<semaphore_mem>>
      %dma_start3A = arith.constant 0 : i32
      %dma_start3A_245 = tpu.memref_slice %arg19[%add3A_32, %dma_start3A] : memref<10240x128xf32, #tpu.memory_space<vmem_shared>> -> memref<80x128xf32, #tpu.memory_space<vmem_shared>>
      %dma_start3A_246 = arith.constant 0 : i32
      %dma_start3A_247 = tpu.memref_slice %arg19[%add3A_32, %dma_start3A_246] : memref<10240x128xf32, #tpu.memory_space<vmem_shared>> -> memref<80x128xf32, #tpu.memory_space<vmem_shared>>
      tpu.enqueue_dma source(%arg14 : memref<80x128xf32, #tpu.memory_space<vmem>>) target(%dma_start3A_247 : memref<80x128xf32, #tpu.memory_space<vmem_shared>>) target_semaphore(%run_scoped3A : memref<!tpu.dma_semaphore, #tpu.memory_space<semaphore_mem>>)
      %dma_wait3A = arith.constant 0 : i32
      %dma_wait3A_248 = tpu.memref_slice %arg19[%add3A_32, %dma_wait3A] : memref<10240x128xf32, #tpu.memory_space<vmem_shared>> -> memref<80x128xf32, #tpu.memory_space<vmem_shared>>
      %dma_wait3A_249 = arith.constant 0 : i32
      %dma_wait3A_250 = tpu.memref_slice %arg19[%add3A_32, %dma_wait3A_249] : memref<10240x128xf32, #tpu.memory_space<vmem_shared>> -> memref<80x128xf32, #tpu.memory_space<vmem_shared>>
      tpu.wait_dma2 semaphore(%run_scoped3A : memref<!tpu.dma_semaphore, #tpu.memory_space<semaphore_mem>>) src(%arg14 : memref<80x128xf32, #tpu.memory_space<vmem>>) dst(%dma_wait3A_250 : memref<80x128xf32, #tpu.memory_space<vmem_shared>>)
      tpu.yield
    }) : () -> ()
    %mul3A_33 = arith.constant 640 : i32
    %mul3A_34 = arith.muli %arg1, %mul3A_33 : i32
    %add3A_35 = arith.constant 240 : i32
    %add3A_36 = arith.addi %mul3A_34, %add3A_35 : i32
    "tpu.region"() ({
      %run_scoped3A = tpu.sem_alloc : memref<!tpu.dma_semaphore, #tpu.memory_space<semaphore_mem>>
      %dma_start3A = arith.constant 0 : i32
      %dma_start3A_245 = tpu.memref_slice %arg19[%add3A_36, %dma_start3A] : memref<10240x128xf32, #tpu.memory_space<vmem_shared>> -> memref<80x128xf32, #tpu.memory_space<vmem_shared>>
      %dma_start3A_246 = arith.constant 0 : i32
      %dma_start3A_247 = tpu.memref_slice %arg19[%add3A_36, %dma_start3A_246] : memref<10240x128xf32, #tpu.memory_space<vmem_shared>> -> memref<80x128xf32, #tpu.memory_space<vmem_shared>>
      tpu.enqueue_dma source(%arg14 : memref<80x128xf32, #tpu.memory_space<vmem>>) target(%dma_start3A_247 : memref<80x128xf32, #tpu.memory_space<vmem_shared>>) target_semaphore(%run_scoped3A : memref<!tpu.dma_semaphore, #tpu.memory_space<semaphore_mem>>)
      %dma_wait3A = arith.constant 0 : i32
      %dma_wait3A_248 = tpu.memref_slice %arg19[%add3A_36, %dma_wait3A] : memref<10240x128xf32, #tpu.memory_space<vmem_shared>> -> memref<80x128xf32, #tpu.memory_space<vmem_shared>>
      %dma_wait3A_249 = arith.constant 0 : i32
      %dma_wait3A_250 = tpu.memref_slice %arg19[%add3A_36, %dma_wait3A_249] : memref<10240x128xf32, #tpu.memory_space<vmem_shared>> -> memref<80x128xf32, #tpu.memory_space<vmem_shared>>
      tpu.wait_dma2 semaphore(%run_scoped3A : memref<!tpu.dma_semaphore, #tpu.memory_space<semaphore_mem>>) src(%arg14 : memref<80x128xf32, #tpu.memory_space<vmem>>) dst(%dma_wait3A_250 : memref<80x128xf32, #tpu.memory_space<vmem_shared>>)
      tpu.yield
    }) : () -> ()
    %mul3A_37 = arith.constant 640 : i32
    %mul3A_38 = arith.muli %arg1, %mul3A_37 : i32
    %add3A_39 = arith.constant 320 : i32
    %add3A_40 = arith.addi %mul3A_38, %add3A_39 : i32
    "tpu.region"() ({
      %run_scoped3A = tpu.sem_alloc : memref<!tpu.dma_semaphore, #tpu.memory_space<semaphore_mem>>
      %dma_start3A = arith.constant 0 : i32
      %dma_start3A_245 = tpu.memref_slice %arg19[%add3A_40, %dma_start3A] : memref<10240x128xf32, #tpu.memory_space<vmem_shared>> -> memref<80x128xf32, #tpu.memory_space<vmem_shared>>
      %dma_start3A_246 = arith.constant 0 : i32
      %dma_start3A_247 = tpu.memref_slice %arg19[%add3A_40, %dma_start3A_246] : memref<10240x128xf32, #tpu.memory_space<vmem_shared>> -> memref<80x128xf32, #tpu.memory_space<vmem_shared>>
      tpu.enqueue_dma source(%arg14 : memref<80x128xf32, #tpu.memory_space<vmem>>) target(%dma_start3A_247 : memref<80x128xf32, #tpu.memory_space<vmem_shared>>) target_semaphore(%run_scoped3A : memref<!tpu.dma_semaphore, #tpu.memory_space<semaphore_mem>>)
      %dma_wait3A = arith.constant 0 : i32
      %dma_wait3A_248 = tpu.memref_slice %arg19[%add3A_40, %dma_wait3A] : memref<10240x128xf32, #tpu.memory_space<vmem_shared>> -> memref<80x128xf32, #tpu.memory_space<vmem_shared>>
      %dma_wait3A_249 = arith.constant 0 : i32
      %dma_wait3A_250 = tpu.memref_slice %arg19[%add3A_40, %dma_wait3A_249] : memref<10240x128xf32, #tpu.memory_space<vmem_shared>> -> memref<80x128xf32, #tpu.memory_space<vmem_shared>>
      tpu.wait_dma2 semaphore(%run_scoped3A : memref<!tpu.dma_semaphore, #tpu.memory_space<semaphore_mem>>) src(%arg14 : memref<80x128xf32, #tpu.memory_space<vmem>>) dst(%dma_wait3A_250 : memref<80x128xf32, #tpu.memory_space<vmem_shared>>)
      tpu.yield
    }) : () -> ()
    %mul3A_41 = arith.constant 640 : i32
    %mul3A_42 = arith.muli %arg1, %mul3A_41 : i32
    %add3A_43 = arith.constant 400 : i32
    %add3A_44 = arith.addi %mul3A_42, %add3A_43 : i32
    "tpu.region"() ({
      %run_scoped3A = tpu.sem_alloc : memref<!tpu.dma_semaphore, #tpu.memory_space<semaphore_mem>>
      %dma_start3A = arith.constant 0 : i32
      %dma_start3A_245 = tpu.memref_slice %arg19[%add3A_44, %dma_start3A] : memref<10240x128xf32, #tpu.memory_space<vmem_shared>> -> memref<80x128xf32, #tpu.memory_space<vmem_shared>>
      %dma_start3A_246 = arith.constant 0 : i32
      %dma_start3A_247 = tpu.memref_slice %arg19[%add3A_44, %dma_start3A_246] : memref<10240x128xf32, #tpu.memory_space<vmem_shared>> -> memref<80x128xf32, #tpu.memory_space<vmem_shared>>
      tpu.enqueue_dma source(%arg14 : memref<80x128xf32, #tpu.memory_space<vmem>>) target(%dma_start3A_247 : memref<80x128xf32, #tpu.memory_space<vmem_shared>>) target_semaphore(%run_scoped3A : memref<!tpu.dma_semaphore, #tpu.memory_space<semaphore_mem>>)
      %dma_wait3A = arith.constant 0 : i32
      %dma_wait3A_248 = tpu.memref_slice %arg19[%add3A_44, %dma_wait3A] : memref<10240x128xf32, #tpu.memory_space<vmem_shared>> -> memref<80x128xf32, #tpu.memory_space<vmem_shared>>
      %dma_wait3A_249 = arith.constant 0 : i32
      %dma_wait3A_250 = tpu.memref_slice %arg19[%add3A_44, %dma_wait3A_249] : memref<10240x128xf32, #tpu.memory_space<vmem_shared>> -> memref<80x128xf32, #tpu.memory_space<vmem_shared>>
      tpu.wait_dma2 semaphore(%run_scoped3A : memref<!tpu.dma_semaphore, #tpu.memory_space<semaphore_mem>>) src(%arg14 : memref<80x128xf32, #tpu.memory_space<vmem>>) dst(%dma_wait3A_250 : memref<80x128xf32, #tpu.memory_space<vmem_shared>>)
      tpu.yield
    }) : () -> ()
    %mul3A_45 = arith.constant 640 : i32
    %mul3A_46 = arith.muli %arg1, %mul3A_45 : i32
    %add3A_47 = arith.constant 480 : i32
    %add3A_48 = arith.addi %mul3A_46, %add3A_47 : i32
    "tpu.region"() ({
      %run_scoped3A = tpu.sem_alloc : memref<!tpu.dma_semaphore, #tpu.memory_space<semaphore_mem>>
      %dma_start3A = arith.constant 0 : i32
      %dma_start3A_245 = tpu.memref_slice %arg19[%add3A_48, %dma_start3A] : memref<10240x128xf32, #tpu.memory_space<vmem_shared>> -> memref<80x128xf32, #tpu.memory_space<vmem_shared>>
      %dma_start3A_246 = arith.constant 0 : i32
      %dma_start3A_247 = tpu.memref_slice %arg19[%add3A_48, %dma_start3A_246] : memref<10240x128xf32, #tpu.memory_space<vmem_shared>> -> memref<80x128xf32, #tpu.memory_space<vmem_shared>>
      tpu.enqueue_dma source(%arg14 : memref<80x128xf32, #tpu.memory_space<vmem>>) target(%dma_start3A_247 : memref<80x128xf32, #tpu.memory_space<vmem_shared>>) target_semaphore(%run_scoped3A : memref<!tpu.dma_semaphore, #tpu.memory_space<semaphore_mem>>)
      %dma_wait3A = arith.constant 0 : i32
      %dma_wait3A_248 = tpu.memref_slice %arg19[%add3A_48, %dma_wait3A] : memref<10240x128xf32, #tpu.memory_space<vmem_shared>> -> memref<80x128xf32, #tpu.memory_space<vmem_shared>>
      %dma_wait3A_249 = arith.constant 0 : i32
      %dma_wait3A_250 = tpu.memref_slice %arg19[%add3A_48, %dma_wait3A_249] : memref<10240x128xf32, #tpu.memory_space<vmem_shared>> -> memref<80x128xf32, #tpu.memory_space<vmem_shared>>
      tpu.wait_dma2 semaphore(%run_scoped3A : memref<!tpu.dma_semaphore, #tpu.memory_space<semaphore_mem>>) src(%arg14 : memref<80x128xf32, #tpu.memory_space<vmem>>) dst(%dma_wait3A_250 : memref<80x128xf32, #tpu.memory_space<vmem_shared>>)
      tpu.yield
    }) : () -> ()
    %mul3A_49 = arith.constant 640 : i32
    %mul3A_50 = arith.muli %arg1, %mul3A_49 : i32
    %add3A_51 = arith.constant 560 : i32
    %add3A_52 = arith.addi %mul3A_50, %add3A_51 : i32
    "tpu.region"() ({
      %run_scoped3A = tpu.sem_alloc : memref<!tpu.dma_semaphore, #tpu.memory_space<semaphore_mem>>
      %dma_start3A = arith.constant 0 : i32
      %dma_start3A_245 = tpu.memref_slice %arg19[%add3A_52, %dma_start3A] : memref<10240x128xf32, #tpu.memory_space<vmem_shared>> -> memref<80x128xf32, #tpu.memory_space<vmem_shared>>
      %dma_start3A_246 = arith.constant 0 : i32
      %dma_start3A_247 = tpu.memref_slice %arg19[%add3A_52, %dma_start3A_246] : memref<10240x128xf32, #tpu.memory_space<vmem_shared>> -> memref<80x128xf32, #tpu.memory_space<vmem_shared>>
      tpu.enqueue_dma source(%arg14 : memref<80x128xf32, #tpu.memory_space<vmem>>) target(%dma_start3A_247 : memref<80x128xf32, #tpu.memory_space<vmem_shared>>) target_semaphore(%run_scoped3A : memref<!tpu.dma_semaphore, #tpu.memory_space<semaphore_mem>>)
      %dma_wait3A = arith.constant 0 : i32
      %dma_wait3A_248 = tpu.memref_slice %arg19[%add3A_52, %dma_wait3A] : memref<10240x128xf32, #tpu.memory_space<vmem_shared>> -> memref<80x128xf32, #tpu.memory_space<vmem_shared>>
      %dma_wait3A_249 = arith.constant 0 : i32
      %dma_wait3A_250 = tpu.memref_slice %arg19[%add3A_52, %dma_wait3A_249] : memref<10240x128xf32, #tpu.memory_space<vmem_shared>> -> memref<80x128xf32, #tpu.memory_space<vmem_shared>>
      tpu.wait_dma2 semaphore(%run_scoped3A : memref<!tpu.dma_semaphore, #tpu.memory_space<semaphore_mem>>) src(%arg14 : memref<80x128xf32, #tpu.memory_space<vmem>>) dst(%dma_wait3A_250 : memref<80x128xf32, #tpu.memory_space<vmem_shared>>)
      tpu.yield
    }) : () -> ()
    %mul3A_53 = arith.constant 640 : i32
    %mul3A_54 = arith.muli %arg1, %mul3A_53 : i32
    %add3A_55 = arith.constant 0 : i32
    %add3A_56 = arith.addi %mul3A_54, %add3A_55 : i32
    "tpu.region"() ({
      %run_scoped3A = tpu.sem_alloc : memref<!tpu.dma_semaphore, #tpu.memory_space<semaphore_mem>>
      %dma_start3A = arith.constant 0 : i32
      %dma_start3A_245 = tpu.memref_slice %arg20[%add3A_56, %dma_start3A] : memref<10240x16xf32, #tpu.memory_space<vmem_shared>> -> memref<64x16xf32, #tpu.memory_space<vmem_shared>>
      %dma_start3A_246 = arith.constant 0 : i32
      %dma_start3A_247 = tpu.memref_slice %arg20[%add3A_56, %dma_start3A_246] : memref<10240x16xf32, #tpu.memory_space<vmem_shared>> -> memref<64x16xf32, #tpu.memory_space<vmem_shared>>
      tpu.enqueue_dma source(%arg18 : memref<64x16xf32, #tpu.memory_space<vmem>>) target(%dma_start3A_247 : memref<64x16xf32, #tpu.memory_space<vmem_shared>>) target_semaphore(%run_scoped3A : memref<!tpu.dma_semaphore, #tpu.memory_space<semaphore_mem>>)
      %dma_wait3A = arith.constant 0 : i32
      %dma_wait3A_248 = tpu.memref_slice %arg20[%add3A_56, %dma_wait3A] : memref<10240x16xf32, #tpu.memory_space<vmem_shared>> -> memref<64x16xf32, #tpu.memory_space<vmem_shared>>
      %dma_wait3A_249 = arith.constant 0 : i32
      %dma_wait3A_250 = tpu.memref_slice %arg20[%add3A_56, %dma_wait3A_249] : memref<10240x16xf32, #tpu.memory_space<vmem_shared>> -> memref<64x16xf32, #tpu.memory_space<vmem_shared>>
      tpu.wait_dma2 semaphore(%run_scoped3A : memref<!tpu.dma_semaphore, #tpu.memory_space<semaphore_mem>>) src(%arg18 : memref<64x16xf32, #tpu.memory_space<vmem>>) dst(%dma_wait3A_250 : memref<64x16xf32, #tpu.memory_space<vmem_shared>>)
      tpu.yield
    }) : () -> ()
    %mul3A_57 = arith.constant 640 : i32
    %mul3A_58 = arith.muli %arg1, %mul3A_57 : i32
    %add3A_59 = arith.constant 64 : i32
    %add3A_60 = arith.addi %mul3A_58, %add3A_59 : i32
    "tpu.region"() ({
      %run_scoped3A = tpu.sem_alloc : memref<!tpu.dma_semaphore, #tpu.memory_space<semaphore_mem>>
      %dma_start3A = arith.constant 0 : i32
      %dma_start3A_245 = tpu.memref_slice %arg20[%add3A_60, %dma_start3A] : memref<10240x16xf32, #tpu.memory_space<vmem_shared>> -> memref<64x16xf32, #tpu.memory_space<vmem_shared>>
      %dma_start3A_246 = arith.constant 0 : i32
      %dma_start3A_247 = tpu.memref_slice %arg20[%add3A_60, %dma_start3A_246] : memref<10240x16xf32, #tpu.memory_space<vmem_shared>> -> memref<64x16xf32, #tpu.memory_space<vmem_shared>>
      tpu.enqueue_dma source(%arg18 : memref<64x16xf32, #tpu.memory_space<vmem>>) target(%dma_start3A_247 : memref<64x16xf32, #tpu.memory_space<vmem_shared>>) target_semaphore(%run_scoped3A : memref<!tpu.dma_semaphore, #tpu.memory_space<semaphore_mem>>)
      %dma_wait3A = arith.constant 0 : i32
      %dma_wait3A_248 = tpu.memref_slice %arg20[%add3A_60, %dma_wait3A] : memref<10240x16xf32, #tpu.memory_space<vmem_shared>> -> memref<64x16xf32, #tpu.memory_space<vmem_shared>>
      %dma_wait3A_249 = arith.constant 0 : i32
      %dma_wait3A_250 = tpu.memref_slice %arg20[%add3A_60, %dma_wait3A_249] : memref<10240x16xf32, #tpu.memory_space<vmem_shared>> -> memref<64x16xf32, #tpu.memory_space<vmem_shared>>
      tpu.wait_dma2 semaphore(%run_scoped3A : memref<!tpu.dma_semaphore, #tpu.memory_space<semaphore_mem>>) src(%arg18 : memref<64x16xf32, #tpu.memory_space<vmem>>) dst(%dma_wait3A_250 : memref<64x16xf32, #tpu.memory_space<vmem_shared>>)
      tpu.yield
    }) : () -> ()
    %mul3A_61 = arith.constant 640 : i32
    %mul3A_62 = arith.muli %arg1, %mul3A_61 : i32
    %add3A_63 = arith.constant 128 : i32
    %add3A_64 = arith.addi %mul3A_62, %add3A_63 : i32
    "tpu.region"() ({
      %run_scoped3A = tpu.sem_alloc : memref<!tpu.dma_semaphore, #tpu.memory_space<semaphore_mem>>
      %dma_start3A = arith.constant 0 : i32
      %dma_start3A_245 = tpu.memref_slice %arg20[%add3A_64, %dma_start3A] : memref<10240x16xf32, #tpu.memory_space<vmem_shared>> -> memref<64x16xf32, #tpu.memory_space<vmem_shared>>
      %dma_start3A_246 = arith.constant 0 : i32
      %dma_start3A_247 = tpu.memref_slice %arg20[%add3A_64, %dma_start3A_246] : memref<10240x16xf32, #tpu.memory_space<vmem_shared>> -> memref<64x16xf32, #tpu.memory_space<vmem_shared>>
      tpu.enqueue_dma source(%arg18 : memref<64x16xf32, #tpu.memory_space<vmem>>) target(%dma_start3A_247 : memref<64x16xf32, #tpu.memory_space<vmem_shared>>) target_semaphore(%run_scoped3A : memref<!tpu.dma_semaphore, #tpu.memory_space<semaphore_mem>>)
      %dma_wait3A = arith.constant 0 : i32
      %dma_wait3A_248 = tpu.memref_slice %arg20[%add3A_64, %dma_wait3A] : memref<10240x16xf32, #tpu.memory_space<vmem_shared>> -> memref<64x16xf32, #tpu.memory_space<vmem_shared>>
      %dma_wait3A_249 = arith.constant 0 : i32
      %dma_wait3A_250 = tpu.memref_slice %arg20[%add3A_64, %dma_wait3A_249] : memref<10240x16xf32, #tpu.memory_space<vmem_shared>> -> memref<64x16xf32, #tpu.memory_space<vmem_shared>>
      tpu.wait_dma2 semaphore(%run_scoped3A : memref<!tpu.dma_semaphore, #tpu.memory_space<semaphore_mem>>) src(%arg18 : memref<64x16xf32, #tpu.memory_space<vmem>>) dst(%dma_wait3A_250 : memref<64x16xf32, #tpu.memory_space<vmem_shared>>)
      tpu.yield
    }) : () -> ()
    %mul3A_65 = arith.constant 640 : i32
    %mul3A_66 = arith.muli %arg1, %mul3A_65 : i32
    %add3A_67 = arith.constant 192 : i32
    %add3A_68 = arith.addi %mul3A_66, %add3A_67 : i32
    "tpu.region"() ({
      %run_scoped3A = tpu.sem_alloc : memref<!tpu.dma_semaphore, #tpu.memory_space<semaphore_mem>>
      %dma_start3A = arith.constant 0 : i32
      %dma_start3A_245 = tpu.memref_slice %arg20[%add3A_68, %dma_start3A] : memref<10240x16xf32, #tpu.memory_space<vmem_shared>> -> memref<64x16xf32, #tpu.memory_space<vmem_shared>>
      %dma_start3A_246 = arith.constant 0 : i32
      %dma_start3A_247 = tpu.memref_slice %arg20[%add3A_68, %dma_start3A_246] : memref<10240x16xf32, #tpu.memory_space<vmem_shared>> -> memref<64x16xf32, #tpu.memory_space<vmem_shared>>
      tpu.enqueue_dma source(%arg18 : memref<64x16xf32, #tpu.memory_space<vmem>>) target(%dma_start3A_247 : memref<64x16xf32, #tpu.memory_space<vmem_shared>>) target_semaphore(%run_scoped3A : memref<!tpu.dma_semaphore, #tpu.memory_space<semaphore_mem>>)
      %dma_wait3A = arith.constant 0 : i32
      %dma_wait3A_248 = tpu.memref_slice %arg20[%add3A_68, %dma_wait3A] : memref<10240x16xf32, #tpu.memory_space<vmem_shared>> -> memref<64x16xf32, #tpu.memory_space<vmem_shared>>
      %dma_wait3A_249 = arith.constant 0 : i32
      %dma_wait3A_250 = tpu.memref_slice %arg20[%add3A_68, %dma_wait3A_249] : memref<10240x16xf32, #tpu.memory_space<vmem_shared>> -> memref<64x16xf32, #tpu.memory_space<vmem_shared>>
      tpu.wait_dma2 semaphore(%run_scoped3A : memref<!tpu.dma_semaphore, #tpu.memory_space<semaphore_mem>>) src(%arg18 : memref<64x16xf32, #tpu.memory_space<vmem>>) dst(%dma_wait3A_250 : memref<64x16xf32, #tpu.memory_space<vmem_shared>>)
      tpu.yield
    }) : () -> ()
    %mul3A_69 = arith.constant 640 : i32
    %mul3A_70 = arith.muli %arg1, %mul3A_69 : i32
    %add3A_71 = arith.constant 256 : i32
    %add3A_72 = arith.addi %mul3A_70, %add3A_71 : i32
    "tpu.region"() ({
      %run_scoped3A = tpu.sem_alloc : memref<!tpu.dma_semaphore, #tpu.memory_space<semaphore_mem>>
      %dma_start3A = arith.constant 0 : i32
      %dma_start3A_245 = tpu.memref_slice %arg20[%add3A_72, %dma_start3A] : memref<10240x16xf32, #tpu.memory_space<vmem_shared>> -> memref<64x16xf32, #tpu.memory_space<vmem_shared>>
      %dma_start3A_246 = arith.constant 0 : i32
      %dma_start3A_247 = tpu.memref_slice %arg20[%add3A_72, %dma_start3A_246] : memref<10240x16xf32, #tpu.memory_space<vmem_shared>> -> memref<64x16xf32, #tpu.memory_space<vmem_shared>>
      tpu.enqueue_dma source(%arg18 : memref<64x16xf32, #tpu.memory_space<vmem>>) target(%dma_start3A_247 : memref<64x16xf32, #tpu.memory_space<vmem_shared>>) target_semaphore(%run_scoped3A : memref<!tpu.dma_semaphore, #tpu.memory_space<semaphore_mem>>)
      %dma_wait3A = arith.constant 0 : i32
      %dma_wait3A_248 = tpu.memref_slice %arg20[%add3A_72, %dma_wait3A] : memref<10240x16xf32, #tpu.memory_space<vmem_shared>> -> memref<64x16xf32, #tpu.memory_space<vmem_shared>>
      %dma_wait3A_249 = arith.constant 0 : i32
      %dma_wait3A_250 = tpu.memref_slice %arg20[%add3A_72, %dma_wait3A_249] : memref<10240x16xf32, #tpu.memory_space<vmem_shared>> -> memref<64x16xf32, #tpu.memory_space<vmem_shared>>
      tpu.wait_dma2 semaphore(%run_scoped3A : memref<!tpu.dma_semaphore, #tpu.memory_space<semaphore_mem>>) src(%arg18 : memref<64x16xf32, #tpu.memory_space<vmem>>) dst(%dma_wait3A_250 : memref<64x16xf32, #tpu.memory_space<vmem_shared>>)
      tpu.yield
    }) : () -> ()
    %mul3A_73 = arith.constant 640 : i32
    %mul3A_74 = arith.muli %arg1, %mul3A_73 : i32
    %add3A_75 = arith.constant 320 : i32
    %add3A_76 = arith.addi %mul3A_74, %add3A_75 : i32
    "tpu.region"() ({
      %run_scoped3A = tpu.sem_alloc : memref<!tpu.dma_semaphore, #tpu.memory_space<semaphore_mem>>
      %dma_start3A = arith.constant 0 : i32
      %dma_start3A_245 = tpu.memref_slice %arg20[%add3A_76, %dma_start3A] : memref<10240x16xf32, #tpu.memory_space<vmem_shared>> -> memref<64x16xf32, #tpu.memory_space<vmem_shared>>
      %dma_start3A_246 = arith.constant 0 : i32
      %dma_start3A_247 = tpu.memref_slice %arg20[%add3A_76, %dma_start3A_246] : memref<10240x16xf32, #tpu.memory_space<vmem_shared>> -> memref<64x16xf32, #tpu.memory_space<vmem_shared>>
      tpu.enqueue_dma source(%arg18 : memref<64x16xf32, #tpu.memory_space<vmem>>) target(%dma_start3A_247 : memref<64x16xf32, #tpu.memory_space<vmem_shared>>) target_semaphore(%run_scoped3A : memref<!tpu.dma_semaphore, #tpu.memory_space<semaphore_mem>>)
      %dma_wait3A = arith.constant 0 : i32
      %dma_wait3A_248 = tpu.memref_slice %arg20[%add3A_76, %dma_wait3A] : memref<10240x16xf32, #tpu.memory_space<vmem_shared>> -> memref<64x16xf32, #tpu.memory_space<vmem_shared>>
      %dma_wait3A_249 = arith.constant 0 : i32
      %dma_wait3A_250 = tpu.memref_slice %arg20[%add3A_76, %dma_wait3A_249] : memref<10240x16xf32, #tpu.memory_space<vmem_shared>> -> memref<64x16xf32, #tpu.memory_space<vmem_shared>>
      tpu.wait_dma2 semaphore(%run_scoped3A : memref<!tpu.dma_semaphore, #tpu.memory_space<semaphore_mem>>) src(%arg18 : memref<64x16xf32, #tpu.memory_space<vmem>>) dst(%dma_wait3A_250 : memref<64x16xf32, #tpu.memory_space<vmem_shared>>)
      tpu.yield
    }) : () -> ()
    %mul3A_77 = arith.constant 640 : i32
    %mul3A_78 = arith.muli %arg1, %mul3A_77 : i32
    %add3A_79 = arith.constant 384 : i32
    %add3A_80 = arith.addi %mul3A_78, %add3A_79 : i32
    "tpu.region"() ({
      %run_scoped3A = tpu.sem_alloc : memref<!tpu.dma_semaphore, #tpu.memory_space<semaphore_mem>>
      %dma_start3A = arith.constant 0 : i32
      %dma_start3A_245 = tpu.memref_slice %arg20[%add3A_80, %dma_start3A] : memref<10240x16xf32, #tpu.memory_space<vmem_shared>> -> memref<64x16xf32, #tpu.memory_space<vmem_shared>>
      %dma_start3A_246 = arith.constant 0 : i32
      %dma_start3A_247 = tpu.memref_slice %arg20[%add3A_80, %dma_start3A_246] : memref<10240x16xf32, #tpu.memory_space<vmem_shared>> -> memref<64x16xf32, #tpu.memory_space<vmem_shared>>
      tpu.enqueue_dma source(%arg18 : memref<64x16xf32, #tpu.memory_space<vmem>>) target(%dma_start3A_247 : memref<64x16xf32, #tpu.memory_space<vmem_shared>>) target_semaphore(%run_scoped3A : memref<!tpu.dma_semaphore, #tpu.memory_space<semaphore_mem>>)
      %dma_wait3A = arith.constant 0 : i32
      %dma_wait3A_248 = tpu.memref_slice %arg20[%add3A_80, %dma_wait3A] : memref<10240x16xf32, #tpu.memory_space<vmem_shared>> -> memref<64x16xf32, #tpu.memory_space<vmem_shared>>
      %dma_wait3A_249 = arith.constant 0 : i32
      %dma_wait3A_250 = tpu.memref_slice %arg20[%add3A_80, %dma_wait3A_249] : memref<10240x16xf32, #tpu.memory_space<vmem_shared>> -> memref<64x16xf32, #tpu.memory_space<vmem_shared>>
      tpu.wait_dma2 semaphore(%run_scoped3A : memref<!tpu.dma_semaphore, #tpu.memory_space<semaphore_mem>>) src(%arg18 : memref<64x16xf32, #tpu.memory_space<vmem>>) dst(%dma_wait3A_250 : memref<64x16xf32, #tpu.memory_space<vmem_shared>>)
      tpu.yield
    }) : () -> ()
    %mul3A_81 = arith.constant 640 : i32
    %mul3A_82 = arith.muli %arg1, %mul3A_81 : i32
    %add3A_83 = arith.constant 448 : i32
    %add3A_84 = arith.addi %mul3A_82, %add3A_83 : i32
    "tpu.region"() ({
      %run_scoped3A = tpu.sem_alloc : memref<!tpu.dma_semaphore, #tpu.memory_space<semaphore_mem>>
      %dma_start3A = arith.constant 0 : i32
      %dma_start3A_245 = tpu.memref_slice %arg20[%add3A_84, %dma_start3A] : memref<10240x16xf32, #tpu.memory_space<vmem_shared>> -> memref<64x16xf32, #tpu.memory_space<vmem_shared>>
      %dma_start3A_246 = arith.constant 0 : i32
      %dma_start3A_247 = tpu.memref_slice %arg20[%add3A_84, %dma_start3A_246] : memref<10240x16xf32, #tpu.memory_space<vmem_shared>> -> memref<64x16xf32, #tpu.memory_space<vmem_shared>>
      tpu.enqueue_dma source(%arg18 : memref<64x16xf32, #tpu.memory_space<vmem>>) target(%dma_start3A_247 : memref<64x16xf32, #tpu.memory_space<vmem_shared>>) target_semaphore(%run_scoped3A : memref<!tpu.dma_semaphore, #tpu.memory_space<semaphore_mem>>)
      %dma_wait3A = arith.constant 0 : i32
      %dma_wait3A_248 = tpu.memref_slice %arg20[%add3A_84, %dma_wait3A] : memref<10240x16xf32, #tpu.memory_space<vmem_shared>> -> memref<64x16xf32, #tpu.memory_space<vmem_shared>>
      %dma_wait3A_249 = arith.constant 0 : i32
      %dma_wait3A_250 = tpu.memref_slice %arg20[%add3A_84, %dma_wait3A_249] : memref<10240x16xf32, #tpu.memory_space<vmem_shared>> -> memref<64x16xf32, #tpu.memory_space<vmem_shared>>
      tpu.wait_dma2 semaphore(%run_scoped3A : memref<!tpu.dma_semaphore, #tpu.memory_space<semaphore_mem>>) src(%arg18 : memref<64x16xf32, #tpu.memory_space<vmem>>) dst(%dma_wait3A_250 : memref<64x16xf32, #tpu.memory_space<vmem_shared>>)
      tpu.yield
    }) : () -> ()
    %mul3A_85 = arith.constant 640 : i32
    %mul3A_86 = arith.muli %arg1, %mul3A_85 : i32
    %add3A_87 = arith.constant 512 : i32
    %add3A_88 = arith.addi %mul3A_86, %add3A_87 : i32
    "tpu.region"() ({
      %run_scoped3A = tpu.sem_alloc : memref<!tpu.dma_semaphore, #tpu.memory_space<semaphore_mem>>
      %dma_start3A = arith.constant 0 : i32
      %dma_start3A_245 = tpu.memref_slice %arg20[%add3A_88, %dma_start3A] : memref<10240x16xf32, #tpu.memory_space<vmem_shared>> -> memref<64x16xf32, #tpu.memory_space<vmem_shared>>
      %dma_start3A_246 = arith.constant 0 : i32
      %dma_start3A_247 = tpu.memref_slice %arg20[%add3A_88, %dma_start3A_246] : memref<10240x16xf32, #tpu.memory_space<vmem_shared>> -> memref<64x16xf32, #tpu.memory_space<vmem_shared>>
      tpu.enqueue_dma source(%arg18 : memref<64x16xf32, #tpu.memory_space<vmem>>) target(%dma_start3A_247 : memref<64x16xf32, #tpu.memory_space<vmem_shared>>) target_semaphore(%run_scoped3A : memref<!tpu.dma_semaphore, #tpu.memory_space<semaphore_mem>>)
      %dma_wait3A = arith.constant 0 : i32
      %dma_wait3A_248 = tpu.memref_slice %arg20[%add3A_88, %dma_wait3A] : memref<10240x16xf32, #tpu.memory_space<vmem_shared>> -> memref<64x16xf32, #tpu.memory_space<vmem_shared>>
      %dma_wait3A_249 = arith.constant 0 : i32
      %dma_wait3A_250 = tpu.memref_slice %arg20[%add3A_88, %dma_wait3A_249] : memref<10240x16xf32, #tpu.memory_space<vmem_shared>> -> memref<64x16xf32, #tpu.memory_space<vmem_shared>>
      tpu.wait_dma2 semaphore(%run_scoped3A : memref<!tpu.dma_semaphore, #tpu.memory_space<semaphore_mem>>) src(%arg18 : memref<64x16xf32, #tpu.memory_space<vmem>>) dst(%dma_wait3A_250 : memref<64x16xf32, #tpu.memory_space<vmem_shared>>)
      tpu.yield
    }) : () -> ()
    %mul3A_89 = arith.constant 640 : i32
    %mul3A_90 = arith.muli %arg1, %mul3A_89 : i32
    %add3A_91 = arith.constant 576 : i32
    %add3A_92 = arith.addi %mul3A_90, %add3A_91 : i32
    "tpu.region"() ({
      %run_scoped3A = tpu.sem_alloc : memref<!tpu.dma_semaphore, #tpu.memory_space<semaphore_mem>>
      %dma_start3A = arith.constant 0 : i32
      %dma_start3A_245 = tpu.memref_slice %arg20[%add3A_92, %dma_start3A] : memref<10240x16xf32, #tpu.memory_space<vmem_shared>> -> memref<64x16xf32, #tpu.memory_space<vmem_shared>>
      %dma_start3A_246 = arith.constant 0 : i32
      %dma_start3A_247 = tpu.memref_slice %arg20[%add3A_92, %dma_start3A_246] : memref<10240x16xf32, #tpu.memory_space<vmem_shared>> -> memref<64x16xf32, #tpu.memory_space<vmem_shared>>
      tpu.enqueue_dma source(%arg18 : memref<64x16xf32, #tpu.memory_space<vmem>>) target(%dma_start3A_247 : memref<64x16xf32, #tpu.memory_space<vmem_shared>>) target_semaphore(%run_scoped3A : memref<!tpu.dma_semaphore, #tpu.memory_space<semaphore_mem>>)
      %dma_wait3A = arith.constant 0 : i32
      %dma_wait3A_248 = tpu.memref_slice %arg20[%add3A_92, %dma_wait3A] : memref<10240x16xf32, #tpu.memory_space<vmem_shared>> -> memref<64x16xf32, #tpu.memory_space<vmem_shared>>
      %dma_wait3A_249 = arith.constant 0 : i32
      %dma_wait3A_250 = tpu.memref_slice %arg20[%add3A_92, %dma_wait3A_249] : memref<10240x16xf32, #tpu.memory_space<vmem_shared>> -> memref<64x16xf32, #tpu.memory_space<vmem_shared>>
      tpu.wait_dma2 semaphore(%run_scoped3A : memref<!tpu.dma_semaphore, #tpu.memory_space<semaphore_mem>>) src(%arg18 : memref<64x16xf32, #tpu.memory_space<vmem>>) dst(%dma_wait3A_250 : memref<64x16xf32, #tpu.memory_space<vmem_shared>>)
      tpu.yield
    }) : () -> ()
    "tpu.region"() ({
      %run_scoped3A = tpu.sem_alloc : memref<!tpu.dma_semaphore, #tpu.memory_space<semaphore_mem>>
      tpu.enqueue_dma source(%arg6 : memref<520xf32, #tpu.memory_space<hbm>>) target(%arg13 : memref<520xf32, #tpu.memory_space<vmem>>) target_semaphore(%run_scoped3A : memref<!tpu.dma_semaphore, #tpu.memory_space<semaphore_mem>>)
      tpu.wait_dma2 semaphore(%run_scoped3A : memref<!tpu.dma_semaphore, #tpu.memory_space<semaphore_mem>>) src(%arg6 : memref<520xf32, #tpu.memory_space<hbm>>) dst(%arg13 : memref<520xf32, #tpu.memory_space<vmem>>)
      tpu.yield
    }) : () -> ()
    %barrier3A = arith.constant 0 : index
    tpu.barrier barrier_id(%barrier3A)
    %scan3A_93 = arith.constant 0 : i32
    %scan3A_94 = arith.constant 0 : i32
    %scan3A_95 = arith.constant 125 : i32
    %scan3A_96 = arith.addi %scan3A_94, %scan3A_95 : i32
    %scan3A_97 = arith.constant 1 : i32
    %scan3A_98 = scf.for %scan3A_245 = %scan3A_94 to %scan3A_96 step %scan3A_97 iter_args(%scan3A_246 = %scan3A_93) -> (i32)  : i32 {
      "tpu.region"() ({
        %run_scoped3A = tpu.sem_alloc : memref<!tpu.dma_semaphore, #tpu.memory_space<semaphore_mem>>
        %dma_start3A_639 = arith.constant 0 : i32
        %dma_start3A_640 = tpu.memref_slice %arg3[%add3A, %scan3A_245, %dma_start3A_639] : memref<32x125x80xi32, #tpu.memory_space<hbm>> -> memref<1x1x80xi32, #tpu.memory_space<hbm>>
        %dma_start3A_641 = tpu.memref_squeeze %dma_start3A_640 : memref<1x1x80xi32, #tpu.memory_space<hbm>> -> memref<80xi32, #tpu.memory_space<hbm>>
        %dma_start3A_642 = arith.constant 0 : i32
        %dma_start3A_643 = tpu.memref_slice %arg3[%add3A, %scan3A_245, %dma_start3A_642] : memref<32x125x80xi32, #tpu.memory_space<hbm>> -> memref<1x1x80xi32, #tpu.memory_space<hbm>>
        %dma_start3A_644 = tpu.memref_squeeze %dma_start3A_643 : memref<1x1x80xi32, #tpu.memory_space<hbm>> -> memref<80xi32, #tpu.memory_space<hbm>>
        tpu.enqueue_dma source(%dma_start3A_644 : memref<80xi32, #tpu.memory_space<hbm>>) target(%arg10 : memref<80xi32, #tpu.memory_space<vmem>>) target_semaphore(%run_scoped3A : memref<!tpu.dma_semaphore, #tpu.memory_space<semaphore_mem>>)
        %dma_wait3A_645 = arith.constant 0 : i32
        %dma_wait3A_646 = tpu.memref_slice %arg3[%add3A, %scan3A_245, %dma_wait3A_645] : memref<32x125x80xi32, #tpu.memory_space<hbm>> -> memref<1x1x80xi32, #tpu.memory_space<hbm>>
        %dma_wait3A_647 = tpu.memref_squeeze %dma_wait3A_646 : memref<1x1x80xi32, #tpu.memory_space<hbm>> -> memref<80xi32, #tpu.memory_space<hbm>>
        %dma_wait3A_648 = arith.constant 0 : i32
        %dma_wait3A_649 = tpu.memref_slice %arg3[%add3A, %scan3A_245, %dma_wait3A_648] : memref<32x125x80xi32, #tpu.memory_space<hbm>> -> memref<1x1x80xi32, #tpu.memory_space<hbm>>
        %dma_wait3A_650 = tpu.memref_squeeze %dma_wait3A_649 : memref<1x1x80xi32, #tpu.memory_space<hbm>> -> memref<80xi32, #tpu.memory_space<hbm>>
        tpu.wait_dma2 semaphore(%run_scoped3A : memref<!tpu.dma_semaphore, #tpu.memory_space<semaphore_mem>>) src(%dma_wait3A_650 : memref<80xi32, #tpu.memory_space<hbm>>) dst(%arg10 : memref<80xi32, #tpu.memory_space<vmem>>)
        tpu.yield
      }) : () -> ()
      "tpu.region"() ({
        %run_scoped3A = tpu.sem_alloc : memref<!tpu.dma_semaphore, #tpu.memory_space<semaphore_mem>>
        %dma_start3A_639 = arith.constant 0 : i32
        %dma_start3A_640 = tpu.memref_slice %arg4[%add3A, %scan3A_245, %dma_start3A_639] : memref<32x125x80xi32, #tpu.memory_space<hbm>> -> memref<1x1x80xi32, #tpu.memory_space<hbm>>
        %dma_start3A_641 = tpu.memref_squeeze %dma_start3A_640 : memref<1x1x80xi32, #tpu.memory_space<hbm>> -> memref<80xi32, #tpu.memory_space<hbm>>
        %dma_start3A_642 = arith.constant 0 : i32
        %dma_start3A_643 = tpu.memref_slice %arg4[%add3A, %scan3A_245, %dma_start3A_642] : memref<32x125x80xi32, #tpu.memory_space<hbm>> -> memref<1x1x80xi32, #tpu.memory_space<hbm>>
        %dma_start3A_644 = tpu.memref_squeeze %dma_start3A_643 : memref<1x1x80xi32, #tpu.memory_space<hbm>> -> memref<80xi32, #tpu.memory_space<hbm>>
        tpu.enqueue_dma source(%dma_start3A_644 : memref<80xi32, #tpu.memory_space<hbm>>) target(%arg11 : memref<80xi32, #tpu.memory_space<vmem>>) target_semaphore(%run_scoped3A : memref<!tpu.dma_semaphore, #tpu.memory_space<semaphore_mem>>)
        %dma_wait3A_645 = arith.constant 0 : i32
        %dma_wait3A_646 = tpu.memref_slice %arg4[%add3A, %scan3A_245, %dma_wait3A_645] : memref<32x125x80xi32, #tpu.memory_space<hbm>> -> memref<1x1x80xi32, #tpu.memory_space<hbm>>
        %dma_wait3A_647 = tpu.memref_squeeze %dma_wait3A_646 : memref<1x1x80xi32, #tpu.memory_space<hbm>> -> memref<80xi32, #tpu.memory_space<hbm>>
        %dma_wait3A_648 = arith.constant 0 : i32
        %dma_wait3A_649 = tpu.memref_slice %arg4[%add3A, %scan3A_245, %dma_wait3A_648] : memref<32x125x80xi32, #tpu.memory_space<hbm>> -> memref<1x1x80xi32, #tpu.memory_space<hbm>>
        %dma_wait3A_650 = tpu.memref_squeeze %dma_wait3A_649 : memref<1x1x80xi32, #tpu.memory_space<hbm>> -> memref<80xi32, #tpu.memory_space<hbm>>
        tpu.wait_dma2 semaphore(%run_scoped3A : memref<!tpu.dma_semaphore, #tpu.memory_space<semaphore_mem>>) src(%dma_wait3A_650 : memref<80xi32, #tpu.memory_space<hbm>>) dst(%arg11 : memref<80xi32, #tpu.memory_space<vmem>>)
        tpu.yield
      }) : () -> ()
      "tpu.region"() ({
        %run_scoped3A = tpu.sem_alloc : memref<!tpu.dma_semaphore, #tpu.memory_space<semaphore_mem>>
        %dma_start3A_639 = arith.constant 0 : i32
        %dma_start3A_640 = arith.constant 0 : i32
        %dma_start3A_641 = tpu.memref_slice %arg5[%add3A, %scan3A_245, %dma_start3A_639, %dma_start3A_640] : memref<32x125x4x80xf32, #tpu.memory_space<hbm>> -> memref<1x1x4x80xf32, #tpu.memory_space<hbm>>
        %dma_start3A_642 = tpu.memref_squeeze %dma_start3A_641 : memref<1x1x4x80xf32, #tpu.memory_space<hbm>> -> memref<4x80xf32, #tpu.memory_space<hbm>>
        %dma_start3A_643 = arith.constant 0 : i32
        %dma_start3A_644 = arith.constant 0 : i32
        %dma_start3A_645 = tpu.memref_slice %arg5[%add3A, %scan3A_245, %dma_start3A_643, %dma_start3A_644] : memref<32x125x4x80xf32, #tpu.memory_space<hbm>> -> memref<1x1x4x80xf32, #tpu.memory_space<hbm>>
        %dma_start3A_646 = tpu.memref_squeeze %dma_start3A_645 : memref<1x1x4x80xf32, #tpu.memory_space<hbm>> -> memref<4x80xf32, #tpu.memory_space<hbm>>
        tpu.enqueue_dma source(%dma_start3A_646 : memref<4x80xf32, #tpu.memory_space<hbm>>) target(%arg12 : memref<4x80xf32, #tpu.memory_space<vmem>>) target_semaphore(%run_scoped3A : memref<!tpu.dma_semaphore, #tpu.memory_space<semaphore_mem>>)
        %dma_wait3A_647 = arith.constant 0 : i32
        %dma_wait3A_648 = arith.constant 0 : i32
        %dma_wait3A_649 = tpu.memref_slice %arg5[%add3A, %scan3A_245, %dma_wait3A_647, %dma_wait3A_648] : memref<32x125x4x80xf32, #tpu.memory_space<hbm>> -> memref<1x1x4x80xf32, #tpu.memory_space<hbm>>
        %dma_wait3A_650 = tpu.memref_squeeze %dma_wait3A_649 : memref<1x1x4x80xf32, #tpu.memory_space<hbm>> -> memref<4x80xf32, #tpu.memory_space<hbm>>
        %dma_wait3A_651 = arith.constant 0 : i32
        %dma_wait3A_652 = arith.constant 0 : i32
        %dma_wait3A_653 = tpu.memref_slice %arg5[%add3A, %scan3A_245, %dma_wait3A_651, %dma_wait3A_652] : memref<32x125x4x80xf32, #tpu.memory_space<hbm>> -> memref<1x1x4x80xf32, #tpu.memory_space<hbm>>
        %dma_wait3A_654 = tpu.memref_squeeze %dma_wait3A_653 : memref<1x1x4x80xf32, #tpu.memory_space<hbm>> -> memref<4x80xf32, #tpu.memory_space<hbm>>
        tpu.wait_dma2 semaphore(%run_scoped3A : memref<!tpu.dma_semaphore, #tpu.memory_space<semaphore_mem>>) src(%dma_wait3A_654 : memref<4x80xf32, #tpu.memory_space<hbm>>) dst(%arg12 : memref<4x80xf32, #tpu.memory_space<vmem>>)
        tpu.yield
      }) : () -> ()
      %dma_start3A = arith.constant 0 : i32
      %dma_start3A_247 = arith.constant 0 : i32
      %dma_start3A_248 = tpu.memref_slice %arg2[%dma_start3A, %dma_start3A_247] : memref<10000x128xf32, #tpu.memory_space<hbm>> -> memref<10000x128xf32, #tpu.memory_space<hbm>>
      tpu.enqueue_indirect_dma source(%dma_start3A_248 : memref<10000x128xf32, #tpu.memory_space<hbm>>) target(%arg14 : memref<80x128xf32, #tpu.memory_space<vmem>>) offsets(%arg10 : memref<80xi32, #tpu.memory_space<vmem>>) semaphore(%arg21 : memref<!tpu.dma_semaphore, #tpu.memory_space<semaphore_mem>>)
      %dma_start3A_249 = arith.constant 0 : i32
      %dma_start3A_250 = arith.constant 0 : i32
      %dma_start3A_251 = tpu.memref_slice %arg2[%dma_start3A_249, %dma_start3A_250] : memref<10000x128xf32, #tpu.memory_space<hbm>> -> memref<10000x128xf32, #tpu.memory_space<hbm>>
      tpu.enqueue_indirect_dma source(%dma_start3A_251 : memref<10000x128xf32, #tpu.memory_space<hbm>>) target(%arg15 : memref<80x128xf32, #tpu.memory_space<vmem>>) offsets(%arg11 : memref<80xi32, #tpu.memory_space<vmem>>) semaphore(%arg21 : memref<!tpu.dma_semaphore, #tpu.memory_space<semaphore_mem>>)
      %dma_wait3A = arith.constant 0 : i32
      %dma_wait3A_252 = arith.constant 0 : i32
      %dma_wait3A_253 = tpu.memref_slice %arg2[%dma_wait3A, %dma_wait3A_252] : memref<10000x128xf32, #tpu.memory_space<hbm>> -> memref<10000x128xf32, #tpu.memory_space<hbm>>
      tpu.wait_indirect_dma semaphore(%arg21 : memref<!tpu.dma_semaphore, #tpu.memory_space<semaphore_mem>>) src(%dma_wait3A_253 : memref<10000x128xf32, #tpu.memory_space<hbm>>) dst(%arg14 : memref<80x128xf32, #tpu.memory_space<vmem>>)
      %dma_wait3A_254 = arith.constant 0 : i32
      %dma_wait3A_255 = arith.constant 0 : i32
      %dma_wait3A_256 = tpu.memref_slice %arg2[%dma_wait3A_254, %dma_wait3A_255] : memref<10000x128xf32, #tpu.memory_space<hbm>> -> memref<10000x128xf32, #tpu.memory_space<hbm>>
      tpu.wait_indirect_dma semaphore(%arg21 : memref<!tpu.dma_semaphore, #tpu.memory_space<semaphore_mem>>) src(%dma_wait3A_256 : memref<10000x128xf32, #tpu.memory_space<hbm>>) dst(%arg15 : memref<80x128xf32, #tpu.memory_space<vmem>>)
      %iota3A = tpu.iota {dimensions = array<i32: 0>} : vector<16xi32>
      %broadcast_in_dim3A = arith.constant 0.000000e+00 : f32
      %broadcast_in_dim3A_257 = vector.broadcast %broadcast_in_dim3A : f32 to vector<16xf32>
      %scan3A_258 = arith.constant 0 : i32
      %scan3A_259 = arith.constant 16 : i32
      %scan3A_260 = arith.addi %scan3A_258, %scan3A_259 : i32
      %scan3A_261 = arith.constant 1 : i32
      %scan3A_262 = scf.for %scan3A_639 = %scan3A_258 to %scan3A_260 step %scan3A_261 iter_args(%scan3A_640 = %broadcast_in_dim3A_257) -> (vector<16xf32>)  : i32 {
        %broadcast_in_dim3A_641 = arith.constant 0.000000e+00 : f32
        %broadcast_in_dim3A_642 = vector.broadcast %broadcast_in_dim3A_641 : f32 to vector<16xf32>
        %add3A_643 = arith.constant 0 : i32
        %add3A_644 = arith.addi %add3A_643, %scan3A_639 : i32
        %get3A_645 = arith.index_cast %add3A_644 : i32 to index
        %get3A_646 = arith.constant 0 : index
        %get3A_647 = tpu.vector_load %arg14[%get3A_645, %get3A_646] {strides = array<i32>} : memref<80x128xf32, #tpu.memory_space<vmem>>, vector<16xf32>,
        %add3A_648 = arith.constant 0 : i32
        %add3A_649 = arith.addi %add3A_648, %scan3A_639 : i32
        %get3A_650 = arith.index_cast %add3A_649 : i32 to index
        %get3A_651 = arith.constant 0 : index
        %get3A_652 = tpu.vector_load %arg15[%get3A_650, %get3A_651] {strides = array<i32>} : memref<80x128xf32, #tpu.memory_space<vmem>>, vector<16xf32>,
        %sub3A_653 = arith.subf %get3A_647, %get3A_652 : vector<16xf32>
        %add3A_654 = arith.constant 0 : i32
        %add3A_655 = arith.addi %add3A_654, %scan3A_639 : i32
        %swap3A_656 = arith.index_cast %add3A_655 : i32 to index
        %swap3A_657 = arith.constant 0 : index
        %swap3A_658 = tpu.vector_load %arg15[%swap3A_656, %swap3A_657] {strides = array<i32>} : memref<80x128xf32, #tpu.memory_space<vmem>>, vector<16xf32>,
        tpu.vector_store %arg15[%swap3A_656, %swap3A_657], %sub3A_653 {strides = array<i32>} : memref<80x128xf32, #tpu.memory_space<vmem>>, vector<16xf32>,
        %mul3A_659 = arith.mulf %sub3A_653, %sub3A_653 : vector<16xf32>
        %add3A_660 = arith.addf %broadcast_in_dim3A_642, %mul3A_659 : vector<16xf32>
        %add3A_661 = arith.constant 0 : i32
        %add3A_662 = arith.addi %add3A_661, %scan3A_639 : i32
        %get3A_663 = arith.index_cast %add3A_662 : i32 to index
        %get3A_664 = arith.constant 16 : index
        %get3A_665 = tpu.vector_load %arg14[%get3A_663, %get3A_664] {strides = array<i32>} : memref<80x128xf32, #tpu.memory_space<vmem>>, vector<16xf32>,
        %add3A_666 = arith.constant 0 : i32
        %add3A_667 = arith.addi %add3A_666, %scan3A_639 : i32
        %get3A_668 = arith.index_cast %add3A_667 : i32 to index
        %get3A_669 = arith.constant 16 : index
        %get3A_670 = tpu.vector_load %arg15[%get3A_668, %get3A_669] {strides = array<i32>} : memref<80x128xf32, #tpu.memory_space<vmem>>, vector<16xf32>,
        %sub3A_671 = arith.subf %get3A_665, %get3A_670 : vector<16xf32>
        %add3A_672 = arith.constant 0 : i32
        %add3A_673 = arith.addi %add3A_672, %scan3A_639 : i32
        %swap3A_674 = arith.index_cast %add3A_673 : i32 to index
        %swap3A_675 = arith.constant 16 : index
        %swap3A_676 = tpu.vector_load %arg15[%swap3A_674, %swap3A_675] {strides = array<i32>} : memref<80x128xf32, #tpu.memory_space<vmem>>, vector<16xf32>,
        tpu.vector_store %arg15[%swap3A_674, %swap3A_675], %sub3A_671 {strides = array<i32>} : memref<80x128xf32, #tpu.memory_space<vmem>>, vector<16xf32>,
        %mul3A_677 = arith.mulf %sub3A_671, %sub3A_671 : vector<16xf32>
        %add3A_678 = arith.addf %add3A_660, %mul3A_677 : vector<16xf32>
        %add3A_679 = arith.constant 0 : i32
        %add3A_680 = arith.addi %add3A_679, %scan3A_639 : i32
        %get3A_681 = arith.index_cast %add3A_680 : i32 to index
        %get3A_682 = arith.constant 32 : index
        %get3A_683 = tpu.vector_load %arg14[%get3A_681, %get3A_682] {strides = array<i32>} : memref<80x128xf32, #tpu.memory_space<vmem>>, vector<16xf32>,
        %add3A_684 = arith.constant 0 : i32
        %add3A_685 = arith.addi %add3A_684, %scan3A_639 : i32
        %get3A_686 = arith.index_cast %add3A_685 : i32 to index
        %get3A_687 = arith.constant 32 : index
        %get3A_688 = tpu.vector_load %arg15[%get3A_686, %get3A_687] {strides = array<i32>} : memref<80x128xf32, #tpu.memory_space<vmem>>, vector<16xf32>,
        %sub3A_689 = arith.subf %get3A_683, %get3A_688 : vector<16xf32>
        %add3A_690 = arith.constant 0 : i32
        %add3A_691 = arith.addi %add3A_690, %scan3A_639 : i32
        %swap3A_692 = arith.index_cast %add3A_691 : i32 to index
        %swap3A_693 = arith.constant 32 : index
        %swap3A_694 = tpu.vector_load %arg15[%swap3A_692, %swap3A_693] {strides = array<i32>} : memref<80x128xf32, #tpu.memory_space<vmem>>, vector<16xf32>,
        tpu.vector_store %arg15[%swap3A_692, %swap3A_693], %sub3A_689 {strides = array<i32>} : memref<80x128xf32, #tpu.memory_space<vmem>>, vector<16xf32>,
        %mul3A_695 = arith.mulf %sub3A_689, %sub3A_689 : vector<16xf32>
        %add3A_696 = arith.addf %add3A_678, %mul3A_695 : vector<16xf32>
        %add3A_697 = arith.constant 0 : i32
        %add3A_698 = arith.addi %add3A_697, %scan3A_639 : i32
        %get3A_699 = arith.index_cast %add3A_698 : i32 to index
        %get3A_700 = arith.constant 48 : index
        %get3A_701 = tpu.vector_load %arg14[%get3A_699, %get3A_700] {strides = array<i32>} : memref<80x128xf32, #tpu.memory_space<vmem>>, vector<16xf32>,
        %add3A_702 = arith.constant 0 : i32
        %add3A_703 = arith.addi %add3A_702, %scan3A_639 : i32
        %get3A_704 = arith.index_cast %add3A_703 : i32 to index
        %get3A_705 = arith.constant 48 : index
        %get3A_706 = tpu.vector_load %arg15[%get3A_704, %get3A_705] {strides = array<i32>} : memref<80x128xf32, #tpu.memory_space<vmem>>, vector<16xf32>,
        %sub3A_707 = arith.subf %get3A_701, %get3A_706 : vector<16xf32>
        %add3A_708 = arith.constant 0 : i32
        %add3A_709 = arith.addi %add3A_708, %scan3A_639 : i32
        %swap3A_710 = arith.index_cast %add3A_709 : i32 to index
        %swap3A_711 = arith.constant 48 : index
        %swap3A_712 = tpu.vector_load %arg15[%swap3A_710, %swap3A_711] {strides = array<i32>} : memref<80x128xf32, #tpu.memory_space<vmem>>, vector<16xf32>,
        tpu.vector_store %arg15[%swap3A_710, %swap3A_711], %sub3A_707 {strides = array<i32>} : memref<80x128xf32, #tpu.memory_space<vmem>>, vector<16xf32>,
        %mul3A_713 = arith.mulf %sub3A_707, %sub3A_707 : vector<16xf32>
        %add3A_714 = arith.addf %add3A_696, %mul3A_713 : vector<16xf32>
        %add3A_715 = arith.constant 0 : i32
        %add3A_716 = arith.addi %add3A_715, %scan3A_639 : i32
        %get3A_717 = arith.index_cast %add3A_716 : i32 to index
        %get3A_718 = arith.constant 64 : index
        %get3A_719 = tpu.vector_load %arg14[%get3A_717, %get3A_718] {strides = array<i32>} : memref<80x128xf32, #tpu.memory_space<vmem>>, vector<16xf32>,
        %add3A_720 = arith.constant 0 : i32
        %add3A_721 = arith.addi %add3A_720, %scan3A_639 : i32
        %get3A_722 = arith.index_cast %add3A_721 : i32 to index
        %get3A_723 = arith.constant 64 : index
        %get3A_724 = tpu.vector_load %arg15[%get3A_722, %get3A_723] {strides = array<i32>} : memref<80x128xf32, #tpu.memory_space<vmem>>, vector<16xf32>,
        %sub3A_725 = arith.subf %get3A_719, %get3A_724 : vector<16xf32>
        %add3A_726 = arith.constant 0 : i32
        %add3A_727 = arith.addi %add3A_726, %scan3A_639 : i32
        %swap3A_728 = arith.index_cast %add3A_727 : i32 to index
        %swap3A_729 = arith.constant 64 : index
        %swap3A_730 = tpu.vector_load %arg15[%swap3A_728, %swap3A_729] {strides = array<i32>} : memref<80x128xf32, #tpu.memory_space<vmem>>, vector<16xf32>,
        tpu.vector_store %arg15[%swap3A_728, %swap3A_729], %sub3A_725 {strides = array<i32>} : memref<80x128xf32, #tpu.memory_space<vmem>>, vector<16xf32>,
        %mul3A_731 = arith.mulf %sub3A_725, %sub3A_725 : vector<16xf32>
        %add3A_732 = arith.addf %add3A_714, %mul3A_731 : vector<16xf32>
        %add3A_733 = arith.constant 0 : i32
        %add3A_734 = arith.addi %add3A_733, %scan3A_639 : i32
        %get3A_735 = arith.index_cast %add3A_734 : i32 to index
        %get3A_736 = arith.constant 80 : index
        %get3A_737 = tpu.vector_load %arg14[%get3A_735, %get3A_736] {strides = array<i32>} : memref<80x128xf32, #tpu.memory_space<vmem>>, vector<16xf32>,
        %add3A_738 = arith.constant 0 : i32
        %add3A_739 = arith.addi %add3A_738, %scan3A_639 : i32
        %get3A_740 = arith.index_cast %add3A_739 : i32 to index
        %get3A_741 = arith.constant 80 : index
        %get3A_742 = tpu.vector_load %arg15[%get3A_740, %get3A_741] {strides = array<i32>} : memref<80x128xf32, #tpu.memory_space<vmem>>, vector<16xf32>,
        %sub3A_743 = arith.subf %get3A_737, %get3A_742 : vector<16xf32>
        %add3A_744 = arith.constant 0 : i32
        %add3A_745 = arith.addi %add3A_744, %scan3A_639 : i32
        %swap3A_746 = arith.index_cast %add3A_745 : i32 to index
        %swap3A_747 = arith.constant 80 : index
        %swap3A_748 = tpu.vector_load %arg15[%swap3A_746, %swap3A_747] {strides = array<i32>} : memref<80x128xf32, #tpu.memory_space<vmem>>, vector<16xf32>,
        tpu.vector_store %arg15[%swap3A_746, %swap3A_747], %sub3A_743 {strides = array<i32>} : memref<80x128xf32, #tpu.memory_space<vmem>>, vector<16xf32>,
        %mul3A_749 = arith.mulf %sub3A_743, %sub3A_743 : vector<16xf32>
        %add3A_750 = arith.addf %add3A_732, %mul3A_749 : vector<16xf32>
        %add3A_751 = arith.constant 0 : i32
        %add3A_752 = arith.addi %add3A_751, %scan3A_639 : i32
        %get3A_753 = arith.index_cast %add3A_752 : i32 to index
        %get3A_754 = arith.constant 96 : index
        %get3A_755 = tpu.vector_load %arg14[%get3A_753, %get3A_754] {strides = array<i32>} : memref<80x128xf32, #tpu.memory_space<vmem>>, vector<16xf32>,
        %add3A_756 = arith.constant 0 : i32
        %add3A_757 = arith.addi %add3A_756, %scan3A_639 : i32
        %get3A_758 = arith.index_cast %add3A_757 : i32 to index
        %get3A_759 = arith.constant 96 : index
        %get3A_760 = tpu.vector_load %arg15[%get3A_758, %get3A_759] {strides = array<i32>} : memref<80x128xf32, #tpu.memory_space<vmem>>, vector<16xf32>,
        %sub3A_761 = arith.subf %get3A_755, %get3A_760 : vector<16xf32>
        %add3A_762 = arith.constant 0 : i32
        %add3A_763 = arith.addi %add3A_762, %scan3A_639 : i32
        %swap3A_764 = arith.index_cast %add3A_763 : i32 to index
        %swap3A_765 = arith.constant 96 : index
        %swap3A_766 = tpu.vector_load %arg15[%swap3A_764, %swap3A_765] {strides = array<i32>} : memref<80x128xf32, #tpu.memory_space<vmem>>, vector<16xf32>,
        tpu.vector_store %arg15[%swap3A_764, %swap3A_765], %sub3A_761 {strides = array<i32>} : memref<80x128xf32, #tpu.memory_space<vmem>>, vector<16xf32>,
        %mul3A_767 = arith.mulf %sub3A_761, %sub3A_761 : vector<16xf32>
        %add3A_768 = arith.addf %add3A_750, %mul3A_767 : vector<16xf32>
        %add3A_769 = arith.constant 0 : i32
        %add3A_770 = arith.addi %add3A_769, %scan3A_639 : i32
        %get3A_771 = arith.index_cast %add3A_770 : i32 to index
        %get3A_772 = arith.constant 112 : index
        %get3A_773 = tpu.vector_load %arg14[%get3A_771, %get3A_772] {strides = array<i32>} : memref<80x128xf32, #tpu.memory_space<vmem>>, vector<16xf32>,
        %add3A_774 = arith.constant 0 : i32
        %add3A_775 = arith.addi %add3A_774, %scan3A_639 : i32
        %get3A_776 = arith.index_cast %add3A_775 : i32 to index
        %get3A_777 = arith.constant 112 : index
        %get3A_778 = tpu.vector_load %arg15[%get3A_776, %get3A_777] {strides = array<i32>} : memref<80x128xf32, #tpu.memory_space<vmem>>, vector<16xf32>,
        %sub3A_779 = arith.subf %get3A_773, %get3A_778 : vector<16xf32>
        %add3A_780 = arith.constant 0 : i32
        %add3A_781 = arith.addi %add3A_780, %scan3A_639 : i32
        %swap3A_782 = arith.index_cast %add3A_781 : i32 to index
        %swap3A_783 = arith.constant 112 : index
        %swap3A_784 = tpu.vector_load %arg15[%swap3A_782, %swap3A_783] {strides = array<i32>} : memref<80x128xf32, #tpu.memory_space<vmem>>, vector<16xf32>,
        tpu.vector_store %arg15[%swap3A_782, %swap3A_783], %sub3A_779 {strides = array<i32>} : memref<80x128xf32, #tpu.memory_space<vmem>>, vector<16xf32>,
        %mul3A_785 = arith.mulf %sub3A_779, %sub3A_779 : vector<16xf32>
        %add3A_786 = arith.addf %add3A_768, %mul3A_785 : vector<16xf32>
        %eq3A = vector.broadcast %scan3A_639 : i32 to vector<16xi32>
        %eq3A_787 = arith.cmpi eq, %iota3A, %eq3A : vector<16xi32>
        %reduce_sum3A = arith.constant true
        %reduce_sum3A_788 = vector.broadcast %reduce_sum3A : i1 to vector<16xi1>
        %reduce_sum3A_789 = tpu.scan <sum>, %add3A_786 masked %reduce_sum3A_788 : vector<16xf32>, vector<16xi1> -> vector<16xf32>
        %reduce_sum3A_790 = vector.extract %reduce_sum3A_789[15] : f32 from vector<16xf32>
        %broadcast_in_dim3A_791 = vector.broadcast %reduce_sum3A_790 : f32 to vector<16xf32>
        %select_n3A_792 = arith.select %eq3A_787, %broadcast_in_dim3A_791, %scan3A_640 : vector<16xi1>, vector<16xf32>
        scf.yield %select_n3A_792 : vector<16xf32>
      }
      %scan3A_263 = arith.constant 16 : i32
      %bitcast_convert_type3A = tpu.bitcast %scan3A_262 : vector<16xf32> -> vector<16xi32>
      %shift_right_logical3A = arith.constant 1 : i32
      %shift_right_logical3A_264 = vector.broadcast %shift_right_logical3A : i32 to vector<16xi32>
      %shift_right_logical3A_265 = arith.shrui %bitcast_convert_type3A, %shift_right_logical3A_264 : vector<16xi32>
      %sub3A = arith.constant 1597463007 : i32
      %sub3A_266 = vector.broadcast %sub3A : i32 to vector<16xi32>
      %sub3A_267 = arith.subi %sub3A_266, %shift_right_logical3A_265 : vector<16xi32>
      %bitcast_convert_type3A_268 = tpu.bitcast %sub3A_267 : vector<16xi32> -> vector<16xf32>
      %mul3A_269 = arith.constant 5.000000e-01 : f32
      %mul3A_270 = vector.broadcast %mul3A_269 : f32 to vector<16xf32>
      %mul3A_271 = arith.mulf %mul3A_270, %scan3A_262 : vector<16xf32>
      %mul3A_272 = arith.mulf %mul3A_271, %bitcast_convert_type3A_268 : vector<16xf32>
      %mul3A_273 = arith.mulf %mul3A_272, %bitcast_convert_type3A_268 : vector<16xf32>
      %sub3A_274 = arith.constant 1.500000e+00 : f32
      %sub3A_275 = vector.broadcast %sub3A_274 : f32 to vector<16xf32>
      %sub3A_276 = arith.subf %sub3A_275, %mul3A_273 : vector<16xf32>
      %mul3A_277 = arith.mulf %bitcast_convert_type3A_268, %sub3A_276 : vector<16xf32>
      %mul3A_278 = arith.mulf %mul3A_271, %mul3A_277 : vector<16xf32>
      %mul3A_279 = arith.mulf %mul3A_278, %mul3A_277 : vector<16xf32>
      %sub3A_280 = arith.constant 1.500000e+00 : f32
      %sub3A_281 = vector.broadcast %sub3A_280 : f32 to vector<16xf32>
      %sub3A_282 = arith.subf %sub3A_281, %mul3A_279 : vector<16xf32>
      %mul3A_283 = arith.mulf %mul3A_277, %sub3A_282 : vector<16xf32>
      %mul3A_284 = arith.mulf %mul3A_271, %mul3A_283 : vector<16xf32>
      %mul3A_285 = arith.mulf %mul3A_284, %mul3A_283 : vector<16xf32>
      %sub3A_286 = arith.constant 1.500000e+00 : f32
      %sub3A_287 = vector.broadcast %sub3A_286 : f32 to vector<16xf32>
      %sub3A_288 = arith.subf %sub3A_287, %mul3A_285 : vector<16xf32>
      %mul3A_289 = arith.mulf %mul3A_283, %sub3A_288 : vector<16xf32>
      %gt3A = arith.constant 0.000000e+00 : f32
      %gt3A_290 = vector.broadcast %gt3A : f32 to vector<16xf32>
      %gt3A_291 = arith.cmpf ogt, %scan3A_262, %gt3A_290 : vector<16xf32>
      %mul3A_292 = arith.mulf %scan3A_262, %mul3A_289 : vector<16xf32>
      %jit3A = arith.constant 0.000000e+00 : f32
      %broadcast_in_dim3A_293 = vector.broadcast %jit3A : f32 to vector<16xf32>
      %select_n3A = arith.select %gt3A_291, %mul3A_292, %broadcast_in_dim3A_293 : vector<16xi1>, vector<16xf32>
      %get3A = arith.constant 0 : i32
      %get3A_294 = arith.index_cast %get3A : i32 to index
      %get3A_295 = arith.constant 0 : index
      %get3A_296 = tpu.vector_load %arg12[%get3A_294, %get3A_295] {strides = array<i32>} : memref<4x80xf32, #tpu.memory_space<vmem>>, vector<16xf32>,
      %get3A_297 = arith.constant 1 : i32
      %get3A_298 = arith.index_cast %get3A_297 : i32 to index
      %get3A_299 = arith.constant 0 : index
      %get3A_300 = tpu.vector_load %arg12[%get3A_298, %get3A_299] {strides = array<i32>} : memref<4x80xf32, #tpu.memory_space<vmem>>, vector<16xf32>,
      %get3A_301 = arith.constant 2 : i32
      %get3A_302 = arith.index_cast %get3A_301 : i32 to index
      %get3A_303 = arith.constant 0 : index
      %get3A_304 = tpu.vector_load %arg12[%get3A_302, %get3A_303] {strides = array<i32>} : memref<4x80xf32, #tpu.memory_space<vmem>>, vector<16xf32>,
      %get3A_305 = arith.constant 3 : i32
      %get3A_306 = arith.index_cast %get3A_305 : i32 to index
      %get3A_307 = arith.constant 0 : index
      %get3A_308 = tpu.vector_load %arg12[%get3A_306, %get3A_307] {strides = array<i32>} : memref<4x80xf32, #tpu.memory_space<vmem>>, vector<16xf32>,
      %broadcast_in_dim3A_309 = arith.constant 0.000000e+00 : f32
      %broadcast_in_dim3A_310 = vector.broadcast %broadcast_in_dim3A_309 : f32 to vector<16xf32>
      %scan3A_311 = arith.constant 0 : i32
      %scan3A_312 = arith.constant 64 : i32
      %scan3A_313 = arith.addi %scan3A_311, %scan3A_312 : i32
      %scan3A_314 = arith.constant 1 : i32
      %scan3A_315 = scf.for %scan3A_639 = %scan3A_311 to %scan3A_313 step %scan3A_314 iter_args(%scan3A_640 = %broadcast_in_dim3A_310) -> (vector<16xf32>)  : i32 {
        %mul3A_641 = arith.constant 8 : i32
        %mul3A_642 = arith.muli %scan3A_639, %mul3A_641 : i32
        %get3A_643 = arith.index_cast %mul3A_642 : i32 to index
        %get3A_644 = tpu.vector_load %arg13[%get3A_643] {strides = array<i32>} : memref<520xf32, #tpu.memory_space<vmem>>, vector<16xf32>,
        %slice3A = vector.extract_strided_slice %get3A_644 {offsets = [0], sizes = [1], strides = [1]} : vector<16xf32> to vector<1xf32>
        %squeeze3A = vector.extract %slice3A[0] : f32 from vector<1xf32>
        %mul3A_645 = vector.broadcast %squeeze3A : f32 to vector<16xf32>
        %mul3A_646 = arith.mulf %select_n3A, %mul3A_645 : vector<16xf32>
        %slice3A_647 = vector.extract_strided_slice %get3A_644 {offsets = [1], sizes = [1], strides = [1]} : vector<16xf32> to vector<1xf32>
        %squeeze3A_648 = vector.extract %slice3A_647[0] : f32 from vector<1xf32>
        %mul3A_649 = vector.broadcast %squeeze3A_648 : f32 to vector<16xf32>
        %mul3A_650 = arith.mulf %get3A_296, %mul3A_649 : vector<16xf32>
        %add3A_651 = arith.addf %mul3A_646, %mul3A_650 : vector<16xf32>
        %slice3A_652 = vector.extract_strided_slice %get3A_644 {offsets = [2], sizes = [1], strides = [1]} : vector<16xf32> to vector<1xf32>
        %squeeze3A_653 = vector.extract %slice3A_652[0] : f32 from vector<1xf32>
        %mul3A_654 = vector.broadcast %squeeze3A_653 : f32 to vector<16xf32>
        %mul3A_655 = arith.mulf %get3A_300, %mul3A_654 : vector<16xf32>
        %add3A_656 = arith.addf %add3A_651, %mul3A_655 : vector<16xf32>
        %slice3A_657 = vector.extract_strided_slice %get3A_644 {offsets = [3], sizes = [1], strides = [1]} : vector<16xf32> to vector<1xf32>
        %squeeze3A_658 = vector.extract %slice3A_657[0] : f32 from vector<1xf32>
        %mul3A_659 = vector.broadcast %squeeze3A_658 : f32 to vector<16xf32>
        %mul3A_660 = arith.mulf %get3A_304, %mul3A_659 : vector<16xf32>
        %add3A_661 = arith.addf %add3A_656, %mul3A_660 : vector<16xf32>
        %slice3A_662 = vector.extract_strided_slice %get3A_644 {offsets = [4], sizes = [1], strides = [1]} : vector<16xf32> to vector<1xf32>
        %squeeze3A_663 = vector.extract %slice3A_662[0] : f32 from vector<1xf32>
        %mul3A_664 = vector.broadcast %squeeze3A_663 : f32 to vector<16xf32>
        %mul3A_665 = arith.mulf %get3A_308, %mul3A_664 : vector<16xf32>
        %add3A_666 = arith.addf %add3A_661, %mul3A_665 : vector<16xf32>
        %slice3A_667 = vector.extract_strided_slice %get3A_644 {offsets = [5], sizes = [1], strides = [1]} : vector<16xf32> to vector<1xf32>
        %squeeze3A_668 = vector.extract %slice3A_667[0] : f32 from vector<1xf32>
        %add3A_669 = vector.broadcast %squeeze3A_668 : f32 to vector<16xf32>
        %add3A_670 = arith.addf %add3A_666, %add3A_669 : vector<16xf32>
        %slice3A_671 = vector.extract_strided_slice %get3A_644 {offsets = [6], sizes = [1], strides = [1]} : vector<16xf32> to vector<1xf32>
        %squeeze3A_672 = vector.extract %slice3A_671[0] : f32 from vector<1xf32>
        %mul3A_673 = vector.broadcast %squeeze3A_672 : f32 to vector<16xf32>
        %mul3A_674 = arith.mulf %add3A_670, %mul3A_673 : vector<16xf32>
        %add3A_675 = arith.addf %scan3A_640, %mul3A_674 : vector<16xf32>
        %abs3A = math.absf %add3A_670 : vector<16xf32>
        %slice3A_676 = vector.extract_strided_slice %get3A_644 {offsets = [7], sizes = [1], strides = [1]} : vector<16xf32> to vector<1xf32>
        %squeeze3A_677 = vector.extract %slice3A_676[0] : f32 from vector<1xf32>
        %mul3A_678 = vector.broadcast %squeeze3A_677 : f32 to vector<16xf32>
        %mul3A_679 = arith.mulf %abs3A, %mul3A_678 : vector<16xf32>
        %add3A_680 = arith.addf %add3A_675, %mul3A_679 : vector<16xf32>
        scf.yield %add3A_680 : vector<16xf32>
      }
      %scan3A_316 = arith.constant 64 : i32
      %swap3A = arith.constant 0 : index
      %swap3A_317 = tpu.vector_load %arg17[%swap3A] {strides = array<i32>} : memref<16xf32, #tpu.memory_space<vmem>>, vector<16xf32>,
      tpu.vector_store %arg17[%swap3A], %scan3A_315 {strides = array<i32>} : memref<16xf32, #tpu.memory_space<vmem>>, vector<16xf32>,
      %scan3A_318 = arith.constant 0 : i32
      %scan3A_319 = arith.constant 0 : i32
      %scan3A_320 = arith.constant 16 : i32
      %scan3A_321 = arith.addi %scan3A_319, %scan3A_320 : i32
      %scan3A_322 = arith.constant 1 : i32
      %scan3A_323 = scf.for %scan3A_639 = %scan3A_319 to %scan3A_321 step %scan3A_322 iter_args(%scan3A_640 = %scan3A_318) -> (i32)  : i32 {
        %broadcast_in_dim3A_641 = vector.broadcast %scan3A_639 : i32 to vector<16xi32>
        %gather3A = tpu.vector_load_idx %arg17[%broadcast_in_dim3A_641] : memref<16xf32, #tpu.memory_space<vmem>>[vector<16xi32>], vector<16xf32>,
        %add3A_642 = arith.constant 0 : i32
        %add3A_643 = arith.addi %add3A_642, %scan3A_639 : i32
        %get3A_644 = arith.index_cast %add3A_643 : i32 to index
        %get3A_645 = arith.constant 0 : index
        %get3A_646 = tpu.vector_load %arg15[%get3A_644, %get3A_645] {strides = array<i32>} : memref<80x128xf32, #tpu.memory_space<vmem>>, vector<16xf32>,
        %mul3A_647 = arith.mulf %get3A_646, %gather3A : vector<16xf32>
        %add3A_648 = arith.constant 0 : i32
        %add3A_649 = arith.addi %add3A_648, %scan3A_639 : i32
        %swap3A_650 = arith.index_cast %add3A_649 : i32 to index
        %swap3A_651 = arith.constant 0 : index
        %swap3A_652 = tpu.vector_load %arg15[%swap3A_650, %swap3A_651] {strides = array<i32>} : memref<80x128xf32, #tpu.memory_space<vmem>>, vector<16xf32>,
        tpu.vector_store %arg15[%swap3A_650, %swap3A_651], %mul3A_647 {strides = array<i32>} : memref<80x128xf32, #tpu.memory_space<vmem>>, vector<16xf32>,
        %add3A_653 = arith.constant 0 : i32
        %add3A_654 = arith.addi %add3A_653, %scan3A_639 : i32
        %get3A_655 = arith.index_cast %add3A_654 : i32 to index
        %get3A_656 = arith.constant 16 : index
        %get3A_657 = tpu.vector_load %arg15[%get3A_655, %get3A_656] {strides = array<i32>} : memref<80x128xf32, #tpu.memory_space<vmem>>, vector<16xf32>,
        %mul3A_658 = arith.mulf %get3A_657, %gather3A : vector<16xf32>
        %add3A_659 = arith.constant 0 : i32
        %add3A_660 = arith.addi %add3A_659, %scan3A_639 : i32
        %swap3A_661 = arith.index_cast %add3A_660 : i32 to index
        %swap3A_662 = arith.constant 16 : index
        %swap3A_663 = tpu.vector_load %arg15[%swap3A_661, %swap3A_662] {strides = array<i32>} : memref<80x128xf32, #tpu.memory_space<vmem>>, vector<16xf32>,
        tpu.vector_store %arg15[%swap3A_661, %swap3A_662], %mul3A_658 {strides = array<i32>} : memref<80x128xf32, #tpu.memory_space<vmem>>, vector<16xf32>,
        %add3A_664 = arith.constant 0 : i32
        %add3A_665 = arith.addi %add3A_664, %scan3A_639 : i32
        %get3A_666 = arith.index_cast %add3A_665 : i32 to index
        %get3A_667 = arith.constant 32 : index
        %get3A_668 = tpu.vector_load %arg15[%get3A_666, %get3A_667] {strides = array<i32>} : memref<80x128xf32, #tpu.memory_space<vmem>>, vector<16xf32>,
        %mul3A_669 = arith.mulf %get3A_668, %gather3A : vector<16xf32>
        %add3A_670 = arith.constant 0 : i32
        %add3A_671 = arith.addi %add3A_670, %scan3A_639 : i32
        %swap3A_672 = arith.index_cast %add3A_671 : i32 to index
        %swap3A_673 = arith.constant 32 : index
        %swap3A_674 = tpu.vector_load %arg15[%swap3A_672, %swap3A_673] {strides = array<i32>} : memref<80x128xf32, #tpu.memory_space<vmem>>, vector<16xf32>,
        tpu.vector_store %arg15[%swap3A_672, %swap3A_673], %mul3A_669 {strides = array<i32>} : memref<80x128xf32, #tpu.memory_space<vmem>>, vector<16xf32>,
        %add3A_675 = arith.constant 0 : i32
        %add3A_676 = arith.addi %add3A_675, %scan3A_639 : i32
        %get3A_677 = arith.index_cast %add3A_676 : i32 to index
        %get3A_678 = arith.constant 48 : index
        %get3A_679 = tpu.vector_load %arg15[%get3A_677, %get3A_678] {strides = array<i32>} : memref<80x128xf32, #tpu.memory_space<vmem>>, vector<16xf32>,
        %mul3A_680 = arith.mulf %get3A_679, %gather3A : vector<16xf32>
        %add3A_681 = arith.constant 0 : i32
        %add3A_682 = arith.addi %add3A_681, %scan3A_639 : i32
        %swap3A_683 = arith.index_cast %add3A_682 : i32 to index
        %swap3A_684 = arith.constant 48 : index
        %swap3A_685 = tpu.vector_load %arg15[%swap3A_683, %swap3A_684] {strides = array<i32>} : memref<80x128xf32, #tpu.memory_space<vmem>>, vector<16xf32>,
        tpu.vector_store %arg15[%swap3A_683, %swap3A_684], %mul3A_680 {strides = array<i32>} : memref<80x128xf32, #tpu.memory_space<vmem>>, vector<16xf32>,
        %add3A_686 = arith.constant 0 : i32
        %add3A_687 = arith.addi %add3A_686, %scan3A_639 : i32
        %get3A_688 = arith.index_cast %add3A_687 : i32 to index
        %get3A_689 = arith.constant 64 : index
        %get3A_690 = tpu.vector_load %arg15[%get3A_688, %get3A_689] {strides = array<i32>} : memref<80x128xf32, #tpu.memory_space<vmem>>, vector<16xf32>,
        %mul3A_691 = arith.mulf %get3A_690, %gather3A : vector<16xf32>
        %add3A_692 = arith.constant 0 : i32
        %add3A_693 = arith.addi %add3A_692, %scan3A_639 : i32
        %swap3A_694 = arith.index_cast %add3A_693 : i32 to index
        %swap3A_695 = arith.constant 64 : index
        %swap3A_696 = tpu.vector_load %arg15[%swap3A_694, %swap3A_695] {strides = array<i32>} : memref<80x128xf32, #tpu.memory_space<vmem>>, vector<16xf32>,
        tpu.vector_store %arg15[%swap3A_694, %swap3A_695], %mul3A_691 {strides = array<i32>} : memref<80x128xf32, #tpu.memory_space<vmem>>, vector<16xf32>,
        %add3A_697 = arith.constant 0 : i32
        %add3A_698 = arith.addi %add3A_697, %scan3A_639 : i32
        %get3A_699 = arith.index_cast %add3A_698 : i32 to index
        %get3A_700 = arith.constant 80 : index
        %get3A_701 = tpu.vector_load %arg15[%get3A_699, %get3A_700] {strides = array<i32>} : memref<80x128xf32, #tpu.memory_space<vmem>>, vector<16xf32>,
        %mul3A_702 = arith.mulf %get3A_701, %gather3A : vector<16xf32>
        %add3A_703 = arith.constant 0 : i32
        %add3A_704 = arith.addi %add3A_703, %scan3A_639 : i32
        %swap3A_705 = arith.index_cast %add3A_704 : i32 to index
        %swap3A_706 = arith.constant 80 : index
        %swap3A_707 = tpu.vector_load %arg15[%swap3A_705, %swap3A_706] {strides = array<i32>} : memref<80x128xf32, #tpu.memory_space<vmem>>, vector<16xf32>,
        tpu.vector_store %arg15[%swap3A_705, %swap3A_706], %mul3A_702 {strides = array<i32>} : memref<80x128xf32, #tpu.memory_space<vmem>>, vector<16xf32>,
        %add3A_708 = arith.constant 0 : i32
        %add3A_709 = arith.addi %add3A_708, %scan3A_639 : i32
        %get3A_710 = arith.index_cast %add3A_709 : i32 to index
        %get3A_711 = arith.constant 96 : index
        %get3A_712 = tpu.vector_load %arg15[%get3A_710, %get3A_711] {strides = array<i32>} : memref<80x128xf32, #tpu.memory_space<vmem>>, vector<16xf32>,
        %mul3A_713 = arith.mulf %get3A_712, %gather3A : vector<16xf32>
        %add3A_714 = arith.constant 0 : i32
        %add3A_715 = arith.addi %add3A_714, %scan3A_639 : i32
        %swap3A_716 = arith.index_cast %add3A_715 : i32 to index
        %swap3A_717 = arith.constant 96 : index
        %swap3A_718 = tpu.vector_load %arg15[%swap3A_716, %swap3A_717] {strides = array<i32>} : memref<80x128xf32, #tpu.memory_space<vmem>>, vector<16xf32>,
        tpu.vector_store %arg15[%swap3A_716, %swap3A_717], %mul3A_713 {strides = array<i32>} : memref<80x128xf32, #tpu.memory_space<vmem>>, vector<16xf32>,
        %add3A_719 = arith.constant 0 : i32
        %add3A_720 = arith.addi %add3A_719, %scan3A_639 : i32
        %get3A_721 = arith.index_cast %add3A_720 : i32 to index
        %get3A_722 = arith.constant 112 : index
        %get3A_723 = tpu.vector_load %arg15[%get3A_721, %get3A_722] {strides = array<i32>} : memref<80x128xf32, #tpu.memory_space<vmem>>, vector<16xf32>,
        %mul3A_724 = arith.mulf %get3A_723, %gather3A : vector<16xf32>
        %add3A_725 = arith.constant 0 : i32
        %add3A_726 = arith.addi %add3A_725, %scan3A_639 : i32
        %swap3A_727 = arith.index_cast %add3A_726 : i32 to index
        %swap3A_728 = arith.constant 112 : index
        %swap3A_729 = tpu.vector_load %arg15[%swap3A_727, %swap3A_728] {strides = array<i32>} : memref<80x128xf32, #tpu.memory_space<vmem>>, vector<16xf32>,
        tpu.vector_store %arg15[%swap3A_727, %swap3A_728], %mul3A_724 {strides = array<i32>} : memref<80x128xf32, #tpu.memory_space<vmem>>, vector<16xf32>,
        %scan3A_730 = arith.constant 0 : i32
        scf.yield %scan3A_730 : i32
      }
      %scan3A_324 = arith.constant 16 : i32
      %broadcast_in_dim3A_325 = arith.constant 0.000000e+00 : f32
      %broadcast_in_dim3A_326 = vector.broadcast %broadcast_in_dim3A_325 : f32 to vector<16xf32>
      %scan3A_327 = arith.constant 0 : i32
      %scan3A_328 = arith.constant 16 : i32
      %scan3A_329 = arith.addi %scan3A_327, %scan3A_328 : i32
      %scan3A_330 = arith.constant 1 : i32
      %scan3A_331 = scf.for %scan3A_639 = %scan3A_327 to %scan3A_329 step %scan3A_330 iter_args(%scan3A_640 = %broadcast_in_dim3A_326) -> (vector<16xf32>)  : i32 {
        %broadcast_in_dim3A_641 = arith.constant 0.000000e+00 : f32
        %broadcast_in_dim3A_642 = vector.broadcast %broadcast_in_dim3A_641 : f32 to vector<16xf32>
        %add3A_643 = arith.constant 16 : i32
        %add3A_644 = arith.addi %add3A_643, %scan3A_639 : i32
        %get3A_645 = arith.index_cast %add3A_644 : i32 to index
        %get3A_646 = arith.constant 0 : index
        %get3A_647 = tpu.vector_load %arg14[%get3A_645, %get3A_646] {strides = array<i32>} : memref<80x128xf32, #tpu.memory_space<vmem>>, vector<16xf32>,
        %add3A_648 = arith.constant 16 : i32
        %add3A_649 = arith.addi %add3A_648, %scan3A_639 : i32
        %get3A_650 = arith.index_cast %add3A_649 : i32 to index
        %get3A_651 = arith.constant 0 : index
        %get3A_652 = tpu.vector_load %arg15[%get3A_650, %get3A_651] {strides = array<i32>} : memref<80x128xf32, #tpu.memory_space<vmem>>, vector<16xf32>,
        %sub3A_653 = arith.subf %get3A_647, %get3A_652 : vector<16xf32>
        %add3A_654 = arith.constant 16 : i32
        %add3A_655 = arith.addi %add3A_654, %scan3A_639 : i32
        %swap3A_656 = arith.index_cast %add3A_655 : i32 to index
        %swap3A_657 = arith.constant 0 : index
        %swap3A_658 = tpu.vector_load %arg15[%swap3A_656, %swap3A_657] {strides = array<i32>} : memref<80x128xf32, #tpu.memory_space<vmem>>, vector<16xf32>,
        tpu.vector_store %arg15[%swap3A_656, %swap3A_657], %sub3A_653 {strides = array<i32>} : memref<80x128xf32, #tpu.memory_space<vmem>>, vector<16xf32>,
        %mul3A_659 = arith.mulf %sub3A_653, %sub3A_653 : vector<16xf32>
        %add3A_660 = arith.addf %broadcast_in_dim3A_642, %mul3A_659 : vector<16xf32>
        %add3A_661 = arith.constant 16 : i32
        %add3A_662 = arith.addi %add3A_661, %scan3A_639 : i32
        %get3A_663 = arith.index_cast %add3A_662 : i32 to index
        %get3A_664 = arith.constant 16 : index
        %get3A_665 = tpu.vector_load %arg14[%get3A_663, %get3A_664] {strides = array<i32>} : memref<80x128xf32, #tpu.memory_space<vmem>>, vector<16xf32>,
        %add3A_666 = arith.constant 16 : i32
        %add3A_667 = arith.addi %add3A_666, %scan3A_639 : i32
        %get3A_668 = arith.index_cast %add3A_667 : i32 to index
        %get3A_669 = arith.constant 16 : index
        %get3A_670 = tpu.vector_load %arg15[%get3A_668, %get3A_669] {strides = array<i32>} : memref<80x128xf32, #tpu.memory_space<vmem>>, vector<16xf32>,
        %sub3A_671 = arith.subf %get3A_665, %get3A_670 : vector<16xf32>
        %add3A_672 = arith.constant 16 : i32
        %add3A_673 = arith.addi %add3A_672, %scan3A_639 : i32
        %swap3A_674 = arith.index_cast %add3A_673 : i32 to index
        %swap3A_675 = arith.constant 16 : index
        %swap3A_676 = tpu.vector_load %arg15[%swap3A_674, %swap3A_675] {strides = array<i32>} : memref<80x128xf32, #tpu.memory_space<vmem>>, vector<16xf32>,
        tpu.vector_store %arg15[%swap3A_674, %swap3A_675], %sub3A_671 {strides = array<i32>} : memref<80x128xf32, #tpu.memory_space<vmem>>, vector<16xf32>,
        %mul3A_677 = arith.mulf %sub3A_671, %sub3A_671 : vector<16xf32>
        %add3A_678 = arith.addf %add3A_660, %mul3A_677 : vector<16xf32>
        %add3A_679 = arith.constant 16 : i32
        %add3A_680 = arith.addi %add3A_679, %scan3A_639 : i32
        %get3A_681 = arith.index_cast %add3A_680 : i32 to index
        %get3A_682 = arith.constant 32 : index
        %get3A_683 = tpu.vector_load %arg14[%get3A_681, %get3A_682] {strides = array<i32>} : memref<80x128xf32, #tpu.memory_space<vmem>>, vector<16xf32>,
        %add3A_684 = arith.constant 16 : i32
        %add3A_685 = arith.addi %add3A_684, %scan3A_639 : i32
        %get3A_686 = arith.index_cast %add3A_685 : i32 to index
        %get3A_687 = arith.constant 32 : index
        %get3A_688 = tpu.vector_load %arg15[%get3A_686, %get3A_687] {strides = array<i32>} : memref<80x128xf32, #tpu.memory_space<vmem>>, vector<16xf32>,
        %sub3A_689 = arith.subf %get3A_683, %get3A_688 : vector<16xf32>
        %add3A_690 = arith.constant 16 : i32
        %add3A_691 = arith.addi %add3A_690, %scan3A_639 : i32
        %swap3A_692 = arith.index_cast %add3A_691 : i32 to index
        %swap3A_693 = arith.constant 32 : index
        %swap3A_694 = tpu.vector_load %arg15[%swap3A_692, %swap3A_693] {strides = array<i32>} : memref<80x128xf32, #tpu.memory_space<vmem>>, vector<16xf32>,
        tpu.vector_store %arg15[%swap3A_692, %swap3A_693], %sub3A_689 {strides = array<i32>} : memref<80x128xf32, #tpu.memory_space<vmem>>, vector<16xf32>,
        %mul3A_695 = arith.mulf %sub3A_689, %sub3A_689 : vector<16xf32>
        %add3A_696 = arith.addf %add3A_678, %mul3A_695 : vector<16xf32>
        %add3A_697 = arith.constant 16 : i32
        %add3A_698 = arith.addi %add3A_697, %scan3A_639 : i32
        %get3A_699 = arith.index_cast %add3A_698 : i32 to index
        %get3A_700 = arith.constant 48 : index
        %get3A_701 = tpu.vector_load %arg14[%get3A_699, %get3A_700] {strides = array<i32>} : memref<80x128xf32, #tpu.memory_space<vmem>>, vector<16xf32>,
        %add3A_702 = arith.constant 16 : i32
        %add3A_703 = arith.addi %add3A_702, %scan3A_639 : i32
        %get3A_704 = arith.index_cast %add3A_703 : i32 to index
        %get3A_705 = arith.constant 48 : index
        %get3A_706 = tpu.vector_load %arg15[%get3A_704, %get3A_705] {strides = array<i32>} : memref<80x128xf32, #tpu.memory_space<vmem>>, vector<16xf32>,
        %sub3A_707 = arith.subf %get3A_701, %get3A_706 : vector<16xf32>
        %add3A_708 = arith.constant 16 : i32
        %add3A_709 = arith.addi %add3A_708, %scan3A_639 : i32
        %swap3A_710 = arith.index_cast %add3A_709 : i32 to index
        %swap3A_711 = arith.constant 48 : index
        %swap3A_712 = tpu.vector_load %arg15[%swap3A_710, %swap3A_711] {strides = array<i32>} : memref<80x128xf32, #tpu.memory_space<vmem>>, vector<16xf32>,
        tpu.vector_store %arg15[%swap3A_710, %swap3A_711], %sub3A_707 {strides = array<i32>} : memref<80x128xf32, #tpu.memory_space<vmem>>, vector<16xf32>,
        %mul3A_713 = arith.mulf %sub3A_707, %sub3A_707 : vector<16xf32>
        %add3A_714 = arith.addf %add3A_696, %mul3A_713 : vector<16xf32>
        %add3A_715 = arith.constant 16 : i32
        %add3A_716 = arith.addi %add3A_715, %scan3A_639 : i32
        %get3A_717 = arith.index_cast %add3A_716 : i32 to index
        %get3A_718 = arith.constant 64 : index
        %get3A_719 = tpu.vector_load %arg14[%get3A_717, %get3A_718] {strides = array<i32>} : memref<80x128xf32, #tpu.memory_space<vmem>>, vector<16xf32>,
        %add3A_720 = arith.constant 16 : i32
        %add3A_721 = arith.addi %add3A_720, %scan3A_639 : i32
        %get3A_722 = arith.index_cast %add3A_721 : i32 to index
        %get3A_723 = arith.constant 64 : index
        %get3A_724 = tpu.vector_load %arg15[%get3A_722, %get3A_723] {strides = array<i32>} : memref<80x128xf32, #tpu.memory_space<vmem>>, vector<16xf32>,
        %sub3A_725 = arith.subf %get3A_719, %get3A_724 : vector<16xf32>
        %add3A_726 = arith.constant 16 : i32
        %add3A_727 = arith.addi %add3A_726, %scan3A_639 : i32
        %swap3A_728 = arith.index_cast %add3A_727 : i32 to index
        %swap3A_729 = arith.constant 64 : index
        %swap3A_730 = tpu.vector_load %arg15[%swap3A_728, %swap3A_729] {strides = array<i32>} : memref<80x128xf32, #tpu.memory_space<vmem>>, vector<16xf32>,
        tpu.vector_store %arg15[%swap3A_728, %swap3A_729], %sub3A_725 {strides = array<i32>} : memref<80x128xf32, #tpu.memory_space<vmem>>, vector<16xf32>,
        %mul3A_731 = arith.mulf %sub3A_725, %sub3A_725 : vector<16xf32>
        %add3A_732 = arith.addf %add3A_714, %mul3A_731 : vector<16xf32>
        %add3A_733 = arith.constant 16 : i32
        %add3A_734 = arith.addi %add3A_733, %scan3A_639 : i32
        %get3A_735 = arith.index_cast %add3A_734 : i32 to index
        %get3A_736 = arith.constant 80 : index
        %get3A_737 = tpu.vector_load %arg14[%get3A_735, %get3A_736] {strides = array<i32>} : memref<80x128xf32, #tpu.memory_space<vmem>>, vector<16xf32>,
        %add3A_738 = arith.constant 16 : i32
        %add3A_739 = arith.addi %add3A_738, %scan3A_639 : i32
        %get3A_740 = arith.index_cast %add3A_739 : i32 to index
        %get3A_741 = arith.constant 80 : index
        %get3A_742 = tpu.vector_load %arg15[%get3A_740, %get3A_741] {strides = array<i32>} : memref<80x128xf32, #tpu.memory_space<vmem>>, vector<16xf32>,
        %sub3A_743 = arith.subf %get3A_737, %get3A_742 : vector<16xf32>
        %add3A_744 = arith.constant 16 : i32
        %add3A_745 = arith.addi %add3A_744, %scan3A_639 : i32
        %swap3A_746 = arith.index_cast %add3A_745 : i32 to index
        %swap3A_747 = arith.constant 80 : index
        %swap3A_748 = tpu.vector_load %arg15[%swap3A_746, %swap3A_747] {strides = array<i32>} : memref<80x128xf32, #tpu.memory_space<vmem>>, vector<16xf32>,
        tpu.vector_store %arg15[%swap3A_746, %swap3A_747], %sub3A_743 {strides = array<i32>} : memref<80x128xf32, #tpu.memory_space<vmem>>, vector<16xf32>,
        %mul3A_749 = arith.mulf %sub3A_743, %sub3A_743 : vector<16xf32>
        %add3A_750 = arith.addf %add3A_732, %mul3A_749 : vector<16xf32>
        %add3A_751 = arith.constant 16 : i32
        %add3A_752 = arith.addi %add3A_751, %scan3A_639 : i32
        %get3A_753 = arith.index_cast %add3A_752 : i32 to index
        %get3A_754 = arith.constant 96 : index
        %get3A_755 = tpu.vector_load %arg14[%get3A_753, %get3A_754] {strides = array<i32>} : memref<80x128xf32, #tpu.memory_space<vmem>>, vector<16xf32>,
        %add3A_756 = arith.constant 16 : i32
        %add3A_757 = arith.addi %add3A_756, %scan3A_639 : i32
        %get3A_758 = arith.index_cast %add3A_757 : i32 to index
        %get3A_759 = arith.constant 96 : index
        %get3A_760 = tpu.vector_load %arg15[%get3A_758, %get3A_759] {strides = array<i32>} : memref<80x128xf32, #tpu.memory_space<vmem>>, vector<16xf32>,
        %sub3A_761 = arith.subf %get3A_755, %get3A_760 : vector<16xf32>
        %add3A_762 = arith.constant 16 : i32
        %add3A_763 = arith.addi %add3A_762, %scan3A_639 : i32
        %swap3A_764 = arith.index_cast %add3A_763 : i32 to index
        %swap3A_765 = arith.constant 96 : index
        %swap3A_766 = tpu.vector_load %arg15[%swap3A_764, %swap3A_765] {strides = array<i32>} : memref<80x128xf32, #tpu.memory_space<vmem>>, vector<16xf32>,
        tpu.vector_store %arg15[%swap3A_764, %swap3A_765], %sub3A_761 {strides = array<i32>} : memref<80x128xf32, #tpu.memory_space<vmem>>, vector<16xf32>,
        %mul3A_767 = arith.mulf %sub3A_761, %sub3A_761 : vector<16xf32>
        %add3A_768 = arith.addf %add3A_750, %mul3A_767 : vector<16xf32>
        %add3A_769 = arith.constant 16 : i32
        %add3A_770 = arith.addi %add3A_769, %scan3A_639 : i32
        %get3A_771 = arith.index_cast %add3A_770 : i32 to index
        %get3A_772 = arith.constant 112 : index
        %get3A_773 = tpu.vector_load %arg14[%get3A_771, %get3A_772] {strides = array<i32>} : memref<80x128xf32, #tpu.memory_space<vmem>>, vector<16xf32>,
        %add3A_774 = arith.constant 16 : i32
        %add3A_775 = arith.addi %add3A_774, %scan3A_639 : i32
        %get3A_776 = arith.index_cast %add3A_775 : i32 to index
        %get3A_777 = arith.constant 112 : index
        %get3A_778 = tpu.vector_load %arg15[%get3A_776, %get3A_777] {strides = array<i32>} : memref<80x128xf32, #tpu.memory_space<vmem>>, vector<16xf32>,
        %sub3A_779 = arith.subf %get3A_773, %get3A_778 : vector<16xf32>
        %add3A_780 = arith.constant 16 : i32
        %add3A_781 = arith.addi %add3A_780, %scan3A_639 : i32
        %swap3A_782 = arith.index_cast %add3A_781 : i32 to index
        %swap3A_783 = arith.constant 112 : index
        %swap3A_784 = tpu.vector_load %arg15[%swap3A_782, %swap3A_783] {strides = array<i32>} : memref<80x128xf32, #tpu.memory_space<vmem>>, vector<16xf32>,
        tpu.vector_store %arg15[%swap3A_782, %swap3A_783], %sub3A_779 {strides = array<i32>} : memref<80x128xf32, #tpu.memory_space<vmem>>, vector<16xf32>,
        %mul3A_785 = arith.mulf %sub3A_779, %sub3A_779 : vector<16xf32>
        %add3A_786 = arith.addf %add3A_768, %mul3A_785 : vector<16xf32>
        %eq3A = vector.broadcast %scan3A_639 : i32 to vector<16xi32>
        %eq3A_787 = arith.cmpi eq, %iota3A, %eq3A : vector<16xi32>
        %reduce_sum3A = arith.constant true
        %reduce_sum3A_788 = vector.broadcast %reduce_sum3A : i1 to vector<16xi1>
        %reduce_sum3A_789 = tpu.scan <sum>, %add3A_786 masked %reduce_sum3A_788 : vector<16xf32>, vector<16xi1> -> vector<16xf32>
        %reduce_sum3A_790 = vector.extract %reduce_sum3A_789[15] : f32 from vector<16xf32>
        %broadcast_in_dim3A_791 = vector.broadcast %reduce_sum3A_790 : f32 to vector<16xf32>
        %select_n3A_792 = arith.select %eq3A_787, %broadcast_in_dim3A_791, %scan3A_640 : vector<16xi1>, vector<16xf32>
        scf.yield %select_n3A_792 : vector<16xf32>
      }
      %scan3A_332 = arith.constant 16 : i32
      %bitcast_convert_type3A_333 = tpu.bitcast %scan3A_331 : vector<16xf32> -> vector<16xi32>
      %shift_right_logical3A_334 = arith.constant 1 : i32
      %shift_right_logical3A_335 = vector.broadcast %shift_right_logical3A_334 : i32 to vector<16xi32>
      %shift_right_logical3A_336 = arith.shrui %bitcast_convert_type3A_333, %shift_right_logical3A_335 : vector<16xi32>
      %sub3A_337 = arith.constant 1597463007 : i32
      %sub3A_338 = vector.broadcast %sub3A_337 : i32 to vector<16xi32>
      %sub3A_339 = arith.subi %sub3A_338, %shift_right_logical3A_336 : vector<16xi32>
      %bitcast_convert_type3A_340 = tpu.bitcast %sub3A_339 : vector<16xi32> -> vector<16xf32>
      %mul3A_341 = arith.constant 5.000000e-01 : f32
      %mul3A_342 = vector.broadcast %mul3A_341 : f32 to vector<16xf32>
      %mul3A_343 = arith.mulf %mul3A_342, %scan3A_331 : vector<16xf32>
      %mul3A_344 = arith.mulf %mul3A_343, %bitcast_convert_type3A_340 : vector<16xf32>
      %mul3A_345 = arith.mulf %mul3A_344, %bitcast_convert_type3A_340 : vector<16xf32>
      %sub3A_346 = arith.constant 1.500000e+00 : f32
      %sub3A_347 = vector.broadcast %sub3A_346 : f32 to vector<16xf32>
      %sub3A_348 = arith.subf %sub3A_347, %mul3A_345 : vector<16xf32>
      %mul3A_349 = arith.mulf %bitcast_convert_type3A_340, %sub3A_348 : vector<16xf32>
      %mul3A_350 = arith.mulf %mul3A_343, %mul3A_349 : vector<16xf32>
      %mul3A_351 = arith.mulf %mul3A_350, %mul3A_349 : vector<16xf32>
      %sub3A_352 = arith.constant 1.500000e+00 : f32
      %sub3A_353 = vector.broadcast %sub3A_352 : f32 to vector<16xf32>
      %sub3A_354 = arith.subf %sub3A_353, %mul3A_351 : vector<16xf32>
      %mul3A_355 = arith.mulf %mul3A_349, %sub3A_354 : vector<16xf32>
      %mul3A_356 = arith.mulf %mul3A_343, %mul3A_355 : vector<16xf32>
      %mul3A_357 = arith.mulf %mul3A_356, %mul3A_355 : vector<16xf32>
      %sub3A_358 = arith.constant 1.500000e+00 : f32
      %sub3A_359 = vector.broadcast %sub3A_358 : f32 to vector<16xf32>
      %sub3A_360 = arith.subf %sub3A_359, %mul3A_357 : vector<16xf32>
      %mul3A_361 = arith.mulf %mul3A_355, %sub3A_360 : vector<16xf32>
      %gt3A_362 = arith.constant 0.000000e+00 : f32
      %gt3A_363 = vector.broadcast %gt3A_362 : f32 to vector<16xf32>
      %gt3A_364 = arith.cmpf ogt, %scan3A_331, %gt3A_363 : vector<16xf32>
      %mul3A_365 = arith.mulf %scan3A_331, %mul3A_361 : vector<16xf32>
      %jit3A_366 = arith.constant 0.000000e+00 : f32
      %broadcast_in_dim3A_367 = vector.broadcast %jit3A_366 : f32 to vector<16xf32>
      %select_n3A_368 = arith.select %gt3A_364, %mul3A_365, %broadcast_in_dim3A_367 : vector<16xi1>, vector<16xf32>
      %get3A_369 = arith.constant 0 : i32
      %get3A_370 = arith.index_cast %get3A_369 : i32 to index
      %get3A_371 = arith.constant 16 : index
      %get3A_372 = tpu.vector_load %arg12[%get3A_370, %get3A_371] {strides = array<i32>} : memref<4x80xf32, #tpu.memory_space<vmem>>, vector<16xf32>,
      %get3A_373 = arith.constant 1 : i32
      %get3A_374 = arith.index_cast %get3A_373 : i32 to index
      %get3A_375 = arith.constant 16 : index
      %get3A_376 = tpu.vector_load %arg12[%get3A_374, %get3A_375] {strides = array<i32>} : memref<4x80xf32, #tpu.memory_space<vmem>>, vector<16xf32>,
      %get3A_377 = arith.constant 2 : i32
      %get3A_378 = arith.index_cast %get3A_377 : i32 to index
      %get3A_379 = arith.constant 16 : index
      %get3A_380 = tpu.vector_load %arg12[%get3A_378, %get3A_379] {strides = array<i32>} : memref<4x80xf32, #tpu.memory_space<vmem>>, vector<16xf32>,
      %get3A_381 = arith.constant 3 : i32
      %get3A_382 = arith.index_cast %get3A_381 : i32 to index
      %get3A_383 = arith.constant 16 : index
      %get3A_384 = tpu.vector_load %arg12[%get3A_382, %get3A_383] {strides = array<i32>} : memref<4x80xf32, #tpu.memory_space<vmem>>, vector<16xf32>,
      %broadcast_in_dim3A_385 = arith.constant 0.000000e+00 : f32
      %broadcast_in_dim3A_386 = vector.broadcast %broadcast_in_dim3A_385 : f32 to vector<16xf32>
      %scan3A_387 = arith.constant 0 : i32
      %scan3A_388 = arith.constant 64 : i32
      %scan3A_389 = arith.addi %scan3A_387, %scan3A_388 : i32
      %scan3A_390 = arith.constant 1 : i32
      %scan3A_391 = scf.for %scan3A_639 = %scan3A_387 to %scan3A_389 step %scan3A_390 iter_args(%scan3A_640 = %broadcast_in_dim3A_386) -> (vector<16xf32>)  : i32 {
        %mul3A_641 = arith.constant 8 : i32
        %mul3A_642 = arith.muli %scan3A_639, %mul3A_641 : i32
        %get3A_643 = arith.index_cast %mul3A_642 : i32 to index
        %get3A_644 = tpu.vector_load %arg13[%get3A_643] {strides = array<i32>} : memref<520xf32, #tpu.memory_space<vmem>>, vector<16xf32>,
        %slice3A = vector.extract_strided_slice %get3A_644 {offsets = [0], sizes = [1], strides = [1]} : vector<16xf32> to vector<1xf32>
        %squeeze3A = vector.extract %slice3A[0] : f32 from vector<1xf32>
        %mul3A_645 = vector.broadcast %squeeze3A : f32 to vector<16xf32>
        %mul3A_646 = arith.mulf %select_n3A_368, %mul3A_645 : vector<16xf32>
        %slice3A_647 = vector.extract_strided_slice %get3A_644 {offsets = [1], sizes = [1], strides = [1]} : vector<16xf32> to vector<1xf32>
        %squeeze3A_648 = vector.extract %slice3A_647[0] : f32 from vector<1xf32>
        %mul3A_649 = vector.broadcast %squeeze3A_648 : f32 to vector<16xf32>
        %mul3A_650 = arith.mulf %get3A_372, %mul3A_649 : vector<16xf32>
        %add3A_651 = arith.addf %mul3A_646, %mul3A_650 : vector<16xf32>
        %slice3A_652 = vector.extract_strided_slice %get3A_644 {offsets = [2], sizes = [1], strides = [1]} : vector<16xf32> to vector<1xf32>
        %squeeze3A_653 = vector.extract %slice3A_652[0] : f32 from vector<1xf32>
        %mul3A_654 = vector.broadcast %squeeze3A_653 : f32 to vector<16xf32>
        %mul3A_655 = arith.mulf %get3A_376, %mul3A_654 : vector<16xf32>
        %add3A_656 = arith.addf %add3A_651, %mul3A_655 : vector<16xf32>
        %slice3A_657 = vector.extract_strided_slice %get3A_644 {offsets = [3], sizes = [1], strides = [1]} : vector<16xf32> to vector<1xf32>
        %squeeze3A_658 = vector.extract %slice3A_657[0] : f32 from vector<1xf32>
        %mul3A_659 = vector.broadcast %squeeze3A_658 : f32 to vector<16xf32>
        %mul3A_660 = arith.mulf %get3A_380, %mul3A_659 : vector<16xf32>
        %add3A_661 = arith.addf %add3A_656, %mul3A_660 : vector<16xf32>
        %slice3A_662 = vector.extract_strided_slice %get3A_644 {offsets = [4], sizes = [1], strides = [1]} : vector<16xf32> to vector<1xf32>
        %squeeze3A_663 = vector.extract %slice3A_662[0] : f32 from vector<1xf32>
        %mul3A_664 = vector.broadcast %squeeze3A_663 : f32 to vector<16xf32>
        %mul3A_665 = arith.mulf %get3A_384, %mul3A_664 : vector<16xf32>
        %add3A_666 = arith.addf %add3A_661, %mul3A_665 : vector<16xf32>
        %slice3A_667 = vector.extract_strided_slice %get3A_644 {offsets = [5], sizes = [1], strides = [1]} : vector<16xf32> to vector<1xf32>
        %squeeze3A_668 = vector.extract %slice3A_667[0] : f32 from vector<1xf32>
        %add3A_669 = vector.broadcast %squeeze3A_668 : f32 to vector<16xf32>
        %add3A_670 = arith.addf %add3A_666, %add3A_669 : vector<16xf32>
        %slice3A_671 = vector.extract_strided_slice %get3A_644 {offsets = [6], sizes = [1], strides = [1]} : vector<16xf32> to vector<1xf32>
        %squeeze3A_672 = vector.extract %slice3A_671[0] : f32 from vector<1xf32>
        %mul3A_673 = vector.broadcast %squeeze3A_672 : f32 to vector<16xf32>
        %mul3A_674 = arith.mulf %add3A_670, %mul3A_673 : vector<16xf32>
        %add3A_675 = arith.addf %scan3A_640, %mul3A_674 : vector<16xf32>
        %abs3A = math.absf %add3A_670 : vector<16xf32>
        %slice3A_676 = vector.extract_strided_slice %get3A_644 {offsets = [7], sizes = [1], strides = [1]} : vector<16xf32> to vector<1xf32>
        %squeeze3A_677 = vector.extract %slice3A_676[0] : f32 from vector<1xf32>
        %mul3A_678 = vector.broadcast %squeeze3A_677 : f32 to vector<16xf32>
        %mul3A_679 = arith.mulf %abs3A, %mul3A_678 : vector<16xf32>
        %add3A_680 = arith.addf %add3A_675, %mul3A_679 : vector<16xf32>
        scf.yield %add3A_680 : vector<16xf32>
      }
      %scan3A_392 = arith.constant 64 : i32
      %swap3A_393 = arith.constant 0 : index
      %swap3A_394 = tpu.vector_load %arg17[%swap3A_393] {strides = array<i32>} : memref<16xf32, #tpu.memory_space<vmem>>, vector<16xf32>,
      tpu.vector_store %arg17[%swap3A_393], %scan3A_391 {strides = array<i32>} : memref<16xf32, #tpu.memory_space<vmem>>, vector<16xf32>,
      %scan3A_395 = arith.constant 0 : i32
      %scan3A_396 = arith.constant 0 : i32
      %scan3A_397 = arith.constant 16 : i32
      %scan3A_398 = arith.addi %scan3A_396, %scan3A_397 : i32
      %scan3A_399 = arith.constant 1 : i32
      %scan3A_400 = scf.for %scan3A_639 = %scan3A_396 to %scan3A_398 step %scan3A_399 iter_args(%scan3A_640 = %scan3A_395) -> (i32)  : i32 {
        %broadcast_in_dim3A_641 = vector.broadcast %scan3A_639 : i32 to vector<16xi32>
        %gather3A = tpu.vector_load_idx %arg17[%broadcast_in_dim3A_641] : memref<16xf32, #tpu.memory_space<vmem>>[vector<16xi32>], vector<16xf32>,
        %add3A_642 = arith.constant 16 : i32
        %add3A_643 = arith.addi %add3A_642, %scan3A_639 : i32
        %get3A_644 = arith.index_cast %add3A_643 : i32 to index
        %get3A_645 = arith.constant 0 : index
        %get3A_646 = tpu.vector_load %arg15[%get3A_644, %get3A_645] {strides = array<i32>} : memref<80x128xf32, #tpu.memory_space<vmem>>, vector<16xf32>,
        %mul3A_647 = arith.mulf %get3A_646, %gather3A : vector<16xf32>
        %add3A_648 = arith.constant 16 : i32
        %add3A_649 = arith.addi %add3A_648, %scan3A_639 : i32
        %swap3A_650 = arith.index_cast %add3A_649 : i32 to index
        %swap3A_651 = arith.constant 0 : index
        %swap3A_652 = tpu.vector_load %arg15[%swap3A_650, %swap3A_651] {strides = array<i32>} : memref<80x128xf32, #tpu.memory_space<vmem>>, vector<16xf32>,
        tpu.vector_store %arg15[%swap3A_650, %swap3A_651], %mul3A_647 {strides = array<i32>} : memref<80x128xf32, #tpu.memory_space<vmem>>, vector<16xf32>,
        %add3A_653 = arith.constant 16 : i32
        %add3A_654 = arith.addi %add3A_653, %scan3A_639 : i32
        %get3A_655 = arith.index_cast %add3A_654 : i32 to index
        %get3A_656 = arith.constant 16 : index
        %get3A_657 = tpu.vector_load %arg15[%get3A_655, %get3A_656] {strides = array<i32>} : memref<80x128xf32, #tpu.memory_space<vmem>>, vector<16xf32>,
        %mul3A_658 = arith.mulf %get3A_657, %gather3A : vector<16xf32>
        %add3A_659 = arith.constant 16 : i32
        %add3A_660 = arith.addi %add3A_659, %scan3A_639 : i32
        %swap3A_661 = arith.index_cast %add3A_660 : i32 to index
        %swap3A_662 = arith.constant 16 : index
        %swap3A_663 = tpu.vector_load %arg15[%swap3A_661, %swap3A_662] {strides = array<i32>} : memref<80x128xf32, #tpu.memory_space<vmem>>, vector<16xf32>,
        tpu.vector_store %arg15[%swap3A_661, %swap3A_662], %mul3A_658 {strides = array<i32>} : memref<80x128xf32, #tpu.memory_space<vmem>>, vector<16xf32>,
        %add3A_664 = arith.constant 16 : i32
        %add3A_665 = arith.addi %add3A_664, %scan3A_639 : i32
        %get3A_666 = arith.index_cast %add3A_665 : i32 to index
        %get3A_667 = arith.constant 32 : index
        %get3A_668 = tpu.vector_load %arg15[%get3A_666, %get3A_667] {strides = array<i32>} : memref<80x128xf32, #tpu.memory_space<vmem>>, vector<16xf32>,
        %mul3A_669 = arith.mulf %get3A_668, %gather3A : vector<16xf32>
        %add3A_670 = arith.constant 16 : i32
        %add3A_671 = arith.addi %add3A_670, %scan3A_639 : i32
        %swap3A_672 = arith.index_cast %add3A_671 : i32 to index
        %swap3A_673 = arith.constant 32 : index
        %swap3A_674 = tpu.vector_load %arg15[%swap3A_672, %swap3A_673] {strides = array<i32>} : memref<80x128xf32, #tpu.memory_space<vmem>>, vector<16xf32>,
        tpu.vector_store %arg15[%swap3A_672, %swap3A_673], %mul3A_669 {strides = array<i32>} : memref<80x128xf32, #tpu.memory_space<vmem>>, vector<16xf32>,
        %add3A_675 = arith.constant 16 : i32
        %add3A_676 = arith.addi %add3A_675, %scan3A_639 : i32
        %get3A_677 = arith.index_cast %add3A_676 : i32 to index
        %get3A_678 = arith.constant 48 : index
        %get3A_679 = tpu.vector_load %arg15[%get3A_677, %get3A_678] {strides = array<i32>} : memref<80x128xf32, #tpu.memory_space<vmem>>, vector<16xf32>,
        %mul3A_680 = arith.mulf %get3A_679, %gather3A : vector<16xf32>
        %add3A_681 = arith.constant 16 : i32
        %add3A_682 = arith.addi %add3A_681, %scan3A_639 : i32
        %swap3A_683 = arith.index_cast %add3A_682 : i32 to index
        %swap3A_684 = arith.constant 48 : index
        %swap3A_685 = tpu.vector_load %arg15[%swap3A_683, %swap3A_684] {strides = array<i32>} : memref<80x128xf32, #tpu.memory_space<vmem>>, vector<16xf32>,
        tpu.vector_store %arg15[%swap3A_683, %swap3A_684], %mul3A_680 {strides = array<i32>} : memref<80x128xf32, #tpu.memory_space<vmem>>, vector<16xf32>,
        %add3A_686 = arith.constant 16 : i32
        %add3A_687 = arith.addi %add3A_686, %scan3A_639 : i32
        %get3A_688 = arith.index_cast %add3A_687 : i32 to index
        %get3A_689 = arith.constant 64 : index
        %get3A_690 = tpu.vector_load %arg15[%get3A_688, %get3A_689] {strides = array<i32>} : memref<80x128xf32, #tpu.memory_space<vmem>>, vector<16xf32>,
        %mul3A_691 = arith.mulf %get3A_690, %gather3A : vector<16xf32>
        %add3A_692 = arith.constant 16 : i32
        %add3A_693 = arith.addi %add3A_692, %scan3A_639 : i32
        %swap3A_694 = arith.index_cast %add3A_693 : i32 to index
        %swap3A_695 = arith.constant 64 : index
        %swap3A_696 = tpu.vector_load %arg15[%swap3A_694, %swap3A_695] {strides = array<i32>} : memref<80x128xf32, #tpu.memory_space<vmem>>, vector<16xf32>,
        tpu.vector_store %arg15[%swap3A_694, %swap3A_695], %mul3A_691 {strides = array<i32>} : memref<80x128xf32, #tpu.memory_space<vmem>>, vector<16xf32>,
        %add3A_697 = arith.constant 16 : i32
        %add3A_698 = arith.addi %add3A_697, %scan3A_639 : i32
        %get3A_699 = arith.index_cast %add3A_698 : i32 to index
        %get3A_700 = arith.constant 80 : index
        %get3A_701 = tpu.vector_load %arg15[%get3A_699, %get3A_700] {strides = array<i32>} : memref<80x128xf32, #tpu.memory_space<vmem>>, vector<16xf32>,
        %mul3A_702 = arith.mulf %get3A_701, %gather3A : vector<16xf32>
        %add3A_703 = arith.constant 16 : i32
        %add3A_704 = arith.addi %add3A_703, %scan3A_639 : i32
        %swap3A_705 = arith.index_cast %add3A_704 : i32 to index
        %swap3A_706 = arith.constant 80 : index
        %swap3A_707 = tpu.vector_load %arg15[%swap3A_705, %swap3A_706] {strides = array<i32>} : memref<80x128xf32, #tpu.memory_space<vmem>>, vector<16xf32>,
        tpu.vector_store %arg15[%swap3A_705, %swap3A_706], %mul3A_702 {strides = array<i32>} : memref<80x128xf32, #tpu.memory_space<vmem>>, vector<16xf32>,
        %add3A_708 = arith.constant 16 : i32
        %add3A_709 = arith.addi %add3A_708, %scan3A_639 : i32
        %get3A_710 = arith.index_cast %add3A_709 : i32 to index
        %get3A_711 = arith.constant 96 : index
        %get3A_712 = tpu.vector_load %arg15[%get3A_710, %get3A_711] {strides = array<i32>} : memref<80x128xf32, #tpu.memory_space<vmem>>, vector<16xf32>,
        %mul3A_713 = arith.mulf %get3A_712, %gather3A : vector<16xf32>
        %add3A_714 = arith.constant 16 : i32
        %add3A_715 = arith.addi %add3A_714, %scan3A_639 : i32
        %swap3A_716 = arith.index_cast %add3A_715 : i32 to index
        %swap3A_717 = arith.constant 96 : index
        %swap3A_718 = tpu.vector_load %arg15[%swap3A_716, %swap3A_717] {strides = array<i32>} : memref<80x128xf32, #tpu.memory_space<vmem>>, vector<16xf32>,
        tpu.vector_store %arg15[%swap3A_716, %swap3A_717], %mul3A_713 {strides = array<i32>} : memref<80x128xf32, #tpu.memory_space<vmem>>, vector<16xf32>,
        %add3A_719 = arith.constant 16 : i32
        %add3A_720 = arith.addi %add3A_719, %scan3A_639 : i32
        %get3A_721 = arith.index_cast %add3A_720 : i32 to index
        %get3A_722 = arith.constant 112 : index
        %get3A_723 = tpu.vector_load %arg15[%get3A_721, %get3A_722] {strides = array<i32>} : memref<80x128xf32, #tpu.memory_space<vmem>>, vector<16xf32>,
        %mul3A_724 = arith.mulf %get3A_723, %gather3A : vector<16xf32>
        %add3A_725 = arith.constant 16 : i32
        %add3A_726 = arith.addi %add3A_725, %scan3A_639 : i32
        %swap3A_727 = arith.index_cast %add3A_726 : i32 to index
        %swap3A_728 = arith.constant 112 : index
        %swap3A_729 = tpu.vector_load %arg15[%swap3A_727, %swap3A_728] {strides = array<i32>} : memref<80x128xf32, #tpu.memory_space<vmem>>, vector<16xf32>,
        tpu.vector_store %arg15[%swap3A_727, %swap3A_728], %mul3A_724 {strides = array<i32>} : memref<80x128xf32, #tpu.memory_space<vmem>>, vector<16xf32>,
        %scan3A_730 = arith.constant 0 : i32
        scf.yield %scan3A_730 : i32
      }
      %scan3A_401 = arith.constant 16 : i32
      %broadcast_in_dim3A_402 = arith.constant 0.000000e+00 : f32
      %broadcast_in_dim3A_403 = vector.broadcast %broadcast_in_dim3A_402 : f32 to vector<16xf32>
      %scan3A_404 = arith.constant 0 : i32
      %scan3A_405 = arith.constant 16 : i32
      %scan3A_406 = arith.addi %scan3A_404, %scan3A_405 : i32
      %scan3A_407 = arith.constant 1 : i32
      %scan3A_408 = scf.for %scan3A_639 = %scan3A_404 to %scan3A_406 step %scan3A_407 iter_args(%scan3A_640 = %broadcast_in_dim3A_403) -> (vector<16xf32>)  : i32 {
        %broadcast_in_dim3A_641 = arith.constant 0.000000e+00 : f32
        %broadcast_in_dim3A_642 = vector.broadcast %broadcast_in_dim3A_641 : f32 to vector<16xf32>
        %add3A_643 = arith.constant 32 : i32
        %add3A_644 = arith.addi %add3A_643, %scan3A_639 : i32
        %get3A_645 = arith.index_cast %add3A_644 : i32 to index
        %get3A_646 = arith.constant 0 : index
        %get3A_647 = tpu.vector_load %arg14[%get3A_645, %get3A_646] {strides = array<i32>} : memref<80x128xf32, #tpu.memory_space<vmem>>, vector<16xf32>,
        %add3A_648 = arith.constant 32 : i32
        %add3A_649 = arith.addi %add3A_648, %scan3A_639 : i32
        %get3A_650 = arith.index_cast %add3A_649 : i32 to index
        %get3A_651 = arith.constant 0 : index
        %get3A_652 = tpu.vector_load %arg15[%get3A_650, %get3A_651] {strides = array<i32>} : memref<80x128xf32, #tpu.memory_space<vmem>>, vector<16xf32>,
        %sub3A_653 = arith.subf %get3A_647, %get3A_652 : vector<16xf32>
        %add3A_654 = arith.constant 32 : i32
        %add3A_655 = arith.addi %add3A_654, %scan3A_639 : i32
        %swap3A_656 = arith.index_cast %add3A_655 : i32 to index
        %swap3A_657 = arith.constant 0 : index
        %swap3A_658 = tpu.vector_load %arg15[%swap3A_656, %swap3A_657] {strides = array<i32>} : memref<80x128xf32, #tpu.memory_space<vmem>>, vector<16xf32>,
        tpu.vector_store %arg15[%swap3A_656, %swap3A_657], %sub3A_653 {strides = array<i32>} : memref<80x128xf32, #tpu.memory_space<vmem>>, vector<16xf32>,
        %mul3A_659 = arith.mulf %sub3A_653, %sub3A_653 : vector<16xf32>
        %add3A_660 = arith.addf %broadcast_in_dim3A_642, %mul3A_659 : vector<16xf32>
        %add3A_661 = arith.constant 32 : i32
        %add3A_662 = arith.addi %add3A_661, %scan3A_639 : i32
        %get3A_663 = arith.index_cast %add3A_662 : i32 to index
        %get3A_664 = arith.constant 16 : index
        %get3A_665 = tpu.vector_load %arg14[%get3A_663, %get3A_664] {strides = array<i32>} : memref<80x128xf32, #tpu.memory_space<vmem>>, vector<16xf32>,
        %add3A_666 = arith.constant 32 : i32
        %add3A_667 = arith.addi %add3A_666, %scan3A_639 : i32
        %get3A_668 = arith.index_cast %add3A_667 : i32 to index
        %get3A_669 = arith.constant 16 : index
        %get3A_670 = tpu.vector_load %arg15[%get3A_668, %get3A_669] {strides = array<i32>} : memref<80x128xf32, #tpu.memory_space<vmem>>, vector<16xf32>,
        %sub3A_671 = arith.subf %get3A_665, %get3A_670 : vector<16xf32>
        %add3A_672 = arith.constant 32 : i32
        %add3A_673 = arith.addi %add3A_672, %scan3A_639 : i32
        %swap3A_674 = arith.index_cast %add3A_673 : i32 to index
        %swap3A_675 = arith.constant 16 : index
        %swap3A_676 = tpu.vector_load %arg15[%swap3A_674, %swap3A_675] {strides = array<i32>} : memref<80x128xf32, #tpu.memory_space<vmem>>, vector<16xf32>,
        tpu.vector_store %arg15[%swap3A_674, %swap3A_675], %sub3A_671 {strides = array<i32>} : memref<80x128xf32, #tpu.memory_space<vmem>>, vector<16xf32>,
        %mul3A_677 = arith.mulf %sub3A_671, %sub3A_671 : vector<16xf32>
        %add3A_678 = arith.addf %add3A_660, %mul3A_677 : vector<16xf32>
        %add3A_679 = arith.constant 32 : i32
        %add3A_680 = arith.addi %add3A_679, %scan3A_639 : i32
        %get3A_681 = arith.index_cast %add3A_680 : i32 to index
        %get3A_682 = arith.constant 32 : index
        %get3A_683 = tpu.vector_load %arg14[%get3A_681, %get3A_682] {strides = array<i32>} : memref<80x128xf32, #tpu.memory_space<vmem>>, vector<16xf32>,
        %add3A_684 = arith.constant 32 : i32
        %add3A_685 = arith.addi %add3A_684, %scan3A_639 : i32
        %get3A_686 = arith.index_cast %add3A_685 : i32 to index
        %get3A_687 = arith.constant 32 : index
        %get3A_688 = tpu.vector_load %arg15[%get3A_686, %get3A_687] {strides = array<i32>} : memref<80x128xf32, #tpu.memory_space<vmem>>, vector<16xf32>,
        %sub3A_689 = arith.subf %get3A_683, %get3A_688 : vector<16xf32>
        %add3A_690 = arith.constant 32 : i32
        %add3A_691 = arith.addi %add3A_690, %scan3A_639 : i32
        %swap3A_692 = arith.index_cast %add3A_691 : i32 to index
        %swap3A_693 = arith.constant 32 : index
        %swap3A_694 = tpu.vector_load %arg15[%swap3A_692, %swap3A_693] {strides = array<i32>} : memref<80x128xf32, #tpu.memory_space<vmem>>, vector<16xf32>,
        tpu.vector_store %arg15[%swap3A_692, %swap3A_693], %sub3A_689 {strides = array<i32>} : memref<80x128xf32, #tpu.memory_space<vmem>>, vector<16xf32>,
        %mul3A_695 = arith.mulf %sub3A_689, %sub3A_689 : vector<16xf32>
        %add3A_696 = arith.addf %add3A_678, %mul3A_695 : vector<16xf32>
        %add3A_697 = arith.constant 32 : i32
        %add3A_698 = arith.addi %add3A_697, %scan3A_639 : i32
        %get3A_699 = arith.index_cast %add3A_698 : i32 to index
        %get3A_700 = arith.constant 48 : index
        %get3A_701 = tpu.vector_load %arg14[%get3A_699, %get3A_700] {strides = array<i32>} : memref<80x128xf32, #tpu.memory_space<vmem>>, vector<16xf32>,
        %add3A_702 = arith.constant 32 : i32
        %add3A_703 = arith.addi %add3A_702, %scan3A_639 : i32
        %get3A_704 = arith.index_cast %add3A_703 : i32 to index
        %get3A_705 = arith.constant 48 : index
        %get3A_706 = tpu.vector_load %arg15[%get3A_704, %get3A_705] {strides = array<i32>} : memref<80x128xf32, #tpu.memory_space<vmem>>, vector<16xf32>,
        %sub3A_707 = arith.subf %get3A_701, %get3A_706 : vector<16xf32>
        %add3A_708 = arith.constant 32 : i32
        %add3A_709 = arith.addi %add3A_708, %scan3A_639 : i32
        %swap3A_710 = arith.index_cast %add3A_709 : i32 to index
        %swap3A_711 = arith.constant 48 : index
        %swap3A_712 = tpu.vector_load %arg15[%swap3A_710, %swap3A_711] {strides = array<i32>} : memref<80x128xf32, #tpu.memory_space<vmem>>, vector<16xf32>,
        tpu.vector_store %arg15[%swap3A_710, %swap3A_711], %sub3A_707 {strides = array<i32>} : memref<80x128xf32, #tpu.memory_space<vmem>>, vector<16xf32>,
        %mul3A_713 = arith.mulf %sub3A_707, %sub3A_707 : vector<16xf32>
        %add3A_714 = arith.addf %add3A_696, %mul3A_713 : vector<16xf32>
        %add3A_715 = arith.constant 32 : i32
        %add3A_716 = arith.addi %add3A_715, %scan3A_639 : i32
        %get3A_717 = arith.index_cast %add3A_716 : i32 to index
        %get3A_718 = arith.constant 64 : index
        %get3A_719 = tpu.vector_load %arg14[%get3A_717, %get3A_718] {strides = array<i32>} : memref<80x128xf32, #tpu.memory_space<vmem>>, vector<16xf32>,
        %add3A_720 = arith.constant 32 : i32
        %add3A_721 = arith.addi %add3A_720, %scan3A_639 : i32
        %get3A_722 = arith.index_cast %add3A_721 : i32 to index
        %get3A_723 = arith.constant 64 : index
        %get3A_724 = tpu.vector_load %arg15[%get3A_722, %get3A_723] {strides = array<i32>} : memref<80x128xf32, #tpu.memory_space<vmem>>, vector<16xf32>,
        %sub3A_725 = arith.subf %get3A_719, %get3A_724 : vector<16xf32>
        %add3A_726 = arith.constant 32 : i32
        %add3A_727 = arith.addi %add3A_726, %scan3A_639 : i32
        %swap3A_728 = arith.index_cast %add3A_727 : i32 to index
        %swap3A_729 = arith.constant 64 : index
        %swap3A_730 = tpu.vector_load %arg15[%swap3A_728, %swap3A_729] {strides = array<i32>} : memref<80x128xf32, #tpu.memory_space<vmem>>, vector<16xf32>,
        tpu.vector_store %arg15[%swap3A_728, %swap3A_729], %sub3A_725 {strides = array<i32>} : memref<80x128xf32, #tpu.memory_space<vmem>>, vector<16xf32>,
        %mul3A_731 = arith.mulf %sub3A_725, %sub3A_725 : vector<16xf32>
        %add3A_732 = arith.addf %add3A_714, %mul3A_731 : vector<16xf32>
        %add3A_733 = arith.constant 32 : i32
        %add3A_734 = arith.addi %add3A_733, %scan3A_639 : i32
        %get3A_735 = arith.index_cast %add3A_734 : i32 to index
        %get3A_736 = arith.constant 80 : index
        %get3A_737 = tpu.vector_load %arg14[%get3A_735, %get3A_736] {strides = array<i32>} : memref<80x128xf32, #tpu.memory_space<vmem>>, vector<16xf32>,
        %add3A_738 = arith.constant 32 : i32
        %add3A_739 = arith.addi %add3A_738, %scan3A_639 : i32
        %get3A_740 = arith.index_cast %add3A_739 : i32 to index
        %get3A_741 = arith.constant 80 : index
        %get3A_742 = tpu.vector_load %arg15[%get3A_740, %get3A_741] {strides = array<i32>} : memref<80x128xf32, #tpu.memory_space<vmem>>, vector<16xf32>,
        %sub3A_743 = arith.subf %get3A_737, %get3A_742 : vector<16xf32>
        %add3A_744 = arith.constant 32 : i32
        %add3A_745 = arith.addi %add3A_744, %scan3A_639 : i32
        %swap3A_746 = arith.index_cast %add3A_745 : i32 to index
        %swap3A_747 = arith.constant 80 : index
        %swap3A_748 = tpu.vector_load %arg15[%swap3A_746, %swap3A_747] {strides = array<i32>} : memref<80x128xf32, #tpu.memory_space<vmem>>, vector<16xf32>,
        tpu.vector_store %arg15[%swap3A_746, %swap3A_747], %sub3A_743 {strides = array<i32>} : memref<80x128xf32, #tpu.memory_space<vmem>>, vector<16xf32>,
        %mul3A_749 = arith.mulf %sub3A_743, %sub3A_743 : vector<16xf32>
        %add3A_750 = arith.addf %add3A_732, %mul3A_749 : vector<16xf32>
        %add3A_751 = arith.constant 32 : i32
        %add3A_752 = arith.addi %add3A_751, %scan3A_639 : i32
        %get3A_753 = arith.index_cast %add3A_752 : i32 to index
        %get3A_754 = arith.constant 96 : index
        %get3A_755 = tpu.vector_load %arg14[%get3A_753, %get3A_754] {strides = array<i32>} : memref<80x128xf32, #tpu.memory_space<vmem>>, vector<16xf32>,
        %add3A_756 = arith.constant 32 : i32
        %add3A_757 = arith.addi %add3A_756, %scan3A_639 : i32
        %get3A_758 = arith.index_cast %add3A_757 : i32 to index
        %get3A_759 = arith.constant 96 : index
        %get3A_760 = tpu.vector_load %arg15[%get3A_758, %get3A_759] {strides = array<i32>} : memref<80x128xf32, #tpu.memory_space<vmem>>, vector<16xf32>,
        %sub3A_761 = arith.subf %get3A_755, %get3A_760 : vector<16xf32>
        %add3A_762 = arith.constant 32 : i32
        %add3A_763 = arith.addi %add3A_762, %scan3A_639 : i32
        %swap3A_764 = arith.index_cast %add3A_763 : i32 to index
        %swap3A_765 = arith.constant 96 : index
        %swap3A_766 = tpu.vector_load %arg15[%swap3A_764, %swap3A_765] {strides = array<i32>} : memref<80x128xf32, #tpu.memory_space<vmem>>, vector<16xf32>,
        tpu.vector_store %arg15[%swap3A_764, %swap3A_765], %sub3A_761 {strides = array<i32>} : memref<80x128xf32, #tpu.memory_space<vmem>>, vector<16xf32>,
        %mul3A_767 = arith.mulf %sub3A_761, %sub3A_761 : vector<16xf32>
        %add3A_768 = arith.addf %add3A_750, %mul3A_767 : vector<16xf32>
        %add3A_769 = arith.constant 32 : i32
        %add3A_770 = arith.addi %add3A_769, %scan3A_639 : i32
        %get3A_771 = arith.index_cast %add3A_770 : i32 to index
        %get3A_772 = arith.constant 112 : index
        %get3A_773 = tpu.vector_load %arg14[%get3A_771, %get3A_772] {strides = array<i32>} : memref<80x128xf32, #tpu.memory_space<vmem>>, vector<16xf32>,
        %add3A_774 = arith.constant 32 : i32
        %add3A_775 = arith.addi %add3A_774, %scan3A_639 : i32
        %get3A_776 = arith.index_cast %add3A_775 : i32 to index
        %get3A_777 = arith.constant 112 : index
        %get3A_778 = tpu.vector_load %arg15[%get3A_776, %get3A_777] {strides = array<i32>} : memref<80x128xf32, #tpu.memory_space<vmem>>, vector<16xf32>,
        %sub3A_779 = arith.subf %get3A_773, %get3A_778 : vector<16xf32>
        %add3A_780 = arith.constant 32 : i32
        %add3A_781 = arith.addi %add3A_780, %scan3A_639 : i32
        %swap3A_782 = arith.index_cast %add3A_781 : i32 to index
        %swap3A_783 = arith.constant 112 : index
        %swap3A_784 = tpu.vector_load %arg15[%swap3A_782, %swap3A_783] {strides = array<i32>} : memref<80x128xf32, #tpu.memory_space<vmem>>, vector<16xf32>,
        tpu.vector_store %arg15[%swap3A_782, %swap3A_783], %sub3A_779 {strides = array<i32>} : memref<80x128xf32, #tpu.memory_space<vmem>>, vector<16xf32>,
        %mul3A_785 = arith.mulf %sub3A_779, %sub3A_779 : vector<16xf32>
        %add3A_786 = arith.addf %add3A_768, %mul3A_785 : vector<16xf32>
        %eq3A = vector.broadcast %scan3A_639 : i32 to vector<16xi32>
        %eq3A_787 = arith.cmpi eq, %iota3A, %eq3A : vector<16xi32>
        %reduce_sum3A = arith.constant true
        %reduce_sum3A_788 = vector.broadcast %reduce_sum3A : i1 to vector<16xi1>
        %reduce_sum3A_789 = tpu.scan <sum>, %add3A_786 masked %reduce_sum3A_788 : vector<16xf32>, vector<16xi1> -> vector<16xf32>
        %reduce_sum3A_790 = vector.extract %reduce_sum3A_789[15] : f32 from vector<16xf32>
        %broadcast_in_dim3A_791 = vector.broadcast %reduce_sum3A_790 : f32 to vector<16xf32>
        %select_n3A_792 = arith.select %eq3A_787, %broadcast_in_dim3A_791, %scan3A_640 : vector<16xi1>, vector<16xf32>
        scf.yield %select_n3A_792 : vector<16xf32>
      }
      %scan3A_409 = arith.constant 16 : i32
      %bitcast_convert_type3A_410 = tpu.bitcast %scan3A_408 : vector<16xf32> -> vector<16xi32>
      %shift_right_logical3A_411 = arith.constant 1 : i32
      %shift_right_logical3A_412 = vector.broadcast %shift_right_logical3A_411 : i32 to vector<16xi32>
      %shift_right_logical3A_413 = arith.shrui %bitcast_convert_type3A_410, %shift_right_logical3A_412 : vector<16xi32>
      %sub3A_414 = arith.constant 1597463007 : i32
      %sub3A_415 = vector.broadcast %sub3A_414 : i32 to vector<16xi32>
      %sub3A_416 = arith.subi %sub3A_415, %shift_right_logical3A_413 : vector<16xi32>
      %bitcast_convert_type3A_417 = tpu.bitcast %sub3A_416 : vector<16xi32> -> vector<16xf32>
      %mul3A_418 = arith.constant 5.000000e-01 : f32
      %mul3A_419 = vector.broadcast %mul3A_418 : f32 to vector<16xf32>
      %mul3A_420 = arith.mulf %mul3A_419, %scan3A_408 : vector<16xf32>
      %mul3A_421 = arith.mulf %mul3A_420, %bitcast_convert_type3A_417 : vector<16xf32>
      %mul3A_422 = arith.mulf %mul3A_421, %bitcast_convert_type3A_417 : vector<16xf32>
      %sub3A_423 = arith.constant 1.500000e+00 : f32
      %sub3A_424 = vector.broadcast %sub3A_423 : f32 to vector<16xf32>
      %sub3A_425 = arith.subf %sub3A_424, %mul3A_422 : vector<16xf32>
      %mul3A_426 = arith.mulf %bitcast_convert_type3A_417, %sub3A_425 : vector<16xf32>
      %mul3A_427 = arith.mulf %mul3A_420, %mul3A_426 : vector<16xf32>
      %mul3A_428 = arith.mulf %mul3A_427, %mul3A_426 : vector<16xf32>
      %sub3A_429 = arith.constant 1.500000e+00 : f32
      %sub3A_430 = vector.broadcast %sub3A_429 : f32 to vector<16xf32>
      %sub3A_431 = arith.subf %sub3A_430, %mul3A_428 : vector<16xf32>
      %mul3A_432 = arith.mulf %mul3A_426, %sub3A_431 : vector<16xf32>
      %mul3A_433 = arith.mulf %mul3A_420, %mul3A_432 : vector<16xf32>
      %mul3A_434 = arith.mulf %mul3A_433, %mul3A_432 : vector<16xf32>
      %sub3A_435 = arith.constant 1.500000e+00 : f32
      %sub3A_436 = vector.broadcast %sub3A_435 : f32 to vector<16xf32>
      %sub3A_437 = arith.subf %sub3A_436, %mul3A_434 : vector<16xf32>
      %mul3A_438 = arith.mulf %mul3A_432, %sub3A_437 : vector<16xf32>
      %gt3A_439 = arith.constant 0.000000e+00 : f32
      %gt3A_440 = vector.broadcast %gt3A_439 : f32 to vector<16xf32>
      %gt3A_441 = arith.cmpf ogt, %scan3A_408, %gt3A_440 : vector<16xf32>
      %mul3A_442 = arith.mulf %scan3A_408, %mul3A_438 : vector<16xf32>
      %jit3A_443 = arith.constant 0.000000e+00 : f32
      %broadcast_in_dim3A_444 = vector.broadcast %jit3A_443 : f32 to vector<16xf32>
      %select_n3A_445 = arith.select %gt3A_441, %mul3A_442, %broadcast_in_dim3A_444 : vector<16xi1>, vector<16xf32>
      %get3A_446 = arith.constant 0 : i32
      %get3A_447 = arith.index_cast %get3A_446 : i32 to index
      %get3A_448 = arith.constant 32 : index
      %get3A_449 = tpu.vector_load %arg12[%get3A_447, %get3A_448] {strides = array<i32>} : memref<4x80xf32, #tpu.memory_space<vmem>>, vector<16xf32>,
      %get3A_450 = arith.constant 1 : i32
      %get3A_451 = arith.index_cast %get3A_450 : i32 to index
      %get3A_452 = arith.constant 32 : index
      %get3A_453 = tpu.vector_load %arg12[%get3A_451, %get3A_452] {strides = array<i32>} : memref<4x80xf32, #tpu.memory_space<vmem>>, vector<16xf32>,
      %get3A_454 = arith.constant 2 : i32
      %get3A_455 = arith.index_cast %get3A_454 : i32 to index
      %get3A_456 = arith.constant 32 : index
      %get3A_457 = tpu.vector_load %arg12[%get3A_455, %get3A_456] {strides = array<i32>} : memref<4x80xf32, #tpu.memory_space<vmem>>, vector<16xf32>,
      %get3A_458 = arith.constant 3 : i32
      %get3A_459 = arith.index_cast %get3A_458 : i32 to index
      %get3A_460 = arith.constant 32 : index
      %get3A_461 = tpu.vector_load %arg12[%get3A_459, %get3A_460] {strides = array<i32>} : memref<4x80xf32, #tpu.memory_space<vmem>>, vector<16xf32>,
      %broadcast_in_dim3A_462 = arith.constant 0.000000e+00 : f32
      %broadcast_in_dim3A_463 = vector.broadcast %broadcast_in_dim3A_462 : f32 to vector<16xf32>
      %scan3A_464 = arith.constant 0 : i32
      %scan3A_465 = arith.constant 64 : i32
      %scan3A_466 = arith.addi %scan3A_464, %scan3A_465 : i32
      %scan3A_467 = arith.constant 1 : i32
      %scan3A_468 = scf.for %scan3A_639 = %scan3A_464 to %scan3A_466 step %scan3A_467 iter_args(%scan3A_640 = %broadcast_in_dim3A_463) -> (vector<16xf32>)  : i32 {
        %mul3A_641 = arith.constant 8 : i32
        %mul3A_642 = arith.muli %scan3A_639, %mul3A_641 : i32
        %get3A_643 = arith.index_cast %mul3A_642 : i32 to index
        %get3A_644 = tpu.vector_load %arg13[%get3A_643] {strides = array<i32>} : memref<520xf32, #tpu.memory_space<vmem>>, vector<16xf32>,
        %slice3A = vector.extract_strided_slice %get3A_644 {offsets = [0], sizes = [1], strides = [1]} : vector<16xf32> to vector<1xf32>
        %squeeze3A = vector.extract %slice3A[0] : f32 from vector<1xf32>
        %mul3A_645 = vector.broadcast %squeeze3A : f32 to vector<16xf32>
        %mul3A_646 = arith.mulf %select_n3A_445, %mul3A_645 : vector<16xf32>
        %slice3A_647 = vector.extract_strided_slice %get3A_644 {offsets = [1], sizes = [1], strides = [1]} : vector<16xf32> to vector<1xf32>
        %squeeze3A_648 = vector.extract %slice3A_647[0] : f32 from vector<1xf32>
        %mul3A_649 = vector.broadcast %squeeze3A_648 : f32 to vector<16xf32>
        %mul3A_650 = arith.mulf %get3A_449, %mul3A_649 : vector<16xf32>
        %add3A_651 = arith.addf %mul3A_646, %mul3A_650 : vector<16xf32>
        %slice3A_652 = vector.extract_strided_slice %get3A_644 {offsets = [2], sizes = [1], strides = [1]} : vector<16xf32> to vector<1xf32>
        %squeeze3A_653 = vector.extract %slice3A_652[0] : f32 from vector<1xf32>
        %mul3A_654 = vector.broadcast %squeeze3A_653 : f32 to vector<16xf32>
        %mul3A_655 = arith.mulf %get3A_453, %mul3A_654 : vector<16xf32>
        %add3A_656 = arith.addf %add3A_651, %mul3A_655 : vector<16xf32>
        %slice3A_657 = vector.extract_strided_slice %get3A_644 {offsets = [3], sizes = [1], strides = [1]} : vector<16xf32> to vector<1xf32>
        %squeeze3A_658 = vector.extract %slice3A_657[0] : f32 from vector<1xf32>
        %mul3A_659 = vector.broadcast %squeeze3A_658 : f32 to vector<16xf32>
        %mul3A_660 = arith.mulf %get3A_457, %mul3A_659 : vector<16xf32>
        %add3A_661 = arith.addf %add3A_656, %mul3A_660 : vector<16xf32>
        %slice3A_662 = vector.extract_strided_slice %get3A_644 {offsets = [4], sizes = [1], strides = [1]} : vector<16xf32> to vector<1xf32>
        %squeeze3A_663 = vector.extract %slice3A_662[0] : f32 from vector<1xf32>
        %mul3A_664 = vector.broadcast %squeeze3A_663 : f32 to vector<16xf32>
        %mul3A_665 = arith.mulf %get3A_461, %mul3A_664 : vector<16xf32>
        %add3A_666 = arith.addf %add3A_661, %mul3A_665 : vector<16xf32>
        %slice3A_667 = vector.extract_strided_slice %get3A_644 {offsets = [5], sizes = [1], strides = [1]} : vector<16xf32> to vector<1xf32>
        %squeeze3A_668 = vector.extract %slice3A_667[0] : f32 from vector<1xf32>
        %add3A_669 = vector.broadcast %squeeze3A_668 : f32 to vector<16xf32>
        %add3A_670 = arith.addf %add3A_666, %add3A_669 : vector<16xf32>
        %slice3A_671 = vector.extract_strided_slice %get3A_644 {offsets = [6], sizes = [1], strides = [1]} : vector<16xf32> to vector<1xf32>
        %squeeze3A_672 = vector.extract %slice3A_671[0] : f32 from vector<1xf32>
        %mul3A_673 = vector.broadcast %squeeze3A_672 : f32 to vector<16xf32>
        %mul3A_674 = arith.mulf %add3A_670, %mul3A_673 : vector<16xf32>
        %add3A_675 = arith.addf %scan3A_640, %mul3A_674 : vector<16xf32>
        %abs3A = math.absf %add3A_670 : vector<16xf32>
        %slice3A_676 = vector.extract_strided_slice %get3A_644 {offsets = [7], sizes = [1], strides = [1]} : vector<16xf32> to vector<1xf32>
        %squeeze3A_677 = vector.extract %slice3A_676[0] : f32 from vector<1xf32>
        %mul3A_678 = vector.broadcast %squeeze3A_677 : f32 to vector<16xf32>
        %mul3A_679 = arith.mulf %abs3A, %mul3A_678 : vector<16xf32>
        %add3A_680 = arith.addf %add3A_675, %mul3A_679 : vector<16xf32>
        scf.yield %add3A_680 : vector<16xf32>
      }
      %scan3A_469 = arith.constant 64 : i32
      %swap3A_470 = arith.constant 0 : index
      %swap3A_471 = tpu.vector_load %arg17[%swap3A_470] {strides = array<i32>} : memref<16xf32, #tpu.memory_space<vmem>>, vector<16xf32>,
      tpu.vector_store %arg17[%swap3A_470], %scan3A_468 {strides = array<i32>} : memref<16xf32, #tpu.memory_space<vmem>>, vector<16xf32>,
      %scan3A_472 = arith.constant 0 : i32
      %scan3A_473 = arith.constant 0 : i32
      %scan3A_474 = arith.constant 16 : i32
      %scan3A_475 = arith.addi %scan3A_473, %scan3A_474 : i32
      %scan3A_476 = arith.constant 1 : i32
      %scan3A_477 = scf.for %scan3A_639 = %scan3A_473 to %scan3A_475 step %scan3A_476 iter_args(%scan3A_640 = %scan3A_472) -> (i32)  : i32 {
        %broadcast_in_dim3A_641 = vector.broadcast %scan3A_639 : i32 to vector<16xi32>
        %gather3A = tpu.vector_load_idx %arg17[%broadcast_in_dim3A_641] : memref<16xf32, #tpu.memory_space<vmem>>[vector<16xi32>], vector<16xf32>,
        %add3A_642 = arith.constant 32 : i32
        %add3A_643 = arith.addi %add3A_642, %scan3A_639 : i32
        %get3A_644 = arith.index_cast %add3A_643 : i32 to index
        %get3A_645 = arith.constant 0 : index
        %get3A_646 = tpu.vector_load %arg15[%get3A_644, %get3A_645] {strides = array<i32>} : memref<80x128xf32, #tpu.memory_space<vmem>>, vector<16xf32>,
        %mul3A_647 = arith.mulf %get3A_646, %gather3A : vector<16xf32>
        %add3A_648 = arith.constant 32 : i32
        %add3A_649 = arith.addi %add3A_648, %scan3A_639 : i32
        %swap3A_650 = arith.index_cast %add3A_649 : i32 to index
        %swap3A_651 = arith.constant 0 : index
        %swap3A_652 = tpu.vector_load %arg15[%swap3A_650, %swap3A_651] {strides = array<i32>} : memref<80x128xf32, #tpu.memory_space<vmem>>, vector<16xf32>,
        tpu.vector_store %arg15[%swap3A_650, %swap3A_651], %mul3A_647 {strides = array<i32>} : memref<80x128xf32, #tpu.memory_space<vmem>>, vector<16xf32>,
        %add3A_653 = arith.constant 32 : i32
        %add3A_654 = arith.addi %add3A_653, %scan3A_639 : i32
        %get3A_655 = arith.index_cast %add3A_654 : i32 to index
        %get3A_656 = arith.constant 16 : index
        %get3A_657 = tpu.vector_load %arg15[%get3A_655, %get3A_656] {strides = array<i32>} : memref<80x128xf32, #tpu.memory_space<vmem>>, vector<16xf32>,
        %mul3A_658 = arith.mulf %get3A_657, %gather3A : vector<16xf32>
        %add3A_659 = arith.constant 32 : i32
        %add3A_660 = arith.addi %add3A_659, %scan3A_639 : i32
        %swap3A_661 = arith.index_cast %add3A_660 : i32 to index
        %swap3A_662 = arith.constant 16 : index
        %swap3A_663 = tpu.vector_load %arg15[%swap3A_661, %swap3A_662] {strides = array<i32>} : memref<80x128xf32, #tpu.memory_space<vmem>>, vector<16xf32>,
        tpu.vector_store %arg15[%swap3A_661, %swap3A_662], %mul3A_658 {strides = array<i32>} : memref<80x128xf32, #tpu.memory_space<vmem>>, vector<16xf32>,
        %add3A_664 = arith.constant 32 : i32
        %add3A_665 = arith.addi %add3A_664, %scan3A_639 : i32
        %get3A_666 = arith.index_cast %add3A_665 : i32 to index
        %get3A_667 = arith.constant 32 : index
        %get3A_668 = tpu.vector_load %arg15[%get3A_666, %get3A_667] {strides = array<i32>} : memref<80x128xf32, #tpu.memory_space<vmem>>, vector<16xf32>,
        %mul3A_669 = arith.mulf %get3A_668, %gather3A : vector<16xf32>
        %add3A_670 = arith.constant 32 : i32
        %add3A_671 = arith.addi %add3A_670, %scan3A_639 : i32
        %swap3A_672 = arith.index_cast %add3A_671 : i32 to index
        %swap3A_673 = arith.constant 32 : index
        %swap3A_674 = tpu.vector_load %arg15[%swap3A_672, %swap3A_673] {strides = array<i32>} : memref<80x128xf32, #tpu.memory_space<vmem>>, vector<16xf32>,
        tpu.vector_store %arg15[%swap3A_672, %swap3A_673], %mul3A_669 {strides = array<i32>} : memref<80x128xf32, #tpu.memory_space<vmem>>, vector<16xf32>,
        %add3A_675 = arith.constant 32 : i32
        %add3A_676 = arith.addi %add3A_675, %scan3A_639 : i32
        %get3A_677 = arith.index_cast %add3A_676 : i32 to index
        %get3A_678 = arith.constant 48 : index
        %get3A_679 = tpu.vector_load %arg15[%get3A_677, %get3A_678] {strides = array<i32>} : memref<80x128xf32, #tpu.memory_space<vmem>>, vector<16xf32>,
        %mul3A_680 = arith.mulf %get3A_679, %gather3A : vector<16xf32>
        %add3A_681 = arith.constant 32 : i32
        %add3A_682 = arith.addi %add3A_681, %scan3A_639 : i32
        %swap3A_683 = arith.index_cast %add3A_682 : i32 to index
        %swap3A_684 = arith.constant 48 : index
        %swap3A_685 = tpu.vector_load %arg15[%swap3A_683, %swap3A_684] {strides = array<i32>} : memref<80x128xf32, #tpu.memory_space<vmem>>, vector<16xf32>,
        tpu.vector_store %arg15[%swap3A_683, %swap3A_684], %mul3A_680 {strides = array<i32>} : memref<80x128xf32, #tpu.memory_space<vmem>>, vector<16xf32>,
        %add3A_686 = arith.constant 32 : i32
        %add3A_687 = arith.addi %add3A_686, %scan3A_639 : i32
        %get3A_688 = arith.index_cast %add3A_687 : i32 to index
        %get3A_689 = arith.constant 64 : index
        %get3A_690 = tpu.vector_load %arg15[%get3A_688, %get3A_689] {strides = array<i32>} : memref<80x128xf32, #tpu.memory_space<vmem>>, vector<16xf32>,
        %mul3A_691 = arith.mulf %get3A_690, %gather3A : vector<16xf32>
        %add3A_692 = arith.constant 32 : i32
        %add3A_693 = arith.addi %add3A_692, %scan3A_639 : i32
        %swap3A_694 = arith.index_cast %add3A_693 : i32 to index
        %swap3A_695 = arith.constant 64 : index
        %swap3A_696 = tpu.vector_load %arg15[%swap3A_694, %swap3A_695] {strides = array<i32>} : memref<80x128xf32, #tpu.memory_space<vmem>>, vector<16xf32>,
        tpu.vector_store %arg15[%swap3A_694, %swap3A_695], %mul3A_691 {strides = array<i32>} : memref<80x128xf32, #tpu.memory_space<vmem>>, vector<16xf32>,
        %add3A_697 = arith.constant 32 : i32
        %add3A_698 = arith.addi %add3A_697, %scan3A_639 : i32
        %get3A_699 = arith.index_cast %add3A_698 : i32 to index
        %get3A_700 = arith.constant 80 : index
        %get3A_701 = tpu.vector_load %arg15[%get3A_699, %get3A_700] {strides = array<i32>} : memref<80x128xf32, #tpu.memory_space<vmem>>, vector<16xf32>,
        %mul3A_702 = arith.mulf %get3A_701, %gather3A : vector<16xf32>
        %add3A_703 = arith.constant 32 : i32
        %add3A_704 = arith.addi %add3A_703, %scan3A_639 : i32
        %swap3A_705 = arith.index_cast %add3A_704 : i32 to index
        %swap3A_706 = arith.constant 80 : index
        %swap3A_707 = tpu.vector_load %arg15[%swap3A_705, %swap3A_706] {strides = array<i32>} : memref<80x128xf32, #tpu.memory_space<vmem>>, vector<16xf32>,
        tpu.vector_store %arg15[%swap3A_705, %swap3A_706], %mul3A_702 {strides = array<i32>} : memref<80x128xf32, #tpu.memory_space<vmem>>, vector<16xf32>,
        %add3A_708 = arith.constant 32 : i32
        %add3A_709 = arith.addi %add3A_708, %scan3A_639 : i32
        %get3A_710 = arith.index_cast %add3A_709 : i32 to index
        %get3A_711 = arith.constant 96 : index
        %get3A_712 = tpu.vector_load %arg15[%get3A_710, %get3A_711] {strides = array<i32>} : memref<80x128xf32, #tpu.memory_space<vmem>>, vector<16xf32>,
        %mul3A_713 = arith.mulf %get3A_712, %gather3A : vector<16xf32>
        %add3A_714 = arith.constant 32 : i32
        %add3A_715 = arith.addi %add3A_714, %scan3A_639 : i32
        %swap3A_716 = arith.index_cast %add3A_715 : i32 to index
        %swap3A_717 = arith.constant 96 : index
        %swap3A_718 = tpu.vector_load %arg15[%swap3A_716, %swap3A_717] {strides = array<i32>} : memref<80x128xf32, #tpu.memory_space<vmem>>, vector<16xf32>,
        tpu.vector_store %arg15[%swap3A_716, %swap3A_717], %mul3A_713 {strides = array<i32>} : memref<80x128xf32, #tpu.memory_space<vmem>>, vector<16xf32>,
        %add3A_719 = arith.constant 32 : i32
        %add3A_720 = arith.addi %add3A_719, %scan3A_639 : i32
        %get3A_721 = arith.index_cast %add3A_720 : i32 to index
        %get3A_722 = arith.constant 112 : index
        %get3A_723 = tpu.vector_load %arg15[%get3A_721, %get3A_722] {strides = array<i32>} : memref<80x128xf32, #tpu.memory_space<vmem>>, vector<16xf32>,
        %mul3A_724 = arith.mulf %get3A_723, %gather3A : vector<16xf32>
        %add3A_725 = arith.constant 32 : i32
        %add3A_726 = arith.addi %add3A_725, %scan3A_639 : i32
        %swap3A_727 = arith.index_cast %add3A_726 : i32 to index
        %swap3A_728 = arith.constant 112 : index
        %swap3A_729 = tpu.vector_load %arg15[%swap3A_727, %swap3A_728] {strides = array<i32>} : memref<80x128xf32, #tpu.memory_space<vmem>>, vector<16xf32>,
        tpu.vector_store %arg15[%swap3A_727, %swap3A_728], %mul3A_724 {strides = array<i32>} : memref<80x128xf32, #tpu.memory_space<vmem>>, vector<16xf32>,
        %scan3A_730 = arith.constant 0 : i32
        scf.yield %scan3A_730 : i32
      }
      %scan3A_478 = arith.constant 16 : i32
      %broadcast_in_dim3A_479 = arith.constant 0.000000e+00 : f32
      %broadcast_in_dim3A_480 = vector.broadcast %broadcast_in_dim3A_479 : f32 to vector<16xf32>
      %scan3A_481 = arith.constant 0 : i32
      %scan3A_482 = arith.constant 16 : i32
      %scan3A_483 = arith.addi %scan3A_481, %scan3A_482 : i32
      %scan3A_484 = arith.constant 1 : i32
      %scan3A_485 = scf.for %scan3A_639 = %scan3A_481 to %scan3A_483 step %scan3A_484 iter_args(%scan3A_640 = %broadcast_in_dim3A_480) -> (vector<16xf32>)  : i32 {
        %broadcast_in_dim3A_641 = arith.constant 0.000000e+00 : f32
        %broadcast_in_dim3A_642 = vector.broadcast %broadcast_in_dim3A_641 : f32 to vector<16xf32>
        %add3A_643 = arith.constant 48 : i32
        %add3A_644 = arith.addi %add3A_643, %scan3A_639 : i32
        %get3A_645 = arith.index_cast %add3A_644 : i32 to index
        %get3A_646 = arith.constant 0 : index
        %get3A_647 = tpu.vector_load %arg14[%get3A_645, %get3A_646] {strides = array<i32>} : memref<80x128xf32, #tpu.memory_space<vmem>>, vector<16xf32>,
        %add3A_648 = arith.constant 48 : i32
        %add3A_649 = arith.addi %add3A_648, %scan3A_639 : i32
        %get3A_650 = arith.index_cast %add3A_649 : i32 to index
        %get3A_651 = arith.constant 0 : index
        %get3A_652 = tpu.vector_load %arg15[%get3A_650, %get3A_651] {strides = array<i32>} : memref<80x128xf32, #tpu.memory_space<vmem>>, vector<16xf32>,
        %sub3A_653 = arith.subf %get3A_647, %get3A_652 : vector<16xf32>
        %add3A_654 = arith.constant 48 : i32
        %add3A_655 = arith.addi %add3A_654, %scan3A_639 : i32
        %swap3A_656 = arith.index_cast %add3A_655 : i32 to index
        %swap3A_657 = arith.constant 0 : index
        %swap3A_658 = tpu.vector_load %arg15[%swap3A_656, %swap3A_657] {strides = array<i32>} : memref<80x128xf32, #tpu.memory_space<vmem>>, vector<16xf32>,
        tpu.vector_store %arg15[%swap3A_656, %swap3A_657], %sub3A_653 {strides = array<i32>} : memref<80x128xf32, #tpu.memory_space<vmem>>, vector<16xf32>,
        %mul3A_659 = arith.mulf %sub3A_653, %sub3A_653 : vector<16xf32>
        %add3A_660 = arith.addf %broadcast_in_dim3A_642, %mul3A_659 : vector<16xf32>
        %add3A_661 = arith.constant 48 : i32
        %add3A_662 = arith.addi %add3A_661, %scan3A_639 : i32
        %get3A_663 = arith.index_cast %add3A_662 : i32 to index
        %get3A_664 = arith.constant 16 : index
        %get3A_665 = tpu.vector_load %arg14[%get3A_663, %get3A_664] {strides = array<i32>} : memref<80x128xf32, #tpu.memory_space<vmem>>, vector<16xf32>,
        %add3A_666 = arith.constant 48 : i32
        %add3A_667 = arith.addi %add3A_666, %scan3A_639 : i32
        %get3A_668 = arith.index_cast %add3A_667 : i32 to index
        %get3A_669 = arith.constant 16 : index
        %get3A_670 = tpu.vector_load %arg15[%get3A_668, %get3A_669] {strides = array<i32>} : memref<80x128xf32, #tpu.memory_space<vmem>>, vector<16xf32>,
        %sub3A_671 = arith.subf %get3A_665, %get3A_670 : vector<16xf32>
        %add3A_672 = arith.constant 48 : i32
        %add3A_673 = arith.addi %add3A_672, %scan3A_639 : i32
        %swap3A_674 = arith.index_cast %add3A_673 : i32 to index
        %swap3A_675 = arith.constant 16 : index
        %swap3A_676 = tpu.vector_load %arg15[%swap3A_674, %swap3A_675] {strides = array<i32>} : memref<80x128xf32, #tpu.memory_space<vmem>>, vector<16xf32>,
        tpu.vector_store %arg15[%swap3A_674, %swap3A_675], %sub3A_671 {strides = array<i32>} : memref<80x128xf32, #tpu.memory_space<vmem>>, vector<16xf32>,
        %mul3A_677 = arith.mulf %sub3A_671, %sub3A_671 : vector<16xf32>
        %add3A_678 = arith.addf %add3A_660, %mul3A_677 : vector<16xf32>
        %add3A_679 = arith.constant 48 : i32
        %add3A_680 = arith.addi %add3A_679, %scan3A_639 : i32
        %get3A_681 = arith.index_cast %add3A_680 : i32 to index
        %get3A_682 = arith.constant 32 : index
        %get3A_683 = tpu.vector_load %arg14[%get3A_681, %get3A_682] {strides = array<i32>} : memref<80x128xf32, #tpu.memory_space<vmem>>, vector<16xf32>,
        %add3A_684 = arith.constant 48 : i32
        %add3A_685 = arith.addi %add3A_684, %scan3A_639 : i32
        %get3A_686 = arith.index_cast %add3A_685 : i32 to index
        %get3A_687 = arith.constant 32 : index
        %get3A_688 = tpu.vector_load %arg15[%get3A_686, %get3A_687] {strides = array<i32>} : memref<80x128xf32, #tpu.memory_space<vmem>>, vector<16xf32>,
        %sub3A_689 = arith.subf %get3A_683, %get3A_688 : vector<16xf32>
        %add3A_690 = arith.constant 48 : i32
        %add3A_691 = arith.addi %add3A_690, %scan3A_639 : i32
        %swap3A_692 = arith.index_cast %add3A_691 : i32 to index
        %swap3A_693 = arith.constant 32 : index
        %swap3A_694 = tpu.vector_load %arg15[%swap3A_692, %swap3A_693] {strides = array<i32>} : memref<80x128xf32, #tpu.memory_space<vmem>>, vector<16xf32>,
        tpu.vector_store %arg15[%swap3A_692, %swap3A_693], %sub3A_689 {strides = array<i32>} : memref<80x128xf32, #tpu.memory_space<vmem>>, vector<16xf32>,
        %mul3A_695 = arith.mulf %sub3A_689, %sub3A_689 : vector<16xf32>
        %add3A_696 = arith.addf %add3A_678, %mul3A_695 : vector<16xf32>
        %add3A_697 = arith.constant 48 : i32
        %add3A_698 = arith.addi %add3A_697, %scan3A_639 : i32
        %get3A_699 = arith.index_cast %add3A_698 : i32 to index
        %get3A_700 = arith.constant 48 : index
        %get3A_701 = tpu.vector_load %arg14[%get3A_699, %get3A_700] {strides = array<i32>} : memref<80x128xf32, #tpu.memory_space<vmem>>, vector<16xf32>,
        %add3A_702 = arith.constant 48 : i32
        %add3A_703 = arith.addi %add3A_702, %scan3A_639 : i32
        %get3A_704 = arith.index_cast %add3A_703 : i32 to index
        %get3A_705 = arith.constant 48 : index
        %get3A_706 = tpu.vector_load %arg15[%get3A_704, %get3A_705] {strides = array<i32>} : memref<80x128xf32, #tpu.memory_space<vmem>>, vector<16xf32>,
        %sub3A_707 = arith.subf %get3A_701, %get3A_706 : vector<16xf32>
        %add3A_708 = arith.constant 48 : i32
        %add3A_709 = arith.addi %add3A_708, %scan3A_639 : i32
        %swap3A_710 = arith.index_cast %add3A_709 : i32 to index
        %swap3A_711 = arith.constant 48 : index
        %swap3A_712 = tpu.vector_load %arg15[%swap3A_710, %swap3A_711] {strides = array<i32>} : memref<80x128xf32, #tpu.memory_space<vmem>>, vector<16xf32>,
        tpu.vector_store %arg15[%swap3A_710, %swap3A_711], %sub3A_707 {strides = array<i32>} : memref<80x128xf32, #tpu.memory_space<vmem>>, vector<16xf32>,
        %mul3A_713 = arith.mulf %sub3A_707, %sub3A_707 : vector<16xf32>
        %add3A_714 = arith.addf %add3A_696, %mul3A_713 : vector<16xf32>
        %add3A_715 = arith.constant 48 : i32
        %add3A_716 = arith.addi %add3A_715, %scan3A_639 : i32
        %get3A_717 = arith.index_cast %add3A_716 : i32 to index
        %get3A_718 = arith.constant 64 : index
        %get3A_719 = tpu.vector_load %arg14[%get3A_717, %get3A_718] {strides = array<i32>} : memref<80x128xf32, #tpu.memory_space<vmem>>, vector<16xf32>,
        %add3A_720 = arith.constant 48 : i32
        %add3A_721 = arith.addi %add3A_720, %scan3A_639 : i32
        %get3A_722 = arith.index_cast %add3A_721 : i32 to index
        %get3A_723 = arith.constant 64 : index
        %get3A_724 = tpu.vector_load %arg15[%get3A_722, %get3A_723] {strides = array<i32>} : memref<80x128xf32, #tpu.memory_space<vmem>>, vector<16xf32>,
        %sub3A_725 = arith.subf %get3A_719, %get3A_724 : vector<16xf32>
        %add3A_726 = arith.constant 48 : i32
        %add3A_727 = arith.addi %add3A_726, %scan3A_639 : i32
        %swap3A_728 = arith.index_cast %add3A_727 : i32 to index
        %swap3A_729 = arith.constant 64 : index
        %swap3A_730 = tpu.vector_load %arg15[%swap3A_728, %swap3A_729] {strides = array<i32>} : memref<80x128xf32, #tpu.memory_space<vmem>>, vector<16xf32>,
        tpu.vector_store %arg15[%swap3A_728, %swap3A_729], %sub3A_725 {strides = array<i32>} : memref<80x128xf32, #tpu.memory_space<vmem>>, vector<16xf32>,
        %mul3A_731 = arith.mulf %sub3A_725, %sub3A_725 : vector<16xf32>
        %add3A_732 = arith.addf %add3A_714, %mul3A_731 : vector<16xf32>
        %add3A_733 = arith.constant 48 : i32
        %add3A_734 = arith.addi %add3A_733, %scan3A_639 : i32
        %get3A_735 = arith.index_cast %add3A_734 : i32 to index
        %get3A_736 = arith.constant 80 : index
        %get3A_737 = tpu.vector_load %arg14[%get3A_735, %get3A_736] {strides = array<i32>} : memref<80x128xf32, #tpu.memory_space<vmem>>, vector<16xf32>,
        %add3A_738 = arith.constant 48 : i32
        %add3A_739 = arith.addi %add3A_738, %scan3A_639 : i32
        %get3A_740 = arith.index_cast %add3A_739 : i32 to index
        %get3A_741 = arith.constant 80 : index
        %get3A_742 = tpu.vector_load %arg15[%get3A_740, %get3A_741] {strides = array<i32>} : memref<80x128xf32, #tpu.memory_space<vmem>>, vector<16xf32>,
        %sub3A_743 = arith.subf %get3A_737, %get3A_742 : vector<16xf32>
        %add3A_744 = arith.constant 48 : i32
        %add3A_745 = arith.addi %add3A_744, %scan3A_639 : i32
        %swap3A_746 = arith.index_cast %add3A_745 : i32 to index
        %swap3A_747 = arith.constant 80 : index
        %swap3A_748 = tpu.vector_load %arg15[%swap3A_746, %swap3A_747] {strides = array<i32>} : memref<80x128xf32, #tpu.memory_space<vmem>>, vector<16xf32>,
        tpu.vector_store %arg15[%swap3A_746, %swap3A_747], %sub3A_743 {strides = array<i32>} : memref<80x128xf32, #tpu.memory_space<vmem>>, vector<16xf32>,
        %mul3A_749 = arith.mulf %sub3A_743, %sub3A_743 : vector<16xf32>
        %add3A_750 = arith.addf %add3A_732, %mul3A_749 : vector<16xf32>
        %add3A_751 = arith.constant 48 : i32
        %add3A_752 = arith.addi %add3A_751, %scan3A_639 : i32
        %get3A_753 = arith.index_cast %add3A_752 : i32 to index
        %get3A_754 = arith.constant 96 : index
        %get3A_755 = tpu.vector_load %arg14[%get3A_753, %get3A_754] {strides = array<i32>} : memref<80x128xf32, #tpu.memory_space<vmem>>, vector<16xf32>,
        %add3A_756 = arith.constant 48 : i32
        %add3A_757 = arith.addi %add3A_756, %scan3A_639 : i32
        %get3A_758 = arith.index_cast %add3A_757 : i32 to index
        %get3A_759 = arith.constant 96 : index
        %get3A_760 = tpu.vector_load %arg15[%get3A_758, %get3A_759] {strides = array<i32>} : memref<80x128xf32, #tpu.memory_space<vmem>>, vector<16xf32>,
        %sub3A_761 = arith.subf %get3A_755, %get3A_760 : vector<16xf32>
        %add3A_762 = arith.constant 48 : i32
        %add3A_763 = arith.addi %add3A_762, %scan3A_639 : i32
        %swap3A_764 = arith.index_cast %add3A_763 : i32 to index
        %swap3A_765 = arith.constant 96 : index
        %swap3A_766 = tpu.vector_load %arg15[%swap3A_764, %swap3A_765] {strides = array<i32>} : memref<80x128xf32, #tpu.memory_space<vmem>>, vector<16xf32>,
        tpu.vector_store %arg15[%swap3A_764, %swap3A_765], %sub3A_761 {strides = array<i32>} : memref<80x128xf32, #tpu.memory_space<vmem>>, vector<16xf32>,
        %mul3A_767 = arith.mulf %sub3A_761, %sub3A_761 : vector<16xf32>
        %add3A_768 = arith.addf %add3A_750, %mul3A_767 : vector<16xf32>
        %add3A_769 = arith.constant 48 : i32
        %add3A_770 = arith.addi %add3A_769, %scan3A_639 : i32
        %get3A_771 = arith.index_cast %add3A_770 : i32 to index
        %get3A_772 = arith.constant 112 : index
        %get3A_773 = tpu.vector_load %arg14[%get3A_771, %get3A_772] {strides = array<i32>} : memref<80x128xf32, #tpu.memory_space<vmem>>, vector<16xf32>,
        %add3A_774 = arith.constant 48 : i32
        %add3A_775 = arith.addi %add3A_774, %scan3A_639 : i32
        %get3A_776 = arith.index_cast %add3A_775 : i32 to index
        %get3A_777 = arith.constant 112 : index
        %get3A_778 = tpu.vector_load %arg15[%get3A_776, %get3A_777] {strides = array<i32>} : memref<80x128xf32, #tpu.memory_space<vmem>>, vector<16xf32>,
        %sub3A_779 = arith.subf %get3A_773, %get3A_778 : vector<16xf32>
        %add3A_780 = arith.constant 48 : i32
        %add3A_781 = arith.addi %add3A_780, %scan3A_639 : i32
        %swap3A_782 = arith.index_cast %add3A_781 : i32 to index
        %swap3A_783 = arith.constant 112 : index
        %swap3A_784 = tpu.vector_load %arg15[%swap3A_782, %swap3A_783] {strides = array<i32>} : memref<80x128xf32, #tpu.memory_space<vmem>>, vector<16xf32>,
        tpu.vector_store %arg15[%swap3A_782, %swap3A_783], %sub3A_779 {strides = array<i32>} : memref<80x128xf32, #tpu.memory_space<vmem>>, vector<16xf32>,
        %mul3A_785 = arith.mulf %sub3A_779, %sub3A_779 : vector<16xf32>
        %add3A_786 = arith.addf %add3A_768, %mul3A_785 : vector<16xf32>
        %eq3A = vector.broadcast %scan3A_639 : i32 to vector<16xi32>
        %eq3A_787 = arith.cmpi eq, %iota3A, %eq3A : vector<16xi32>
        %reduce_sum3A = arith.constant true
        %reduce_sum3A_788 = vector.broadcast %reduce_sum3A : i1 to vector<16xi1>
        %reduce_sum3A_789 = tpu.scan <sum>, %add3A_786 masked %reduce_sum3A_788 : vector<16xf32>, vector<16xi1> -> vector<16xf32>
        %reduce_sum3A_790 = vector.extract %reduce_sum3A_789[15] : f32 from vector<16xf32>
        %broadcast_in_dim3A_791 = vector.broadcast %reduce_sum3A_790 : f32 to vector<16xf32>
        %select_n3A_792 = arith.select %eq3A_787, %broadcast_in_dim3A_791, %scan3A_640 : vector<16xi1>, vector<16xf32>
        scf.yield %select_n3A_792 : vector<16xf32>
      }
      %scan3A_486 = arith.constant 16 : i32
      %bitcast_convert_type3A_487 = tpu.bitcast %scan3A_485 : vector<16xf32> -> vector<16xi32>
      %shift_right_logical3A_488 = arith.constant 1 : i32
      %shift_right_logical3A_489 = vector.broadcast %shift_right_logical3A_488 : i32 to vector<16xi32>
      %shift_right_logical3A_490 = arith.shrui %bitcast_convert_type3A_487, %shift_right_logical3A_489 : vector<16xi32>
      %sub3A_491 = arith.constant 1597463007 : i32
      %sub3A_492 = vector.broadcast %sub3A_491 : i32 to vector<16xi32>
      %sub3A_493 = arith.subi %sub3A_492, %shift_right_logical3A_490 : vector<16xi32>
      %bitcast_convert_type3A_494 = tpu.bitcast %sub3A_493 : vector<16xi32> -> vector<16xf32>
      %mul3A_495 = arith.constant 5.000000e-01 : f32
      %mul3A_496 = vector.broadcast %mul3A_495 : f32 to vector<16xf32>
      %mul3A_497 = arith.mulf %mul3A_496, %scan3A_485 : vector<16xf32>
      %mul3A_498 = arith.mulf %mul3A_497, %bitcast_convert_type3A_494 : vector<16xf32>
      %mul3A_499 = arith.mulf %mul3A_498, %bitcast_convert_type3A_494 : vector<16xf32>
      %sub3A_500 = arith.constant 1.500000e+00 : f32
      %sub3A_501 = vector.broadcast %sub3A_500 : f32 to vector<16xf32>
      %sub3A_502 = arith.subf %sub3A_501, %mul3A_499 : vector<16xf32>
      %mul3A_503 = arith.mulf %bitcast_convert_type3A_494, %sub3A_502 : vector<16xf32>
      %mul3A_504 = arith.mulf %mul3A_497, %mul3A_503 : vector<16xf32>
      %mul3A_505 = arith.mulf %mul3A_504, %mul3A_503 : vector<16xf32>
      %sub3A_506 = arith.constant 1.500000e+00 : f32
      %sub3A_507 = vector.broadcast %sub3A_506 : f32 to vector<16xf32>
      %sub3A_508 = arith.subf %sub3A_507, %mul3A_505 : vector<16xf32>
      %mul3A_509 = arith.mulf %mul3A_503, %sub3A_508 : vector<16xf32>
      %mul3A_510 = arith.mulf %mul3A_497, %mul3A_509 : vector<16xf32>
      %mul3A_511 = arith.mulf %mul3A_510, %mul3A_509 : vector<16xf32>
      %sub3A_512 = arith.constant 1.500000e+00 : f32
      %sub3A_513 = vector.broadcast %sub3A_512 : f32 to vector<16xf32>
      %sub3A_514 = arith.subf %sub3A_513, %mul3A_511 : vector<16xf32>
      %mul3A_515 = arith.mulf %mul3A_509, %sub3A_514 : vector<16xf32>
      %gt3A_516 = arith.constant 0.000000e+00 : f32
      %gt3A_517 = vector.broadcast %gt3A_516 : f32 to vector<16xf32>
      %gt3A_518 = arith.cmpf ogt, %scan3A_485, %gt3A_517 : vector<16xf32>
      %mul3A_519 = arith.mulf %scan3A_485, %mul3A_515 : vector<16xf32>
      %jit3A_520 = arith.constant 0.000000e+00 : f32
      %broadcast_in_dim3A_521 = vector.broadcast %jit3A_520 : f32 to vector<16xf32>
      %select_n3A_522 = arith.select %gt3A_518, %mul3A_519, %broadcast_in_dim3A_521 : vector<16xi1>, vector<16xf32>
      %get3A_523 = arith.constant 0 : i32
      %get3A_524 = arith.index_cast %get3A_523 : i32 to index
      %get3A_525 = arith.constant 48 : index
      %get3A_526 = tpu.vector_load %arg12[%get3A_524, %get3A_525] {strides = array<i32>} : memref<4x80xf32, #tpu.memory_space<vmem>>, vector<16xf32>,
      %get3A_527 = arith.constant 1 : i32
      %get3A_528 = arith.index_cast %get3A_527 : i32 to index
      %get3A_529 = arith.constant 48 : index
      %get3A_530 = tpu.vector_load %arg12[%get3A_528, %get3A_529] {strides = array<i32>} : memref<4x80xf32, #tpu.memory_space<vmem>>, vector<16xf32>,
      %get3A_531 = arith.constant 2 : i32
      %get3A_532 = arith.index_cast %get3A_531 : i32 to index
      %get3A_533 = arith.constant 48 : index
      %get3A_534 = tpu.vector_load %arg12[%get3A_532, %get3A_533] {strides = array<i32>} : memref<4x80xf32, #tpu.memory_space<vmem>>, vector<16xf32>,
      %get3A_535 = arith.constant 3 : i32
      %get3A_536 = arith.index_cast %get3A_535 : i32 to index
      %get3A_537 = arith.constant 48 : index
      %get3A_538 = tpu.vector_load %arg12[%get3A_536, %get3A_537] {strides = array<i32>} : memref<4x80xf32, #tpu.memory_space<vmem>>, vector<16xf32>,
      %broadcast_in_dim3A_539 = arith.constant 0.000000e+00 : f32
      %broadcast_in_dim3A_540 = vector.broadcast %broadcast_in_dim3A_539 : f32 to vector<16xf32>
      %scan3A_541 = arith.constant 0 : i32
      %scan3A_542 = arith.constant 64 : i32
      %scan3A_543 = arith.addi %scan3A_541, %scan3A_542 : i32
      %scan3A_544 = arith.constant 1 : i32
      %scan3A_545 = scf.for %scan3A_639 = %scan3A_541 to %scan3A_543 step %scan3A_544 iter_args(%scan3A_640 = %broadcast_in_dim3A_540) -> (vector<16xf32>)  : i32 {
        %mul3A_641 = arith.constant 8 : i32
        %mul3A_642 = arith.muli %scan3A_639, %mul3A_641 : i32
        %get3A_643 = arith.index_cast %mul3A_642 : i32 to index
        %get3A_644 = tpu.vector_load %arg13[%get3A_643] {strides = array<i32>} : memref<520xf32, #tpu.memory_space<vmem>>, vector<16xf32>,
        %slice3A = vector.extract_strided_slice %get3A_644 {offsets = [0], sizes = [1], strides = [1]} : vector<16xf32> to vector<1xf32>
        %squeeze3A = vector.extract %slice3A[0] : f32 from vector<1xf32>
        %mul3A_645 = vector.broadcast %squeeze3A : f32 to vector<16xf32>
        %mul3A_646 = arith.mulf %select_n3A_522, %mul3A_645 : vector<16xf32>
        %slice3A_647 = vector.extract_strided_slice %get3A_644 {offsets = [1], sizes = [1], strides = [1]} : vector<16xf32> to vector<1xf32>
        %squeeze3A_648 = vector.extract %slice3A_647[0] : f32 from vector<1xf32>
        %mul3A_649 = vector.broadcast %squeeze3A_648 : f32 to vector<16xf32>
        %mul3A_650 = arith.mulf %get3A_526, %mul3A_649 : vector<16xf32>
        %add3A_651 = arith.addf %mul3A_646, %mul3A_650 : vector<16xf32>
        %slice3A_652 = vector.extract_strided_slice %get3A_644 {offsets = [2], sizes = [1], strides = [1]} : vector<16xf32> to vector<1xf32>
        %squeeze3A_653 = vector.extract %slice3A_652[0] : f32 from vector<1xf32>
        %mul3A_654 = vector.broadcast %squeeze3A_653 : f32 to vector<16xf32>
        %mul3A_655 = arith.mulf %get3A_530, %mul3A_654 : vector<16xf32>
        %add3A_656 = arith.addf %add3A_651, %mul3A_655 : vector<16xf32>
        %slice3A_657 = vector.extract_strided_slice %get3A_644 {offsets = [3], sizes = [1], strides = [1]} : vector<16xf32> to vector<1xf32>
        %squeeze3A_658 = vector.extract %slice3A_657[0] : f32 from vector<1xf32>
        %mul3A_659 = vector.broadcast %squeeze3A_658 : f32 to vector<16xf32>
        %mul3A_660 = arith.mulf %get3A_534, %mul3A_659 : vector<16xf32>
        %add3A_661 = arith.addf %add3A_656, %mul3A_660 : vector<16xf32>
        %slice3A_662 = vector.extract_strided_slice %get3A_644 {offsets = [4], sizes = [1], strides = [1]} : vector<16xf32> to vector<1xf32>
        %squeeze3A_663 = vector.extract %slice3A_662[0] : f32 from vector<1xf32>
        %mul3A_664 = vector.broadcast %squeeze3A_663 : f32 to vector<16xf32>
        %mul3A_665 = arith.mulf %get3A_538, %mul3A_664 : vector<16xf32>
        %add3A_666 = arith.addf %add3A_661, %mul3A_665 : vector<16xf32>
        %slice3A_667 = vector.extract_strided_slice %get3A_644 {offsets = [5], sizes = [1], strides = [1]} : vector<16xf32> to vector<1xf32>
        %squeeze3A_668 = vector.extract %slice3A_667[0] : f32 from vector<1xf32>
        %add3A_669 = vector.broadcast %squeeze3A_668 : f32 to vector<16xf32>
        %add3A_670 = arith.addf %add3A_666, %add3A_669 : vector<16xf32>
        %slice3A_671 = vector.extract_strided_slice %get3A_644 {offsets = [6], sizes = [1], strides = [1]} : vector<16xf32> to vector<1xf32>
        %squeeze3A_672 = vector.extract %slice3A_671[0] : f32 from vector<1xf32>
        %mul3A_673 = vector.broadcast %squeeze3A_672 : f32 to vector<16xf32>
        %mul3A_674 = arith.mulf %add3A_670, %mul3A_673 : vector<16xf32>
        %add3A_675 = arith.addf %scan3A_640, %mul3A_674 : vector<16xf32>
        %abs3A = math.absf %add3A_670 : vector<16xf32>
        %slice3A_676 = vector.extract_strided_slice %get3A_644 {offsets = [7], sizes = [1], strides = [1]} : vector<16xf32> to vector<1xf32>
        %squeeze3A_677 = vector.extract %slice3A_676[0] : f32 from vector<1xf32>
        %mul3A_678 = vector.broadcast %squeeze3A_677 : f32 to vector<16xf32>
        %mul3A_679 = arith.mulf %abs3A, %mul3A_678 : vector<16xf32>
        %add3A_680 = arith.addf %add3A_675, %mul3A_679 : vector<16xf32>
        scf.yield %add3A_680 : vector<16xf32>
      }
      %scan3A_546 = arith.constant 64 : i32
      %swap3A_547 = arith.constant 0 : index
      %swap3A_548 = tpu.vector_load %arg17[%swap3A_547] {strides = array<i32>} : memref<16xf32, #tpu.memory_space<vmem>>, vector<16xf32>,
      tpu.vector_store %arg17[%swap3A_547], %scan3A_545 {strides = array<i32>} : memref<16xf32, #tpu.memory_space<vmem>>, vector<16xf32>,
      %scan3A_549 = arith.constant 0 : i32
      %scan3A_550 = arith.constant 0 : i32
      %scan3A_551 = arith.constant 16 : i32
      %scan3A_552 = arith.addi %scan3A_550, %scan3A_551 : i32
      %scan3A_553 = arith.constant 1 : i32
      %scan3A_554 = scf.for %scan3A_639 = %scan3A_550 to %scan3A_552 step %scan3A_553 iter_args(%scan3A_640 = %scan3A_549) -> (i32)  : i32 {
        %broadcast_in_dim3A_641 = vector.broadcast %scan3A_639 : i32 to vector<16xi32>
        %gather3A = tpu.vector_load_idx %arg17[%broadcast_in_dim3A_641] : memref<16xf32, #tpu.memory_space<vmem>>[vector<16xi32>], vector<16xf32>,
        %add3A_642 = arith.constant 48 : i32
        %add3A_643 = arith.addi %add3A_642, %scan3A_639 : i32
        %get3A_644 = arith.index_cast %add3A_643 : i32 to index
        %get3A_645 = arith.constant 0 : index
        %get3A_646 = tpu.vector_load %arg15[%get3A_644, %get3A_645] {strides = array<i32>} : memref<80x128xf32, #tpu.memory_space<vmem>>, vector<16xf32>,
        %mul3A_647 = arith.mulf %get3A_646, %gather3A : vector<16xf32>
        %add3A_648 = arith.constant 48 : i32
        %add3A_649 = arith.addi %add3A_648, %scan3A_639 : i32
        %swap3A_650 = arith.index_cast %add3A_649 : i32 to index
        %swap3A_651 = arith.constant 0 : index
        %swap3A_652 = tpu.vector_load %arg15[%swap3A_650, %swap3A_651] {strides = array<i32>} : memref<80x128xf32, #tpu.memory_space<vmem>>, vector<16xf32>,
        tpu.vector_store %arg15[%swap3A_650, %swap3A_651], %mul3A_647 {strides = array<i32>} : memref<80x128xf32, #tpu.memory_space<vmem>>, vector<16xf32>,
        %add3A_653 = arith.constant 48 : i32
        %add3A_654 = arith.addi %add3A_653, %scan3A_639 : i32
        %get3A_655 = arith.index_cast %add3A_654 : i32 to index
        %get3A_656 = arith.constant 16 : index
        %get3A_657 = tpu.vector_load %arg15[%get3A_655, %get3A_656] {strides = array<i32>} : memref<80x128xf32, #tpu.memory_space<vmem>>, vector<16xf32>,
        %mul3A_658 = arith.mulf %get3A_657, %gather3A : vector<16xf32>
        %add3A_659 = arith.constant 48 : i32
        %add3A_660 = arith.addi %add3A_659, %scan3A_639 : i32
        %swap3A_661 = arith.index_cast %add3A_660 : i32 to index
        %swap3A_662 = arith.constant 16 : index
        %swap3A_663 = tpu.vector_load %arg15[%swap3A_661, %swap3A_662] {strides = array<i32>} : memref<80x128xf32, #tpu.memory_space<vmem>>, vector<16xf32>,
        tpu.vector_store %arg15[%swap3A_661, %swap3A_662], %mul3A_658 {strides = array<i32>} : memref<80x128xf32, #tpu.memory_space<vmem>>, vector<16xf32>,
        %add3A_664 = arith.constant 48 : i32
        %add3A_665 = arith.addi %add3A_664, %scan3A_639 : i32
        %get3A_666 = arith.index_cast %add3A_665 : i32 to index
        %get3A_667 = arith.constant 32 : index
        %get3A_668 = tpu.vector_load %arg15[%get3A_666, %get3A_667] {strides = array<i32>} : memref<80x128xf32, #tpu.memory_space<vmem>>, vector<16xf32>,
        %mul3A_669 = arith.mulf %get3A_668, %gather3A : vector<16xf32>
        %add3A_670 = arith.constant 48 : i32
        %add3A_671 = arith.addi %add3A_670, %scan3A_639 : i32
        %swap3A_672 = arith.index_cast %add3A_671 : i32 to index
        %swap3A_673 = arith.constant 32 : index
        %swap3A_674 = tpu.vector_load %arg15[%swap3A_672, %swap3A_673] {strides = array<i32>} : memref<80x128xf32, #tpu.memory_space<vmem>>, vector<16xf32>,
        tpu.vector_store %arg15[%swap3A_672, %swap3A_673], %mul3A_669 {strides = array<i32>} : memref<80x128xf32, #tpu.memory_space<vmem>>, vector<16xf32>,
        %add3A_675 = arith.constant 48 : i32
        %add3A_676 = arith.addi %add3A_675, %scan3A_639 : i32
        %get3A_677 = arith.index_cast %add3A_676 : i32 to index
        %get3A_678 = arith.constant 48 : index
        %get3A_679 = tpu.vector_load %arg15[%get3A_677, %get3A_678] {strides = array<i32>} : memref<80x128xf32, #tpu.memory_space<vmem>>, vector<16xf32>,
        %mul3A_680 = arith.mulf %get3A_679, %gather3A : vector<16xf32>
        %add3A_681 = arith.constant 48 : i32
        %add3A_682 = arith.addi %add3A_681, %scan3A_639 : i32
        %swap3A_683 = arith.index_cast %add3A_682 : i32 to index
        %swap3A_684 = arith.constant 48 : index
        %swap3A_685 = tpu.vector_load %arg15[%swap3A_683, %swap3A_684] {strides = array<i32>} : memref<80x128xf32, #tpu.memory_space<vmem>>, vector<16xf32>,
        tpu.vector_store %arg15[%swap3A_683, %swap3A_684], %mul3A_680 {strides = array<i32>} : memref<80x128xf32, #tpu.memory_space<vmem>>, vector<16xf32>,
        %add3A_686 = arith.constant 48 : i32
        %add3A_687 = arith.addi %add3A_686, %scan3A_639 : i32
        %get3A_688 = arith.index_cast %add3A_687 : i32 to index
        %get3A_689 = arith.constant 64 : index
        %get3A_690 = tpu.vector_load %arg15[%get3A_688, %get3A_689] {strides = array<i32>} : memref<80x128xf32, #tpu.memory_space<vmem>>, vector<16xf32>,
        %mul3A_691 = arith.mulf %get3A_690, %gather3A : vector<16xf32>
        %add3A_692 = arith.constant 48 : i32
        %add3A_693 = arith.addi %add3A_692, %scan3A_639 : i32
        %swap3A_694 = arith.index_cast %add3A_693 : i32 to index
        %swap3A_695 = arith.constant 64 : index
        %swap3A_696 = tpu.vector_load %arg15[%swap3A_694, %swap3A_695] {strides = array<i32>} : memref<80x128xf32, #tpu.memory_space<vmem>>, vector<16xf32>,
        tpu.vector_store %arg15[%swap3A_694, %swap3A_695], %mul3A_691 {strides = array<i32>} : memref<80x128xf32, #tpu.memory_space<vmem>>, vector<16xf32>,
        %add3A_697 = arith.constant 48 : i32
        %add3A_698 = arith.addi %add3A_697, %scan3A_639 : i32
        %get3A_699 = arith.index_cast %add3A_698 : i32 to index
        %get3A_700 = arith.constant 80 : index
        %get3A_701 = tpu.vector_load %arg15[%get3A_699, %get3A_700] {strides = array<i32>} : memref<80x128xf32, #tpu.memory_space<vmem>>, vector<16xf32>,
        %mul3A_702 = arith.mulf %get3A_701, %gather3A : vector<16xf32>
        %add3A_703 = arith.constant 48 : i32
        %add3A_704 = arith.addi %add3A_703, %scan3A_639 : i32
        %swap3A_705 = arith.index_cast %add3A_704 : i32 to index
        %swap3A_706 = arith.constant 80 : index
        %swap3A_707 = tpu.vector_load %arg15[%swap3A_705, %swap3A_706] {strides = array<i32>} : memref<80x128xf32, #tpu.memory_space<vmem>>, vector<16xf32>,
        tpu.vector_store %arg15[%swap3A_705, %swap3A_706], %mul3A_702 {strides = array<i32>} : memref<80x128xf32, #tpu.memory_space<vmem>>, vector<16xf32>,
        %add3A_708 = arith.constant 48 : i32
        %add3A_709 = arith.addi %add3A_708, %scan3A_639 : i32
        %get3A_710 = arith.index_cast %add3A_709 : i32 to index
        %get3A_711 = arith.constant 96 : index
        %get3A_712 = tpu.vector_load %arg15[%get3A_710, %get3A_711] {strides = array<i32>} : memref<80x128xf32, #tpu.memory_space<vmem>>, vector<16xf32>,
        %mul3A_713 = arith.mulf %get3A_712, %gather3A : vector<16xf32>
        %add3A_714 = arith.constant 48 : i32
        %add3A_715 = arith.addi %add3A_714, %scan3A_639 : i32
        %swap3A_716 = arith.index_cast %add3A_715 : i32 to index
        %swap3A_717 = arith.constant 96 : index
        %swap3A_718 = tpu.vector_load %arg15[%swap3A_716, %swap3A_717] {strides = array<i32>} : memref<80x128xf32, #tpu.memory_space<vmem>>, vector<16xf32>,
        tpu.vector_store %arg15[%swap3A_716, %swap3A_717], %mul3A_713 {strides = array<i32>} : memref<80x128xf32, #tpu.memory_space<vmem>>, vector<16xf32>,
        %add3A_719 = arith.constant 48 : i32
        %add3A_720 = arith.addi %add3A_719, %scan3A_639 : i32
        %get3A_721 = arith.index_cast %add3A_720 : i32 to index
        %get3A_722 = arith.constant 112 : index
        %get3A_723 = tpu.vector_load %arg15[%get3A_721, %get3A_722] {strides = array<i32>} : memref<80x128xf32, #tpu.memory_space<vmem>>, vector<16xf32>,
        %mul3A_724 = arith.mulf %get3A_723, %gather3A : vector<16xf32>
        %add3A_725 = arith.constant 48 : i32
        %add3A_726 = arith.addi %add3A_725, %scan3A_639 : i32
        %swap3A_727 = arith.index_cast %add3A_726 : i32 to index
        %swap3A_728 = arith.constant 112 : index
        %swap3A_729 = tpu.vector_load %arg15[%swap3A_727, %swap3A_728] {strides = array<i32>} : memref<80x128xf32, #tpu.memory_space<vmem>>, vector<16xf32>,
        tpu.vector_store %arg15[%swap3A_727, %swap3A_728], %mul3A_724 {strides = array<i32>} : memref<80x128xf32, #tpu.memory_space<vmem>>, vector<16xf32>,
        %scan3A_730 = arith.constant 0 : i32
        scf.yield %scan3A_730 : i32
      }
      %scan3A_555 = arith.constant 16 : i32
      %broadcast_in_dim3A_556 = arith.constant 0.000000e+00 : f32
      %broadcast_in_dim3A_557 = vector.broadcast %broadcast_in_dim3A_556 : f32 to vector<16xf32>
      %scan3A_558 = arith.constant 0 : i32
      %scan3A_559 = arith.constant 16 : i32
      %scan3A_560 = arith.addi %scan3A_558, %scan3A_559 : i32
      %scan3A_561 = arith.constant 1 : i32
      %scan3A_562 = scf.for %scan3A_639 = %scan3A_558 to %scan3A_560 step %scan3A_561 iter_args(%scan3A_640 = %broadcast_in_dim3A_557) -> (vector<16xf32>)  : i32 {
        %broadcast_in_dim3A_641 = arith.constant 0.000000e+00 : f32
        %broadcast_in_dim3A_642 = vector.broadcast %broadcast_in_dim3A_641 : f32 to vector<16xf32>
        %add3A_643 = arith.constant 64 : i32
        %add3A_644 = arith.addi %add3A_643, %scan3A_639 : i32
        %get3A_645 = arith.index_cast %add3A_644 : i32 to index
        %get3A_646 = arith.constant 0 : index
        %get3A_647 = tpu.vector_load %arg14[%get3A_645, %get3A_646] {strides = array<i32>} : memref<80x128xf32, #tpu.memory_space<vmem>>, vector<16xf32>,
        %add3A_648 = arith.constant 64 : i32
        %add3A_649 = arith.addi %add3A_648, %scan3A_639 : i32
        %get3A_650 = arith.index_cast %add3A_649 : i32 to index
        %get3A_651 = arith.constant 0 : index
        %get3A_652 = tpu.vector_load %arg15[%get3A_650, %get3A_651] {strides = array<i32>} : memref<80x128xf32, #tpu.memory_space<vmem>>, vector<16xf32>,
        %sub3A_653 = arith.subf %get3A_647, %get3A_652 : vector<16xf32>
        %add3A_654 = arith.constant 64 : i32
        %add3A_655 = arith.addi %add3A_654, %scan3A_639 : i32
        %swap3A_656 = arith.index_cast %add3A_655 : i32 to index
        %swap3A_657 = arith.constant 0 : index
        %swap3A_658 = tpu.vector_load %arg15[%swap3A_656, %swap3A_657] {strides = array<i32>} : memref<80x128xf32, #tpu.memory_space<vmem>>, vector<16xf32>,
        tpu.vector_store %arg15[%swap3A_656, %swap3A_657], %sub3A_653 {strides = array<i32>} : memref<80x128xf32, #tpu.memory_space<vmem>>, vector<16xf32>,
        %mul3A_659 = arith.mulf %sub3A_653, %sub3A_653 : vector<16xf32>
        %add3A_660 = arith.addf %broadcast_in_dim3A_642, %mul3A_659 : vector<16xf32>
        %add3A_661 = arith.constant 64 : i32
        %add3A_662 = arith.addi %add3A_661, %scan3A_639 : i32
        %get3A_663 = arith.index_cast %add3A_662 : i32 to index
        %get3A_664 = arith.constant 16 : index
        %get3A_665 = tpu.vector_load %arg14[%get3A_663, %get3A_664] {strides = array<i32>} : memref<80x128xf32, #tpu.memory_space<vmem>>, vector<16xf32>,
        %add3A_666 = arith.constant 64 : i32
        %add3A_667 = arith.addi %add3A_666, %scan3A_639 : i32
        %get3A_668 = arith.index_cast %add3A_667 : i32 to index
        %get3A_669 = arith.constant 16 : index
        %get3A_670 = tpu.vector_load %arg15[%get3A_668, %get3A_669] {strides = array<i32>} : memref<80x128xf32, #tpu.memory_space<vmem>>, vector<16xf32>,
        %sub3A_671 = arith.subf %get3A_665, %get3A_670 : vector<16xf32>
        %add3A_672 = arith.constant 64 : i32
        %add3A_673 = arith.addi %add3A_672, %scan3A_639 : i32
        %swap3A_674 = arith.index_cast %add3A_673 : i32 to index
        %swap3A_675 = arith.constant 16 : index
        %swap3A_676 = tpu.vector_load %arg15[%swap3A_674, %swap3A_675] {strides = array<i32>} : memref<80x128xf32, #tpu.memory_space<vmem>>, vector<16xf32>,
        tpu.vector_store %arg15[%swap3A_674, %swap3A_675], %sub3A_671 {strides = array<i32>} : memref<80x128xf32, #tpu.memory_space<vmem>>, vector<16xf32>,
        %mul3A_677 = arith.mulf %sub3A_671, %sub3A_671 : vector<16xf32>
        %add3A_678 = arith.addf %add3A_660, %mul3A_677 : vector<16xf32>
        %add3A_679 = arith.constant 64 : i32
        %add3A_680 = arith.addi %add3A_679, %scan3A_639 : i32
        %get3A_681 = arith.index_cast %add3A_680 : i32 to index
        %get3A_682 = arith.constant 32 : index
        %get3A_683 = tpu.vector_load %arg14[%get3A_681, %get3A_682] {strides = array<i32>} : memref<80x128xf32, #tpu.memory_space<vmem>>, vector<16xf32>,
        %add3A_684 = arith.constant 64 : i32
        %add3A_685 = arith.addi %add3A_684, %scan3A_639 : i32
        %get3A_686 = arith.index_cast %add3A_685 : i32 to index
        %get3A_687 = arith.constant 32 : index
        %get3A_688 = tpu.vector_load %arg15[%get3A_686, %get3A_687] {strides = array<i32>} : memref<80x128xf32, #tpu.memory_space<vmem>>, vector<16xf32>,
        %sub3A_689 = arith.subf %get3A_683, %get3A_688 : vector<16xf32>
        %add3A_690 = arith.constant 64 : i32
        %add3A_691 = arith.addi %add3A_690, %scan3A_639 : i32
        %swap3A_692 = arith.index_cast %add3A_691 : i32 to index
        %swap3A_693 = arith.constant 32 : index
        %swap3A_694 = tpu.vector_load %arg15[%swap3A_692, %swap3A_693] {strides = array<i32>} : memref<80x128xf32, #tpu.memory_space<vmem>>, vector<16xf32>,
        tpu.vector_store %arg15[%swap3A_692, %swap3A_693], %sub3A_689 {strides = array<i32>} : memref<80x128xf32, #tpu.memory_space<vmem>>, vector<16xf32>,
        %mul3A_695 = arith.mulf %sub3A_689, %sub3A_689 : vector<16xf32>
        %add3A_696 = arith.addf %add3A_678, %mul3A_695 : vector<16xf32>
        %add3A_697 = arith.constant 64 : i32
        %add3A_698 = arith.addi %add3A_697, %scan3A_639 : i32
        %get3A_699 = arith.index_cast %add3A_698 : i32 to index
        %get3A_700 = arith.constant 48 : index
        %get3A_701 = tpu.vector_load %arg14[%get3A_699, %get3A_700] {strides = array<i32>} : memref<80x128xf32, #tpu.memory_space<vmem>>, vector<16xf32>,
        %add3A_702 = arith.constant 64 : i32
        %add3A_703 = arith.addi %add3A_702, %scan3A_639 : i32
        %get3A_704 = arith.index_cast %add3A_703 : i32 to index
        %get3A_705 = arith.constant 48 : index
        %get3A_706 = tpu.vector_load %arg15[%get3A_704, %get3A_705] {strides = array<i32>} : memref<80x128xf32, #tpu.memory_space<vmem>>, vector<16xf32>,
        %sub3A_707 = arith.subf %get3A_701, %get3A_706 : vector<16xf32>
        %add3A_708 = arith.constant 64 : i32
        %add3A_709 = arith.addi %add3A_708, %scan3A_639 : i32
        %swap3A_710 = arith.index_cast %add3A_709 : i32 to index
        %swap3A_711 = arith.constant 48 : index
        %swap3A_712 = tpu.vector_load %arg15[%swap3A_710, %swap3A_711] {strides = array<i32>} : memref<80x128xf32, #tpu.memory_space<vmem>>, vector<16xf32>,
        tpu.vector_store %arg15[%swap3A_710, %swap3A_711], %sub3A_707 {strides = array<i32>} : memref<80x128xf32, #tpu.memory_space<vmem>>, vector<16xf32>,
        %mul3A_713 = arith.mulf %sub3A_707, %sub3A_707 : vector<16xf32>
        %add3A_714 = arith.addf %add3A_696, %mul3A_713 : vector<16xf32>
        %add3A_715 = arith.constant 64 : i32
        %add3A_716 = arith.addi %add3A_715, %scan3A_639 : i32
        %get3A_717 = arith.index_cast %add3A_716 : i32 to index
        %get3A_718 = arith.constant 64 : index
        %get3A_719 = tpu.vector_load %arg14[%get3A_717, %get3A_718] {strides = array<i32>} : memref<80x128xf32, #tpu.memory_space<vmem>>, vector<16xf32>,
        %add3A_720 = arith.constant 64 : i32
        %add3A_721 = arith.addi %add3A_720, %scan3A_639 : i32
        %get3A_722 = arith.index_cast %add3A_721 : i32 to index
        %get3A_723 = arith.constant 64 : index
        %get3A_724 = tpu.vector_load %arg15[%get3A_722, %get3A_723] {strides = array<i32>} : memref<80x128xf32, #tpu.memory_space<vmem>>, vector<16xf32>,
        %sub3A_725 = arith.subf %get3A_719, %get3A_724 : vector<16xf32>
        %add3A_726 = arith.constant 64 : i32
        %add3A_727 = arith.addi %add3A_726, %scan3A_639 : i32
        %swap3A_728 = arith.index_cast %add3A_727 : i32 to index
        %swap3A_729 = arith.constant 64 : index
        %swap3A_730 = tpu.vector_load %arg15[%swap3A_728, %swap3A_729] {strides = array<i32>} : memref<80x128xf32, #tpu.memory_space<vmem>>, vector<16xf32>,
        tpu.vector_store %arg15[%swap3A_728, %swap3A_729], %sub3A_725 {strides = array<i32>} : memref<80x128xf32, #tpu.memory_space<vmem>>, vector<16xf32>,
        %mul3A_731 = arith.mulf %sub3A_725, %sub3A_725 : vector<16xf32>
        %add3A_732 = arith.addf %add3A_714, %mul3A_731 : vector<16xf32>
        %add3A_733 = arith.constant 64 : i32
        %add3A_734 = arith.addi %add3A_733, %scan3A_639 : i32
        %get3A_735 = arith.index_cast %add3A_734 : i32 to index
        %get3A_736 = arith.constant 80 : index
        %get3A_737 = tpu.vector_load %arg14[%get3A_735, %get3A_736] {strides = array<i32>} : memref<80x128xf32, #tpu.memory_space<vmem>>, vector<16xf32>,
        %add3A_738 = arith.constant 64 : i32
        %add3A_739 = arith.addi %add3A_738, %scan3A_639 : i32
        %get3A_740 = arith.index_cast %add3A_739 : i32 to index
        %get3A_741 = arith.constant 80 : index
        %get3A_742 = tpu.vector_load %arg15[%get3A_740, %get3A_741] {strides = array<i32>} : memref<80x128xf32, #tpu.memory_space<vmem>>, vector<16xf32>,
        %sub3A_743 = arith.subf %get3A_737, %get3A_742 : vector<16xf32>
        %add3A_744 = arith.constant 64 : i32
        %add3A_745 = arith.addi %add3A_744, %scan3A_639 : i32
        %swap3A_746 = arith.index_cast %add3A_745 : i32 to index
        %swap3A_747 = arith.constant 80 : index
        %swap3A_748 = tpu.vector_load %arg15[%swap3A_746, %swap3A_747] {strides = array<i32>} : memref<80x128xf32, #tpu.memory_space<vmem>>, vector<16xf32>,
        tpu.vector_store %arg15[%swap3A_746, %swap3A_747], %sub3A_743 {strides = array<i32>} : memref<80x128xf32, #tpu.memory_space<vmem>>, vector<16xf32>,
        %mul3A_749 = arith.mulf %sub3A_743, %sub3A_743 : vector<16xf32>
        %add3A_750 = arith.addf %add3A_732, %mul3A_749 : vector<16xf32>
        %add3A_751 = arith.constant 64 : i32
        %add3A_752 = arith.addi %add3A_751, %scan3A_639 : i32
        %get3A_753 = arith.index_cast %add3A_752 : i32 to index
        %get3A_754 = arith.constant 96 : index
        %get3A_755 = tpu.vector_load %arg14[%get3A_753, %get3A_754] {strides = array<i32>} : memref<80x128xf32, #tpu.memory_space<vmem>>, vector<16xf32>,
        %add3A_756 = arith.constant 64 : i32
        %add3A_757 = arith.addi %add3A_756, %scan3A_639 : i32
        %get3A_758 = arith.index_cast %add3A_757 : i32 to index
        %get3A_759 = arith.constant 96 : index
        %get3A_760 = tpu.vector_load %arg15[%get3A_758, %get3A_759] {strides = array<i32>} : memref<80x128xf32, #tpu.memory_space<vmem>>, vector<16xf32>,
        %sub3A_761 = arith.subf %get3A_755, %get3A_760 : vector<16xf32>
        %add3A_762 = arith.constant 64 : i32
        %add3A_763 = arith.addi %add3A_762, %scan3A_639 : i32
        %swap3A_764 = arith.index_cast %add3A_763 : i32 to index
        %swap3A_765 = arith.constant 96 : index
        %swap3A_766 = tpu.vector_load %arg15[%swap3A_764, %swap3A_765] {strides = array<i32>} : memref<80x128xf32, #tpu.memory_space<vmem>>, vector<16xf32>,
        tpu.vector_store %arg15[%swap3A_764, %swap3A_765], %sub3A_761 {strides = array<i32>} : memref<80x128xf32, #tpu.memory_space<vmem>>, vector<16xf32>,
        %mul3A_767 = arith.mulf %sub3A_761, %sub3A_761 : vector<16xf32>
        %add3A_768 = arith.addf %add3A_750, %mul3A_767 : vector<16xf32>
        %add3A_769 = arith.constant 64 : i32
        %add3A_770 = arith.addi %add3A_769, %scan3A_639 : i32
        %get3A_771 = arith.index_cast %add3A_770 : i32 to index
        %get3A_772 = arith.constant 112 : index
        %get3A_773 = tpu.vector_load %arg14[%get3A_771, %get3A_772] {strides = array<i32>} : memref<80x128xf32, #tpu.memory_space<vmem>>, vector<16xf32>,
        %add3A_774 = arith.constant 64 : i32
        %add3A_775 = arith.addi %add3A_774, %scan3A_639 : i32
        %get3A_776 = arith.index_cast %add3A_775 : i32 to index
        %get3A_777 = arith.constant 112 : index
        %get3A_778 = tpu.vector_load %arg15[%get3A_776, %get3A_777] {strides = array<i32>} : memref<80x128xf32, #tpu.memory_space<vmem>>, vector<16xf32>,
        %sub3A_779 = arith.subf %get3A_773, %get3A_778 : vector<16xf32>
        %add3A_780 = arith.constant 64 : i32
        %add3A_781 = arith.addi %add3A_780, %scan3A_639 : i32
        %swap3A_782 = arith.index_cast %add3A_781 : i32 to index
        %swap3A_783 = arith.constant 112 : index
        %swap3A_784 = tpu.vector_load %arg15[%swap3A_782, %swap3A_783] {strides = array<i32>} : memref<80x128xf32, #tpu.memory_space<vmem>>, vector<16xf32>,
        tpu.vector_store %arg15[%swap3A_782, %swap3A_783], %sub3A_779 {strides = array<i32>} : memref<80x128xf32, #tpu.memory_space<vmem>>, vector<16xf32>,
        %mul3A_785 = arith.mulf %sub3A_779, %sub3A_779 : vector<16xf32>
        %add3A_786 = arith.addf %add3A_768, %mul3A_785 : vector<16xf32>
        %eq3A = vector.broadcast %scan3A_639 : i32 to vector<16xi32>
        %eq3A_787 = arith.cmpi eq, %iota3A, %eq3A : vector<16xi32>
        %reduce_sum3A = arith.constant true
        %reduce_sum3A_788 = vector.broadcast %reduce_sum3A : i1 to vector<16xi1>
        %reduce_sum3A_789 = tpu.scan <sum>, %add3A_786 masked %reduce_sum3A_788 : vector<16xf32>, vector<16xi1> -> vector<16xf32>
        %reduce_sum3A_790 = vector.extract %reduce_sum3A_789[15] : f32 from vector<16xf32>
        %broadcast_in_dim3A_791 = vector.broadcast %reduce_sum3A_790 : f32 to vector<16xf32>
        %select_n3A_792 = arith.select %eq3A_787, %broadcast_in_dim3A_791, %scan3A_640 : vector<16xi1>, vector<16xf32>
        scf.yield %select_n3A_792 : vector<16xf32>
      }
      %scan3A_563 = arith.constant 16 : i32
      %bitcast_convert_type3A_564 = tpu.bitcast %scan3A_562 : vector<16xf32> -> vector<16xi32>
      %shift_right_logical3A_565 = arith.constant 1 : i32
      %shift_right_logical3A_566 = vector.broadcast %shift_right_logical3A_565 : i32 to vector<16xi32>
      %shift_right_logical3A_567 = arith.shrui %bitcast_convert_type3A_564, %shift_right_logical3A_566 : vector<16xi32>
      %sub3A_568 = arith.constant 1597463007 : i32
      %sub3A_569 = vector.broadcast %sub3A_568 : i32 to vector<16xi32>
      %sub3A_570 = arith.subi %sub3A_569, %shift_right_logical3A_567 : vector<16xi32>
      %bitcast_convert_type3A_571 = tpu.bitcast %sub3A_570 : vector<16xi32> -> vector<16xf32>
      %mul3A_572 = arith.constant 5.000000e-01 : f32
      %mul3A_573 = vector.broadcast %mul3A_572 : f32 to vector<16xf32>
      %mul3A_574 = arith.mulf %mul3A_573, %scan3A_562 : vector<16xf32>
      %mul3A_575 = arith.mulf %mul3A_574, %bitcast_convert_type3A_571 : vector<16xf32>
      %mul3A_576 = arith.mulf %mul3A_575, %bitcast_convert_type3A_571 : vector<16xf32>
      %sub3A_577 = arith.constant 1.500000e+00 : f32
      %sub3A_578 = vector.broadcast %sub3A_577 : f32 to vector<16xf32>
      %sub3A_579 = arith.subf %sub3A_578, %mul3A_576 : vector<16xf32>
      %mul3A_580 = arith.mulf %bitcast_convert_type3A_571, %sub3A_579 : vector<16xf32>
      %mul3A_581 = arith.mulf %mul3A_574, %mul3A_580 : vector<16xf32>
      %mul3A_582 = arith.mulf %mul3A_581, %mul3A_580 : vector<16xf32>
      %sub3A_583 = arith.constant 1.500000e+00 : f32
      %sub3A_584 = vector.broadcast %sub3A_583 : f32 to vector<16xf32>
      %sub3A_585 = arith.subf %sub3A_584, %mul3A_582 : vector<16xf32>
      %mul3A_586 = arith.mulf %mul3A_580, %sub3A_585 : vector<16xf32>
      %mul3A_587 = arith.mulf %mul3A_574, %mul3A_586 : vector<16xf32>
      %mul3A_588 = arith.mulf %mul3A_587, %mul3A_586 : vector<16xf32>
      %sub3A_589 = arith.constant 1.500000e+00 : f32
      %sub3A_590 = vector.broadcast %sub3A_589 : f32 to vector<16xf32>
      %sub3A_591 = arith.subf %sub3A_590, %mul3A_588 : vector<16xf32>
      %mul3A_592 = arith.mulf %mul3A_586, %sub3A_591 : vector<16xf32>
      %gt3A_593 = arith.constant 0.000000e+00 : f32
      %gt3A_594 = vector.broadcast %gt3A_593 : f32 to vector<16xf32>
      %gt3A_595 = arith.cmpf ogt, %scan3A_562, %gt3A_594 : vector<16xf32>
      %mul3A_596 = arith.mulf %scan3A_562, %mul3A_592 : vector<16xf32>
      %jit3A_597 = arith.constant 0.000000e+00 : f32
      %broadcast_in_dim3A_598 = vector.broadcast %jit3A_597 : f32 to vector<16xf32>
      %select_n3A_599 = arith.select %gt3A_595, %mul3A_596, %broadcast_in_dim3A_598 : vector<16xi1>, vector<16xf32>
      %get3A_600 = arith.constant 0 : i32
      %get3A_601 = arith.index_cast %get3A_600 : i32 to index
      %get3A_602 = arith.constant 64 : index
      %get3A_603 = tpu.vector_load %arg12[%get3A_601, %get3A_602] {strides = array<i32>} : memref<4x80xf32, #tpu.memory_space<vmem>>, vector<16xf32>,
      %get3A_604 = arith.constant 1 : i32
      %get3A_605 = arith.index_cast %get3A_604 : i32 to index
      %get3A_606 = arith.constant 64 : index
      %get3A_607 = tpu.vector_load %arg12[%get3A_605, %get3A_606] {strides = array<i32>} : memref<4x80xf32, #tpu.memory_space<vmem>>, vector<16xf32>,
      %get3A_608 = arith.constant 2 : i32
      %get3A_609 = arith.index_cast %get3A_608 : i32 to index
      %get3A_610 = arith.constant 64 : index
      %get3A_611 = tpu.vector_load %arg12[%get3A_609, %get3A_610] {strides = array<i32>} : memref<4x80xf32, #tpu.memory_space<vmem>>, vector<16xf32>,
      %get3A_612 = arith.constant 3 : i32
      %get3A_613 = arith.index_cast %get3A_612 : i32 to index
      %get3A_614 = arith.constant 64 : index
      %get3A_615 = tpu.vector_load %arg12[%get3A_613, %get3A_614] {strides = array<i32>} : memref<4x80xf32, #tpu.memory_space<vmem>>, vector<16xf32>,
      %broadcast_in_dim3A_616 = arith.constant 0.000000e+00 : f32
      %broadcast_in_dim3A_617 = vector.broadcast %broadcast_in_dim3A_616 : f32 to vector<16xf32>
      %scan3A_618 = arith.constant 0 : i32
      %scan3A_619 = arith.constant 64 : i32
      %scan3A_620 = arith.addi %scan3A_618, %scan3A_619 : i32
      %scan3A_621 = arith.constant 1 : i32
      %scan3A_622 = scf.for %scan3A_639 = %scan3A_618 to %scan3A_620 step %scan3A_621 iter_args(%scan3A_640 = %broadcast_in_dim3A_617) -> (vector<16xf32>)  : i32 {
        %mul3A_641 = arith.constant 8 : i32
        %mul3A_642 = arith.muli %scan3A_639, %mul3A_641 : i32
        %get3A_643 = arith.index_cast %mul3A_642 : i32 to index
        %get3A_644 = tpu.vector_load %arg13[%get3A_643] {strides = array<i32>} : memref<520xf32, #tpu.memory_space<vmem>>, vector<16xf32>,
        %slice3A = vector.extract_strided_slice %get3A_644 {offsets = [0], sizes = [1], strides = [1]} : vector<16xf32> to vector<1xf32>
        %squeeze3A = vector.extract %slice3A[0] : f32 from vector<1xf32>
        %mul3A_645 = vector.broadcast %squeeze3A : f32 to vector<16xf32>
        %mul3A_646 = arith.mulf %select_n3A_599, %mul3A_645 : vector<16xf32>
        %slice3A_647 = vector.extract_strided_slice %get3A_644 {offsets = [1], sizes = [1], strides = [1]} : vector<16xf32> to vector<1xf32>
        %squeeze3A_648 = vector.extract %slice3A_647[0] : f32 from vector<1xf32>
        %mul3A_649 = vector.broadcast %squeeze3A_648 : f32 to vector<16xf32>
        %mul3A_650 = arith.mulf %get3A_603, %mul3A_649 : vector<16xf32>
        %add3A_651 = arith.addf %mul3A_646, %mul3A_650 : vector<16xf32>
        %slice3A_652 = vector.extract_strided_slice %get3A_644 {offsets = [2], sizes = [1], strides = [1]} : vector<16xf32> to vector<1xf32>
        %squeeze3A_653 = vector.extract %slice3A_652[0] : f32 from vector<1xf32>
        %mul3A_654 = vector.broadcast %squeeze3A_653 : f32 to vector<16xf32>
        %mul3A_655 = arith.mulf %get3A_607, %mul3A_654 : vector<16xf32>
        %add3A_656 = arith.addf %add3A_651, %mul3A_655 : vector<16xf32>
        %slice3A_657 = vector.extract_strided_slice %get3A_644 {offsets = [3], sizes = [1], strides = [1]} : vector<16xf32> to vector<1xf32>
        %squeeze3A_658 = vector.extract %slice3A_657[0] : f32 from vector<1xf32>
        %mul3A_659 = vector.broadcast %squeeze3A_658 : f32 to vector<16xf32>
        %mul3A_660 = arith.mulf %get3A_611, %mul3A_659 : vector<16xf32>
        %add3A_661 = arith.addf %add3A_656, %mul3A_660 : vector<16xf32>
        %slice3A_662 = vector.extract_strided_slice %get3A_644 {offsets = [4], sizes = [1], strides = [1]} : vector<16xf32> to vector<1xf32>
        %squeeze3A_663 = vector.extract %slice3A_662[0] : f32 from vector<1xf32>
        %mul3A_664 = vector.broadcast %squeeze3A_663 : f32 to vector<16xf32>
        %mul3A_665 = arith.mulf %get3A_615, %mul3A_664 : vector<16xf32>
        %add3A_666 = arith.addf %add3A_661, %mul3A_665 : vector<16xf32>
        %slice3A_667 = vector.extract_strided_slice %get3A_644 {offsets = [5], sizes = [1], strides = [1]} : vector<16xf32> to vector<1xf32>
        %squeeze3A_668 = vector.extract %slice3A_667[0] : f32 from vector<1xf32>
        %add3A_669 = vector.broadcast %squeeze3A_668 : f32 to vector<16xf32>
        %add3A_670 = arith.addf %add3A_666, %add3A_669 : vector<16xf32>
        %slice3A_671 = vector.extract_strided_slice %get3A_644 {offsets = [6], sizes = [1], strides = [1]} : vector<16xf32> to vector<1xf32>
        %squeeze3A_672 = vector.extract %slice3A_671[0] : f32 from vector<1xf32>
        %mul3A_673 = vector.broadcast %squeeze3A_672 : f32 to vector<16xf32>
        %mul3A_674 = arith.mulf %add3A_670, %mul3A_673 : vector<16xf32>
        %add3A_675 = arith.addf %scan3A_640, %mul3A_674 : vector<16xf32>
        %abs3A = math.absf %add3A_670 : vector<16xf32>
        %slice3A_676 = vector.extract_strided_slice %get3A_644 {offsets = [7], sizes = [1], strides = [1]} : vector<16xf32> to vector<1xf32>
        %squeeze3A_677 = vector.extract %slice3A_676[0] : f32 from vector<1xf32>
        %mul3A_678 = vector.broadcast %squeeze3A_677 : f32 to vector<16xf32>
        %mul3A_679 = arith.mulf %abs3A, %mul3A_678 : vector<16xf32>
        %add3A_680 = arith.addf %add3A_675, %mul3A_679 : vector<16xf32>
        scf.yield %add3A_680 : vector<16xf32>
      }
      %scan3A_623 = arith.constant 64 : i32
      %swap3A_624 = arith.constant 0 : index
      %swap3A_625 = tpu.vector_load %arg17[%swap3A_624] {strides = array<i32>} : memref<16xf32, #tpu.memory_space<vmem>>, vector<16xf32>,
      tpu.vector_store %arg17[%swap3A_624], %scan3A_622 {strides = array<i32>} : memref<16xf32, #tpu.memory_space<vmem>>, vector<16xf32>,
      %scan3A_626 = arith.constant 0 : i32
      %scan3A_627 = arith.constant 0 : i32
      %scan3A_628 = arith.constant 16 : i32
      %scan3A_629 = arith.addi %scan3A_627, %scan3A_628 : i32
      %scan3A_630 = arith.constant 1 : i32
      %scan3A_631 = scf.for %scan3A_639 = %scan3A_627 to %scan3A_629 step %scan3A_630 iter_args(%scan3A_640 = %scan3A_626) -> (i32)  : i32 {
        %broadcast_in_dim3A_641 = vector.broadcast %scan3A_639 : i32 to vector<16xi32>
        %gather3A = tpu.vector_load_idx %arg17[%broadcast_in_dim3A_641] : memref<16xf32, #tpu.memory_space<vmem>>[vector<16xi32>], vector<16xf32>,
        %add3A_642 = arith.constant 64 : i32
        %add3A_643 = arith.addi %add3A_642, %scan3A_639 : i32
        %get3A_644 = arith.index_cast %add3A_643 : i32 to index
        %get3A_645 = arith.constant 0 : index
        %get3A_646 = tpu.vector_load %arg15[%get3A_644, %get3A_645] {strides = array<i32>} : memref<80x128xf32, #tpu.memory_space<vmem>>, vector<16xf32>,
        %mul3A_647 = arith.mulf %get3A_646, %gather3A : vector<16xf32>
        %add3A_648 = arith.constant 64 : i32
        %add3A_649 = arith.addi %add3A_648, %scan3A_639 : i32
        %swap3A_650 = arith.index_cast %add3A_649 : i32 to index
        %swap3A_651 = arith.constant 0 : index
        %swap3A_652 = tpu.vector_load %arg15[%swap3A_650, %swap3A_651] {strides = array<i32>} : memref<80x128xf32, #tpu.memory_space<vmem>>, vector<16xf32>,
        tpu.vector_store %arg15[%swap3A_650, %swap3A_651], %mul3A_647 {strides = array<i32>} : memref<80x128xf32, #tpu.memory_space<vmem>>, vector<16xf32>,
        %add3A_653 = arith.constant 64 : i32
        %add3A_654 = arith.addi %add3A_653, %scan3A_639 : i32
        %get3A_655 = arith.index_cast %add3A_654 : i32 to index
        %get3A_656 = arith.constant 16 : index
        %get3A_657 = tpu.vector_load %arg15[%get3A_655, %get3A_656] {strides = array<i32>} : memref<80x128xf32, #tpu.memory_space<vmem>>, vector<16xf32>,
        %mul3A_658 = arith.mulf %get3A_657, %gather3A : vector<16xf32>
        %add3A_659 = arith.constant 64 : i32
        %add3A_660 = arith.addi %add3A_659, %scan3A_639 : i32
        %swap3A_661 = arith.index_cast %add3A_660 : i32 to index
        %swap3A_662 = arith.constant 16 : index
        %swap3A_663 = tpu.vector_load %arg15[%swap3A_661, %swap3A_662] {strides = array<i32>} : memref<80x128xf32, #tpu.memory_space<vmem>>, vector<16xf32>,
        tpu.vector_store %arg15[%swap3A_661, %swap3A_662], %mul3A_658 {strides = array<i32>} : memref<80x128xf32, #tpu.memory_space<vmem>>, vector<16xf32>,
        %add3A_664 = arith.constant 64 : i32
        %add3A_665 = arith.addi %add3A_664, %scan3A_639 : i32
        %get3A_666 = arith.index_cast %add3A_665 : i32 to index
        %get3A_667 = arith.constant 32 : index
        %get3A_668 = tpu.vector_load %arg15[%get3A_666, %get3A_667] {strides = array<i32>} : memref<80x128xf32, #tpu.memory_space<vmem>>, vector<16xf32>,
        %mul3A_669 = arith.mulf %get3A_668, %gather3A : vector<16xf32>
        %add3A_670 = arith.constant 64 : i32
        %add3A_671 = arith.addi %add3A_670, %scan3A_639 : i32
        %swap3A_672 = arith.index_cast %add3A_671 : i32 to index
        %swap3A_673 = arith.constant 32 : index
        %swap3A_674 = tpu.vector_load %arg15[%swap3A_672, %swap3A_673] {strides = array<i32>} : memref<80x128xf32, #tpu.memory_space<vmem>>, vector<16xf32>,
        tpu.vector_store %arg15[%swap3A_672, %swap3A_673], %mul3A_669 {strides = array<i32>} : memref<80x128xf32, #tpu.memory_space<vmem>>, vector<16xf32>,
        %add3A_675 = arith.constant 64 : i32
        %add3A_676 = arith.addi %add3A_675, %scan3A_639 : i32
        %get3A_677 = arith.index_cast %add3A_676 : i32 to index
        %get3A_678 = arith.constant 48 : index
        %get3A_679 = tpu.vector_load %arg15[%get3A_677, %get3A_678] {strides = array<i32>} : memref<80x128xf32, #tpu.memory_space<vmem>>, vector<16xf32>,
        %mul3A_680 = arith.mulf %get3A_679, %gather3A : vector<16xf32>
        %add3A_681 = arith.constant 64 : i32
        %add3A_682 = arith.addi %add3A_681, %scan3A_639 : i32
        %swap3A_683 = arith.index_cast %add3A_682 : i32 to index
        %swap3A_684 = arith.constant 48 : index
        %swap3A_685 = tpu.vector_load %arg15[%swap3A_683, %swap3A_684] {strides = array<i32>} : memref<80x128xf32, #tpu.memory_space<vmem>>, vector<16xf32>,
        tpu.vector_store %arg15[%swap3A_683, %swap3A_684], %mul3A_680 {strides = array<i32>} : memref<80x128xf32, #tpu.memory_space<vmem>>, vector<16xf32>,
        %add3A_686 = arith.constant 64 : i32
        %add3A_687 = arith.addi %add3A_686, %scan3A_639 : i32
        %get3A_688 = arith.index_cast %add3A_687 : i32 to index
        %get3A_689 = arith.constant 64 : index
        %get3A_690 = tpu.vector_load %arg15[%get3A_688, %get3A_689] {strides = array<i32>} : memref<80x128xf32, #tpu.memory_space<vmem>>, vector<16xf32>,
        %mul3A_691 = arith.mulf %get3A_690, %gather3A : vector<16xf32>
        %add3A_692 = arith.constant 64 : i32
        %add3A_693 = arith.addi %add3A_692, %scan3A_639 : i32
        %swap3A_694 = arith.index_cast %add3A_693 : i32 to index
        %swap3A_695 = arith.constant 64 : index
        %swap3A_696 = tpu.vector_load %arg15[%swap3A_694, %swap3A_695] {strides = array<i32>} : memref<80x128xf32, #tpu.memory_space<vmem>>, vector<16xf32>,
        tpu.vector_store %arg15[%swap3A_694, %swap3A_695], %mul3A_691 {strides = array<i32>} : memref<80x128xf32, #tpu.memory_space<vmem>>, vector<16xf32>,
        %add3A_697 = arith.constant 64 : i32
        %add3A_698 = arith.addi %add3A_697, %scan3A_639 : i32
        %get3A_699 = arith.index_cast %add3A_698 : i32 to index
        %get3A_700 = arith.constant 80 : index
        %get3A_701 = tpu.vector_load %arg15[%get3A_699, %get3A_700] {strides = array<i32>} : memref<80x128xf32, #tpu.memory_space<vmem>>, vector<16xf32>,
        %mul3A_702 = arith.mulf %get3A_701, %gather3A : vector<16xf32>
        %add3A_703 = arith.constant 64 : i32
        %add3A_704 = arith.addi %add3A_703, %scan3A_639 : i32
        %swap3A_705 = arith.index_cast %add3A_704 : i32 to index
        %swap3A_706 = arith.constant 80 : index
        %swap3A_707 = tpu.vector_load %arg15[%swap3A_705, %swap3A_706] {strides = array<i32>} : memref<80x128xf32, #tpu.memory_space<vmem>>, vector<16xf32>,
        tpu.vector_store %arg15[%swap3A_705, %swap3A_706], %mul3A_702 {strides = array<i32>} : memref<80x128xf32, #tpu.memory_space<vmem>>, vector<16xf32>,
        %add3A_708 = arith.constant 64 : i32
        %add3A_709 = arith.addi %add3A_708, %scan3A_639 : i32
        %get3A_710 = arith.index_cast %add3A_709 : i32 to index
        %get3A_711 = arith.constant 96 : index
        %get3A_712 = tpu.vector_load %arg15[%get3A_710, %get3A_711] {strides = array<i32>} : memref<80x128xf32, #tpu.memory_space<vmem>>, vector<16xf32>,
        %mul3A_713 = arith.mulf %get3A_712, %gather3A : vector<16xf32>
        %add3A_714 = arith.constant 64 : i32
        %add3A_715 = arith.addi %add3A_714, %scan3A_639 : i32
        %swap3A_716 = arith.index_cast %add3A_715 : i32 to index
        %swap3A_717 = arith.constant 96 : index
        %swap3A_718 = tpu.vector_load %arg15[%swap3A_716, %swap3A_717] {strides = array<i32>} : memref<80x128xf32, #tpu.memory_space<vmem>>, vector<16xf32>,
        tpu.vector_store %arg15[%swap3A_716, %swap3A_717], %mul3A_713 {strides = array<i32>} : memref<80x128xf32, #tpu.memory_space<vmem>>, vector<16xf32>,
        %add3A_719 = arith.constant 64 : i32
        %add3A_720 = arith.addi %add3A_719, %scan3A_639 : i32
        %get3A_721 = arith.index_cast %add3A_720 : i32 to index
        %get3A_722 = arith.constant 112 : index
        %get3A_723 = tpu.vector_load %arg15[%get3A_721, %get3A_722] {strides = array<i32>} : memref<80x128xf32, #tpu.memory_space<vmem>>, vector<16xf32>,
        %mul3A_724 = arith.mulf %get3A_723, %gather3A : vector<16xf32>
        %add3A_725 = arith.constant 64 : i32
        %add3A_726 = arith.addi %add3A_725, %scan3A_639 : i32
        %swap3A_727 = arith.index_cast %add3A_726 : i32 to index
        %swap3A_728 = arith.constant 112 : index
        %swap3A_729 = tpu.vector_load %arg15[%swap3A_727, %swap3A_728] {strides = array<i32>} : memref<80x128xf32, #tpu.memory_space<vmem>>, vector<16xf32>,
        tpu.vector_store %arg15[%swap3A_727, %swap3A_728], %mul3A_724 {strides = array<i32>} : memref<80x128xf32, #tpu.memory_space<vmem>>, vector<16xf32>,
        %scan3A_730 = arith.constant 0 : i32
        scf.yield %scan3A_730 : i32
      }
      %scan3A_632 = arith.constant 16 : i32
      %mul3A_633 = arith.constant 10000 : i32
      %mul3A_634 = arith.muli %add3A, %mul3A_633 : i32
      %mul3A_635 = arith.constant 80 : i32
      %mul3A_636 = arith.muli %scan3A_245, %mul3A_635 : i32
      %add3A_637 = arith.addi %mul3A_634, %mul3A_636 : i32
      "tpu.region"() ({
        %run_scoped3A = tpu.sem_alloc : memref<!tpu.dma_semaphore, #tpu.memory_space<semaphore_mem>>
        %dma_start3A_639 = arith.constant 0 : i32
        %dma_start3A_640 = tpu.memref_slice %arg7[%add3A_637, %dma_start3A_639] : memref<320000x128xf32, #tpu.memory_space<hbm>> -> memref<80x128xf32, #tpu.memory_space<hbm>>
        %dma_start3A_641 = arith.constant 0 : i32
        %dma_start3A_642 = tpu.memref_slice %arg7[%add3A_637, %dma_start3A_641] : memref<320000x128xf32, #tpu.memory_space<hbm>> -> memref<80x128xf32, #tpu.memory_space<hbm>>
        tpu.enqueue_dma source(%arg15 : memref<80x128xf32, #tpu.memory_space<vmem>>) target(%dma_start3A_642 : memref<80x128xf32, #tpu.memory_space<hbm>>) target_semaphore(%run_scoped3A : memref<!tpu.dma_semaphore, #tpu.memory_space<semaphore_mem>>)
        %dma_wait3A_643 = arith.constant 0 : i32
        %dma_wait3A_644 = tpu.memref_slice %arg7[%add3A_637, %dma_wait3A_643] : memref<320000x128xf32, #tpu.memory_space<hbm>> -> memref<80x128xf32, #tpu.memory_space<hbm>>
        %dma_wait3A_645 = arith.constant 0 : i32
        %dma_wait3A_646 = tpu.memref_slice %arg7[%add3A_637, %dma_wait3A_645] : memref<320000x128xf32, #tpu.memory_space<hbm>> -> memref<80x128xf32, #tpu.memory_space<hbm>>
        tpu.wait_dma2 semaphore(%run_scoped3A : memref<!tpu.dma_semaphore, #tpu.memory_space<semaphore_mem>>) src(%arg15 : memref<80x128xf32, #tpu.memory_space<vmem>>) dst(%dma_wait3A_646 : memref<80x128xf32, #tpu.memory_space<hbm>>)
        tpu.yield
      }) : () -> ()
      "tpu.region"() ({
        %run_scoped3A = tpu.sem_alloc : memref<!tpu.dma_semaphore, #tpu.memory_space<semaphore_mem>>
        %dma_start3A_639 = arith.constant 0 : i32
        %dma_start3A_640 = arith.constant 0 : i32
        %dma_start3A_641 = tpu.memref_slice %arg19[%dma_start3A_639, %dma_start3A_640] : memref<10240x128xf32, #tpu.memory_space<vmem_shared>> -> memref<10240x128xf32, #tpu.memory_space<vmem_shared>>
        tpu.enqueue_indirect_dma source(%arg15 : memref<80x128xf32, #tpu.memory_space<vmem>>) target(%dma_start3A_641 : memref<10240x128xf32, #tpu.memory_space<vmem_shared>>) offsets(%arg10 : memref<80xi32, #tpu.memory_space<vmem>>) semaphore(%run_scoped3A : memref<!tpu.dma_semaphore, #tpu.memory_space<semaphore_mem>>) {add = true}
        %dma_wait3A_642 = arith.constant 0 : i32
        %dma_wait3A_643 = arith.constant 0 : i32
        %dma_wait3A_644 = tpu.memref_slice %arg19[%dma_wait3A_642, %dma_wait3A_643] : memref<10240x128xf32, #tpu.memory_space<vmem_shared>> -> memref<10240x128xf32, #tpu.memory_space<vmem_shared>>
        tpu.wait_indirect_dma semaphore(%run_scoped3A : memref<!tpu.dma_semaphore, #tpu.memory_space<semaphore_mem>>) src(%arg15 : memref<80x128xf32, #tpu.memory_space<vmem>>) dst(%dma_wait3A_644 : memref<10240x128xf32, #tpu.memory_space<vmem_shared>>)
        tpu.yield
      }) : () -> ()
      "tpu.region"() ({
        %run_scoped3A = tpu.sem_alloc : memref<!tpu.dma_semaphore, #tpu.memory_space<semaphore_mem>>
        %dma_start3A_639 = arith.constant 0 : i32
        %dma_start3A_640 = arith.constant 0 : i32
        %dma_start3A_641 = tpu.memref_slice %arg20[%dma_start3A_639, %dma_start3A_640] : memref<10240x16xf32, #tpu.memory_space<vmem_shared>> -> memref<10240x16xf32, #tpu.memory_space<vmem_shared>>
        tpu.enqueue_indirect_dma source(%arg16 : memref<80x16xf32, #tpu.memory_space<vmem>>) target(%dma_start3A_641 : memref<10240x16xf32, #tpu.memory_space<vmem_shared>>) offsets(%arg10 : memref<80xi32, #tpu.memory_space<vmem>>) semaphore(%run_scoped3A : memref<!tpu.dma_semaphore, #tpu.memory_space<semaphore_mem>>) {add = true}
        %dma_wait3A_642 = arith.constant 0 : i32
        %dma_wait3A_643 = arith.constant 0 : i32
        %dma_wait3A_644 = tpu.memref_slice %arg20[%dma_wait3A_642, %dma_wait3A_643] : memref<10240x16xf32, #tpu.memory_space<vmem_shared>> -> memref<10240x16xf32, #tpu.memory_space<vmem_shared>>
        tpu.wait_indirect_dma semaphore(%run_scoped3A : memref<!tpu.dma_semaphore, #tpu.memory_space<semaphore_mem>>) src(%arg16 : memref<80x16xf32, #tpu.memory_space<vmem>>) dst(%dma_wait3A_644 : memref<10240x16xf32, #tpu.memory_space<vmem_shared>>)
        tpu.yield
      }) : () -> ()
      %scan3A_638 = arith.constant 0 : i32
      scf.yield %scan3A_638 : i32
    }
    %scan3A_99 = arith.constant 125 : i32
    %barrier3A_100 = arith.constant 0 : index
    tpu.barrier barrier_id(%barrier3A_100)
    %mul3A_101 = arith.constant 640 : i32
    %mul3A_102 = arith.muli %arg1, %mul3A_101 : i32
    %add3A_103 = arith.constant 0 : i32
    %add3A_104 = arith.addi %mul3A_102, %add3A_103 : i32
    "tpu.region"() ({
      %run_scoped3A = tpu.sem_alloc : memref<!tpu.dma_semaphore, #tpu.memory_space<semaphore_mem>>
      %dma_start3A = arith.constant 0 : i32
      %dma_start3A_245 = tpu.memref_slice %arg19[%add3A_104, %dma_start3A] : memref<10240x128xf32, #tpu.memory_space<vmem_shared>> -> memref<80x128xf32, #tpu.memory_space<vmem_shared>>
      %dma_start3A_246 = arith.constant 0 : i32
      %dma_start3A_247 = tpu.memref_slice %arg19[%add3A_104, %dma_start3A_246] : memref<10240x128xf32, #tpu.memory_space<vmem_shared>> -> memref<80x128xf32, #tpu.memory_space<vmem_shared>>
      tpu.enqueue_dma source(%dma_start3A_247 : memref<80x128xf32, #tpu.memory_space<vmem_shared>>) target(%arg14 : memref<80x128xf32, #tpu.memory_space<vmem>>) target_semaphore(%run_scoped3A : memref<!tpu.dma_semaphore, #tpu.memory_space<semaphore_mem>>)
      %dma_wait3A = arith.constant 0 : i32
      %dma_wait3A_248 = tpu.memref_slice %arg19[%add3A_104, %dma_wait3A] : memref<10240x128xf32, #tpu.memory_space<vmem_shared>> -> memref<80x128xf32, #tpu.memory_space<vmem_shared>>
      %dma_wait3A_249 = arith.constant 0 : i32
      %dma_wait3A_250 = tpu.memref_slice %arg19[%add3A_104, %dma_wait3A_249] : memref<10240x128xf32, #tpu.memory_space<vmem_shared>> -> memref<80x128xf32, #tpu.memory_space<vmem_shared>>
      tpu.wait_dma2 semaphore(%run_scoped3A : memref<!tpu.dma_semaphore, #tpu.memory_space<semaphore_mem>>) src(%dma_wait3A_250 : memref<80x128xf32, #tpu.memory_space<vmem_shared>>) dst(%arg14 : memref<80x128xf32, #tpu.memory_space<vmem>>)
      tpu.yield
    }) : () -> ()
    %mul3A_105 = arith.constant 640 : i32
    %mul3A_106 = arith.muli %arg1, %mul3A_105 : i32
    %add3A_107 = arith.constant 0 : i32
    %add3A_108 = arith.addi %mul3A_106, %add3A_107 : i32
    "tpu.region"() ({
      %run_scoped3A = tpu.sem_alloc : memref<!tpu.dma_semaphore, #tpu.memory_space<semaphore_mem>>
      %dma_start3A = arith.constant 0 : i32
      %dma_start3A_245 = tpu.memref_slice %arg8[%arg0, %add3A_108, %dma_start3A] : memref<2x10240x128xf32, #tpu.memory_space<hbm>> -> memref<1x80x128xf32, #tpu.memory_space<hbm>>
      %dma_start3A_246 = tpu.memref_squeeze %dma_start3A_245 : memref<1x80x128xf32, #tpu.memory_space<hbm>> -> memref<80x128xf32, #tpu.memory_space<hbm>>
      %dma_start3A_247 = arith.constant 0 : i32
      %dma_start3A_248 = tpu.memref_slice %arg8[%arg0, %add3A_108, %dma_start3A_247] : memref<2x10240x128xf32, #tpu.memory_space<hbm>> -> memref<1x80x128xf32, #tpu.memory_space<hbm>>
      %dma_start3A_249 = tpu.memref_squeeze %dma_start3A_248 : memref<1x80x128xf32, #tpu.memory_space<hbm>> -> memref<80x128xf32, #tpu.memory_space<hbm>>
      tpu.enqueue_dma source(%arg14 : memref<80x128xf32, #tpu.memory_space<vmem>>) target(%dma_start3A_249 : memref<80x128xf32, #tpu.memory_space<hbm>>) target_semaphore(%run_scoped3A : memref<!tpu.dma_semaphore, #tpu.memory_space<semaphore_mem>>)
      %dma_wait3A = arith.constant 0 : i32
      %dma_wait3A_250 = tpu.memref_slice %arg8[%arg0, %add3A_108, %dma_wait3A] : memref<2x10240x128xf32, #tpu.memory_space<hbm>> -> memref<1x80x128xf32, #tpu.memory_space<hbm>>
      %dma_wait3A_251 = tpu.memref_squeeze %dma_wait3A_250 : memref<1x80x128xf32, #tpu.memory_space<hbm>> -> memref<80x128xf32, #tpu.memory_space<hbm>>
      %dma_wait3A_252 = arith.constant 0 : i32
      %dma_wait3A_253 = tpu.memref_slice %arg8[%arg0, %add3A_108, %dma_wait3A_252] : memref<2x10240x128xf32, #tpu.memory_space<hbm>> -> memref<1x80x128xf32, #tpu.memory_space<hbm>>
      %dma_wait3A_254 = tpu.memref_squeeze %dma_wait3A_253 : memref<1x80x128xf32, #tpu.memory_space<hbm>> -> memref<80x128xf32, #tpu.memory_space<hbm>>
      tpu.wait_dma2 semaphore(%run_scoped3A : memref<!tpu.dma_semaphore, #tpu.memory_space<semaphore_mem>>) src(%arg14 : memref<80x128xf32, #tpu.memory_space<vmem>>) dst(%dma_wait3A_254 : memref<80x128xf32, #tpu.memory_space<hbm>>)
      tpu.yield
    }) : () -> ()
    %mul3A_109 = arith.constant 640 : i32
    %mul3A_110 = arith.muli %arg1, %mul3A_109 : i32
    %add3A_111 = arith.constant 80 : i32
    %add3A_112 = arith.addi %mul3A_110, %add3A_111 : i32
    "tpu.region"() ({
      %run_scoped3A = tpu.sem_alloc : memref<!tpu.dma_semaphore, #tpu.memory_space<semaphore_mem>>
      %dma_start3A = arith.constant 0 : i32
      %dma_start3A_245 = tpu.memref_slice %arg19[%add3A_112, %dma_start3A] : memref<10240x128xf32, #tpu.memory_space<vmem_shared>> -> memref<80x128xf32, #tpu.memory_space<vmem_shared>>
      %dma_start3A_246 = arith.constant 0 : i32
      %dma_start3A_247 = tpu.memref_slice %arg19[%add3A_112, %dma_start3A_246] : memref<10240x128xf32, #tpu.memory_space<vmem_shared>> -> memref<80x128xf32, #tpu.memory_space<vmem_shared>>
      tpu.enqueue_dma source(%dma_start3A_247 : memref<80x128xf32, #tpu.memory_space<vmem_shared>>) target(%arg14 : memref<80x128xf32, #tpu.memory_space<vmem>>) target_semaphore(%run_scoped3A : memref<!tpu.dma_semaphore, #tpu.memory_space<semaphore_mem>>)
      %dma_wait3A = arith.constant 0 : i32
      %dma_wait3A_248 = tpu.memref_slice %arg19[%add3A_112, %dma_wait3A] : memref<10240x128xf32, #tpu.memory_space<vmem_shared>> -> memref<80x128xf32, #tpu.memory_space<vmem_shared>>
      %dma_wait3A_249 = arith.constant 0 : i32
      %dma_wait3A_250 = tpu.memref_slice %arg19[%add3A_112, %dma_wait3A_249] : memref<10240x128xf32, #tpu.memory_space<vmem_shared>> -> memref<80x128xf32, #tpu.memory_space<vmem_shared>>
      tpu.wait_dma2 semaphore(%run_scoped3A : memref<!tpu.dma_semaphore, #tpu.memory_space<semaphore_mem>>) src(%dma_wait3A_250 : memref<80x128xf32, #tpu.memory_space<vmem_shared>>) dst(%arg14 : memref<80x128xf32, #tpu.memory_space<vmem>>)
      tpu.yield
    }) : () -> ()
    %mul3A_113 = arith.constant 640 : i32
    %mul3A_114 = arith.muli %arg1, %mul3A_113 : i32
    %add3A_115 = arith.constant 80 : i32
    %add3A_116 = arith.addi %mul3A_114, %add3A_115 : i32
    "tpu.region"() ({
      %run_scoped3A = tpu.sem_alloc : memref<!tpu.dma_semaphore, #tpu.memory_space<semaphore_mem>>
      %dma_start3A = arith.constant 0 : i32
      %dma_start3A_245 = tpu.memref_slice %arg8[%arg0, %add3A_116, %dma_start3A] : memref<2x10240x128xf32, #tpu.memory_space<hbm>> -> memref<1x80x128xf32, #tpu.memory_space<hbm>>
      %dma_start3A_246 = tpu.memref_squeeze %dma_start3A_245 : memref<1x80x128xf32, #tpu.memory_space<hbm>> -> memref<80x128xf32, #tpu.memory_space<hbm>>
      %dma_start3A_247 = arith.constant 0 : i32
      %dma_start3A_248 = tpu.memref_slice %arg8[%arg0, %add3A_116, %dma_start3A_247] : memref<2x10240x128xf32, #tpu.memory_space<hbm>> -> memref<1x80x128xf32, #tpu.memory_space<hbm>>
      %dma_start3A_249 = tpu.memref_squeeze %dma_start3A_248 : memref<1x80x128xf32, #tpu.memory_space<hbm>> -> memref<80x128xf32, #tpu.memory_space<hbm>>
      tpu.enqueue_dma source(%arg14 : memref<80x128xf32, #tpu.memory_space<vmem>>) target(%dma_start3A_249 : memref<80x128xf32, #tpu.memory_space<hbm>>) target_semaphore(%run_scoped3A : memref<!tpu.dma_semaphore, #tpu.memory_space<semaphore_mem>>)
      %dma_wait3A = arith.constant 0 : i32
      %dma_wait3A_250 = tpu.memref_slice %arg8[%arg0, %add3A_116, %dma_wait3A] : memref<2x10240x128xf32, #tpu.memory_space<hbm>> -> memref<1x80x128xf32, #tpu.memory_space<hbm>>
      %dma_wait3A_251 = tpu.memref_squeeze %dma_wait3A_250 : memref<1x80x128xf32, #tpu.memory_space<hbm>> -> memref<80x128xf32, #tpu.memory_space<hbm>>
      %dma_wait3A_252 = arith.constant 0 : i32
      %dma_wait3A_253 = tpu.memref_slice %arg8[%arg0, %add3A_116, %dma_wait3A_252] : memref<2x10240x128xf32, #tpu.memory_space<hbm>> -> memref<1x80x128xf32, #tpu.memory_space<hbm>>
      %dma_wait3A_254 = tpu.memref_squeeze %dma_wait3A_253 : memref<1x80x128xf32, #tpu.memory_space<hbm>> -> memref<80x128xf32, #tpu.memory_space<hbm>>
      tpu.wait_dma2 semaphore(%run_scoped3A : memref<!tpu.dma_semaphore, #tpu.memory_space<semaphore_mem>>) src(%arg14 : memref<80x128xf32, #tpu.memory_space<vmem>>) dst(%dma_wait3A_254 : memref<80x128xf32, #tpu.memory_space<hbm>>)
      tpu.yield
    }) : () -> ()
    %mul3A_117 = arith.constant 640 : i32
    %mul3A_118 = arith.muli %arg1, %mul3A_117 : i32
    %add3A_119 = arith.constant 160 : i32
    %add3A_120 = arith.addi %mul3A_118, %add3A_119 : i32
    "tpu.region"() ({
      %run_scoped3A = tpu.sem_alloc : memref<!tpu.dma_semaphore, #tpu.memory_space<semaphore_mem>>
      %dma_start3A = arith.constant 0 : i32
      %dma_start3A_245 = tpu.memref_slice %arg19[%add3A_120, %dma_start3A] : memref<10240x128xf32, #tpu.memory_space<vmem_shared>> -> memref<80x128xf32, #tpu.memory_space<vmem_shared>>
      %dma_start3A_246 = arith.constant 0 : i32
      %dma_start3A_247 = tpu.memref_slice %arg19[%add3A_120, %dma_start3A_246] : memref<10240x128xf32, #tpu.memory_space<vmem_shared>> -> memref<80x128xf32, #tpu.memory_space<vmem_shared>>
      tpu.enqueue_dma source(%dma_start3A_247 : memref<80x128xf32, #tpu.memory_space<vmem_shared>>) target(%arg14 : memref<80x128xf32, #tpu.memory_space<vmem>>) target_semaphore(%run_scoped3A : memref<!tpu.dma_semaphore, #tpu.memory_space<semaphore_mem>>)
      %dma_wait3A = arith.constant 0 : i32
      %dma_wait3A_248 = tpu.memref_slice %arg19[%add3A_120, %dma_wait3A] : memref<10240x128xf32, #tpu.memory_space<vmem_shared>> -> memref<80x128xf32, #tpu.memory_space<vmem_shared>>
      %dma_wait3A_249 = arith.constant 0 : i32
      %dma_wait3A_250 = tpu.memref_slice %arg19[%add3A_120, %dma_wait3A_249] : memref<10240x128xf32, #tpu.memory_space<vmem_shared>> -> memref<80x128xf32, #tpu.memory_space<vmem_shared>>
      tpu.wait_dma2 semaphore(%run_scoped3A : memref<!tpu.dma_semaphore, #tpu.memory_space<semaphore_mem>>) src(%dma_wait3A_250 : memref<80x128xf32, #tpu.memory_space<vmem_shared>>) dst(%arg14 : memref<80x128xf32, #tpu.memory_space<vmem>>)
      tpu.yield
    }) : () -> ()
    %mul3A_121 = arith.constant 640 : i32
    %mul3A_122 = arith.muli %arg1, %mul3A_121 : i32
    %add3A_123 = arith.constant 160 : i32
    %add3A_124 = arith.addi %mul3A_122, %add3A_123 : i32
    "tpu.region"() ({
      %run_scoped3A = tpu.sem_alloc : memref<!tpu.dma_semaphore, #tpu.memory_space<semaphore_mem>>
      %dma_start3A = arith.constant 0 : i32
      %dma_start3A_245 = tpu.memref_slice %arg8[%arg0, %add3A_124, %dma_start3A] : memref<2x10240x128xf32, #tpu.memory_space<hbm>> -> memref<1x80x128xf32, #tpu.memory_space<hbm>>
      %dma_start3A_246 = tpu.memref_squeeze %dma_start3A_245 : memref<1x80x128xf32, #tpu.memory_space<hbm>> -> memref<80x128xf32, #tpu.memory_space<hbm>>
      %dma_start3A_247 = arith.constant 0 : i32
      %dma_start3A_248 = tpu.memref_slice %arg8[%arg0, %add3A_124, %dma_start3A_247] : memref<2x10240x128xf32, #tpu.memory_space<hbm>> -> memref<1x80x128xf32, #tpu.memory_space<hbm>>
      %dma_start3A_249 = tpu.memref_squeeze %dma_start3A_248 : memref<1x80x128xf32, #tpu.memory_space<hbm>> -> memref<80x128xf32, #tpu.memory_space<hbm>>
      tpu.enqueue_dma source(%arg14 : memref<80x128xf32, #tpu.memory_space<vmem>>) target(%dma_start3A_249 : memref<80x128xf32, #tpu.memory_space<hbm>>) target_semaphore(%run_scoped3A : memref<!tpu.dma_semaphore, #tpu.memory_space<semaphore_mem>>)
      %dma_wait3A = arith.constant 0 : i32
      %dma_wait3A_250 = tpu.memref_slice %arg8[%arg0, %add3A_124, %dma_wait3A] : memref<2x10240x128xf32, #tpu.memory_space<hbm>> -> memref<1x80x128xf32, #tpu.memory_space<hbm>>
      %dma_wait3A_251 = tpu.memref_squeeze %dma_wait3A_250 : memref<1x80x128xf32, #tpu.memory_space<hbm>> -> memref<80x128xf32, #tpu.memory_space<hbm>>
      %dma_wait3A_252 = arith.constant 0 : i32
      %dma_wait3A_253 = tpu.memref_slice %arg8[%arg0, %add3A_124, %dma_wait3A_252] : memref<2x10240x128xf32, #tpu.memory_space<hbm>> -> memref<1x80x128xf32, #tpu.memory_space<hbm>>
      %dma_wait3A_254 = tpu.memref_squeeze %dma_wait3A_253 : memref<1x80x128xf32, #tpu.memory_space<hbm>> -> memref<80x128xf32, #tpu.memory_space<hbm>>
      tpu.wait_dma2 semaphore(%run_scoped3A : memref<!tpu.dma_semaphore, #tpu.memory_space<semaphore_mem>>) src(%arg14 : memref<80x128xf32, #tpu.memory_space<vmem>>) dst(%dma_wait3A_254 : memref<80x128xf32, #tpu.memory_space<hbm>>)
      tpu.yield
    }) : () -> ()
    %mul3A_125 = arith.constant 640 : i32
    %mul3A_126 = arith.muli %arg1, %mul3A_125 : i32
    %add3A_127 = arith.constant 240 : i32
    %add3A_128 = arith.addi %mul3A_126, %add3A_127 : i32
    "tpu.region"() ({
      %run_scoped3A = tpu.sem_alloc : memref<!tpu.dma_semaphore, #tpu.memory_space<semaphore_mem>>
      %dma_start3A = arith.constant 0 : i32
      %dma_start3A_245 = tpu.memref_slice %arg19[%add3A_128, %dma_start3A] : memref<10240x128xf32, #tpu.memory_space<vmem_shared>> -> memref<80x128xf32, #tpu.memory_space<vmem_shared>>
      %dma_start3A_246 = arith.constant 0 : i32
      %dma_start3A_247 = tpu.memref_slice %arg19[%add3A_128, %dma_start3A_246] : memref<10240x128xf32, #tpu.memory_space<vmem_shared>> -> memref<80x128xf32, #tpu.memory_space<vmem_shared>>
      tpu.enqueue_dma source(%dma_start3A_247 : memref<80x128xf32, #tpu.memory_space<vmem_shared>>) target(%arg14 : memref<80x128xf32, #tpu.memory_space<vmem>>) target_semaphore(%run_scoped3A : memref<!tpu.dma_semaphore, #tpu.memory_space<semaphore_mem>>)
      %dma_wait3A = arith.constant 0 : i32
      %dma_wait3A_248 = tpu.memref_slice %arg19[%add3A_128, %dma_wait3A] : memref<10240x128xf32, #tpu.memory_space<vmem_shared>> -> memref<80x128xf32, #tpu.memory_space<vmem_shared>>
      %dma_wait3A_249 = arith.constant 0 : i32
      %dma_wait3A_250 = tpu.memref_slice %arg19[%add3A_128, %dma_wait3A_249] : memref<10240x128xf32, #tpu.memory_space<vmem_shared>> -> memref<80x128xf32, #tpu.memory_space<vmem_shared>>
      tpu.wait_dma2 semaphore(%run_scoped3A : memref<!tpu.dma_semaphore, #tpu.memory_space<semaphore_mem>>) src(%dma_wait3A_250 : memref<80x128xf32, #tpu.memory_space<vmem_shared>>) dst(%arg14 : memref<80x128xf32, #tpu.memory_space<vmem>>)
      tpu.yield
    }) : () -> ()
    %mul3A_129 = arith.constant 640 : i32
    %mul3A_130 = arith.muli %arg1, %mul3A_129 : i32
    %add3A_131 = arith.constant 240 : i32
    %add3A_132 = arith.addi %mul3A_130, %add3A_131 : i32
    "tpu.region"() ({
      %run_scoped3A = tpu.sem_alloc : memref<!tpu.dma_semaphore, #tpu.memory_space<semaphore_mem>>
      %dma_start3A = arith.constant 0 : i32
      %dma_start3A_245 = tpu.memref_slice %arg8[%arg0, %add3A_132, %dma_start3A] : memref<2x10240x128xf32, #tpu.memory_space<hbm>> -> memref<1x80x128xf32, #tpu.memory_space<hbm>>
      %dma_start3A_246 = tpu.memref_squeeze %dma_start3A_245 : memref<1x80x128xf32, #tpu.memory_space<hbm>> -> memref<80x128xf32, #tpu.memory_space<hbm>>
      %dma_start3A_247 = arith.constant 0 : i32
      %dma_start3A_248 = tpu.memref_slice %arg8[%arg0, %add3A_132, %dma_start3A_247] : memref<2x10240x128xf32, #tpu.memory_space<hbm>> -> memref<1x80x128xf32, #tpu.memory_space<hbm>>
      %dma_start3A_249 = tpu.memref_squeeze %dma_start3A_248 : memref<1x80x128xf32, #tpu.memory_space<hbm>> -> memref<80x128xf32, #tpu.memory_space<hbm>>
      tpu.enqueue_dma source(%arg14 : memref<80x128xf32, #tpu.memory_space<vmem>>) target(%dma_start3A_249 : memref<80x128xf32, #tpu.memory_space<hbm>>) target_semaphore(%run_scoped3A : memref<!tpu.dma_semaphore, #tpu.memory_space<semaphore_mem>>)
      %dma_wait3A = arith.constant 0 : i32
      %dma_wait3A_250 = tpu.memref_slice %arg8[%arg0, %add3A_132, %dma_wait3A] : memref<2x10240x128xf32, #tpu.memory_space<hbm>> -> memref<1x80x128xf32, #tpu.memory_space<hbm>>
      %dma_wait3A_251 = tpu.memref_squeeze %dma_wait3A_250 : memref<1x80x128xf32, #tpu.memory_space<hbm>> -> memref<80x128xf32, #tpu.memory_space<hbm>>
      %dma_wait3A_252 = arith.constant 0 : i32
      %dma_wait3A_253 = tpu.memref_slice %arg8[%arg0, %add3A_132, %dma_wait3A_252] : memref<2x10240x128xf32, #tpu.memory_space<hbm>> -> memref<1x80x128xf32, #tpu.memory_space<hbm>>
      %dma_wait3A_254 = tpu.memref_squeeze %dma_wait3A_253 : memref<1x80x128xf32, #tpu.memory_space<hbm>> -> memref<80x128xf32, #tpu.memory_space<hbm>>
      tpu.wait_dma2 semaphore(%run_scoped3A : memref<!tpu.dma_semaphore, #tpu.memory_space<semaphore_mem>>) src(%arg14 : memref<80x128xf32, #tpu.memory_space<vmem>>) dst(%dma_wait3A_254 : memref<80x128xf32, #tpu.memory_space<hbm>>)
      tpu.yield
    }) : () -> ()
    %mul3A_133 = arith.constant 640 : i32
    %mul3A_134 = arith.muli %arg1, %mul3A_133 : i32
    %add3A_135 = arith.constant 320 : i32
    %add3A_136 = arith.addi %mul3A_134, %add3A_135 : i32
    "tpu.region"() ({
      %run_scoped3A = tpu.sem_alloc : memref<!tpu.dma_semaphore, #tpu.memory_space<semaphore_mem>>
      %dma_start3A = arith.constant 0 : i32
      %dma_start3A_245 = tpu.memref_slice %arg19[%add3A_136, %dma_start3A] : memref<10240x128xf32, #tpu.memory_space<vmem_shared>> -> memref<80x128xf32, #tpu.memory_space<vmem_shared>>
      %dma_start3A_246 = arith.constant 0 : i32
      %dma_start3A_247 = tpu.memref_slice %arg19[%add3A_136, %dma_start3A_246] : memref<10240x128xf32, #tpu.memory_space<vmem_shared>> -> memref<80x128xf32, #tpu.memory_space<vmem_shared>>
      tpu.enqueue_dma source(%dma_start3A_247 : memref<80x128xf32, #tpu.memory_space<vmem_shared>>) target(%arg14 : memref<80x128xf32, #tpu.memory_space<vmem>>) target_semaphore(%run_scoped3A : memref<!tpu.dma_semaphore, #tpu.memory_space<semaphore_mem>>)
      %dma_wait3A = arith.constant 0 : i32
      %dma_wait3A_248 = tpu.memref_slice %arg19[%add3A_136, %dma_wait3A] : memref<10240x128xf32, #tpu.memory_space<vmem_shared>> -> memref<80x128xf32, #tpu.memory_space<vmem_shared>>
      %dma_wait3A_249 = arith.constant 0 : i32
      %dma_wait3A_250 = tpu.memref_slice %arg19[%add3A_136, %dma_wait3A_249] : memref<10240x128xf32, #tpu.memory_space<vmem_shared>> -> memref<80x128xf32, #tpu.memory_space<vmem_shared>>
      tpu.wait_dma2 semaphore(%run_scoped3A : memref<!tpu.dma_semaphore, #tpu.memory_space<semaphore_mem>>) src(%dma_wait3A_250 : memref<80x128xf32, #tpu.memory_space<vmem_shared>>) dst(%arg14 : memref<80x128xf32, #tpu.memory_space<vmem>>)
      tpu.yield
    }) : () -> ()
    %mul3A_137 = arith.constant 640 : i32
    %mul3A_138 = arith.muli %arg1, %mul3A_137 : i32
    %add3A_139 = arith.constant 320 : i32
    %add3A_140 = arith.addi %mul3A_138, %add3A_139 : i32
    "tpu.region"() ({
      %run_scoped3A = tpu.sem_alloc : memref<!tpu.dma_semaphore, #tpu.memory_space<semaphore_mem>>
      %dma_start3A = arith.constant 0 : i32
      %dma_start3A_245 = tpu.memref_slice %arg8[%arg0, %add3A_140, %dma_start3A] : memref<2x10240x128xf32, #tpu.memory_space<hbm>> -> memref<1x80x128xf32, #tpu.memory_space<hbm>>
      %dma_start3A_246 = tpu.memref_squeeze %dma_start3A_245 : memref<1x80x128xf32, #tpu.memory_space<hbm>> -> memref<80x128xf32, #tpu.memory_space<hbm>>
      %dma_start3A_247 = arith.constant 0 : i32
      %dma_start3A_248 = tpu.memref_slice %arg8[%arg0, %add3A_140, %dma_start3A_247] : memref<2x10240x128xf32, #tpu.memory_space<hbm>> -> memref<1x80x128xf32, #tpu.memory_space<hbm>>
      %dma_start3A_249 = tpu.memref_squeeze %dma_start3A_248 : memref<1x80x128xf32, #tpu.memory_space<hbm>> -> memref<80x128xf32, #tpu.memory_space<hbm>>
      tpu.enqueue_dma source(%arg14 : memref<80x128xf32, #tpu.memory_space<vmem>>) target(%dma_start3A_249 : memref<80x128xf32, #tpu.memory_space<hbm>>) target_semaphore(%run_scoped3A : memref<!tpu.dma_semaphore, #tpu.memory_space<semaphore_mem>>)
      %dma_wait3A = arith.constant 0 : i32
      %dma_wait3A_250 = tpu.memref_slice %arg8[%arg0, %add3A_140, %dma_wait3A] : memref<2x10240x128xf32, #tpu.memory_space<hbm>> -> memref<1x80x128xf32, #tpu.memory_space<hbm>>
      %dma_wait3A_251 = tpu.memref_squeeze %dma_wait3A_250 : memref<1x80x128xf32, #tpu.memory_space<hbm>> -> memref<80x128xf32, #tpu.memory_space<hbm>>
      %dma_wait3A_252 = arith.constant 0 : i32
      %dma_wait3A_253 = tpu.memref_slice %arg8[%arg0, %add3A_140, %dma_wait3A_252] : memref<2x10240x128xf32, #tpu.memory_space<hbm>> -> memref<1x80x128xf32, #tpu.memory_space<hbm>>
      %dma_wait3A_254 = tpu.memref_squeeze %dma_wait3A_253 : memref<1x80x128xf32, #tpu.memory_space<hbm>> -> memref<80x128xf32, #tpu.memory_space<hbm>>
      tpu.wait_dma2 semaphore(%run_scoped3A : memref<!tpu.dma_semaphore, #tpu.memory_space<semaphore_mem>>) src(%arg14 : memref<80x128xf32, #tpu.memory_space<vmem>>) dst(%dma_wait3A_254 : memref<80x128xf32, #tpu.memory_space<hbm>>)
      tpu.yield
    }) : () -> ()
    %mul3A_141 = arith.constant 640 : i32
    %mul3A_142 = arith.muli %arg1, %mul3A_141 : i32
    %add3A_143 = arith.constant 400 : i32
    %add3A_144 = arith.addi %mul3A_142, %add3A_143 : i32
    "tpu.region"() ({
      %run_scoped3A = tpu.sem_alloc : memref<!tpu.dma_semaphore, #tpu.memory_space<semaphore_mem>>
      %dma_start3A = arith.constant 0 : i32
      %dma_start3A_245 = tpu.memref_slice %arg19[%add3A_144, %dma_start3A] : memref<10240x128xf32, #tpu.memory_space<vmem_shared>> -> memref<80x128xf32, #tpu.memory_space<vmem_shared>>
      %dma_start3A_246 = arith.constant 0 : i32
      %dma_start3A_247 = tpu.memref_slice %arg19[%add3A_144, %dma_start3A_246] : memref<10240x128xf32, #tpu.memory_space<vmem_shared>> -> memref<80x128xf32, #tpu.memory_space<vmem_shared>>
      tpu.enqueue_dma source(%dma_start3A_247 : memref<80x128xf32, #tpu.memory_space<vmem_shared>>) target(%arg14 : memref<80x128xf32, #tpu.memory_space<vmem>>) target_semaphore(%run_scoped3A : memref<!tpu.dma_semaphore, #tpu.memory_space<semaphore_mem>>)
      %dma_wait3A = arith.constant 0 : i32
      %dma_wait3A_248 = tpu.memref_slice %arg19[%add3A_144, %dma_wait3A] : memref<10240x128xf32, #tpu.memory_space<vmem_shared>> -> memref<80x128xf32, #tpu.memory_space<vmem_shared>>
      %dma_wait3A_249 = arith.constant 0 : i32
      %dma_wait3A_250 = tpu.memref_slice %arg19[%add3A_144, %dma_wait3A_249] : memref<10240x128xf32, #tpu.memory_space<vmem_shared>> -> memref<80x128xf32, #tpu.memory_space<vmem_shared>>
      tpu.wait_dma2 semaphore(%run_scoped3A : memref<!tpu.dma_semaphore, #tpu.memory_space<semaphore_mem>>) src(%dma_wait3A_250 : memref<80x128xf32, #tpu.memory_space<vmem_shared>>) dst(%arg14 : memref<80x128xf32, #tpu.memory_space<vmem>>)
      tpu.yield
    }) : () -> ()
    %mul3A_145 = arith.constant 640 : i32
    %mul3A_146 = arith.muli %arg1, %mul3A_145 : i32
    %add3A_147 = arith.constant 400 : i32
    %add3A_148 = arith.addi %mul3A_146, %add3A_147 : i32
    "tpu.region"() ({
      %run_scoped3A = tpu.sem_alloc : memref<!tpu.dma_semaphore, #tpu.memory_space<semaphore_mem>>
      %dma_start3A = arith.constant 0 : i32
      %dma_start3A_245 = tpu.memref_slice %arg8[%arg0, %add3A_148, %dma_start3A] : memref<2x10240x128xf32, #tpu.memory_space<hbm>> -> memref<1x80x128xf32, #tpu.memory_space<hbm>>
      %dma_start3A_246 = tpu.memref_squeeze %dma_start3A_245 : memref<1x80x128xf32, #tpu.memory_space<hbm>> -> memref<80x128xf32, #tpu.memory_space<hbm>>
      %dma_start3A_247 = arith.constant 0 : i32
      %dma_start3A_248 = tpu.memref_slice %arg8[%arg0, %add3A_148, %dma_start3A_247] : memref<2x10240x128xf32, #tpu.memory_space<hbm>> -> memref<1x80x128xf32, #tpu.memory_space<hbm>>
      %dma_start3A_249 = tpu.memref_squeeze %dma_start3A_248 : memref<1x80x128xf32, #tpu.memory_space<hbm>> -> memref<80x128xf32, #tpu.memory_space<hbm>>
      tpu.enqueue_dma source(%arg14 : memref<80x128xf32, #tpu.memory_space<vmem>>) target(%dma_start3A_249 : memref<80x128xf32, #tpu.memory_space<hbm>>) target_semaphore(%run_scoped3A : memref<!tpu.dma_semaphore, #tpu.memory_space<semaphore_mem>>)
      %dma_wait3A = arith.constant 0 : i32
      %dma_wait3A_250 = tpu.memref_slice %arg8[%arg0, %add3A_148, %dma_wait3A] : memref<2x10240x128xf32, #tpu.memory_space<hbm>> -> memref<1x80x128xf32, #tpu.memory_space<hbm>>
      %dma_wait3A_251 = tpu.memref_squeeze %dma_wait3A_250 : memref<1x80x128xf32, #tpu.memory_space<hbm>> -> memref<80x128xf32, #tpu.memory_space<hbm>>
      %dma_wait3A_252 = arith.constant 0 : i32
      %dma_wait3A_253 = tpu.memref_slice %arg8[%arg0, %add3A_148, %dma_wait3A_252] : memref<2x10240x128xf32, #tpu.memory_space<hbm>> -> memref<1x80x128xf32, #tpu.memory_space<hbm>>
      %dma_wait3A_254 = tpu.memref_squeeze %dma_wait3A_253 : memref<1x80x128xf32, #tpu.memory_space<hbm>> -> memref<80x128xf32, #tpu.memory_space<hbm>>
      tpu.wait_dma2 semaphore(%run_scoped3A : memref<!tpu.dma_semaphore, #tpu.memory_space<semaphore_mem>>) src(%arg14 : memref<80x128xf32, #tpu.memory_space<vmem>>) dst(%dma_wait3A_254 : memref<80x128xf32, #tpu.memory_space<hbm>>)
      tpu.yield
    }) : () -> ()
    %mul3A_149 = arith.constant 640 : i32
    %mul3A_150 = arith.muli %arg1, %mul3A_149 : i32
    %add3A_151 = arith.constant 480 : i32
    %add3A_152 = arith.addi %mul3A_150, %add3A_151 : i32
    "tpu.region"() ({
      %run_scoped3A = tpu.sem_alloc : memref<!tpu.dma_semaphore, #tpu.memory_space<semaphore_mem>>
      %dma_start3A = arith.constant 0 : i32
      %dma_start3A_245 = tpu.memref_slice %arg19[%add3A_152, %dma_start3A] : memref<10240x128xf32, #tpu.memory_space<vmem_shared>> -> memref<80x128xf32, #tpu.memory_space<vmem_shared>>
      %dma_start3A_246 = arith.constant 0 : i32
      %dma_start3A_247 = tpu.memref_slice %arg19[%add3A_152, %dma_start3A_246] : memref<10240x128xf32, #tpu.memory_space<vmem_shared>> -> memref<80x128xf32, #tpu.memory_space<vmem_shared>>
      tpu.enqueue_dma source(%dma_start3A_247 : memref<80x128xf32, #tpu.memory_space<vmem_shared>>) target(%arg14 : memref<80x128xf32, #tpu.memory_space<vmem>>) target_semaphore(%run_scoped3A : memref<!tpu.dma_semaphore, #tpu.memory_space<semaphore_mem>>)
      %dma_wait3A = arith.constant 0 : i32
      %dma_wait3A_248 = tpu.memref_slice %arg19[%add3A_152, %dma_wait3A] : memref<10240x128xf32, #tpu.memory_space<vmem_shared>> -> memref<80x128xf32, #tpu.memory_space<vmem_shared>>
      %dma_wait3A_249 = arith.constant 0 : i32
      %dma_wait3A_250 = tpu.memref_slice %arg19[%add3A_152, %dma_wait3A_249] : memref<10240x128xf32, #tpu.memory_space<vmem_shared>> -> memref<80x128xf32, #tpu.memory_space<vmem_shared>>
      tpu.wait_dma2 semaphore(%run_scoped3A : memref<!tpu.dma_semaphore, #tpu.memory_space<semaphore_mem>>) src(%dma_wait3A_250 : memref<80x128xf32, #tpu.memory_space<vmem_shared>>) dst(%arg14 : memref<80x128xf32, #tpu.memory_space<vmem>>)
      tpu.yield
    }) : () -> ()
    %mul3A_153 = arith.constant 640 : i32
    %mul3A_154 = arith.muli %arg1, %mul3A_153 : i32
    %add3A_155 = arith.constant 480 : i32
    %add3A_156 = arith.addi %mul3A_154, %add3A_155 : i32
    "tpu.region"() ({
      %run_scoped3A = tpu.sem_alloc : memref<!tpu.dma_semaphore, #tpu.memory_space<semaphore_mem>>
      %dma_start3A = arith.constant 0 : i32
      %dma_start3A_245 = tpu.memref_slice %arg8[%arg0, %add3A_156, %dma_start3A] : memref<2x10240x128xf32, #tpu.memory_space<hbm>> -> memref<1x80x128xf32, #tpu.memory_space<hbm>>
      %dma_start3A_246 = tpu.memref_squeeze %dma_start3A_245 : memref<1x80x128xf32, #tpu.memory_space<hbm>> -> memref<80x128xf32, #tpu.memory_space<hbm>>
      %dma_start3A_247 = arith.constant 0 : i32
      %dma_start3A_248 = tpu.memref_slice %arg8[%arg0, %add3A_156, %dma_start3A_247] : memref<2x10240x128xf32, #tpu.memory_space<hbm>> -> memref<1x80x128xf32, #tpu.memory_space<hbm>>
      %dma_start3A_249 = tpu.memref_squeeze %dma_start3A_248 : memref<1x80x128xf32, #tpu.memory_space<hbm>> -> memref<80x128xf32, #tpu.memory_space<hbm>>
      tpu.enqueue_dma source(%arg14 : memref<80x128xf32, #tpu.memory_space<vmem>>) target(%dma_start3A_249 : memref<80x128xf32, #tpu.memory_space<hbm>>) target_semaphore(%run_scoped3A : memref<!tpu.dma_semaphore, #tpu.memory_space<semaphore_mem>>)
      %dma_wait3A = arith.constant 0 : i32
      %dma_wait3A_250 = tpu.memref_slice %arg8[%arg0, %add3A_156, %dma_wait3A] : memref<2x10240x128xf32, #tpu.memory_space<hbm>> -> memref<1x80x128xf32, #tpu.memory_space<hbm>>
      %dma_wait3A_251 = tpu.memref_squeeze %dma_wait3A_250 : memref<1x80x128xf32, #tpu.memory_space<hbm>> -> memref<80x128xf32, #tpu.memory_space<hbm>>
      %dma_wait3A_252 = arith.constant 0 : i32
      %dma_wait3A_253 = tpu.memref_slice %arg8[%arg0, %add3A_156, %dma_wait3A_252] : memref<2x10240x128xf32, #tpu.memory_space<hbm>> -> memref<1x80x128xf32, #tpu.memory_space<hbm>>
      %dma_wait3A_254 = tpu.memref_squeeze %dma_wait3A_253 : memref<1x80x128xf32, #tpu.memory_space<hbm>> -> memref<80x128xf32, #tpu.memory_space<hbm>>
      tpu.wait_dma2 semaphore(%run_scoped3A : memref<!tpu.dma_semaphore, #tpu.memory_space<semaphore_mem>>) src(%arg14 : memref<80x128xf32, #tpu.memory_space<vmem>>) dst(%dma_wait3A_254 : memref<80x128xf32, #tpu.memory_space<hbm>>)
      tpu.yield
    }) : () -> ()
    %mul3A_157 = arith.constant 640 : i32
    %mul3A_158 = arith.muli %arg1, %mul3A_157 : i32
    %add3A_159 = arith.constant 560 : i32
    %add3A_160 = arith.addi %mul3A_158, %add3A_159 : i32
    "tpu.region"() ({
      %run_scoped3A = tpu.sem_alloc : memref<!tpu.dma_semaphore, #tpu.memory_space<semaphore_mem>>
      %dma_start3A = arith.constant 0 : i32
      %dma_start3A_245 = tpu.memref_slice %arg19[%add3A_160, %dma_start3A] : memref<10240x128xf32, #tpu.memory_space<vmem_shared>> -> memref<80x128xf32, #tpu.memory_space<vmem_shared>>
      %dma_start3A_246 = arith.constant 0 : i32
      %dma_start3A_247 = tpu.memref_slice %arg19[%add3A_160, %dma_start3A_246] : memref<10240x128xf32, #tpu.memory_space<vmem_shared>> -> memref<80x128xf32, #tpu.memory_space<vmem_shared>>
      tpu.enqueue_dma source(%dma_start3A_247 : memref<80x128xf32, #tpu.memory_space<vmem_shared>>) target(%arg14 : memref<80x128xf32, #tpu.memory_space<vmem>>) target_semaphore(%run_scoped3A : memref<!tpu.dma_semaphore, #tpu.memory_space<semaphore_mem>>)
      %dma_wait3A = arith.constant 0 : i32
      %dma_wait3A_248 = tpu.memref_slice %arg19[%add3A_160, %dma_wait3A] : memref<10240x128xf32, #tpu.memory_space<vmem_shared>> -> memref<80x128xf32, #tpu.memory_space<vmem_shared>>
      %dma_wait3A_249 = arith.constant 0 : i32
      %dma_wait3A_250 = tpu.memref_slice %arg19[%add3A_160, %dma_wait3A_249] : memref<10240x128xf32, #tpu.memory_space<vmem_shared>> -> memref<80x128xf32, #tpu.memory_space<vmem_shared>>
      tpu.wait_dma2 semaphore(%run_scoped3A : memref<!tpu.dma_semaphore, #tpu.memory_space<semaphore_mem>>) src(%dma_wait3A_250 : memref<80x128xf32, #tpu.memory_space<vmem_shared>>) dst(%arg14 : memref<80x128xf32, #tpu.memory_space<vmem>>)
      tpu.yield
    }) : () -> ()
    %mul3A_161 = arith.constant 640 : i32
    %mul3A_162 = arith.muli %arg1, %mul3A_161 : i32
    %add3A_163 = arith.constant 560 : i32
    %add3A_164 = arith.addi %mul3A_162, %add3A_163 : i32
    "tpu.region"() ({
      %run_scoped3A = tpu.sem_alloc : memref<!tpu.dma_semaphore, #tpu.memory_space<semaphore_mem>>
      %dma_start3A = arith.constant 0 : i32
      %dma_start3A_245 = tpu.memref_slice %arg8[%arg0, %add3A_164, %dma_start3A] : memref<2x10240x128xf32, #tpu.memory_space<hbm>> -> memref<1x80x128xf32, #tpu.memory_space<hbm>>
      %dma_start3A_246 = tpu.memref_squeeze %dma_start3A_245 : memref<1x80x128xf32, #tpu.memory_space<hbm>> -> memref<80x128xf32, #tpu.memory_space<hbm>>
      %dma_start3A_247 = arith.constant 0 : i32
      %dma_start3A_248 = tpu.memref_slice %arg8[%arg0, %add3A_164, %dma_start3A_247] : memref<2x10240x128xf32, #tpu.memory_space<hbm>> -> memref<1x80x128xf32, #tpu.memory_space<hbm>>
      %dma_start3A_249 = tpu.memref_squeeze %dma_start3A_248 : memref<1x80x128xf32, #tpu.memory_space<hbm>> -> memref<80x128xf32, #tpu.memory_space<hbm>>
      tpu.enqueue_dma source(%arg14 : memref<80x128xf32, #tpu.memory_space<vmem>>) target(%dma_start3A_249 : memref<80x128xf32, #tpu.memory_space<hbm>>) target_semaphore(%run_scoped3A : memref<!tpu.dma_semaphore, #tpu.memory_space<semaphore_mem>>)
      %dma_wait3A = arith.constant 0 : i32
      %dma_wait3A_250 = tpu.memref_slice %arg8[%arg0, %add3A_164, %dma_wait3A] : memref<2x10240x128xf32, #tpu.memory_space<hbm>> -> memref<1x80x128xf32, #tpu.memory_space<hbm>>
      %dma_wait3A_251 = tpu.memref_squeeze %dma_wait3A_250 : memref<1x80x128xf32, #tpu.memory_space<hbm>> -> memref<80x128xf32, #tpu.memory_space<hbm>>
      %dma_wait3A_252 = arith.constant 0 : i32
      %dma_wait3A_253 = tpu.memref_slice %arg8[%arg0, %add3A_164, %dma_wait3A_252] : memref<2x10240x128xf32, #tpu.memory_space<hbm>> -> memref<1x80x128xf32, #tpu.memory_space<hbm>>
      %dma_wait3A_254 = tpu.memref_squeeze %dma_wait3A_253 : memref<1x80x128xf32, #tpu.memory_space<hbm>> -> memref<80x128xf32, #tpu.memory_space<hbm>>
      tpu.wait_dma2 semaphore(%run_scoped3A : memref<!tpu.dma_semaphore, #tpu.memory_space<semaphore_mem>>) src(%arg14 : memref<80x128xf32, #tpu.memory_space<vmem>>) dst(%dma_wait3A_254 : memref<80x128xf32, #tpu.memory_space<hbm>>)
      tpu.yield
    }) : () -> ()
    %mul3A_165 = arith.constant 640 : i32
    %mul3A_166 = arith.muli %arg1, %mul3A_165 : i32
    %add3A_167 = arith.constant 0 : i32
    %add3A_168 = arith.addi %mul3A_166, %add3A_167 : i32
    "tpu.region"() ({
      %run_scoped3A = tpu.sem_alloc : memref<!tpu.dma_semaphore, #tpu.memory_space<semaphore_mem>>
      %dma_start3A = arith.constant 0 : i32
      %dma_start3A_245 = tpu.memref_slice %arg20[%add3A_168, %dma_start3A] : memref<10240x16xf32, #tpu.memory_space<vmem_shared>> -> memref<64x16xf32, #tpu.memory_space<vmem_shared>>
      %dma_start3A_246 = arith.constant 0 : i32
      %dma_start3A_247 = tpu.memref_slice %arg20[%add3A_168, %dma_start3A_246] : memref<10240x16xf32, #tpu.memory_space<vmem_shared>> -> memref<64x16xf32, #tpu.memory_space<vmem_shared>>
      tpu.enqueue_dma source(%dma_start3A_247 : memref<64x16xf32, #tpu.memory_space<vmem_shared>>) target(%arg18 : memref<64x16xf32, #tpu.memory_space<vmem>>) target_semaphore(%run_scoped3A : memref<!tpu.dma_semaphore, #tpu.memory_space<semaphore_mem>>)
      %dma_wait3A = arith.constant 0 : i32
      %dma_wait3A_248 = tpu.memref_slice %arg20[%add3A_168, %dma_wait3A] : memref<10240x16xf32, #tpu.memory_space<vmem_shared>> -> memref<64x16xf32, #tpu.memory_space<vmem_shared>>
      %dma_wait3A_249 = arith.constant 0 : i32
      %dma_wait3A_250 = tpu.memref_slice %arg20[%add3A_168, %dma_wait3A_249] : memref<10240x16xf32, #tpu.memory_space<vmem_shared>> -> memref<64x16xf32, #tpu.memory_space<vmem_shared>>
      tpu.wait_dma2 semaphore(%run_scoped3A : memref<!tpu.dma_semaphore, #tpu.memory_space<semaphore_mem>>) src(%dma_wait3A_250 : memref<64x16xf32, #tpu.memory_space<vmem_shared>>) dst(%arg18 : memref<64x16xf32, #tpu.memory_space<vmem>>)
      tpu.yield
    }) : () -> ()
    %mul3A_169 = arith.constant 640 : i32
    %mul3A_170 = arith.muli %arg1, %mul3A_169 : i32
    %add3A_171 = arith.constant 0 : i32
    %add3A_172 = arith.addi %mul3A_170, %add3A_171 : i32
    "tpu.region"() ({
      %run_scoped3A = tpu.sem_alloc : memref<!tpu.dma_semaphore, #tpu.memory_space<semaphore_mem>>
      %dma_start3A = arith.constant 0 : i32
      %dma_start3A_245 = tpu.memref_slice %arg9[%arg0, %add3A_172, %dma_start3A] : memref<2x10240x16xf32, #tpu.memory_space<hbm>> -> memref<1x64x16xf32, #tpu.memory_space<hbm>>
      %dma_start3A_246 = tpu.memref_squeeze %dma_start3A_245 : memref<1x64x16xf32, #tpu.memory_space<hbm>> -> memref<64x16xf32, #tpu.memory_space<hbm>>
      %dma_start3A_247 = arith.constant 0 : i32
      %dma_start3A_248 = tpu.memref_slice %arg9[%arg0, %add3A_172, %dma_start3A_247] : memref<2x10240x16xf32, #tpu.memory_space<hbm>> -> memref<1x64x16xf32, #tpu.memory_space<hbm>>
      %dma_start3A_249 = tpu.memref_squeeze %dma_start3A_248 : memref<1x64x16xf32, #tpu.memory_space<hbm>> -> memref<64x16xf32, #tpu.memory_space<hbm>>
      tpu.enqueue_dma source(%arg18 : memref<64x16xf32, #tpu.memory_space<vmem>>) target(%dma_start3A_249 : memref<64x16xf32, #tpu.memory_space<hbm>>) target_semaphore(%run_scoped3A : memref<!tpu.dma_semaphore, #tpu.memory_space<semaphore_mem>>)
      %dma_wait3A = arith.constant 0 : i32
      %dma_wait3A_250 = tpu.memref_slice %arg9[%arg0, %add3A_172, %dma_wait3A] : memref<2x10240x16xf32, #tpu.memory_space<hbm>> -> memref<1x64x16xf32, #tpu.memory_space<hbm>>
      %dma_wait3A_251 = tpu.memref_squeeze %dma_wait3A_250 : memref<1x64x16xf32, #tpu.memory_space<hbm>> -> memref<64x16xf32, #tpu.memory_space<hbm>>
      %dma_wait3A_252 = arith.constant 0 : i32
      %dma_wait3A_253 = tpu.memref_slice %arg9[%arg0, %add3A_172, %dma_wait3A_252] : memref<2x10240x16xf32, #tpu.memory_space<hbm>> -> memref<1x64x16xf32, #tpu.memory_space<hbm>>
      %dma_wait3A_254 = tpu.memref_squeeze %dma_wait3A_253 : memref<1x64x16xf32, #tpu.memory_space<hbm>> -> memref<64x16xf32, #tpu.memory_space<hbm>>
      tpu.wait_dma2 semaphore(%run_scoped3A : memref<!tpu.dma_semaphore, #tpu.memory_space<semaphore_mem>>) src(%arg18 : memref<64x16xf32, #tpu.memory_space<vmem>>) dst(%dma_wait3A_254 : memref<64x16xf32, #tpu.memory_space<hbm>>)
      tpu.yield
    }) : () -> ()
    %mul3A_173 = arith.constant 640 : i32
    %mul3A_174 = arith.muli %arg1, %mul3A_173 : i32
    %add3A_175 = arith.constant 64 : i32
    %add3A_176 = arith.addi %mul3A_174, %add3A_175 : i32
    "tpu.region"() ({
      %run_scoped3A = tpu.sem_alloc : memref<!tpu.dma_semaphore, #tpu.memory_space<semaphore_mem>>
      %dma_start3A = arith.constant 0 : i32
      %dma_start3A_245 = tpu.memref_slice %arg20[%add3A_176, %dma_start3A] : memref<10240x16xf32, #tpu.memory_space<vmem_shared>> -> memref<64x16xf32, #tpu.memory_space<vmem_shared>>
      %dma_start3A_246 = arith.constant 0 : i32
      %dma_start3A_247 = tpu.memref_slice %arg20[%add3A_176, %dma_start3A_246] : memref<10240x16xf32, #tpu.memory_space<vmem_shared>> -> memref<64x16xf32, #tpu.memory_space<vmem_shared>>
      tpu.enqueue_dma source(%dma_start3A_247 : memref<64x16xf32, #tpu.memory_space<vmem_shared>>) target(%arg18 : memref<64x16xf32, #tpu.memory_space<vmem>>) target_semaphore(%run_scoped3A : memref<!tpu.dma_semaphore, #tpu.memory_space<semaphore_mem>>)
      %dma_wait3A = arith.constant 0 : i32
      %dma_wait3A_248 = tpu.memref_slice %arg20[%add3A_176, %dma_wait3A] : memref<10240x16xf32, #tpu.memory_space<vmem_shared>> -> memref<64x16xf32, #tpu.memory_space<vmem_shared>>
      %dma_wait3A_249 = arith.constant 0 : i32
      %dma_wait3A_250 = tpu.memref_slice %arg20[%add3A_176, %dma_wait3A_249] : memref<10240x16xf32, #tpu.memory_space<vmem_shared>> -> memref<64x16xf32, #tpu.memory_space<vmem_shared>>
      tpu.wait_dma2 semaphore(%run_scoped3A : memref<!tpu.dma_semaphore, #tpu.memory_space<semaphore_mem>>) src(%dma_wait3A_250 : memref<64x16xf32, #tpu.memory_space<vmem_shared>>) dst(%arg18 : memref<64x16xf32, #tpu.memory_space<vmem>>)
      tpu.yield
    }) : () -> ()
    %mul3A_177 = arith.constant 640 : i32
    %mul3A_178 = arith.muli %arg1, %mul3A_177 : i32
    %add3A_179 = arith.constant 64 : i32
    %add3A_180 = arith.addi %mul3A_178, %add3A_179 : i32
    "tpu.region"() ({
      %run_scoped3A = tpu.sem_alloc : memref<!tpu.dma_semaphore, #tpu.memory_space<semaphore_mem>>
      %dma_start3A = arith.constant 0 : i32
      %dma_start3A_245 = tpu.memref_slice %arg9[%arg0, %add3A_180, %dma_start3A] : memref<2x10240x16xf32, #tpu.memory_space<hbm>> -> memref<1x64x16xf32, #tpu.memory_space<hbm>>
      %dma_start3A_246 = tpu.memref_squeeze %dma_start3A_245 : memref<1x64x16xf32, #tpu.memory_space<hbm>> -> memref<64x16xf32, #tpu.memory_space<hbm>>
      %dma_start3A_247 = arith.constant 0 : i32
      %dma_start3A_248 = tpu.memref_slice %arg9[%arg0, %add3A_180, %dma_start3A_247] : memref<2x10240x16xf32, #tpu.memory_space<hbm>> -> memref<1x64x16xf32, #tpu.memory_space<hbm>>
      %dma_start3A_249 = tpu.memref_squeeze %dma_start3A_248 : memref<1x64x16xf32, #tpu.memory_space<hbm>> -> memref<64x16xf32, #tpu.memory_space<hbm>>
      tpu.enqueue_dma source(%arg18 : memref<64x16xf32, #tpu.memory_space<vmem>>) target(%dma_start3A_249 : memref<64x16xf32, #tpu.memory_space<hbm>>) target_semaphore(%run_scoped3A : memref<!tpu.dma_semaphore, #tpu.memory_space<semaphore_mem>>)
      %dma_wait3A = arith.constant 0 : i32
      %dma_wait3A_250 = tpu.memref_slice %arg9[%arg0, %add3A_180, %dma_wait3A] : memref<2x10240x16xf32, #tpu.memory_space<hbm>> -> memref<1x64x16xf32, #tpu.memory_space<hbm>>
      %dma_wait3A_251 = tpu.memref_squeeze %dma_wait3A_250 : memref<1x64x16xf32, #tpu.memory_space<hbm>> -> memref<64x16xf32, #tpu.memory_space<hbm>>
      %dma_wait3A_252 = arith.constant 0 : i32
      %dma_wait3A_253 = tpu.memref_slice %arg9[%arg0, %add3A_180, %dma_wait3A_252] : memref<2x10240x16xf32, #tpu.memory_space<hbm>> -> memref<1x64x16xf32, #tpu.memory_space<hbm>>
      %dma_wait3A_254 = tpu.memref_squeeze %dma_wait3A_253 : memref<1x64x16xf32, #tpu.memory_space<hbm>> -> memref<64x16xf32, #tpu.memory_space<hbm>>
      tpu.wait_dma2 semaphore(%run_scoped3A : memref<!tpu.dma_semaphore, #tpu.memory_space<semaphore_mem>>) src(%arg18 : memref<64x16xf32, #tpu.memory_space<vmem>>) dst(%dma_wait3A_254 : memref<64x16xf32, #tpu.memory_space<hbm>>)
      tpu.yield
    }) : () -> ()
    %mul3A_181 = arith.constant 640 : i32
    %mul3A_182 = arith.muli %arg1, %mul3A_181 : i32
    %add3A_183 = arith.constant 128 : i32
    %add3A_184 = arith.addi %mul3A_182, %add3A_183 : i32
    "tpu.region"() ({
      %run_scoped3A = tpu.sem_alloc : memref<!tpu.dma_semaphore, #tpu.memory_space<semaphore_mem>>
      %dma_start3A = arith.constant 0 : i32
      %dma_start3A_245 = tpu.memref_slice %arg20[%add3A_184, %dma_start3A] : memref<10240x16xf32, #tpu.memory_space<vmem_shared>> -> memref<64x16xf32, #tpu.memory_space<vmem_shared>>
      %dma_start3A_246 = arith.constant 0 : i32
      %dma_start3A_247 = tpu.memref_slice %arg20[%add3A_184, %dma_start3A_246] : memref<10240x16xf32, #tpu.memory_space<vmem_shared>> -> memref<64x16xf32, #tpu.memory_space<vmem_shared>>
      tpu.enqueue_dma source(%dma_start3A_247 : memref<64x16xf32, #tpu.memory_space<vmem_shared>>) target(%arg18 : memref<64x16xf32, #tpu.memory_space<vmem>>) target_semaphore(%run_scoped3A : memref<!tpu.dma_semaphore, #tpu.memory_space<semaphore_mem>>)
      %dma_wait3A = arith.constant 0 : i32
      %dma_wait3A_248 = tpu.memref_slice %arg20[%add3A_184, %dma_wait3A] : memref<10240x16xf32, #tpu.memory_space<vmem_shared>> -> memref<64x16xf32, #tpu.memory_space<vmem_shared>>
      %dma_wait3A_249 = arith.constant 0 : i32
      %dma_wait3A_250 = tpu.memref_slice %arg20[%add3A_184, %dma_wait3A_249] : memref<10240x16xf32, #tpu.memory_space<vmem_shared>> -> memref<64x16xf32, #tpu.memory_space<vmem_shared>>
      tpu.wait_dma2 semaphore(%run_scoped3A : memref<!tpu.dma_semaphore, #tpu.memory_space<semaphore_mem>>) src(%dma_wait3A_250 : memref<64x16xf32, #tpu.memory_space<vmem_shared>>) dst(%arg18 : memref<64x16xf32, #tpu.memory_space<vmem>>)
      tpu.yield
    }) : () -> ()
    %mul3A_185 = arith.constant 640 : i32
    %mul3A_186 = arith.muli %arg1, %mul3A_185 : i32
    %add3A_187 = arith.constant 128 : i32
    %add3A_188 = arith.addi %mul3A_186, %add3A_187 : i32
    "tpu.region"() ({
      %run_scoped3A = tpu.sem_alloc : memref<!tpu.dma_semaphore, #tpu.memory_space<semaphore_mem>>
      %dma_start3A = arith.constant 0 : i32
      %dma_start3A_245 = tpu.memref_slice %arg9[%arg0, %add3A_188, %dma_start3A] : memref<2x10240x16xf32, #tpu.memory_space<hbm>> -> memref<1x64x16xf32, #tpu.memory_space<hbm>>
      %dma_start3A_246 = tpu.memref_squeeze %dma_start3A_245 : memref<1x64x16xf32, #tpu.memory_space<hbm>> -> memref<64x16xf32, #tpu.memory_space<hbm>>
      %dma_start3A_247 = arith.constant 0 : i32
      %dma_start3A_248 = tpu.memref_slice %arg9[%arg0, %add3A_188, %dma_start3A_247] : memref<2x10240x16xf32, #tpu.memory_space<hbm>> -> memref<1x64x16xf32, #tpu.memory_space<hbm>>
      %dma_start3A_249 = tpu.memref_squeeze %dma_start3A_248 : memref<1x64x16xf32, #tpu.memory_space<hbm>> -> memref<64x16xf32, #tpu.memory_space<hbm>>
      tpu.enqueue_dma source(%arg18 : memref<64x16xf32, #tpu.memory_space<vmem>>) target(%dma_start3A_249 : memref<64x16xf32, #tpu.memory_space<hbm>>) target_semaphore(%run_scoped3A : memref<!tpu.dma_semaphore, #tpu.memory_space<semaphore_mem>>)
      %dma_wait3A = arith.constant 0 : i32
      %dma_wait3A_250 = tpu.memref_slice %arg9[%arg0, %add3A_188, %dma_wait3A] : memref<2x10240x16xf32, #tpu.memory_space<hbm>> -> memref<1x64x16xf32, #tpu.memory_space<hbm>>
      %dma_wait3A_251 = tpu.memref_squeeze %dma_wait3A_250 : memref<1x64x16xf32, #tpu.memory_space<hbm>> -> memref<64x16xf32, #tpu.memory_space<hbm>>
      %dma_wait3A_252 = arith.constant 0 : i32
      %dma_wait3A_253 = tpu.memref_slice %arg9[%arg0, %add3A_188, %dma_wait3A_252] : memref<2x10240x16xf32, #tpu.memory_space<hbm>> -> memref<1x64x16xf32, #tpu.memory_space<hbm>>
      %dma_wait3A_254 = tpu.memref_squeeze %dma_wait3A_253 : memref<1x64x16xf32, #tpu.memory_space<hbm>> -> memref<64x16xf32, #tpu.memory_space<hbm>>
      tpu.wait_dma2 semaphore(%run_scoped3A : memref<!tpu.dma_semaphore, #tpu.memory_space<semaphore_mem>>) src(%arg18 : memref<64x16xf32, #tpu.memory_space<vmem>>) dst(%dma_wait3A_254 : memref<64x16xf32, #tpu.memory_space<hbm>>)
      tpu.yield
    }) : () -> ()
    %mul3A_189 = arith.constant 640 : i32
    %mul3A_190 = arith.muli %arg1, %mul3A_189 : i32
    %add3A_191 = arith.constant 192 : i32
    %add3A_192 = arith.addi %mul3A_190, %add3A_191 : i32
    "tpu.region"() ({
      %run_scoped3A = tpu.sem_alloc : memref<!tpu.dma_semaphore, #tpu.memory_space<semaphore_mem>>
      %dma_start3A = arith.constant 0 : i32
      %dma_start3A_245 = tpu.memref_slice %arg20[%add3A_192, %dma_start3A] : memref<10240x16xf32, #tpu.memory_space<vmem_shared>> -> memref<64x16xf32, #tpu.memory_space<vmem_shared>>
      %dma_start3A_246 = arith.constant 0 : i32
      %dma_start3A_247 = tpu.memref_slice %arg20[%add3A_192, %dma_start3A_246] : memref<10240x16xf32, #tpu.memory_space<vmem_shared>> -> memref<64x16xf32, #tpu.memory_space<vmem_shared>>
      tpu.enqueue_dma source(%dma_start3A_247 : memref<64x16xf32, #tpu.memory_space<vmem_shared>>) target(%arg18 : memref<64x16xf32, #tpu.memory_space<vmem>>) target_semaphore(%run_scoped3A : memref<!tpu.dma_semaphore, #tpu.memory_space<semaphore_mem>>)
      %dma_wait3A = arith.constant 0 : i32
      %dma_wait3A_248 = tpu.memref_slice %arg20[%add3A_192, %dma_wait3A] : memref<10240x16xf32, #tpu.memory_space<vmem_shared>> -> memref<64x16xf32, #tpu.memory_space<vmem_shared>>
      %dma_wait3A_249 = arith.constant 0 : i32
      %dma_wait3A_250 = tpu.memref_slice %arg20[%add3A_192, %dma_wait3A_249] : memref<10240x16xf32, #tpu.memory_space<vmem_shared>> -> memref<64x16xf32, #tpu.memory_space<vmem_shared>>
      tpu.wait_dma2 semaphore(%run_scoped3A : memref<!tpu.dma_semaphore, #tpu.memory_space<semaphore_mem>>) src(%dma_wait3A_250 : memref<64x16xf32, #tpu.memory_space<vmem_shared>>) dst(%arg18 : memref<64x16xf32, #tpu.memory_space<vmem>>)
      tpu.yield
    }) : () -> ()
    %mul3A_193 = arith.constant 640 : i32
    %mul3A_194 = arith.muli %arg1, %mul3A_193 : i32
    %add3A_195 = arith.constant 192 : i32
    %add3A_196 = arith.addi %mul3A_194, %add3A_195 : i32
    "tpu.region"() ({
      %run_scoped3A = tpu.sem_alloc : memref<!tpu.dma_semaphore, #tpu.memory_space<semaphore_mem>>
      %dma_start3A = arith.constant 0 : i32
      %dma_start3A_245 = tpu.memref_slice %arg9[%arg0, %add3A_196, %dma_start3A] : memref<2x10240x16xf32, #tpu.memory_space<hbm>> -> memref<1x64x16xf32, #tpu.memory_space<hbm>>
      %dma_start3A_246 = tpu.memref_squeeze %dma_start3A_245 : memref<1x64x16xf32, #tpu.memory_space<hbm>> -> memref<64x16xf32, #tpu.memory_space<hbm>>
      %dma_start3A_247 = arith.constant 0 : i32
      %dma_start3A_248 = tpu.memref_slice %arg9[%arg0, %add3A_196, %dma_start3A_247] : memref<2x10240x16xf32, #tpu.memory_space<hbm>> -> memref<1x64x16xf32, #tpu.memory_space<hbm>>
      %dma_start3A_249 = tpu.memref_squeeze %dma_start3A_248 : memref<1x64x16xf32, #tpu.memory_space<hbm>> -> memref<64x16xf32, #tpu.memory_space<hbm>>
      tpu.enqueue_dma source(%arg18 : memref<64x16xf32, #tpu.memory_space<vmem>>) target(%dma_start3A_249 : memref<64x16xf32, #tpu.memory_space<hbm>>) target_semaphore(%run_scoped3A : memref<!tpu.dma_semaphore, #tpu.memory_space<semaphore_mem>>)
      %dma_wait3A = arith.constant 0 : i32
      %dma_wait3A_250 = tpu.memref_slice %arg9[%arg0, %add3A_196, %dma_wait3A] : memref<2x10240x16xf32, #tpu.memory_space<hbm>> -> memref<1x64x16xf32, #tpu.memory_space<hbm>>
      %dma_wait3A_251 = tpu.memref_squeeze %dma_wait3A_250 : memref<1x64x16xf32, #tpu.memory_space<hbm>> -> memref<64x16xf32, #tpu.memory_space<hbm>>
      %dma_wait3A_252 = arith.constant 0 : i32
      %dma_wait3A_253 = tpu.memref_slice %arg9[%arg0, %add3A_196, %dma_wait3A_252] : memref<2x10240x16xf32, #tpu.memory_space<hbm>> -> memref<1x64x16xf32, #tpu.memory_space<hbm>>
      %dma_wait3A_254 = tpu.memref_squeeze %dma_wait3A_253 : memref<1x64x16xf32, #tpu.memory_space<hbm>> -> memref<64x16xf32, #tpu.memory_space<hbm>>
      tpu.wait_dma2 semaphore(%run_scoped3A : memref<!tpu.dma_semaphore, #tpu.memory_space<semaphore_mem>>) src(%arg18 : memref<64x16xf32, #tpu.memory_space<vmem>>) dst(%dma_wait3A_254 : memref<64x16xf32, #tpu.memory_space<hbm>>)
      tpu.yield
    }) : () -> ()
    %mul3A_197 = arith.constant 640 : i32
    %mul3A_198 = arith.muli %arg1, %mul3A_197 : i32
    %add3A_199 = arith.constant 256 : i32
    %add3A_200 = arith.addi %mul3A_198, %add3A_199 : i32
    "tpu.region"() ({
      %run_scoped3A = tpu.sem_alloc : memref<!tpu.dma_semaphore, #tpu.memory_space<semaphore_mem>>
      %dma_start3A = arith.constant 0 : i32
      %dma_start3A_245 = tpu.memref_slice %arg20[%add3A_200, %dma_start3A] : memref<10240x16xf32, #tpu.memory_space<vmem_shared>> -> memref<64x16xf32, #tpu.memory_space<vmem_shared>>
      %dma_start3A_246 = arith.constant 0 : i32
      %dma_start3A_247 = tpu.memref_slice %arg20[%add3A_200, %dma_start3A_246] : memref<10240x16xf32, #tpu.memory_space<vmem_shared>> -> memref<64x16xf32, #tpu.memory_space<vmem_shared>>
      tpu.enqueue_dma source(%dma_start3A_247 : memref<64x16xf32, #tpu.memory_space<vmem_shared>>) target(%arg18 : memref<64x16xf32, #tpu.memory_space<vmem>>) target_semaphore(%run_scoped3A : memref<!tpu.dma_semaphore, #tpu.memory_space<semaphore_mem>>)
      %dma_wait3A = arith.constant 0 : i32
      %dma_wait3A_248 = tpu.memref_slice %arg20[%add3A_200, %dma_wait3A] : memref<10240x16xf32, #tpu.memory_space<vmem_shared>> -> memref<64x16xf32, #tpu.memory_space<vmem_shared>>
      %dma_wait3A_249 = arith.constant 0 : i32
      %dma_wait3A_250 = tpu.memref_slice %arg20[%add3A_200, %dma_wait3A_249] : memref<10240x16xf32, #tpu.memory_space<vmem_shared>> -> memref<64x16xf32, #tpu.memory_space<vmem_shared>>
      tpu.wait_dma2 semaphore(%run_scoped3A : memref<!tpu.dma_semaphore, #tpu.memory_space<semaphore_mem>>) src(%dma_wait3A_250 : memref<64x16xf32, #tpu.memory_space<vmem_shared>>) dst(%arg18 : memref<64x16xf32, #tpu.memory_space<vmem>>)
      tpu.yield
    }) : () -> ()
    %mul3A_201 = arith.constant 640 : i32
    %mul3A_202 = arith.muli %arg1, %mul3A_201 : i32
    %add3A_203 = arith.constant 256 : i32
    %add3A_204 = arith.addi %mul3A_202, %add3A_203 : i32
    "tpu.region"() ({
      %run_scoped3A = tpu.sem_alloc : memref<!tpu.dma_semaphore, #tpu.memory_space<semaphore_mem>>
      %dma_start3A = arith.constant 0 : i32
      %dma_start3A_245 = tpu.memref_slice %arg9[%arg0, %add3A_204, %dma_start3A] : memref<2x10240x16xf32, #tpu.memory_space<hbm>> -> memref<1x64x16xf32, #tpu.memory_space<hbm>>
      %dma_start3A_246 = tpu.memref_squeeze %dma_start3A_245 : memref<1x64x16xf32, #tpu.memory_space<hbm>> -> memref<64x16xf32, #tpu.memory_space<hbm>>
      %dma_start3A_247 = arith.constant 0 : i32
      %dma_start3A_248 = tpu.memref_slice %arg9[%arg0, %add3A_204, %dma_start3A_247] : memref<2x10240x16xf32, #tpu.memory_space<hbm>> -> memref<1x64x16xf32, #tpu.memory_space<hbm>>
      %dma_start3A_249 = tpu.memref_squeeze %dma_start3A_248 : memref<1x64x16xf32, #tpu.memory_space<hbm>> -> memref<64x16xf32, #tpu.memory_space<hbm>>
      tpu.enqueue_dma source(%arg18 : memref<64x16xf32, #tpu.memory_space<vmem>>) target(%dma_start3A_249 : memref<64x16xf32, #tpu.memory_space<hbm>>) target_semaphore(%run_scoped3A : memref<!tpu.dma_semaphore, #tpu.memory_space<semaphore_mem>>)
      %dma_wait3A = arith.constant 0 : i32
      %dma_wait3A_250 = tpu.memref_slice %arg9[%arg0, %add3A_204, %dma_wait3A] : memref<2x10240x16xf32, #tpu.memory_space<hbm>> -> memref<1x64x16xf32, #tpu.memory_space<hbm>>
      %dma_wait3A_251 = tpu.memref_squeeze %dma_wait3A_250 : memref<1x64x16xf32, #tpu.memory_space<hbm>> -> memref<64x16xf32, #tpu.memory_space<hbm>>
      %dma_wait3A_252 = arith.constant 0 : i32
      %dma_wait3A_253 = tpu.memref_slice %arg9[%arg0, %add3A_204, %dma_wait3A_252] : memref<2x10240x16xf32, #tpu.memory_space<hbm>> -> memref<1x64x16xf32, #tpu.memory_space<hbm>>
      %dma_wait3A_254 = tpu.memref_squeeze %dma_wait3A_253 : memref<1x64x16xf32, #tpu.memory_space<hbm>> -> memref<64x16xf32, #tpu.memory_space<hbm>>
      tpu.wait_dma2 semaphore(%run_scoped3A : memref<!tpu.dma_semaphore, #tpu.memory_space<semaphore_mem>>) src(%arg18 : memref<64x16xf32, #tpu.memory_space<vmem>>) dst(%dma_wait3A_254 : memref<64x16xf32, #tpu.memory_space<hbm>>)
      tpu.yield
    }) : () -> ()
    %mul3A_205 = arith.constant 640 : i32
    %mul3A_206 = arith.muli %arg1, %mul3A_205 : i32
    %add3A_207 = arith.constant 320 : i32
    %add3A_208 = arith.addi %mul3A_206, %add3A_207 : i32
    "tpu.region"() ({
      %run_scoped3A = tpu.sem_alloc : memref<!tpu.dma_semaphore, #tpu.memory_space<semaphore_mem>>
      %dma_start3A = arith.constant 0 : i32
      %dma_start3A_245 = tpu.memref_slice %arg20[%add3A_208, %dma_start3A] : memref<10240x16xf32, #tpu.memory_space<vmem_shared>> -> memref<64x16xf32, #tpu.memory_space<vmem_shared>>
      %dma_start3A_246 = arith.constant 0 : i32
      %dma_start3A_247 = tpu.memref_slice %arg20[%add3A_208, %dma_start3A_246] : memref<10240x16xf32, #tpu.memory_space<vmem_shared>> -> memref<64x16xf32, #tpu.memory_space<vmem_shared>>
      tpu.enqueue_dma source(%dma_start3A_247 : memref<64x16xf32, #tpu.memory_space<vmem_shared>>) target(%arg18 : memref<64x16xf32, #tpu.memory_space<vmem>>) target_semaphore(%run_scoped3A : memref<!tpu.dma_semaphore, #tpu.memory_space<semaphore_mem>>)
      %dma_wait3A = arith.constant 0 : i32
      %dma_wait3A_248 = tpu.memref_slice %arg20[%add3A_208, %dma_wait3A] : memref<10240x16xf32, #tpu.memory_space<vmem_shared>> -> memref<64x16xf32, #tpu.memory_space<vmem_shared>>
      %dma_wait3A_249 = arith.constant 0 : i32
      %dma_wait3A_250 = tpu.memref_slice %arg20[%add3A_208, %dma_wait3A_249] : memref<10240x16xf32, #tpu.memory_space<vmem_shared>> -> memref<64x16xf32, #tpu.memory_space<vmem_shared>>
      tpu.wait_dma2 semaphore(%run_scoped3A : memref<!tpu.dma_semaphore, #tpu.memory_space<semaphore_mem>>) src(%dma_wait3A_250 : memref<64x16xf32, #tpu.memory_space<vmem_shared>>) dst(%arg18 : memref<64x16xf32, #tpu.memory_space<vmem>>)
      tpu.yield
    }) : () -> ()
    %mul3A_209 = arith.constant 640 : i32
    %mul3A_210 = arith.muli %arg1, %mul3A_209 : i32
    %add3A_211 = arith.constant 320 : i32
    %add3A_212 = arith.addi %mul3A_210, %add3A_211 : i32
    "tpu.region"() ({
      %run_scoped3A = tpu.sem_alloc : memref<!tpu.dma_semaphore, #tpu.memory_space<semaphore_mem>>
      %dma_start3A = arith.constant 0 : i32
      %dma_start3A_245 = tpu.memref_slice %arg9[%arg0, %add3A_212, %dma_start3A] : memref<2x10240x16xf32, #tpu.memory_space<hbm>> -> memref<1x64x16xf32, #tpu.memory_space<hbm>>
      %dma_start3A_246 = tpu.memref_squeeze %dma_start3A_245 : memref<1x64x16xf32, #tpu.memory_space<hbm>> -> memref<64x16xf32, #tpu.memory_space<hbm>>
      %dma_start3A_247 = arith.constant 0 : i32
      %dma_start3A_248 = tpu.memref_slice %arg9[%arg0, %add3A_212, %dma_start3A_247] : memref<2x10240x16xf32, #tpu.memory_space<hbm>> -> memref<1x64x16xf32, #tpu.memory_space<hbm>>
      %dma_start3A_249 = tpu.memref_squeeze %dma_start3A_248 : memref<1x64x16xf32, #tpu.memory_space<hbm>> -> memref<64x16xf32, #tpu.memory_space<hbm>>
      tpu.enqueue_dma source(%arg18 : memref<64x16xf32, #tpu.memory_space<vmem>>) target(%dma_start3A_249 : memref<64x16xf32, #tpu.memory_space<hbm>>) target_semaphore(%run_scoped3A : memref<!tpu.dma_semaphore, #tpu.memory_space<semaphore_mem>>)
      %dma_wait3A = arith.constant 0 : i32
      %dma_wait3A_250 = tpu.memref_slice %arg9[%arg0, %add3A_212, %dma_wait3A] : memref<2x10240x16xf32, #tpu.memory_space<hbm>> -> memref<1x64x16xf32, #tpu.memory_space<hbm>>
      %dma_wait3A_251 = tpu.memref_squeeze %dma_wait3A_250 : memref<1x64x16xf32, #tpu.memory_space<hbm>> -> memref<64x16xf32, #tpu.memory_space<hbm>>
      %dma_wait3A_252 = arith.constant 0 : i32
      %dma_wait3A_253 = tpu.memref_slice %arg9[%arg0, %add3A_212, %dma_wait3A_252] : memref<2x10240x16xf32, #tpu.memory_space<hbm>> -> memref<1x64x16xf32, #tpu.memory_space<hbm>>
      %dma_wait3A_254 = tpu.memref_squeeze %dma_wait3A_253 : memref<1x64x16xf32, #tpu.memory_space<hbm>> -> memref<64x16xf32, #tpu.memory_space<hbm>>
      tpu.wait_dma2 semaphore(%run_scoped3A : memref<!tpu.dma_semaphore, #tpu.memory_space<semaphore_mem>>) src(%arg18 : memref<64x16xf32, #tpu.memory_space<vmem>>) dst(%dma_wait3A_254 : memref<64x16xf32, #tpu.memory_space<hbm>>)
      tpu.yield
    }) : () -> ()
    %mul3A_213 = arith.constant 640 : i32
    %mul3A_214 = arith.muli %arg1, %mul3A_213 : i32
    %add3A_215 = arith.constant 384 : i32
    %add3A_216 = arith.addi %mul3A_214, %add3A_215 : i32
    "tpu.region"() ({
      %run_scoped3A = tpu.sem_alloc : memref<!tpu.dma_semaphore, #tpu.memory_space<semaphore_mem>>
      %dma_start3A = arith.constant 0 : i32
      %dma_start3A_245 = tpu.memref_slice %arg20[%add3A_216, %dma_start3A] : memref<10240x16xf32, #tpu.memory_space<vmem_shared>> -> memref<64x16xf32, #tpu.memory_space<vmem_shared>>
      %dma_start3A_246 = arith.constant 0 : i32
      %dma_start3A_247 = tpu.memref_slice %arg20[%add3A_216, %dma_start3A_246] : memref<10240x16xf32, #tpu.memory_space<vmem_shared>> -> memref<64x16xf32, #tpu.memory_space<vmem_shared>>
      tpu.enqueue_dma source(%dma_start3A_247 : memref<64x16xf32, #tpu.memory_space<vmem_shared>>) target(%arg18 : memref<64x16xf32, #tpu.memory_space<vmem>>) target_semaphore(%run_scoped3A : memref<!tpu.dma_semaphore, #tpu.memory_space<semaphore_mem>>)
      %dma_wait3A = arith.constant 0 : i32
      %dma_wait3A_248 = tpu.memref_slice %arg20[%add3A_216, %dma_wait3A] : memref<10240x16xf32, #tpu.memory_space<vmem_shared>> -> memref<64x16xf32, #tpu.memory_space<vmem_shared>>
      %dma_wait3A_249 = arith.constant 0 : i32
      %dma_wait3A_250 = tpu.memref_slice %arg20[%add3A_216, %dma_wait3A_249] : memref<10240x16xf32, #tpu.memory_space<vmem_shared>> -> memref<64x16xf32, #tpu.memory_space<vmem_shared>>
      tpu.wait_dma2 semaphore(%run_scoped3A : memref<!tpu.dma_semaphore, #tpu.memory_space<semaphore_mem>>) src(%dma_wait3A_250 : memref<64x16xf32, #tpu.memory_space<vmem_shared>>) dst(%arg18 : memref<64x16xf32, #tpu.memory_space<vmem>>)
      tpu.yield
    }) : () -> ()
    %mul3A_217 = arith.constant 640 : i32
    %mul3A_218 = arith.muli %arg1, %mul3A_217 : i32
    %add3A_219 = arith.constant 384 : i32
    %add3A_220 = arith.addi %mul3A_218, %add3A_219 : i32
    "tpu.region"() ({
      %run_scoped3A = tpu.sem_alloc : memref<!tpu.dma_semaphore, #tpu.memory_space<semaphore_mem>>
      %dma_start3A = arith.constant 0 : i32
      %dma_start3A_245 = tpu.memref_slice %arg9[%arg0, %add3A_220, %dma_start3A] : memref<2x10240x16xf32, #tpu.memory_space<hbm>> -> memref<1x64x16xf32, #tpu.memory_space<hbm>>
      %dma_start3A_246 = tpu.memref_squeeze %dma_start3A_245 : memref<1x64x16xf32, #tpu.memory_space<hbm>> -> memref<64x16xf32, #tpu.memory_space<hbm>>
      %dma_start3A_247 = arith.constant 0 : i32
      %dma_start3A_248 = tpu.memref_slice %arg9[%arg0, %add3A_220, %dma_start3A_247] : memref<2x10240x16xf32, #tpu.memory_space<hbm>> -> memref<1x64x16xf32, #tpu.memory_space<hbm>>
      %dma_start3A_249 = tpu.memref_squeeze %dma_start3A_248 : memref<1x64x16xf32, #tpu.memory_space<hbm>> -> memref<64x16xf32, #tpu.memory_space<hbm>>
      tpu.enqueue_dma source(%arg18 : memref<64x16xf32, #tpu.memory_space<vmem>>) target(%dma_start3A_249 : memref<64x16xf32, #tpu.memory_space<hbm>>) target_semaphore(%run_scoped3A : memref<!tpu.dma_semaphore, #tpu.memory_space<semaphore_mem>>)
      %dma_wait3A = arith.constant 0 : i32
      %dma_wait3A_250 = tpu.memref_slice %arg9[%arg0, %add3A_220, %dma_wait3A] : memref<2x10240x16xf32, #tpu.memory_space<hbm>> -> memref<1x64x16xf32, #tpu.memory_space<hbm>>
      %dma_wait3A_251 = tpu.memref_squeeze %dma_wait3A_250 : memref<1x64x16xf32, #tpu.memory_space<hbm>> -> memref<64x16xf32, #tpu.memory_space<hbm>>
      %dma_wait3A_252 = arith.constant 0 : i32
      %dma_wait3A_253 = tpu.memref_slice %arg9[%arg0, %add3A_220, %dma_wait3A_252] : memref<2x10240x16xf32, #tpu.memory_space<hbm>> -> memref<1x64x16xf32, #tpu.memory_space<hbm>>
      %dma_wait3A_254 = tpu.memref_squeeze %dma_wait3A_253 : memref<1x64x16xf32, #tpu.memory_space<hbm>> -> memref<64x16xf32, #tpu.memory_space<hbm>>
      tpu.wait_dma2 semaphore(%run_scoped3A : memref<!tpu.dma_semaphore, #tpu.memory_space<semaphore_mem>>) src(%arg18 : memref<64x16xf32, #tpu.memory_space<vmem>>) dst(%dma_wait3A_254 : memref<64x16xf32, #tpu.memory_space<hbm>>)
      tpu.yield
    }) : () -> ()
    %mul3A_221 = arith.constant 640 : i32
    %mul3A_222 = arith.muli %arg1, %mul3A_221 : i32
    %add3A_223 = arith.constant 448 : i32
    %add3A_224 = arith.addi %mul3A_222, %add3A_223 : i32
    "tpu.region"() ({
      %run_scoped3A = tpu.sem_alloc : memref<!tpu.dma_semaphore, #tpu.memory_space<semaphore_mem>>
      %dma_start3A = arith.constant 0 : i32
      %dma_start3A_245 = tpu.memref_slice %arg20[%add3A_224, %dma_start3A] : memref<10240x16xf32, #tpu.memory_space<vmem_shared>> -> memref<64x16xf32, #tpu.memory_space<vmem_shared>>
      %dma_start3A_246 = arith.constant 0 : i32
      %dma_start3A_247 = tpu.memref_slice %arg20[%add3A_224, %dma_start3A_246] : memref<10240x16xf32, #tpu.memory_space<vmem_shared>> -> memref<64x16xf32, #tpu.memory_space<vmem_shared>>
      tpu.enqueue_dma source(%dma_start3A_247 : memref<64x16xf32, #tpu.memory_space<vmem_shared>>) target(%arg18 : memref<64x16xf32, #tpu.memory_space<vmem>>) target_semaphore(%run_scoped3A : memref<!tpu.dma_semaphore, #tpu.memory_space<semaphore_mem>>)
      %dma_wait3A = arith.constant 0 : i32
      %dma_wait3A_248 = tpu.memref_slice %arg20[%add3A_224, %dma_wait3A] : memref<10240x16xf32, #tpu.memory_space<vmem_shared>> -> memref<64x16xf32, #tpu.memory_space<vmem_shared>>
      %dma_wait3A_249 = arith.constant 0 : i32
      %dma_wait3A_250 = tpu.memref_slice %arg20[%add3A_224, %dma_wait3A_249] : memref<10240x16xf32, #tpu.memory_space<vmem_shared>> -> memref<64x16xf32, #tpu.memory_space<vmem_shared>>
      tpu.wait_dma2 semaphore(%run_scoped3A : memref<!tpu.dma_semaphore, #tpu.memory_space<semaphore_mem>>) src(%dma_wait3A_250 : memref<64x16xf32, #tpu.memory_space<vmem_shared>>) dst(%arg18 : memref<64x16xf32, #tpu.memory_space<vmem>>)
      tpu.yield
    }) : () -> ()
    %mul3A_225 = arith.constant 640 : i32
    %mul3A_226 = arith.muli %arg1, %mul3A_225 : i32
    %add3A_227 = arith.constant 448 : i32
    %add3A_228 = arith.addi %mul3A_226, %add3A_227 : i32
    "tpu.region"() ({
      %run_scoped3A = tpu.sem_alloc : memref<!tpu.dma_semaphore, #tpu.memory_space<semaphore_mem>>
      %dma_start3A = arith.constant 0 : i32
      %dma_start3A_245 = tpu.memref_slice %arg9[%arg0, %add3A_228, %dma_start3A] : memref<2x10240x16xf32, #tpu.memory_space<hbm>> -> memref<1x64x16xf32, #tpu.memory_space<hbm>>
      %dma_start3A_246 = tpu.memref_squeeze %dma_start3A_245 : memref<1x64x16xf32, #tpu.memory_space<hbm>> -> memref<64x16xf32, #tpu.memory_space<hbm>>
      %dma_start3A_247 = arith.constant 0 : i32
      %dma_start3A_248 = tpu.memref_slice %arg9[%arg0, %add3A_228, %dma_start3A_247] : memref<2x10240x16xf32, #tpu.memory_space<hbm>> -> memref<1x64x16xf32, #tpu.memory_space<hbm>>
      %dma_start3A_249 = tpu.memref_squeeze %dma_start3A_248 : memref<1x64x16xf32, #tpu.memory_space<hbm>> -> memref<64x16xf32, #tpu.memory_space<hbm>>
      tpu.enqueue_dma source(%arg18 : memref<64x16xf32, #tpu.memory_space<vmem>>) target(%dma_start3A_249 : memref<64x16xf32, #tpu.memory_space<hbm>>) target_semaphore(%run_scoped3A : memref<!tpu.dma_semaphore, #tpu.memory_space<semaphore_mem>>)
      %dma_wait3A = arith.constant 0 : i32
      %dma_wait3A_250 = tpu.memref_slice %arg9[%arg0, %add3A_228, %dma_wait3A] : memref<2x10240x16xf32, #tpu.memory_space<hbm>> -> memref<1x64x16xf32, #tpu.memory_space<hbm>>
      %dma_wait3A_251 = tpu.memref_squeeze %dma_wait3A_250 : memref<1x64x16xf32, #tpu.memory_space<hbm>> -> memref<64x16xf32, #tpu.memory_space<hbm>>
      %dma_wait3A_252 = arith.constant 0 : i32
      %dma_wait3A_253 = tpu.memref_slice %arg9[%arg0, %add3A_228, %dma_wait3A_252] : memref<2x10240x16xf32, #tpu.memory_space<hbm>> -> memref<1x64x16xf32, #tpu.memory_space<hbm>>
      %dma_wait3A_254 = tpu.memref_squeeze %dma_wait3A_253 : memref<1x64x16xf32, #tpu.memory_space<hbm>> -> memref<64x16xf32, #tpu.memory_space<hbm>>
      tpu.wait_dma2 semaphore(%run_scoped3A : memref<!tpu.dma_semaphore, #tpu.memory_space<semaphore_mem>>) src(%arg18 : memref<64x16xf32, #tpu.memory_space<vmem>>) dst(%dma_wait3A_254 : memref<64x16xf32, #tpu.memory_space<hbm>>)
      tpu.yield
    }) : () -> ()
    %mul3A_229 = arith.constant 640 : i32
    %mul3A_230 = arith.muli %arg1, %mul3A_229 : i32
    %add3A_231 = arith.constant 512 : i32
    %add3A_232 = arith.addi %mul3A_230, %add3A_231 : i32
    "tpu.region"() ({
      %run_scoped3A = tpu.sem_alloc : memref<!tpu.dma_semaphore, #tpu.memory_space<semaphore_mem>>
      %dma_start3A = arith.constant 0 : i32
      %dma_start3A_245 = tpu.memref_slice %arg20[%add3A_232, %dma_start3A] : memref<10240x16xf32, #tpu.memory_space<vmem_shared>> -> memref<64x16xf32, #tpu.memory_space<vmem_shared>>
      %dma_start3A_246 = arith.constant 0 : i32
      %dma_start3A_247 = tpu.memref_slice %arg20[%add3A_232, %dma_start3A_246] : memref<10240x16xf32, #tpu.memory_space<vmem_shared>> -> memref<64x16xf32, #tpu.memory_space<vmem_shared>>
      tpu.enqueue_dma source(%dma_start3A_247 : memref<64x16xf32, #tpu.memory_space<vmem_shared>>) target(%arg18 : memref<64x16xf32, #tpu.memory_space<vmem>>) target_semaphore(%run_scoped3A : memref<!tpu.dma_semaphore, #tpu.memory_space<semaphore_mem>>)
      %dma_wait3A = arith.constant 0 : i32
      %dma_wait3A_248 = tpu.memref_slice %arg20[%add3A_232, %dma_wait3A] : memref<10240x16xf32, #tpu.memory_space<vmem_shared>> -> memref<64x16xf32, #tpu.memory_space<vmem_shared>>
      %dma_wait3A_249 = arith.constant 0 : i32
      %dma_wait3A_250 = tpu.memref_slice %arg20[%add3A_232, %dma_wait3A_249] : memref<10240x16xf32, #tpu.memory_space<vmem_shared>> -> memref<64x16xf32, #tpu.memory_space<vmem_shared>>
      tpu.wait_dma2 semaphore(%run_scoped3A : memref<!tpu.dma_semaphore, #tpu.memory_space<semaphore_mem>>) src(%dma_wait3A_250 : memref<64x16xf32, #tpu.memory_space<vmem_shared>>) dst(%arg18 : memref<64x16xf32, #tpu.memory_space<vmem>>)
      tpu.yield
    }) : () -> ()
    %mul3A_233 = arith.constant 640 : i32
    %mul3A_234 = arith.muli %arg1, %mul3A_233 : i32
    %add3A_235 = arith.constant 512 : i32
    %add3A_236 = arith.addi %mul3A_234, %add3A_235 : i32
    "tpu.region"() ({
      %run_scoped3A = tpu.sem_alloc : memref<!tpu.dma_semaphore, #tpu.memory_space<semaphore_mem>>
      %dma_start3A = arith.constant 0 : i32
      %dma_start3A_245 = tpu.memref_slice %arg9[%arg0, %add3A_236, %dma_start3A] : memref<2x10240x16xf32, #tpu.memory_space<hbm>> -> memref<1x64x16xf32, #tpu.memory_space<hbm>>
      %dma_start3A_246 = tpu.memref_squeeze %dma_start3A_245 : memref<1x64x16xf32, #tpu.memory_space<hbm>> -> memref<64x16xf32, #tpu.memory_space<hbm>>
      %dma_start3A_247 = arith.constant 0 : i32
      %dma_start3A_248 = tpu.memref_slice %arg9[%arg0, %add3A_236, %dma_start3A_247] : memref<2x10240x16xf32, #tpu.memory_space<hbm>> -> memref<1x64x16xf32, #tpu.memory_space<hbm>>
      %dma_start3A_249 = tpu.memref_squeeze %dma_start3A_248 : memref<1x64x16xf32, #tpu.memory_space<hbm>> -> memref<64x16xf32, #tpu.memory_space<hbm>>
      tpu.enqueue_dma source(%arg18 : memref<64x16xf32, #tpu.memory_space<vmem>>) target(%dma_start3A_249 : memref<64x16xf32, #tpu.memory_space<hbm>>) target_semaphore(%run_scoped3A : memref<!tpu.dma_semaphore, #tpu.memory_space<semaphore_mem>>)
      %dma_wait3A = arith.constant 0 : i32
      %dma_wait3A_250 = tpu.memref_slice %arg9[%arg0, %add3A_236, %dma_wait3A] : memref<2x10240x16xf32, #tpu.memory_space<hbm>> -> memref<1x64x16xf32, #tpu.memory_space<hbm>>
      %dma_wait3A_251 = tpu.memref_squeeze %dma_wait3A_250 : memref<1x64x16xf32, #tpu.memory_space<hbm>> -> memref<64x16xf32, #tpu.memory_space<hbm>>
      %dma_wait3A_252 = arith.constant 0 : i32
      %dma_wait3A_253 = tpu.memref_slice %arg9[%arg0, %add3A_236, %dma_wait3A_252] : memref<2x10240x16xf32, #tpu.memory_space<hbm>> -> memref<1x64x16xf32, #tpu.memory_space<hbm>>
      %dma_wait3A_254 = tpu.memref_squeeze %dma_wait3A_253 : memref<1x64x16xf32, #tpu.memory_space<hbm>> -> memref<64x16xf32, #tpu.memory_space<hbm>>
      tpu.wait_dma2 semaphore(%run_scoped3A : memref<!tpu.dma_semaphore, #tpu.memory_space<semaphore_mem>>) src(%arg18 : memref<64x16xf32, #tpu.memory_space<vmem>>) dst(%dma_wait3A_254 : memref<64x16xf32, #tpu.memory_space<hbm>>)
      tpu.yield
    }) : () -> ()
    %mul3A_237 = arith.constant 640 : i32
    %mul3A_238 = arith.muli %arg1, %mul3A_237 : i32
    %add3A_239 = arith.constant 576 : i32
    %add3A_240 = arith.addi %mul3A_238, %add3A_239 : i32
    "tpu.region"() ({
      %run_scoped3A = tpu.sem_alloc : memref<!tpu.dma_semaphore, #tpu.memory_space<semaphore_mem>>
      %dma_start3A = arith.constant 0 : i32
      %dma_start3A_245 = tpu.memref_slice %arg20[%add3A_240, %dma_start3A] : memref<10240x16xf32, #tpu.memory_space<vmem_shared>> -> memref<64x16xf32, #tpu.memory_space<vmem_shared>>
      %dma_start3A_246 = arith.constant 0 : i32
      %dma_start3A_247 = tpu.memref_slice %arg20[%add3A_240, %dma_start3A_246] : memref<10240x16xf32, #tpu.memory_space<vmem_shared>> -> memref<64x16xf32, #tpu.memory_space<vmem_shared>>
      tpu.enqueue_dma source(%dma_start3A_247 : memref<64x16xf32, #tpu.memory_space<vmem_shared>>) target(%arg18 : memref<64x16xf32, #tpu.memory_space<vmem>>) target_semaphore(%run_scoped3A : memref<!tpu.dma_semaphore, #tpu.memory_space<semaphore_mem>>)
      %dma_wait3A = arith.constant 0 : i32
      %dma_wait3A_248 = tpu.memref_slice %arg20[%add3A_240, %dma_wait3A] : memref<10240x16xf32, #tpu.memory_space<vmem_shared>> -> memref<64x16xf32, #tpu.memory_space<vmem_shared>>
      %dma_wait3A_249 = arith.constant 0 : i32
      %dma_wait3A_250 = tpu.memref_slice %arg20[%add3A_240, %dma_wait3A_249] : memref<10240x16xf32, #tpu.memory_space<vmem_shared>> -> memref<64x16xf32, #tpu.memory_space<vmem_shared>>
      tpu.wait_dma2 semaphore(%run_scoped3A : memref<!tpu.dma_semaphore, #tpu.memory_space<semaphore_mem>>) src(%dma_wait3A_250 : memref<64x16xf32, #tpu.memory_space<vmem_shared>>) dst(%arg18 : memref<64x16xf32, #tpu.memory_space<vmem>>)
      tpu.yield
    }) : () -> ()
    %mul3A_241 = arith.constant 640 : i32
    %mul3A_242 = arith.muli %arg1, %mul3A_241 : i32
    %add3A_243 = arith.constant 576 : i32
    %add3A_244 = arith.addi %mul3A_242, %add3A_243 : i32
    "tpu.region"() ({
      %run_scoped3A = tpu.sem_alloc : memref<!tpu.dma_semaphore, #tpu.memory_space<semaphore_mem>>
      %dma_start3A = arith.constant 0 : i32
      %dma_start3A_245 = tpu.memref_slice %arg9[%arg0, %add3A_244, %dma_start3A] : memref<2x10240x16xf32, #tpu.memory_space<hbm>> -> memref<1x64x16xf32, #tpu.memory_space<hbm>>
      %dma_start3A_246 = tpu.memref_squeeze %dma_start3A_245 : memref<1x64x16xf32, #tpu.memory_space<hbm>> -> memref<64x16xf32, #tpu.memory_space<hbm>>
      %dma_start3A_247 = arith.constant 0 : i32
      %dma_start3A_248 = tpu.memref_slice %arg9[%arg0, %add3A_244, %dma_start3A_247] : memref<2x10240x16xf32, #tpu.memory_space<hbm>> -> memref<1x64x16xf32, #tpu.memory_space<hbm>>
      %dma_start3A_249 = tpu.memref_squeeze %dma_start3A_248 : memref<1x64x16xf32, #tpu.memory_space<hbm>> -> memref<64x16xf32, #tpu.memory_space<hbm>>
      tpu.enqueue_dma source(%arg18 : memref<64x16xf32, #tpu.memory_space<vmem>>) target(%dma_start3A_249 : memref<64x16xf32, #tpu.memory_space<hbm>>) target_semaphore(%run_scoped3A : memref<!tpu.dma_semaphore, #tpu.memory_space<semaphore_mem>>)
      %dma_wait3A = arith.constant 0 : i32
      %dma_wait3A_250 = tpu.memref_slice %arg9[%arg0, %add3A_244, %dma_wait3A] : memref<2x10240x16xf32, #tpu.memory_space<hbm>> -> memref<1x64x16xf32, #tpu.memory_space<hbm>>
      %dma_wait3A_251 = tpu.memref_squeeze %dma_wait3A_250 : memref<1x64x16xf32, #tpu.memory_space<hbm>> -> memref<64x16xf32, #tpu.memory_space<hbm>>
      %dma_wait3A_252 = arith.constant 0 : i32
      %dma_wait3A_253 = tpu.memref_slice %arg9[%arg0, %add3A_244, %dma_wait3A_252] : memref<2x10240x16xf32, #tpu.memory_space<hbm>> -> memref<1x64x16xf32, #tpu.memory_space<hbm>>
      %dma_wait3A_254 = tpu.memref_squeeze %dma_wait3A_253 : memref<1x64x16xf32, #tpu.memory_space<hbm>> -> memref<64x16xf32, #tpu.memory_space<hbm>>
      tpu.wait_dma2 semaphore(%run_scoped3A : memref<!tpu.dma_semaphore, #tpu.memory_space<semaphore_mem>>) src(%arg18 : memref<64x16xf32, #tpu.memory_space<vmem>>) dst(%dma_wait3A_254 : memref<64x16xf32, #tpu.memory_space<hbm>>)
      tpu.yield
    }) : () -> ()
    return
  }
}

module attributes {stable_mosaic.version = 14 : i64} {
  func.func @_combine_body(%arg0: i32, %arg1: memref<1000x128xf32, #tpu.memory_space<vmem>>, %arg2: memref<2x1000x128xf32, #tpu.memory_space<vmem>>, %arg3: memref<2x1000x16xf32, #tpu.memory_space<vmem>>, %arg4: memref<1000x128xf32, #tpu.memory_space<vmem>>) attributes {dimension_semantics = [#tpu.dimension_semantics<arbitrary>], iteration_bounds = array<i64: 10>, scalar_prefetch = 0 : i64, scratch_operands = 0 : i64, tpu.core_type = #tpu.core_type<tc>, window_params = [{transform_indices = @transform_0, window_bounds = array<i64: 1000, 128>}, {transform_indices = @transform_1, window_bounds = array<i64: 2, 1000, 128>}, {transform_indices = @transform_2, window_bounds = array<i64: 2, 1000, 16>}, {transform_indices = @transform_3, window_bounds = array<i64: 1000, 128>}]} {
    %get3A = arith.constant 0 : index
    %get3A_0 = arith.constant 0 : index
    %get3A_1 = arith.constant 0 : index
    %get3A_2 = vector.load %arg2[%get3A, %get3A_0, %get3A_1] : memref<2x1000x128xf32, #tpu.memory_space<vmem>>, vector<1x1000x128xf32>
    %get3A_3 = vector.shape_cast %get3A_2 : vector<1x1000x128xf32> to vector<1000x128xf32>
    %get3A_4 = arith.constant 1 : index
    %get3A_5 = arith.constant 0 : index
    %get3A_6 = arith.constant 0 : index
    %get3A_7 = vector.load %arg2[%get3A_4, %get3A_5, %get3A_6] : memref<2x1000x128xf32, #tpu.memory_space<vmem>>, vector<1x1000x128xf32>
    %get3A_8 = vector.shape_cast %get3A_7 : vector<1x1000x128xf32> to vector<1000x128xf32>
    %add3A = arith.addf %get3A_3, %get3A_8 : vector<1000x128xf32>
    %get3A_9 = arith.constant 0 : index
    %get3A_10 = arith.constant 0 : index
    %get3A_11 = arith.constant 0 : index
    %get3A_12 = vector.load %arg3[%get3A_9, %get3A_10, %get3A_11] : memref<2x1000x16xf32, #tpu.memory_space<vmem>>, vector<1x1000x16xf32>
    %get3A_13 = vector.shape_cast %get3A_12 : vector<1x1000x16xf32> to vector<1000x16xf32>
    %get3A_14 = arith.constant 1 : index
    %get3A_15 = arith.constant 0 : index
    %get3A_16 = arith.constant 0 : index
    %get3A_17 = vector.load %arg3[%get3A_14, %get3A_15, %get3A_16] : memref<2x1000x16xf32, #tpu.memory_space<vmem>>, vector<1x1000x16xf32>
    %get3A_18 = vector.shape_cast %get3A_17 : vector<1x1000x16xf32> to vector<1000x16xf32>
    %add3A_19 = arith.addf %get3A_13, %get3A_18 : vector<1000x16xf32>
    %slice3A = vector.extract_strided_slice %add3A_19 {offsets = [0, 0], sizes = [1000, 1], strides = [1, 1]} : vector<1000x16xf32> to vector<1000x1xf32>
    %get3A_20 = arith.constant 0 : index
    %get3A_21 = arith.constant 0 : index
    %get3A_22 = vector.load %arg1[%get3A_20, %get3A_21] : memref<1000x128xf32, #tpu.memory_space<vmem>>, vector<1000x128xf32>
    %max3A = arith.constant 1.000000e+00 : f32
    %max3A_23 = vector.broadcast %max3A : f32 to vector<1000x1xf32>
    %max3A_24 = arith.maximumf %slice3A, %max3A_23 : vector<1000x1xf32>
    %div3A = vector.broadcast %max3A_24 : vector<1000x1xf32> to vector<1000x128xf32>
    %div3A_25 = arith.divf %add3A, %div3A : vector<1000x128xf32>
    %add3A_26 = arith.addf %get3A_22, %div3A_25 : vector<1000x128xf32>
    %swap3A = arith.constant 0 : index
    %swap3A_27 = arith.constant 0 : index
    %swap3A_28 = vector.load %arg4[%swap3A, %swap3A_27] : memref<1000x128xf32, #tpu.memory_space<vmem>>, vector<1000x128xf32>
    tpu.vector_store %arg4[%swap3A, %swap3A_27], %add3A_26 {strides = array<i32>} : memref<1000x128xf32, #tpu.memory_space<vmem>>, vector<1000x128xf32>,
    return
  }
  func.func @transform_0(%arg0: i32) -> (i32, i32) {
    %c0_i32 = arith.constant 0 : i32
    %c0_i32_0 = arith.constant 0 : i32
    return %arg0, %c0_i32 : i32, i32
  }
  func.func @transform_1(%arg0: i32) -> (i32, i32, i32) {
    %c0_i32 = arith.constant 0 : i32
    %c0_i32_0 = arith.constant 0 : i32
    %c0_i32_1 = arith.constant 0 : i32
    return %c0_i32, %arg0, %c0_i32_0 : i32, i32, i32
  }
  func.func @transform_2(%arg0: i32) -> (i32, i32, i32) {
    %c0_i32 = arith.constant 0 : i32
    %c0_i32_0 = arith.constant 0 : i32
    %c0_i32_1 = arith.constant 0 : i32
    return %c0_i32, %arg0, %c0_i32_0 : i32, i32, i32
  }
  func.func @transform_3(%arg0: i32) -> (i32, i32) {
    %c0_i32 = arith.constant 0 : i32
    %c0_i32_0 = arith.constant 0 : i32
    return %arg0, %c0_i32 : i32, i32
  }
}

</mosaic_0001>

<sc_bundles>
// kernel: kernel.4.cloned.1.call-start
scs
__scs_entry_jumppad:
0x0: {  	(pc) =	sbr.rel $0x88, $3  }
0x1: {  	(tag) =	ssettag $0x0;
	lr =	simm.s32 $0x1  }
0x2: {  	[smem:$0x3F9B] =	sst lr;
	_ =	strace $0xD0000000  }
0x3: {  	_ = 	snop  }
0x4: {  	_ = 	snop  }
0x5: {  	_ = 	snop  }
0x6: {  	_ = 	snop  }
0x7: {  	_ = 	snop  }
__scs_overlays_trampoline_lowered:
0x8: {  	[smem:$0x3FAA] =	sst s0  }
0x9: {  	[smem:$0x3FAB] =	sst s1  }
0xa: {  	[smem:$0x3FAC] =	sst s2  }
0xb: {  	[smem:$0x3FAD] =	sst s3  }
0xc: {  	[smem:$0x3FAE] =	sst s4  }
0xd: {  	[smem:$0x3FAF] =	sst s5  }
0xe: {  	[smem:$0x3FB0] =	sst s6  }
0xf: {  	[smem:$0x3FB1] =	sst s7  }
0x10: {  	[smem:$0x3FB2] =	sst s8  }
0x11: {  	[smem:$0x3FB3] =	sst s9;
	s0 =	simm.s32 @!p0 $0x0  }
0x12: {  	s1 =	sld [smem:$0x3F99];
	s0 =	simm.s32 @p0 $0x1  }
0x13: {  	[smem:$0x3FB4] =	sst s0;
	s0 =	simm.s32 @!p1 $0x0  }
0x14: {  	s2 =	sld [smem:$0x3F98];
	s0 =	simm.s32 @p1 $0x1  }
0x15: {  	[smem:$0x3FB5] =	sst s0;
	s0 =	simm.s32 @!p2 $0x0  }
0x16: {  	s3 =	sld [smem:$0x3FDB];
	s0 =	simm.s32 @p2 $0x1  }
0x17: {  	s4 =	simm.s32 $0x1BF5;
	[smem:$0x3FB7] =	sst s0  }
0x18: {  	s0 =	sld [smem:$0x3F9A];
	_ =	swait.ge [sflag:s4], $0x0  }
0x19: {  	s7 =	sld [smem:$0x3F9B]  }
0x1a: {  	s8 =	sadd.s32 $0xFFFFE003, lr  }
0x1b: {  	s9 =	sadd.s32 $0xFFFFFEF7, lr;
	s5 =	simm.s32 $0xFFFFFFFF;
	p2 =	slt.u32 s8, $0xFFFFF086  }
0x1c: {  	p1 =	slt.u32 s9, $0xF7A;
	s5 =	simm.s32 @!p2 $0x0  }
0x1d: {  	s5 =	simm.s32 @p1 $0x1;
	p0 =	seq.s32 s7, s2  }
0x1e: {  	s7 =	smul.u32 @!p0 $0xF7A, s2;
	p2 =	seq.s32 @!p0 s5, $0x0  }
0x1f: {  	s9 =	smul.u32 $0xF7A, s1;
	s8 =	simm.s32 @!p0 $0x1BF5;
	p2 =	por !p2, p0  }
0x20: {  	[sflag:s8] =	ssyncset.s32 @!p0 $0xFFFFF086;
	s6 =	sadd.s32 @!p0 s3, s7;
	s7 =	simm.s32 @!p0 $0x108  }
0x21: {  	s3 =	sadd.s32 s3, s9;
	s6 =	sadd.s32 @!p0 $0x88, s6;
	s7 =	simm.s32 @p2 $0x1082  }
0x22: {  	[simem:s7], [sflag:s8] =	dma.local @!p0 [hbm:s6], $0xF7A  }
0x23: {  	s9 =	sor.u32 $0xD0000000, s2;
	s6 =	simm.s32 $0x108;
	_ =	swait.ge @!p0 [sflag:s8], $0x0  }
0x24: {  	s3 =	sadd.s32 $0x88, s3;
	s6 =	simm.s32 @!p1 $0x1082;
	[sflag:s4] =	ssyncset.s32 $0xFFFFF086  }
0x25: {  	[simem:s6], [sflag:s4] =	dma.local [hbm:s3], $0xF7A  }
0x26: {  	[smem:$0x3F9B] =	sst s1;
	(tag) =	ssettag s2;
	_ =	strace s9  }
0x27: {  	s1 =	sld [smem:$0x3FAB]  }
0x28: {  	s2 =	sld [smem:$0x3FAC]  }
0x29: {  	s4 =	sld [smem:$0x3FAE]  }
0x2a: {  	p0 =	seq.s32 s5, $0x0;
	s5 =	sld [smem:$0x3FAF]  }
0x2b: {  	s6 =	sld [smem:$0x3FB0]  }
0x2c: {  	s7 =	sld [smem:$0x3FB1]  }
0x2d: {  	s3 =	simm.s32 $0x108;
	s8 =	sld [smem:$0x3FB2]  }
0x2e: {  	s3 =	simm.s32 @!p0 $0x1082;
	s9 =	sld [smem:$0x3FB3]  }
0x2f: {  	lr =	sadd.s32 s0, s3;
	s0 =	sld [smem:$0x3FAA]  }
0x30: {  	s3 =	sld [smem:$0x3FAD]  }
0x31: {  	[smem:$0x3FB6] =	sst s10  }
0x32: {  	s10 =	sld [smem:$0x3FB4];
	_ =	sdelay $0x3  }
0x33: {  	p0 =	seq.s32 s10, $0x1;
	s10 =	sld [smem:$0x3FB6];
	_ =	sdelay $0x3  }
0x34: {  	[smem:$0x3FB6] =	sst s10  }
0x35: {  	s10 =	sld [smem:$0x3FB5];
	_ =	sdelay $0x3  }
0x36: {  	p1 =	seq.s32 s10, $0x1;
	s10 =	sld [smem:$0x3FB6];
	_ =	sdelay $0x3  }
0x37: {  	[smem:$0x3FB6] =	sst s10  }
0x38: {  	s10 =	sld [smem:$0x3FB7]  }
0x39: {  	_ = 	snop;
	(pc) =	sbr.ind lr, $3  }
0x3a: {  	_ = 	snop  }
0x3b: {  	_ = 	snop  }
0x3c: {  	p2 =	seq.s32 s10, $0x1;
	s10 =	sld [smem:$0x3FB6]  }
0x3d: {  	_ =	shalt  }
0x3e: {  	_ =	shalt  }
0x3f: {  	_ =	shalt  }
0x40: {  	_ =	shalt  }
0x41: {  	_ =	shalt  }
0x42: {  	_ =	shalt  }
0x43: {  	_ =	shalt  }
0x44: {  	_ =	shalt  }
0x45: {  	_ =	shalt  }
0x46: {  	_ =	shalt  }
0x47: {  	_ =	shalt  }
0x48: {  	_ =	shalt  }
0x49: {  	_ =	shalt  }
0x4a: {  	_ =	shalt  }
0x4b: {  	_ =	shalt  }
0x4c: {  	_ =	shalt  }
0x4d: {  	_ =	shalt  }
0x4e: {  	_ =	shalt  }
0x4f: {  	_ =	shalt  }
0x50: {  	_ =	shalt  }
0x51: {  	_ =	shalt  }
0x52: {  	_ =	shalt  }
0x53: {  	_ =	shalt  }
0x54: {  	_ =	shalt  }
0x55: {  	_ =	shalt  }
0x56: {  	_ =	shalt  }
0x57: {  	_ =	shalt  }
0x58: {  	_ =	shalt  }
0x59: {  	_ =	shalt  }
0x5a: {  	_ =	shalt  }
0x5b: {  	_ =	shalt  }
0x5c: {  	_ =	shalt  }
0x5d: {  	_ =	shalt  }
0x5e: {  	_ =	shalt  }
0x5f: {  	_ =	shalt  }
0x60: {  	_ =	shalt  }
0x61: {  	_ =	shalt  }
0x62: {  	_ =	shalt  }
0x63: {  	_ =	shalt  }
0x64: {  	_ =	shalt  }
0x65: {  	_ =	shalt  }
0x66: {  	_ =	shalt  }
0x67: {  	_ =	shalt  }
0x68: {  	_ =	shalt  }
0x69: {  	_ =	shalt  }
0x6a: {  	_ =	shalt  }
0x6b: {  	_ =	shalt  }
0x6c: {  	_ =	shalt  }
0x6d: {  	_ =	shalt  }
0x6e: {  	_ =	shalt  }
0x6f: {  	_ =	shalt  }
0x70: {  	_ =	shalt  }
0x71: {  	_ =	shalt  }
0x72: {  	_ =	shalt  }
0x73: {  	_ =	shalt  }
0x74: {  	_ =	shalt  }
0x75: {  	_ =	shalt  }
0x76: {  	_ =	shalt  }
0x77: {  	_ =	shalt  }
0x78: {  	_ =	shalt  }
0x79: {  	_ =	shalt  }
0x7a: {  	_ =	shalt  }
0x7b: {  	_ =	shalt  }
0x7c: {  	_ =	shalt  }
0x7d: {  	_ =	shalt  }
0x7e: {  	_ =	shalt  }
0x7f: {  	_ =	shalt  }
0x80: {  	_ =	shalt  }
0x81: {  	_ =	shalt  }
0x82: {  	_ =	shalt  }
0x83: {  	_ =	shalt  }
0x84: {  	_ =	shalt  }
0x85: {  	_ =	shalt  }
0x86: {  	_ =	shalt  }
0x87: {  	_ =	shalt  }
.Lfunc_end0:
.L_simem_size_0:
called_computation_lowered:
.L_overlay_start_0:
0x88: {  	s2 =	sld [smem:$0x3FD9]  }
0x89: {  	s3 =	sld [smem:$0x3FFE];
	_ =	sdelay $0x1  }
0x8a: {  	s1 =	srdreg.scid  }
0x8b: {  	s0 =	sand.u32 $0x1, s1  }
0x8c: {  	s14 =	sshll.u32 s0, $0xA;
	s2 =	sadd.s32 s3, s2  }
0x8d: {  	s2 =	sadd.s32 s2, s14  }
0x8e: {  	[smem:$0x3FC2] =	sst s2  }
0x8f: {  	_ = 	snop  }
0x90: {  	s2 =	sld [smem:$0x3FD0];
	_ =	sdelay $0x2  }
0x91: {  	s4 =	simm.s32 $0xA;
	s5 =	simm.s32 $0x10;
	s15 =	sld [smem:$0x3FC9]  }
0x92: {  	[smem:s5], [sflag:s4] =	dma.local [hbm:s2], $0x1  }
0x93: {  	_ =	swait.eq [sflag:s4], $0x1  }
0x94: {  	[sflag:s4] =	ssyncset.done $0x0  }
0x95: {  	s16 =	sld [smem:$0x10];
	[sflag:s4] =	ssyncadd.s32 $0xFFFFFFFF  }
0x96: {  	s17 =	sld [smem:$0x11];
	(tm) =	ssettm $0x1  }
0x97: {  	s18 =	sld [smem:$0x3FFB];
	_ =	sdelay $0x3  }
0x98: {  	_ =	strace s18  }
0x99: {  	s5 =	sld [smem:$0x3FFC];
	_ =	sdelay $0x3  }
0x9a: {  	_ =	strace s5  }
0x9b: {  	s5 =	sld [smem:$0x3FFD];
	_ =	sdelay $0x3  }
0x9c: {  	_ =	strace s5  }
0x9d: {  	_ =	strace $0x8FFFFFFF  }
0x9e: {  	s19 =	sld [smem:$0x3FDB];
	_ =	sdelay $0x1  }
0x9f: {  	s6 =	simm.s32 $_scs_section_size  }
0xa0: {  	s7 =	simm.s32 $_size__tile_overlayer_lowered;
	s8 =	simm.s32 $_tile_overlayer_lowered  }
0xa1: {  	s22 =	simm.s32 $0x1BFF;
	s21 =	sshll.u32 s8, $0x1;
	s5 =	sadd.s32 s6, s19  }
0xa2: {  	s9 =	simm.s32 $0x0;
	s20 =	sshll.u32 s7, $0x1;
	s7 =	sadd.s32 s21, s5  }
0xa3: {  	[timem:s9], [sflag:s22] =	dma.local [hbm:s7], s20  }
0xa4: {  	_ =	swait.ge [sflag:s22], s20  }
0xa5: {  	s6 =	ssub.s32 $0x0, s20;
	[sflag:s22] =	ssyncset.done $0x0  }
0xa6: {  	[sflag:s22] =	ssyncadd.s32 s6;
	_ =	sdelay $0x1  }
0xa7: {  	s23 =	simm.s32 $0x1B8B  }
0xa8: {  	_ =	swait.ge [sflag:s23], $0x1  }
0xa9: {  	[sflag:s23] =	ssyncset.done $0x0  }
0xaa: {  	s25 =	simm.s32 $0x1B8E;
	s24 =	sld [smem:$0x3FFE];
	[sflag:s23] =	ssyncadd.s32 $0xFFFFFFFF  }
0xab: {  	s26 =	simm.s32 $execute0_lowered;
	[smem:$0x3FD2] =	sst s25  }
0xac: {  	s7 =	sshll.u32 s26, $0x1;
	_ =	strace $0x80000046;
	[dreg:$0x1] =	wrdreg $0xFFFFFFFF  }
0xad: {  	s28 =	simm.s32 $_size_execute0_lowered;
	s5 =	sadd.s32 s5, s7;
	[dreg:$0x0] =	wrdreg $0x0  }
0xae: {  	s7 =	sshll.u32 s28, $0x1;
	[dreg:$0x2] =	wrdreg s5  }
0xaf: {  	[dreg:$0x3] =	wrdreg s7  }
0xb0: {  	[dreg:$0x4] =	wrdreg $0xC0  }
0xb1: {  	_ =	task [dreg:s9], $0x5FFFF  }
0xb2: {  	[dreg:$0x1] =	wrdreg $0xFFFFFFFF  }
0xb3: {  	[dreg:$0x0] =	wrdreg $0x60  }
0xb4: {  	[dreg:$0x2] =	wrdreg s15  }
0xb5: {  	[dreg:$0x3] =	wrdreg s24  }
0xb6: {  	[dreg:$0x4] =	wrdreg s16  }
0xb7: {  	[dreg:$0x5] =	wrdreg s17  }
0xb8: {  	[dreg:$0x6] =	wrdreg $0x5CF80  }
0xb9: {  	[dreg:$0x7] =	wrdreg $0x19CF80  }
0xba: {  	[dreg:$0x8] =	wrdreg $0x9  }
0xbb: {  	_ =	task.clear_ibuf [dreg:s9], $0x9FFFF;
	_ =	strace $0x90000046  }
0xbc: {  	s29 =	simm.s32 $0x9;
	_ =	strace $0x80000048  }
0xbd: {  	_ =	swait.ge [sflag:s29], $0x1  }
0xbe: {  	[sflag:s29] =	ssyncadd.s32 $0xFFFFFFFF  }
0xbf: {  	_ =	strace $0x90000048  }
0xc0: {  	_ =	sfence  }
0xc1: {  	s30 =	sld [smem:$0x0];
	_ =	sdelay $0x2  }
0xc2: {  	s31 =	sshll.u32 s1, $0xD;
	s1 =	sshrl.u32 s1, $0x2  }
0xc3: {  	s3 =	sand.u32 $0x4000, s31;
	s1 =	sadd.s32 s1, s30  }
0xc4: {  	s0 =	sor.u32 s3, s0;
	s1 =	sshll.u32 s1, $0x11  }
0xc5: {  	s0 =	sor.u32 s1, s0  }
0xc6: {  	s0 =	sadd.s32 $0x8F2B, s0  }
0xc7: {  	[sflag:s0] =	ssyncadd.remote.s32 $0x1  }
0xc8: {  	_ =	sfence.sel $0xFFFF  }
0xc9: {  	[dreg:$0x0] =	wrdreg $0xFFFFFFFF;
	(pc) =	sbr.abs _section_cstart, $3  }
0xca: {  	[dreg:$0x1] =	wrdreg $0xFFFFFFFF  }
0xcb: {  	_ =	task.clear_ibuf [dreg:s9], $0x2FFFF;
	_ =	strace $0x9FFFFFFF  }
0xcc: {  	(tm) =	ssettm $0x7FFFFFFF  }
0xcd: {  	_ =	shalt  }
tec
execute0_lowered:
.L_overlay_start_1:
0x0: {  	(tag) =	ssettag $0x1  }
0x1: {  	s3 =	rddreg [dreg:$0x1]  }
0x2: {  	s0 =	simm.s32 $0x0;
	s1 =	srdreg.scid;
	s9 =	stileid.u32  }
0x3: {  	[smem:$0x7FF] =	sst s0;
	s5 =	smul.u32 $0x14000, s9  }
0x4: {  	s15 =	sand.u32 $0x1, s1;
	s16 =	sadd.s32 $0x1EC00, s3;
	s8 =	smul.u32 $0x280, s9  }
0x5: {  	s4 =	sshll.u32 s9, $0x1;
	s1 =	ssub.s32 $0x2, s15;
	s17 =	smul.u32 $0x140000, s15  }
0x6: {  	s2 =	sshrl.u32 s1, $0x1;
	s6 =	sor.u32 $0x2800, s5;
	s7 =	sadd.s32 $0x5000, s5  }
0x7: {  	s8 =	sadd.s32 $0x140, s8;
	s12 =	sadd.s32 $0xC800, s5;
	s13 =	sadd.s32 $0xF000, s5  }
0x8: {  	s14 =	sadd.s32 $0x11800, s5;
	s1 =	ssub.s32 s1, s2;
	s2 =	sor.u32 s15, s4  }
0x9: {  	s4 =	smul.u32 $0x2800, s9;
	s9 =	sadd.s32 $0x7800, s5;
	s11 =	sshll.u32 s8, $0x7  }
0xa: {  	s18 =	sadd.s32 s5, s17;
	s19 =	sadd.s32 s17, s6;
	s24 =	sadd.s32 s17, s7  }
0xb: {  	s15 =	smul.u32 $0x28000, s15;
	s18 =	sshrl.u32 s18, $0x3;
	s23 =	sshrl.u32 s19, $0x3  }
0xc: {  	s25 =	sshrl.u32 s24, $0x3;
	s26 =	sadd.s32 s17, s9;
	s21 =	sadd.s32 s17, s11  }
0xd: {  	s10 =	sor.u32 $0x400, s4;
	s18 =	sadd.s32 s16, s18;
	s20 =	sshrl.u32 s26, $0x3  }
0xe: {  	s22 =	sshrl.u32 s21, $0x3;
	[dreg:$0x7] =	wrdreg s18;
	s18 =	sadd.s32 s16, s23  }
0xf: {  	s29 =	sadd.s32 $0x1C00, s4;
	s23 =	sadd.s32 s17, s12;
	[dreg:$0x8] =	wrdreg s18  }
0x10: {  	s18 =	sadd.s32 s16, s25;
	s24 =	sshrl.u32 s23, $0x3;
	s25 =	sadd.s32 s17, s13  }
0x11: {  	s17 =	sadd.s32 s17, s14;
	[dreg:$0x9] =	wrdreg s18;
	s18 =	sadd.s32 s16, s20  }
0x12: {  	s19 =	sshrl.u32 s25, $0x3;
	[dreg:$0xa] =	wrdreg s18;
	s18 =	sadd.s32 s16, s22  }
0x13: {  	s17 =	sshrl.u32 s17, $0x3;
	s26 =	sadd.s32 s16, s19;
	[dreg:$0xb] =	wrdreg s18  }
0x14: {  	s20 =	sadd.s32 s15, s10;
	s18 =	sadd.s32 s16, s24;
	[dreg:$0xd] =	wrdreg s26  }
0x15: {  	s19 =	sadd.s32 s4, s15;
	s16 =	sadd.s32 s16, s17;
	[dreg:$0xc] =	wrdreg s18  }
0x16: {  	[dreg:$0xe] =	wrdreg s16;
	s16 =	sshrl.u32 s19, $0x3;
	s18 =	sadd.s32 $0x14C00, s3  }
0x17: {  	s17 =	sshrl.u32 s20, $0x3;
	s24 =	sadd.s32 $0x1000, s4;
	s16 =	sadd.s32 s18, s16  }
0x18: {  	s20 =	sadd.s32 s15, s24;
	s21 =	sadd.s32 s18, s17;
	[dreg:$0xf] =	wrdreg s16  }
0x19: {  	s17 =	sadd.s32 $0x800, s4;
	s26 =	sshrl.u32 s20, $0x3;
	[dreg:$0x10] =	wrdreg s21  }
0x1a: {  	s21 =	sadd.s32 $0xC00, s4;
	s22 =	sadd.s32 s15, s17;
	s19 =	sadd.s32 s18, s26  }
0x1b: {  	s16 =	sshrl.u32 s22, $0x3;
	s23 =	sadd.s32 s15, s21;
	[dreg:$0x13] =	wrdreg s19  }
0x1c: {  	s16 =	sadd.s32 s18, s16;
	s25 =	sshrl.u32 s23, $0x3;
	s23 =	sadd.s32 s15, s29  }
0x1d: {  	[dreg:$0x11] =	wrdreg s16;
	s16 =	sadd.s32 s18, s25;
	s19 =	sshrl.u32 s23, $0x3  }
0x1e: {  	s8 =	sshll.u32 s8, $0x4;
	[dreg:$0x12] =	wrdreg s16;
	s19 =	sadd.s32 s18, s19  }
0x1f: {  	s20 =	sadd.s32 s15, s8;
	s25 =	sadd.s32 $0x1800, s4;
	[dreg:$0x16] =	wrdreg s19  }
0x20: {  	s16 =	sshrl.u32 s20, $0x3;
	s22 =	sadd.s32 s15, s25;
	s19 =	rddreg [dreg:$0x2]  }
0x21: {  	s16 =	sadd.s32 s18, s16;
	s26 =	sshrl.u32 s22, $0x3;
	s22 =	rddreg [dreg:$0x4]  }
0x22: {  	s30 =	sadd.s32 $0x2000, s4;
	s31 =	sadd.s32 $0x2400, s4;
	[dreg:$0x14] =	wrdreg s16  }
0x23: {  	s23 =	sadd.s32 s15, s30;
	s15 =	sadd.s32 s15, s31;
	s16 =	rddreg [dreg:$0x0]  }
0x24: {  	s20 =	sadd.s32 s18, s26;
	s26 =	sshrl.u32 s23, $0x3;
	s23 =	rddreg [dreg:$0x5]  }
0x25: {  	s15 =	sshrl.u32 s15, $0x3;
	[dreg:$0x15] =	wrdreg s20  }
0x26: {  	s15 =	sadd.s32 s18, s15;
	s20 =	rddreg [dreg:$0x3]  }
0x27: {  	s28 =	sadd.s32 $0xE00, s3;
	s26 =	sadd.s32 s18, s26;
	[dreg:$0x18] =	wrdreg s15  }
0x28: {  	[dreg:$0x17] =	wrdreg s26;
	s26 =	sadd.s32 $0xAC00, s3;
	s3 =	sadd.s32 $0x14A00, s3  }
0x29: {  	s15 =	sadd.s32 s5, s22;
	_ =	strace $0x80000047;
	[dreg:$0x19] =	wrdreg s3  }
0x2a: {  	s18 =	sadd.s32 s6, s22;
	[dreg:$0x1a] =	wrdreg s15  }
0x2b: {  	s5 =	sadd.s32 s12, s22;
	[dreg:$0x1b] =	wrdreg s18  }
0x2c: {  	s6 =	sadd.s32 s13, s22;
	[dreg:$0x1d] =	wrdreg s5  }
0x2d: {  	s12 =	sadd.s32 s14, s22;
	[dreg:$0x1e] =	wrdreg s6  }
0x2e: {  	s13 =	sadd.s32 s4, s23;
	[dreg:$0x1f] =	wrdreg s12  }
0x2f: {  	s14 =	sadd.s32 s17, s23;
	[smem:$0x7F3] =	sst s13  }
0x30: {  	s17 =	sadd.s32 s24, s23;
	[smem:$0x7F4] =	sst s14  }
0x31: {  	s1 =	smax.u32 s1, $0x1;
	s24 =	sadd.s32 s30, s23;
	[smem:$0x7F6] =	sst s17  }
0x32: {  	s7 =	sadd.s32 s7, s22;
	s9 =	sadd.s32 s9, s22;
	[smem:$0x7F9] =	sst s24  }
0x33: {  	s11 =	sadd.s32 s11, s22;
	s10 =	sadd.s32 s10, s23;
	[smem:$0x7FB] =	sst s1  }
0x34: {  	s8 =	sadd.s32 s8, s23;
	s30 =	simm.s32 $0x50;
	[dreg:$0x1c] =	wrdreg s11  }
0x35: {  	s4 =	simm.s32 $0x0;
	s15 =	sadd.s32 s21, s23;
	[smem:$0x7FC] =	sst s10  }
0x36: {  	s18 =	sadd.s32 s25, s23;
	s21 =	sadd.s32 s29, s23;
	[smem:$0x7FD] =	sst s8  }
0x37: {  	s14 =	smul.u32 $0x2710, s2;
	s25 =	sadd.s32 s31, s23;
	[smem:$0x7F5] =	sst s15  }
0x38: {  	s29 =	simm.s32 $0x2;
	s24 =	simm.s32 $0x58F8;
	[smem:$0x7F7] =	sst s18  }
0x39: {  	s31 =	simm.s32 $0xA0;
	s1 =	simm.s32 $0x1;
	[smem:$0x7F8] =	sst s21  }
0x3a: {  	s3 =	simm.s32 $0x53E8;
	[smem:$0x7FA] =	sst s25;
	s18 =	smul.u32 $0x9C40, s2  }
0x3b: {  	v0 =	vimm.f32 $0.0e+00;
	v1 =	vimm.f32 $1.000000000e+00;
	v2 =	vlaneseq.u32;
	s25 =	simm.s32 $0x3E8;
	s21 =	simm.s32 $0x2BE8;
	s2 =	simm.s32 $0x58E8  }
.LBB2_1:
0x3c: {  	s5 =	simm.s32 $0x0;
	s6 =	simm.s32 $0x200  }
.LBB2_2:
0x3d: {  	p0 =	sne.s32 s6, $0x9E00;
	[tilespmem:s5+$0x458] =	vst v0  }
0x3e: {  	[tilespmem:s5+$0x3E8] =	vst v0  }
0x3f: {  	[tilespmem:s5+$0x3F8] =	vst v0  }
.Ltmp0:
0x40: {  	[tilespmem:s5+$0x408] =	vst v0;
	(pc) =	sbr.rel @p0 .LBB2_2-.Ltmp0, $4  }
0x41: {  	[tilespmem:s5+$0x418] =	vst v0  }
0x42: {  	[tilespmem:s5+$0x428] =	vst v0  }
0x43: {  	[tilespmem:s5+$0x438] =	vst v0  }
0x44: {  	[tilespmem:s5+$0x448] =	vst v0;
	s5 =	sshra.s32 s6, $0x2;
	s6 =	sadd.s32 $0x200, s6  }
0x45: {  	[tilespmem:s5+$0x458] =	vst v0  }
0x46: {  	[tilespmem:s5+$0x3E8] =	vst v0  }
0x47: {  	[tilespmem:s5+$0x3F8] =	vst v0  }
0x48: {  	[tilespmem:s5+$0x408] =	vst v0  }
0x49: {  	[tilespmem:s5+$0x418] =	vst v0  }
0x4a: {  	[tilespmem:s5+$0x428] =	vst v0  }
0x4b: {  	[tilespmem:s5+$0x438] =	vst v0  }
0x4c: {  	[tilespmem:s5+$0x448] =	vst v0;
	s5 =	simm.s32 $0x40;
	s6 =	simm.s32 $0x0  }
.LBB2_4:
0x4d: {  	p0 =	sne.s32 s5, $0xFC0;
	[tilespmem:s6+$0x58F8] =	vst v0;
	s6 =	smov.u32 s5;
	s5 =	sadd.s32 $0x40, s5  }
.Ltmp1:
0x4e: {  	(pc) =	sbr.rel @p0 .LBB2_4-.Ltmp1, $2  }
0x4f: {  	_ =	sdelay $0x2  }
0x50: {  	s6 =	sshra.s32 s6, $0x2  }
0x51: {  	[tilespmem:s6+$0x58F8] =	vst v0;
	s5 =	simm.s32 $0x40;
	s6 =	simm.s32 $0x0  }
.LBB2_6:
0x52: {  	p0 =	sne.s32 s5, $0x13C0;
	[tilespmem:s6+$0x53E8] =	vst v1;
	s6 =	smov.u32 s5;
	s5 =	sadd.s32 $0x40, s5  }
.Ltmp2:
0x53: {  	(pc) =	sbr.rel @p0 .LBB2_6-.Ltmp2, $2  }
0x54: {  	_ =	sdelay $0x2  }
0x55: {  	s6 =	sshra.s32 s6, $0x2  }
0x56: {  	[tilespmem:s6+$0x53E8] =	vst v1;
	s5 =	rddreg [dreg:$0x1a]  }
0x57: {  	[spmem:s5] =	stream.linear.scatter [tilespmem:s25], [sflag:$0x2], $0x2800, $0x38;
	[tilespmem:$0x1C4F8] =	vst v63  }
0x58: {  	_ =	swait.ge [sflag:s29], $0x2800  }
0x59: {  	[sflag:s29] =	ssyncset.done $0x0  }
0x5a: {  	s6 =	rddreg [dreg:$0x1b];
	[sflag:s29] =	ssyncadd.s32 $0xFFFFD800  }
0x5b: {  	[spmem:s6] =	stream.linear.scatter [tilespmem:s25], [sflag:$0x2], $0x2800, $0x38;
	[tilespmem:$0x1C4F8] =	vst v63  }
0x5c: {  	_ =	swait.ge [sflag:s29], $0x2800  }
0x5d: {  	[sflag:s29] =	ssyncset.done $0x0  }
0x5e: {  	[sflag:s29] =	ssyncadd.s32 $0xFFFFD800  }
0x5f: {  	[spmem:s7] =	stream.linear.scatter [tilespmem:s25], [sflag:$0x2], $0x2800, $0x38;
	[tilespmem:$0x1C4F8] =	vst v63  }
0x60: {  	_ =	swait.ge [sflag:s29], $0x2800  }
0x61: {  	[sflag:s29] =	ssyncset.done $0x0  }
0x62: {  	[sflag:s29] =	ssyncadd.s32 $0xFFFFD800  }
0x63: {  	[spmem:s9] =	stream.linear.scatter [tilespmem:s25], [sflag:$0x2], $0x2800, $0x38;
	[tilespmem:$0x1C4F8] =	vst v63  }
0x64: {  	_ =	swait.ge [sflag:s29], $0x2800  }
0x65: {  	[sflag:s29] =	ssyncset.done $0x0  }
0x66: {  	[sflag:s29] =	ssyncadd.s32 $0xFFFFD800  }
0x67: {  	[spmem:s11] =	stream.linear.scatter [tilespmem:s25], [sflag:$0x2], $0x2800, $0x38;
	[tilespmem:$0x1C4F8] =	vst v63  }
0x68: {  	_ =	swait.ge [sflag:s29], $0x2800  }
0x69: {  	[sflag:s29] =	ssyncset.done $0x0  }
0x6a: {  	s15 =	smov.u32 s7;
	s7 =	rddreg [dreg:$0x1d];
	[sflag:s29] =	ssyncadd.s32 $0xFFFFD800  }
0x6b: {  	[spmem:s7] =	stream.linear.scatter [tilespmem:s25], [sflag:$0x2], $0x2800, $0x38;
	[tilespmem:$0x1C4F8] =	vst v63  }
0x6c: {  	_ =	swait.ge [sflag:s29], $0x2800  }
0x6d: {  	[sflag:s29] =	ssyncset.done $0x0  }
0x6e: {  	s17 =	smov.u32 s9;
	s9 =	rddreg [dreg:$0x1e];
	[sflag:s29] =	ssyncadd.s32 $0xFFFFD800  }
0x6f: {  	[spmem:s9] =	stream.linear.scatter [tilespmem:s25], [sflag:$0x2], $0x2800, $0x38;
	[tilespmem:$0x1C4F8] =	vst v63  }
0x70: {  	_ =	swait.ge [sflag:s29], $0x2800  }
0x71: {  	[sflag:s29] =	ssyncset.done $0x0  }
0x72: {  	s11 =	rddreg [dreg:$0x1f];
	[sflag:s29] =	ssyncadd.s32 $0xFFFFD800  }
0x73: {  	[spmem:s11] =	stream.linear.scatter [tilespmem:s25], [sflag:$0x2], $0x2800, $0x38;
	[tilespmem:$0x1C4F8] =	vst v63  }
0x74: {  	_ =	swait.ge [sflag:s29], $0x2800  }
0x75: {  	s12 =	sld [smem:$0x7F3]  }
0x76: {  	[sflag:s29] =	ssyncset.done $0x0  }
0x77: {  	[sflag:s29] =	ssyncadd.s32 $0xFFFFD800  }
0x78: {  	[spmem:s12] =	stream.linear.scatter [tilespmem:s24], [sflag:$0x2], $0x400, $0x38;
	[tilespmem:$0x1C4F8] =	vst v63  }
0x79: {  	_ =	swait.ge [sflag:s29], $0x400  }
0x7a: {  	[sflag:s29] =	ssyncset.done $0x0  }
0x7b: {  	[sflag:s29] =	ssyncadd.s32 $0xFFFFFC00  }
0x7c: {  	[spmem:s10] =	stream.linear.scatter [tilespmem:s24], [sflag:$0x2], $0x400, $0x38;
	[tilespmem:$0x1C4F8] =	vst v63  }
0x7d: {  	_ =	swait.ge [sflag:s29], $0x400  }
0x7e: {  	s13 =	sld [smem:$0x7F4]  }
0x7f: {  	[sflag:s29] =	ssyncset.done $0x0  }
0x80: {  	[sflag:s29] =	ssyncadd.s32 $0xFFFFFC00  }
0x81: {  	[spmem:s13] =	stream.linear.scatter [tilespmem:s24], [sflag:$0x2], $0x400, $0x38;
	[tilespmem:$0x1C4F8] =	vst v63  }
0x82: {  	_ =	swait.ge [sflag:s29], $0x400  }
0x83: {  	s6 =	sld [smem:$0x7F5]  }
0x84: {  	[sflag:s29] =	ssyncset.done $0x0  }
0x85: {  	[sflag:s29] =	ssyncadd.s32 $0xFFFFFC00  }
0x86: {  	[spmem:s6] =	stream.linear.scatter [tilespmem:s24], [sflag:$0x2], $0x400, $0x38;
	[tilespmem:$0x1C4F8] =	vst v63  }
0x87: {  	_ =	swait.ge [sflag:s29], $0x400  }
0x88: {  	s7 =	sld [smem:$0x7F6]  }
0x89: {  	[sflag:s29] =	ssyncset.done $0x0  }
0x8a: {  	[sflag:s29] =	ssyncadd.s32 $0xFFFFFC00  }
0x8b: {  	[spmem:s7] =	stream.linear.scatter [tilespmem:s24], [sflag:$0x2], $0x400, $0x38;
	[tilespmem:$0x1C4F8] =	vst v63  }
0x8c: {  	_ =	swait.ge [sflag:s29], $0x400  }
0x8d: {  	[sflag:s29] =	ssyncset.done $0x0  }
0x8e: {  	[sflag:s29] =	ssyncadd.s32 $0xFFFFFC00  }
0x8f: {  	[spmem:s8] =	stream.linear.scatter [tilespmem:s24], [sflag:$0x2], $0x400, $0x38;
	[tilespmem:$0x1C4F8] =	vst v63  }
0x90: {  	_ =	swait.ge [sflag:s29], $0x400  }
0x91: {  	s8 =	sld [smem:$0x7F7]  }
0x92: {  	[sflag:s29] =	ssyncset.done $0x0  }
0x93: {  	[sflag:s29] =	ssyncadd.s32 $0xFFFFFC00  }
0x94: {  	[spmem:s8] =	stream.linear.scatter [tilespmem:s24], [sflag:$0x2], $0x400, $0x38;
	[tilespmem:$0x1C4F8] =	vst v63  }
0x95: {  	_ =	swait.ge [sflag:s29], $0x400  }
0x96: {  	s9 =	sld [smem:$0x7F8]  }
0x97: {  	[sflag:s29] =	ssyncset.done $0x0  }
0x98: {  	[sflag:s29] =	ssyncadd.s32 $0xFFFFFC00  }
0x99: {  	[spmem:s9] =	stream.linear.scatter [tilespmem:s24], [sflag:$0x2], $0x400, $0x38;
	[tilespmem:$0x1C4F8] =	vst v63  }
0x9a: {  	_ =	swait.ge [sflag:s29], $0x400  }
0x9b: {  	s10 =	sld [smem:$0x7F9]  }
0x9c: {  	[sflag:s29] =	ssyncset.done $0x0  }
0x9d: {  	[sflag:s29] =	ssyncadd.s32 $0xFFFFFC00  }
0x9e: {  	[spmem:s10] =	stream.linear.scatter [tilespmem:s24], [sflag:$0x2], $0x400, $0x38;
	[tilespmem:$0x1C4F8] =	vst v63  }
0x9f: {  	_ =	swait.ge [sflag:s29], $0x400  }
0xa0: {  	s11 =	sld [smem:$0x7FA]  }
0xa1: {  	[sflag:s29] =	ssyncset.done $0x0  }
0xa2: {  	[sflag:s29] =	ssyncadd.s32 $0xFFFFFC00  }
0xa3: {  	[spmem:s11] =	stream.linear.scatter [tilespmem:s24], [sflag:$0x2], $0x400, $0x38;
	[tilespmem:$0x1C4F8] =	vst v63  }
0xa4: {  	_ =	swait.ge [sflag:s29], $0x400  }
0xa5: {  	s5 =	simm.s32 $0x0;
	[sflag:s29] =	ssyncset.done $0x0  }
0xa6: {  	s13 =	simm.s32 $0x1E0;
	s12 =	rddreg [dreg:$0x19];
	[sflag:s29] =	ssyncadd.s32 $0xFFFFFC00  }
0xa7: {  	[tilespmem:s13], [sflag:$0x2] =	stream.linear.gather [hbm4b:s12+s5], $0x208, $0x38;
	[tilespmem:$0x1C4F8] =	vst v63  }
0xa8: {  	_ =	swait.ge [sflag:s29], $0x208  }
0xa9: {  	[sflag:s29] =	ssyncset.done $0x0  }
0xaa: {  	[sflag:s29] =	ssyncadd.s32 $0xFFFFFDF8  }
0xab: {  	s6 =	simm.s32 $0x0;
	[bflag:$0x0] =	sbarrier.arrive $0xFFFF  }
.LBB2_8:
0xac: {  	s7 =	smul.u32 $0x50, s6;
	_ =	sdelay $0x1  }
0xad: {  	s7 =	sadd.s32 s14, s7  }
0xae: {  	s8 =	sshrl.u32 s7, $0x3  }
0xaf: {  	s9 =	sadd.s32 s26, s8  }
0xb0: {  	[tilespmem:s5], [sflag:$0x2] =	stream.linear.gather [hbm4b:s9+s5], $0x50, $0x38;
	[tilespmem:$0x1C4F8] =	vst v63  }
0xb1: {  	_ =	swait.ge [sflag:s29], $0x50  }
0xb2: {  	[sflag:s29] =	ssyncset.done $0x0  }
0xb3: {  	s12 =	smul.u32 $0x140, s6;
	s8 =	sadd.s32 s28, s8;
	[sflag:s29] =	ssyncadd.s32 $0xFFFFFFB0  }
0xb4: {  	[tilespmem:s30], [sflag:$0x2] =	stream.linear.gather [hbm4b:s8+s5], $0x50, $0x38;
	[tilespmem:$0x1C4F8] =	vst v63  }
0xb5: {  	s13 =	sadd.s32 s18, s12;
	_ =	swait.ge [sflag:s29], $0x50  }
0xb6: {  	s8 =	sshrl.u32 s13, $0x3;
	[sflag:s29] =	ssyncset.done $0x0  }
0xb7: {  	s8 =	sadd.s32 s19, s8;
	[sflag:s29] =	ssyncadd.s32 $0xFFFFFFB0  }
0xb8: {  	[tilespmem:s31], [sflag:$0x2] =	stream.linear.gather [hbm4b:s8+s5], $0x140, $0x38;
	[tilespmem:$0x1C4F8] =	vst v63  }
0xb9: {  	_ =	swait.ge [sflag:s29], $0x140  }
0xba: {  	[sflag:s29] =	ssyncset.done $0x0  }
0xbb: {  	[sflag:s29] =	ssyncadd.s32 $0xFFFFFEC0  }
0xbc: {  	[tilespmem:s25], [sflag:$0x1] =	stream.indirect.gather [hbm4b:s16+s30], $0x80, s5, s30, $0xb8;
	[tilespmem:$0x1C4F8] =	vst v63  }
0xbd: {  	_ = 	snop  }
0xbe: {  	[tilespmem:s21], [sflag:$0x1] =	stream.indirect.gather [hbm4b:s16+s30], $0x80, s30, s30, $0xb8;
	[tilespmem:$0x1C4F8] =	vst v63  }
0xbf: {  	_ =	swait.ge [sflag:s1], $0x2800  }
0xc0: {  	[sflag:s1] =	ssyncset.done $0x0  }
0xc1: {  	[sflag:s1] =	ssyncadd.s32 $0xFFFFD800  }
0xc2: {  	_ =	swait.ge [sflag:s1], $0x2800  }
0xc3: {  	[sflag:s1] =	ssyncset.done $0x0  }
0xc4: {  	s11 =	simm.s32 $0x2C28;
	[sflag:s1] =	ssyncadd.s32 $0xFFFFD800  }
0xc5: {  	s10 =	simm.s32 $0x428;
	v3 =	vld [tilespmem:s11+$0xFFFFFFC0]  }
0xc6: {  	v4 =	vld [tilespmem:s10+$0xFFFFFFC0];
	_ =	sdelay $0x4  }
0xc7: {  	v3 =	vsub.f32 v4, v3;
	_ =	sdelay $0x1  }
0xc8: {  	v4 =	vld [tilespmem:s11+$0xFFFFFFD0];
	[tilespmem:s11+$0xFFFFFFC0] =	vst v3  }
0xc9: {  	v5 =	vld [tilespmem:s10+$0xFFFFFFD0];
	_ =	sdelay $0x4  }
0xca: {  	v4 =	vsub.f32 v5, v4;
	_ =	sdelay $0x1  }
0xcb: {  	v5 =	vld [tilespmem:s11+$0xFFFFFFE0];
	[tilespmem:s11+$0xFFFFFFD0] =	vst v4  }
0xcc: {  	v6 =	vld [tilespmem:s10+$0xFFFFFFE0];
	_ =	sdelay $0x4  }
0xcd: {  	v5 =	vsub.f32 v6, v5;
	_ =	sdelay $0x1  }
0xce: {  	v6 =	vld [tilespmem:s11+$0xFFFFFFF0];
	[tilespmem:s11+$0xFFFFFFE0] =	vst v5  }
0xcf: {  	v7 =	vld [tilespmem:s10+$0xFFFFFFF0];
	_ =	sdelay $0x4  }
0xd0: {  	v6 =	vsub.f32 v7, v6;
	_ =	sdelay $0x1  }
0xd1: {  	v7 =	vld [tilespmem:s11+$0x0];
	[tilespmem:s11+$0xFFFFFFF0] =	vst v6  }
0xd2: {  	v8 =	vld [tilespmem:s10+$0x0];
	_ =	sdelay $0x4  }
0xd3: {  	v7 =	vsub.f32 v8, v7;
	_ =	sdelay $0x1  }
0xd4: {  	v3 =	vmul.f32 v3, v3;
	v4 =	vmul.f32 v4, v4;
	v8 =	vld [tilespmem:s11+$0x10];
	[tilespmem:s11+$0x0] =	vst v7  }
0xd5: {  	v9 =	vld [tilespmem:s10+$0x10]  }
0xd6: {  	v3 =	vadd.f32 v4, v3;
	v4 =	vmul.f32 v5, v5;
	_ =	sdelay $0x1  }
0xd7: {  	v3 =	vadd.f32 v4, v3;
	v4 =	vmul.f32 v6, v6;
	_ =	sdelay $0x1  }
0xd8: {  	v4 =	vadd.f32 v4, v3;
	v6 =	vmul.f32 v7, v7;
	v5 =	vsub.f32 v9, v8  }
0xd9: {  	s12 =	simm.s32 $0x2C28  }
0xda: {  	s9 =	simm.s32 $0x0;
	s13 =	simm.s32 $0x2;
	s8 =	simm.s32 $0x1;
	v3 =	vimm.f32 $0.0e+00;
	v4 =	vadd.f32 v6, v4;
	v6 =	vld [tilespmem:s11+$0x20];
	[tilespmem:s11+$0x10] =	vst v5;
	v5 =	vmul.f32 v5, v5  }
.LBB2_9:
0xdb: {  	p0 =	sne.s32 s13, $0xF;
	v7 =	vld [tilespmem:s10+$0x20]  }
0xdc: {  	v4 =	vadd.f32 v5, v4;
	_ =	sdelay $0x3  }
0xdd: {  	v5 =	vsub.f32 v7, v6;
	_ =	sdelay $0x1  }
0xde: {  	[tilespmem:s11+$0x20] =	vst v5;
	v5 =	vmul.f32 v5, v5;
	v6 =	vld [tilespmem:s11+$0x30]  }
0xdf: {  	v7 =	vld [tilespmem:s10+$0x30]  }
0xe0: {  	v4 =	vadd.f32 v5, v4;
	_ =	sdelay $0x3  }
0xe1: {  	v5 =	vsub.f32 v7, v6  }
0xe2: {  	s11 =	sadd.s32 $0x80, s11  }
0xe3: {  	s10 =	sadd.s32 $0x80, s10;
	v6 =	vld [tilespmem:s11+$0xFFFFFFC0];
	[tilespmem:s12+$0x30] =	vst v5;
	v5 =	vmul.f32 v5, v5;
	s12 =	smov.u32 s11  }
0xe4: {  	v7 =	vld [tilespmem:s10+$0xFFFFFFC0]  }
0xe5: {  	v4 =	vadd.f32 v5, v4;
	_ =	sdelay $0x1  }
0xe6: {  	(xrf2) =	vadd.scan.msk.f32 $0xffff, v4;
	_ =	sdelay $0x1  }
0xe7: {  	v4 =	vsub.f32 v7, v6;
	_ =	sdelay $0x1  }
0xe8: {  	[tilespmem:s11+$0xFFFFFFC0] =	vst v4;
	v4 =	vmul.f32 v4, v4;
	v5 =	vld [tilespmem:s11+$0xFFFFFFD0]  }
0xe9: {  	v6 =	vld [tilespmem:s10+$0xFFFFFFD0];
	_ =	sdelay $0x4  }
0xea: {  	v5 =	vsub.f32 v6, v5;
	v6, _, _ =	vpop (xrf2)  }
0xeb: {  	v7 =	vmov s9;
	s9 =	smov.u32 s8;
	s8 =	smov.u32 s13;
	v6 =	vbroadcast v6, $0xF  }
0xec: {  	vm0 =	veq.s32 v7, v2;
	[tilespmem:s11+$0xFFFFFFD0] =	vst v5;
	v5 =	vmul.f32 v5, v5;
	v8 =	vld [tilespmem:s11+$0xFFFFFFE0]  }
0xed: {  	v7 =	vld [tilespmem:s10+$0xFFFFFFE0];
	v3 =	vsel vm0, v6, v3  }
0xee: {  	v4 =	vadd.f32 v5, v4;
	_ =	sdelay $0x3  }
0xef: {  	v5 =	vsub.f32 v7, v8;
	_ =	sdelay $0x1  }
0xf0: {  	[tilespmem:s11+$0xFFFFFFE0] =	vst v5;
	v5 =	vmul.f32 v5, v5;
	v6 =	vld [tilespmem:s11+$0xFFFFFFF0]  }
0xf1: {  	v7 =	vld [tilespmem:s10+$0xFFFFFFF0]  }
0xf2: {  	v4 =	vadd.f32 v5, v4;
	_ =	sdelay $0x3  }
0xf3: {  	v5 =	vsub.f32 v7, v6;
	_ =	sdelay $0x1  }
0xf4: {  	[tilespmem:s11+$0xFFFFFFF0] =	vst v5;
	v5 =	vmul.f32 v5, v5;
	v6 =	vld [tilespmem:s11+$0x0]  }
0xf5: {  	v7 =	vld [tilespmem:s10+$0x0]  }
0xf6: {  	v4 =	vadd.f32 v5, v4;
	_ =	sdelay $0x3  }
0xf7: {  	v5 =	vsub.f32 v7, v6;
	_ =	sdelay $0x1  }
0xf8: {  	[tilespmem:s11+$0x0] =	vst v5;
	v5 =	vmul.f32 v5, v5;
	v6 =	vld [tilespmem:s11+$0x10]  }
0xf9: {  	v7 =	vld [tilespmem:s10+$0x10]  }
0xfa: {  	v4 =	vadd.f32 v5, v4;
	_ =	sdelay $0x1  }
.Ltmp3:
0xfb: {  	(pc) =	sbr.rel @p0 .LBB2_9-.Ltmp3, $3  }
0xfc: {  	_ = 	snop  }
0xfd: {  	v5 =	vsub.f32 v7, v6;
	_ =	sdelay $0x1  }
0xfe: {  	s13 =	sadd.s32 $0x1, s13;
	[tilespmem:s11+$0x10] =	vst v5;
	v5 =	vmul.f32 v5, v5;
	v6 =	vld [tilespmem:s11+$0x20]  }
0xff: {  	v7 =	vld [tilespmem:s10+$0x20];
	_ =	sdelay $0x4  }
0x100: {  	v6 =	vsub.f32 v7, v6;
	_ =	sdelay $0x1  }
0x101: {  	v7 =	vld [tilespmem:s11+$0x30];
	[tilespmem:s11+$0x20] =	vst v6  }
0x102: {  	v8 =	vld [tilespmem:s10+$0x30];
	_ =	sdelay $0x4  }
0x103: {  	v7 =	vsub.f32 v8, v7  }
0x104: {  	s11 =	sadd.s32 $0x80, s11  }
0x105: {  	s13 =	sadd.s32 $0x80, s10;
	v8 =	vld [tilespmem:s11+$0xFFFFFFC0];
	[tilespmem:s12+$0x30] =	vst v7  }
0x106: {  	v9 =	vld [tilespmem:s13+$0xFFFFFFC0];
	_ =	sdelay $0x4  }
0x107: {  	v8 =	vsub.f32 v9, v8;
	_ =	sdelay $0x1  }
0x108: {  	v9 =	vld [tilespmem:s11+$0xFFFFFFD0];
	[tilespmem:s11+$0xFFFFFFC0] =	vst v8  }
0x109: {  	v10 =	vld [tilespmem:s13+$0xFFFFFFD0];
	_ =	sdelay $0x4  }
0x10a: {  	v9 =	vsub.f32 v10, v9;
	_ =	sdelay $0x1  }
0x10b: {  	v10 =	vld [tilespmem:s11+$0xFFFFFFE0];
	[tilespmem:s11+$0xFFFFFFD0] =	vst v9  }
0x10c: {  	v11 =	vld [tilespmem:s13+$0xFFFFFFE0];
	_ =	sdelay $0x4  }
0x10d: {  	v10 =	vsub.f32 v11, v10;
	_ =	sdelay $0x1  }
0x10e: {  	v11 =	vld [tilespmem:s11+$0xFFFFFFF0];
	[tilespmem:s11+$0xFFFFFFE0] =	vst v10  }
0x10f: {  	v12 =	vld [tilespmem:s13+$0xFFFFFFF0];
	_ =	sdelay $0x4  }
0x110: {  	v11 =	vsub.f32 v12, v11;
	_ =	sdelay $0x1  }
0x111: {  	v12 =	vld [tilespmem:s11+$0x0];
	[tilespmem:s11+$0xFFFFFFF0] =	vst v11  }
0x112: {  	v13 =	vld [tilespmem:s13+$0x0];
	_ =	sdelay $0x4  }
0x113: {  	v12 =	vsub.f32 v13, v12;
	_ =	sdelay $0x1  }
0x114: {  	v13 =	vld [tilespmem:s11+$0x10];
	[tilespmem:s11+$0x0] =	vst v12  }
0x115: {  	v14 =	vld [tilespmem:s13+$0x10];
	_ =	sdelay $0x4  }
0x116: {  	v13 =	vsub.f32 v14, v13;
	_ =	sdelay $0x1  }
0x117: {  	v14 =	vld [tilespmem:s11+$0x20];
	[tilespmem:s11+$0x10] =	vst v13  }
0x118: {  	v15 =	vld [tilespmem:s13+$0x20];
	_ =	sdelay $0x2  }
0x119: {  	v8 =	vmul.f32 v8, v8;
	v9 =	vmul.f32 v9, v9;
	_ =	sdelay $0x1  }
0x11a: {  	v8 =	vadd.f32 v9, v8;
	v9 =	vmul.f32 v10, v10;
	v10 =	vsub.f32 v15, v14;
	_ =	sdelay $0x1  }
0x11b: {  	v8 =	vadd.f32 v9, v8;
	v9 =	vmul.f32 v11, v11;
	v11 =	vld [tilespmem:s11+$0x30];
	[tilespmem:s11+$0x20] =	vst v10  }
0x11c: {  	v14 =	vld [tilespmem:s13+$0x30]  }
0x11d: {  	v8 =	vadd.f32 v9, v8;
	v9 =	vmul.f32 v12, v12;
	_ =	sdelay $0x1  }
0x11e: {  	v8 =	vadd.f32 v9, v8;
	v9 =	vmul.f32 v13, v13  }
0x11f: {  	v4 =	vadd.f32 v5, v4;
	v5 =	vmul.f32 v6, v6  }
0x120: {  	v6 =	vadd.f32 v9, v8;
	v8 =	vmul.f32 v10, v10;
	v9 =	vsub.f32 v14, v11  }
0x121: {  	v4 =	vadd.f32 v5, v4;
	v5 =	vmul.f32 v7, v7  }
0x122: {  	v6 =	vadd.f32 v8, v6;
	v7 =	vmul.f32 v9, v9  }
0x123: {  	v4 =	vadd.f32 v5, v4  }
0x124: {  	v5 =	vadd.f32 v7, v6  }
0x125: {  	(xrf2) =	vadd.scan.msk.f32 $0xffff, v4  }
0x126: {  	(xrf2) =	vadd.scan.msk.f32 $0xffff, v5;
	_ =	sdelay $0x8  }
0x127: {  	v4, _, _ =	vpop (xrf2)  }
0x128: {  	v4 =	vbroadcast v4, $0xF;
	v5 =	vmov s9;
	v6, _, _ =	vpop (xrf2)  }
0x129: {  	vm0 =	veq.s32 v5, v2;
	v5 =	vmov s8;
	v6 =	vbroadcast v6, $0xF  }
0x12a: {  	v3 =	vsel vm0, v4, v3;
	vm15 =	veq.s32 v5, v2  }
0x12b: {  	v5 =	vsel vm15, v6, v3  }
0x12c: {  	v3 =	vshrl.u32 v5, $0x1;
	v4 =	vmul.f32 $5.000000000e-01, v5  }
0x12d: {  	v3 =	vsub.s32 $0x5F3759DF, v3  }
0x12e: {  	v6 =	vmul.f32 v3, v4;
	_ =	sdelay $0x1  }
0x12f: {  	v6 =	vmul.f32 v3, v6;
	_ =	sdelay $0x1  }
0x130: {  	v6 =	vsub.f32 $1.500000000e+00, v6;
	_ =	sdelay $0x1  }
0x131: {  	v3 =	vmul.f32 v3, v6;
	_ =	sdelay $0x1  }
0x132: {  	v6 =	vmul.f32 v3, v4;
	_ =	sdelay $0x1  }
0x133: {  	v6 =	vmul.f32 v6, v3;
	_ =	sdelay $0x1  }
0x134: {  	v6 =	vsub.f32 $1.500000000e+00, v6;
	_ =	sdelay $0x1  }
0x135: {  	s10 =	simm.s32 $0x0;
	[tilespmem:s11+$0x30] =	vst v9;
	v3 =	vmul.f32 v6, v3  }
0x136: {  	v9 =	vld [tilespmem:s10+$0x1E0]  }
0x137: {  	v4 =	vmul.f32 v3, v4  }
0x138: {  	v7 =	vld [tilespmem:$0xA0]  }
0x139: {  	s11 =	simm.s32 $0x8;
	v4 =	vmul.f32 v4, v3  }
0x13a: {  	v18 =	vld [tilespmem:s11+$0x1E0]  }
0x13b: {  	v11 =	vbroadcast v9, $0x1;
	v4 =	vsub.f32 $1.500000000e+00, v4  }
0x13c: {  	s12 =	simm.s32 $0x10;
	v10 =	vbroadcast v9, $0x7  }
0x13d: {  	v16 =	vmul.f32 v11, v7;
	v11 =	vld [tilespmem:s12+$0x1E0];
	v3 =	vmul.f32 v4, v3  }
0x13e: {  	v13 =	vbroadcast v9, $0x3;
	v21 =	vbroadcast v9, $0x5  }
0x13f: {  	v15 =	vbroadcast v18, $0x0;
	v4 =	vld [tilespmem:$0xF0];
	v6 =	vmul.f32 v3, v5  }
0x140: {  	v19 =	vbroadcast v18, $0x2;
	vm0 =	vgt.f32 v5, $0.0e+00;
	v5 =	vbroadcast v9, $0x0  }
0x141: {  	v22 =	vbroadcast v18, $0x3;
	v24 =	vbroadcast v9, $0x6;
	v8 =	vnsel vm0, $0x0, v6  }
0x142: {  	v26 =	vbroadcast v11, $0x2;
	v12 =	vmul.f32 v5, v8;
	v5 =	vld [tilespmem:$0x140]  }
0x143: {  	v29 =	vbroadcast v11, $0x1;
	v3 =	vld [tilespmem:$0x190];
	v6 =	vbroadcast v9, $0x2  }
0x144: {  	v20 =	vmul.f32 v15, v8;
	v23 =	vmul.f32 v19, v4  }
0x145: {  	v15 =	vbroadcast v18, $0x5;
	v14 =	vmul.f32 v6, v4;
	v12 =	vadd.f32 v16, v12  }
0x146: {  	v19 =	vbroadcast v11, $0x0;
	v6 =	vbroadcast v9, $0x4  }
0x147: {  	v16 =	vbroadcast v18, $0x4;
	v12 =	vadd.f32 v12, v14;
	v14 =	vmul.f32 v13, v5  }
0x148: {  	v9 =	vbroadcast v11, $0x7;
	v17 =	vmul.f32 v6, v3  }
0x149: {  	v13 =	vmul.f32 v16, v3;
	v16 =	vbroadcast v18, $0x1;
	v14 =	vadd.f32 v12, v14  }
0x14a: {  	s13 =	simm.s32 $0x18;
	v19 =	vmul.f32 v19, v8;
	v6 =	vbroadcast v18, $0x7  }
0x14b: {  	v22 =	vmul.f32 v22, v5;
	v25 =	vmul.f32 v16, v7;
	v12 =	vld [tilespmem:s13+$0x1E0];
	v27 =	vadd.f32 v14, v17  }
0x14c: {  	v16 =	vbroadcast v11, $0x3;
	v17 =	vmul.f32 v26, v4  }
0x14d: {  	v26 =	vbroadcast v11, $0x4;
	v25 =	vadd.f32 v25, v20;
	v27 =	vadd.f32 v27, v21  }
0x14e: {  	v28 =	vimm.f32 $0.0e+00;
	v14 =	vbroadcast v11, $0x5;
	v20 =	vbroadcast v18, $0x6  }
0x14f: {  	v18 =	vmul.f32 v26, v3;
	v25 =	vadd.f32 v25, v23;
	v30 =	vmul.f32 v27, v24  }
0x150: {  	v23 =	vbroadcast v12, $0x0;
	v21 =	vbroadcast v12, $0x7;
	v26 =	vand.u32 $0x7FFFFFFF, v27  }
0x151: {  	s8 =	simm.s32 $0x80;
	v24 =	vmul.f32 v29, v7;
	v25 =	vadd.f32 v25, v22;
	v22 =	vadd.f32 v30, v28  }
.LBB2_11:
0x152: {  	s9 =	sshra.s32 s8, $0x2;
	p0 =	sne.s32 s8, $0x7E0;
	s8 =	sadd.s32 $0x20, s8;
	v27 =	vbroadcast v12, $0x2;
	v26 =	vmul.f32 v26, v10;
	v10 =	vmovc v6;
	v6 =	vmovc v9;
	v9 =	vmov v21  }
0x153: {  	v21 =	vmul.f32 v23, v8;
	v23 =	vbroadcast v12, $0x3;
	v28 =	vld [tilespmem:s9+$0x1E0];
	v25 =	vadd.f32 v25, v13;
	v13 =	vmovc v18  }
0x154: {  	v18 =	vbroadcast v12, $0x4;
	v24 =	vadd.f32 v24, v19;
	v27 =	vmul.f32 v27, v4  }
.Ltmp4:
0x155: {  	v29 =	vbroadcast v12, $0x5;
	v30 =	vbroadcast v11, $0x6;
	v11 =	vmovc v12;
	v19 =	vmovc v21;
	v25 =	vadd.f32 v25, v15;
	(pc) =	sbr.rel @p0 .LBB2_11-.Ltmp4, $4  }
0x156: {  	v32 =	vmul.f32 v16, v5;
	v16 =	vmovc v23;
	v18 =	vmul.f32 v18, v3;
	v31 =	vadd.f32 v24, v17  }
0x157: {  	v22 =	vadd.f32 v26, v22;
	v24 =	vbroadcast v11, $0x1;
	v15 =	vmovc v14;
	v17 =	vmovc v27;
	v33 =	vmul.f32 v25, v20  }
0x158: {  	v14 =	vmovc v29;
	v26 =	vand.u32 $0x7FFFFFFF, v25;
	v23 =	vbroadcast v28, $0x0;
	v21 =	vbroadcast v28, $0x7;
	v12 =	vmovc v28  }
0x159: {  	v24 =	vmul.f32 v24, v7;
	v25 =	vadd.f32 v31, v32;
	v20 =	vmovc v30;
	v22 =	vadd.f32 v33, v22  }
0x15a: {  	_ = 	snop  }
0x15b: {  	v27 =	vbroadcast v12, $0x2;
	v60 =	vbroadcast v12, $0x1;
	v19 =	vadd.f32 v24, v19  }
0x15c: {  	v10 =	vmul.f32 v26, v10;
	v8 =	vmul.f32 v23, v8;
	v13 =	vadd.f32 v25, v13  }
0x15d: {  	v16 =	vmul.f32 v16, v5;
	v7 =	vmul.f32 v60, v7;
	v17 =	vadd.f32 v19, v17  }
0x15e: {  	v61 =	vbroadcast v12, $0x3;
	v62 =	vbroadcast v12, $0x4;
	v13 =	vadd.f32 v13, v15  }
0x15f: {  	v4 =	vmul.f32 v27, v4;
	v7 =	vadd.f32 v7, v8;
	v16 =	vadd.f32 v17, v16  }
0x160: {  	v10 =	vadd.f32 v10, v22;
	v8 =	vbroadcast v11, $0x6;
	v11 =	vmul.f32 v13, v20  }
0x161: {  	v5 =	vmul.f32 v61, v5;
	v4 =	vadd.f32 v7, v4;
	v16 =	vadd.f32 v16, v18  }
0x162: {  	v3 =	vmul.f32 v62, v3;
	v7 =	vand.u32 $0x7FFFFFFF, v13;
	v10 =	vadd.f32 v11, v10  }
0x163: {  	v6 =	vmul.f32 v7, v6;
	v4 =	vadd.f32 v4, v5;
	v7 =	vadd.f32 v16, v14  }
0x164: {  	v5 =	vbroadcast v12, $0x5  }
0x165: {  	v6 =	vadd.f32 v6, v10;
	v3 =	vadd.f32 v4, v3;
	v8 =	vmul.f32 v7, v8  }
0x166: {  	v4 =	vbroadcast v12, $0x6;
	v7 =	vand.u32 $0x7FFFFFFF, v7  }
0x167: {  	v7 =	vmul.f32 v7, v9;
	v3 =	vadd.f32 v3, v5;
	v6 =	vadd.f32 v8, v6;
	_ =	sdelay $0x1  }
0x168: {  	v4 =	vmul.f32 v3, v4;
	v5 =	vadd.f32 v7, v6  }
0x169: {  	v3 =	vand.u32 $0x7FFFFFFF, v3  }
0x16a: {  	v3 =	vmul.f32 v3, v21;
	v4 =	vadd.f32 v4, v5;
	_ =	sdelay $0x1  }
0x16b: {  	s8 =	simm.s32 $0x0;
	v3 =	vadd.f32 v3, v4  }
0x16c: {  	v4 =	vmov s8  }
0x16d: {  	s9 =	simm.s32 $0x2C28;
	[tilespmem:$0x58E8] =	vst v3  }
0x16e: {  	v7 =	vld [tilespmem:s9+$0x30]  }
0x16f: {  	v10 =	vld [tilespmem:s9+$0x10]  }
0x170: {  	v8 =	vld [tilespmem:s9+$0xFFFFFFC0]  }
0x171: {  	v4 =	vld.idx.msk [tilespmem:v4+s2+$0x0], $0xffff  }
0x172: {  	v63 =	vld [tilespmem:s9+$0xFFFFFFE0]  }
0x173: {  	v3 =	vld [tilespmem:s9+$0xFFFFFFF0]  }
0x174: {  	v5 =	vld [tilespmem:s9+$0x20]  }
0x175: {  	v6 =	vld [tilespmem:s9+$0xFFFFFFD0]  }
0x176: {  	v11 =	vmul.f32 v7, v4;
	v7 =	vld [tilespmem:s9+$0x0]  }
0x177: {  	v9 =	vmul.f32 v8, v4  }
0x178: {  	s10 =	simm.s32 $0x1;
	s11 =	simm.s32 $0x2C28;
	v8 =	vmul.f32 v63, v4;
	v10 =	vmul.f32 v10, v4  }
.LBB2_13:
0x179: {  	p0 =	sne.s32 s10, $0xF  }
0x17a: {  	v6 =	vmul.f32 v6, v4;
	v5 =	vmul.f32 v5, v4;
	[tilespmem:s9+$0x30] =	vst v11;
	s11 =	sadd.s32 $0x80, s11;
	s12 =	smov.u32 s10;
	s10 =	sadd.s32 $0x1, s10  }
0x17b: {  	[tilespmem:s9+$0xFFFFFFC0] =	vst v9;
	v9 =	vmul.f32 v3, v4;
	v4 =	vmul.f32 v7, v4  }
0x17c: {  	[tilespmem:s9+$0x10] =	vst v10  }
0x17d: {  	v7 =	vmov s12;
	[tilespmem:s9+$0xFFFFFFE0] =	vst v8  }
0x17e: {  	v3 =	vld [tilespmem:s11+$0xFFFFFFF0];
	[tilespmem:s9+$0xFFFFFFF0] =	vst v9  }
0x17f: {  	v8 =	vld [tilespmem:s11+$0x30];
	[tilespmem:s9+$0x0] =	vst v4  }
0x180: {  	v10 =	vld [tilespmem:s11+$0x10];
	[tilespmem:s9+$0x20] =	vst v5  }
0x181: {  	v9 =	vld [tilespmem:s11+$0xFFFFFFC0];
	[tilespmem:s9+$0xFFFFFFD0] =	vst v6;
	s9 =	smov.u32 s11  }
0x182: {  	v4 =	vld.idx.msk [tilespmem:v7+s2+$0x0], $0xffff  }
0x183: {  	v12 =	vld [tilespmem:s11+$0xFFFFFFE0]  }
0x184: {  	v5 =	vld [tilespmem:s11+$0x20]  }
.Ltmp5:
0x185: {  	v6 =	vld [tilespmem:s11+$0xFFFFFFD0];
	(pc) =	sbr.rel @p0 .LBB2_13-.Ltmp5, $3  }
0x186: {  	v7 =	vld [tilespmem:s11+$0x0];
	_ =	sdelay $0x1  }
0x187: {  	v9 =	vmul.f32 v9, v4;
	v11 =	vmul.f32 v8, v4  }
0x188: {  	v10 =	vmul.f32 v10, v4;
	v8 =	vmul.f32 v12, v4  }
0x189: {  	[tilespmem:s9+$0x30] =	vst v11  }
0x18a: {  	[tilespmem:s9+$0xFFFFFFC0] =	vst v9  }
0x18b: {  	v3 =	vmul.f32 v3, v4;
	[tilespmem:s9+$0x10] =	vst v10  }
0x18c: {  	v5 =	vmul.f32 v5, v4;
	[tilespmem:s9+$0xFFFFFFE0] =	vst v8  }
0x18d: {  	v7 =	vmul.f32 v7, v4;
	[tilespmem:s9+$0xFFFFFFF0] =	vst v3  }
0x18e: {  	v3 =	vmul.f32 v6, v4;
	[tilespmem:s9+$0x20] =	vst v5  }
0x18f: {  	[tilespmem:s9+$0x0] =	vst v7  }
0x190: {  	s11 =	simm.s32 $0x3458;
	[tilespmem:s9+$0xFFFFFFD0] =	vst v3  }
0x191: {  	s10 =	simm.s32 $0xC58;
	v3 =	vld [tilespmem:s11+$0xFFFFFF90]  }
0x192: {  	v4 =	vld [tilespmem:s10+$0xFFFFFF90];
	_ =	sdelay $0x4  }
0x193: {  	v3 =	vsub.f32 v4, v3;
	_ =	sdelay $0x1  }
0x194: {  	v4 =	vld [tilespmem:s11+$0xFFFFFFA0];
	[tilespmem:s11+$0xFFFFFF90] =	vst v3  }
0x195: {  	v5 =	vld [tilespmem:s10+$0xFFFFFFA0];
	_ =	sdelay $0x4  }
0x196: {  	v4 =	vsub.f32 v5, v4;
	_ =	sdelay $0x1  }
0x197: {  	v5 =	vld [tilespmem:s11+$0xFFFFFFB0];
	[tilespmem:s11+$0xFFFFFFA0] =	vst v4  }
0x198: {  	v6 =	vld [tilespmem:s10+$0xFFFFFFB0];
	_ =	sdelay $0x4  }
0x199: {  	v5 =	vsub.f32 v6, v5;
	_ =	sdelay $0x1  }
0x19a: {  	v6 =	vld [tilespmem:s11+$0xFFFFFFC0];
	[tilespmem:s11+$0xFFFFFFB0] =	vst v5  }
0x19b: {  	v7 =	vld [tilespmem:s10+$0xFFFFFFC0];
	_ =	sdelay $0x4  }
0x19c: {  	v6 =	vsub.f32 v7, v6;
	_ =	sdelay $0x1  }
0x19d: {  	v7 =	vld [tilespmem:s11+$0xFFFFFFD0];
	[tilespmem:s11+$0xFFFFFFC0] =	vst v6  }
0x19e: {  	v8 =	vld [tilespmem:s10+$0xFFFFFFD0];
	_ =	sdelay $0x4  }
0x19f: {  	v7 =	vsub.f32 v8, v7;
	_ =	sdelay $0x1  }
0x1a0: {  	v3 =	vmul.f32 v3, v3;
	v4 =	vmul.f32 v4, v4;
	v8 =	vld [tilespmem:s11+$0xFFFFFFE0];
	[tilespmem:s11+$0xFFFFFFD0] =	vst v7  }
0x1a1: {  	v9 =	vld [tilespmem:s10+$0xFFFFFFE0]  }
0x1a2: {  	v3 =	vadd.f32 v4, v3;
	v4 =	vmul.f32 v5, v5;
	_ =	sdelay $0x1  }
0x1a3: {  	v3 =	vadd.f32 v4, v3;
	v4 =	vmul.f32 v6, v6;
	_ =	sdelay $0x1  }
0x1a4: {  	v4 =	vadd.f32 v4, v3;
	v6 =	vmul.f32 v7, v7;
	v5 =	vsub.f32 v9, v8;
	_ =	sdelay $0x1  }
0x1a5: {  	s13 =	simm.s32 $0x2;
	s12 =	simm.s32 $0x3458;
	s9 =	simm.s32 $0x1;
	v3 =	vimm.f32 $0.0e+00;
	v4 =	vadd.f32 v6, v4;
	v6 =	vld [tilespmem:s11+$0xFFFFFFF0];
	[tilespmem:s11+$0xFFFFFFE0] =	vst v5;
	v5 =	vmul.f32 v5, v5  }
.LBB2_15:
0x1a6: {  	p0 =	sne.s32 s13, $0xF;
	v7 =	vld [tilespmem:s10+$0xFFFFFFF0]  }
0x1a7: {  	v4 =	vadd.f32 v5, v4;
	_ =	sdelay $0x3  }
0x1a8: {  	v5 =	vsub.f32 v7, v6;
	_ =	sdelay $0x1  }
0x1a9: {  	[tilespmem:s11+$0xFFFFFFF0] =	vst v5;
	v5 =	vmul.f32 v5, v5;
	v6 =	vld [tilespmem:s11+$0x0]  }
0x1aa: {  	v7 =	vld [tilespmem:s10+$0x0]  }
0x1ab: {  	v4 =	vadd.f32 v5, v4;
	_ =	sdelay $0x3  }
0x1ac: {  	v5 =	vsub.f32 v7, v6  }
0x1ad: {  	s11 =	sadd.s32 $0x80, s11  }
0x1ae: {  	s10 =	sadd.s32 $0x80, s10;
	v6 =	vld [tilespmem:s11+$0xFFFFFF90];
	[tilespmem:s12+$0x0] =	vst v5;
	v5 =	vmul.f32 v5, v5;
	s12 =	smov.u32 s11  }
0x1af: {  	v7 =	vld [tilespmem:s10+$0xFFFFFF90]  }
0x1b0: {  	v4 =	vadd.f32 v5, v4;
	_ =	sdelay $0x1  }
0x1b1: {  	(xrf2) =	vadd.scan.msk.f32 $0xffff, v4;
	_ =	sdelay $0x1  }
0x1b2: {  	v4 =	vsub.f32 v7, v6;
	_ =	sdelay $0x1  }
0x1b3: {  	[tilespmem:s11+$0xFFFFFF90] =	vst v4;
	v4 =	vmul.f32 v4, v4;
	v5 =	vld [tilespmem:s11+$0xFFFFFFA0]  }
0x1b4: {  	v6 =	vld [tilespmem:s10+$0xFFFFFFA0];
	_ =	sdelay $0x4  }
0x1b5: {  	v5 =	vsub.f32 v6, v5;
	v6, _, _ =	vpop (xrf2)  }
0x1b6: {  	v7 =	vmov s8;
	s8 =	smov.u32 s9;
	s9 =	smov.u32 s13;
	v6 =	vbroadcast v6, $0xF  }
0x1b7: {  	vm0 =	veq.s32 v7, v2;
	[tilespmem:s11+$0xFFFFFFA0] =	vst v5;
	v5 =	vmul.f32 v5, v5;
	v8 =	vld [tilespmem:s11+$0xFFFFFFB0]  }
0x1b8: {  	v7 =	vld [tilespmem:s10+$0xFFFFFFB0];
	v3 =	vsel vm0, v6, v3  }
0x1b9: {  	v4 =	vadd.f32 v5, v4;
	_ =	sdelay $0x3  }
0x1ba: {  	v5 =	vsub.f32 v7, v8;
	_ =	sdelay $0x1  }
0x1bb: {  	[tilespmem:s11+$0xFFFFFFB0] =	vst v5;
	v5 =	vmul.f32 v5, v5;
	v6 =	vld [tilespmem:s11+$0xFFFFFFC0]  }
0x1bc: {  	v7 =	vld [tilespmem:s10+$0xFFFFFFC0]  }
0x1bd: {  	v4 =	vadd.f32 v5, v4;
	_ =	sdelay $0x3  }
0x1be: {  	v5 =	vsub.f32 v7, v6;
	_ =	sdelay $0x1  }
0x1bf: {  	[tilespmem:s11+$0xFFFFFFC0] =	vst v5;
	v5 =	vmul.f32 v5, v5;
	v6 =	vld [tilespmem:s11+$0xFFFFFFD0]  }
0x1c0: {  	v7 =	vld [tilespmem:s10+$0xFFFFFFD0]  }
0x1c1: {  	v4 =	vadd.f32 v5, v4;
	_ =	sdelay $0x3  }
0x1c2: {  	v5 =	vsub.f32 v7, v6;
	_ =	sdelay $0x1  }
0x1c3: {  	[tilespmem:s11+$0xFFFFFFD0] =	vst v5;
	v5 =	vmul.f32 v5, v5;
	v6 =	vld [tilespmem:s11+$0xFFFFFFE0]  }
0x1c4: {  	v7 =	vld [tilespmem:s10+$0xFFFFFFE0]  }
0x1c5: {  	v4 =	vadd.f32 v5, v4;
	_ =	sdelay $0x1  }
.Ltmp6:
0x1c6: {  	(pc) =	sbr.rel @p0 .LBB2_15-.Ltmp6, $3  }
0x1c7: {  	_ = 	snop  }
0x1c8: {  	v5 =	vsub.f32 v7, v6;
	_ =	sdelay $0x1  }
0x1c9: {  	s13 =	sadd.s32 $0x1, s13;
	[tilespmem:s11+$0xFFFFFFE0] =	vst v5;
	v5 =	vmul.f32 v5, v5;
	v6 =	vld [tilespmem:s11+$0xFFFFFFF0]  }
0x1ca: {  	v7 =	vld [tilespmem:s10+$0xFFFFFFF0];
	_ =	sdelay $0x4  }
0x1cb: {  	v6 =	vsub.f32 v7, v6;
	_ =	sdelay $0x1  }
0x1cc: {  	v7 =	vld [tilespmem:s11+$0x0];
	[tilespmem:s11+$0xFFFFFFF0] =	vst v6  }
0x1cd: {  	v8 =	vld [tilespmem:s10+$0x0];
	_ =	sdelay $0x4  }
0x1ce: {  	v7 =	vsub.f32 v8, v7  }
0x1cf: {  	s11 =	sadd.s32 $0x80, s11  }
0x1d0: {  	s13 =	sadd.s32 $0x80, s10;
	v8 =	vld [tilespmem:s11+$0xFFFFFF90];
	[tilespmem:s12+$0x0] =	vst v7  }
0x1d1: {  	v9 =	vld [tilespmem:s13+$0xFFFFFF90];
	_ =	sdelay $0x4  }
0x1d2: {  	v8 =	vsub.f32 v9, v8;
	_ =	sdelay $0x1  }
0x1d3: {  	v9 =	vld [tilespmem:s11+$0xFFFFFFA0];
	[tilespmem:s11+$0xFFFFFF90] =	vst v8  }
0x1d4: {  	v10 =	vld [tilespmem:s13+$0xFFFFFFA0];
	_ =	sdelay $0x4  }
0x1d5: {  	v9 =	vsub.f32 v10, v9;
	_ =	sdelay $0x1  }
0x1d6: {  	v10 =	vld [tilespmem:s11+$0xFFFFFFB0];
	[tilespmem:s11+$0xFFFFFFA0] =	vst v9  }
0x1d7: {  	v11 =	vld [tilespmem:s13+$0xFFFFFFB0];
	_ =	sdelay $0x4  }
0x1d8: {  	v10 =	vsub.f32 v11, v10;
	_ =	sdelay $0x1  }
0x1d9: {  	v11 =	vld [tilespmem:s11+$0xFFFFFFC0];
	[tilespmem:s11+$0xFFFFFFB0] =	vst v10  }
0x1da: {  	v12 =	vld [tilespmem:s13+$0xFFFFFFC0];
	_ =	sdelay $0x4  }
0x1db: {  	v11 =	vsub.f32 v12, v11;
	_ =	sdelay $0x1  }
0x1dc: {  	v12 =	vld [tilespmem:s11+$0xFFFFFFD0];
	[tilespmem:s11+$0xFFFFFFC0] =	vst v11  }
0x1dd: {  	v13 =	vld [tilespmem:s13+$0xFFFFFFD0];
	_ =	sdelay $0x4  }
0x1de: {  	v12 =	vsub.f32 v13, v12;
	_ =	sdelay $0x1  }
0x1df: {  	v13 =	vld [tilespmem:s11+$0xFFFFFFE0];
	[tilespmem:s11+$0xFFFFFFD0] =	vst v12  }
0x1e0: {  	v14 =	vld [tilespmem:s13+$0xFFFFFFE0];
	_ =	sdelay $0x4  }
0x1e1: {  	v13 =	vsub.f32 v14, v13;
	_ =	sdelay $0x1  }
0x1e2: {  	v14 =	vld [tilespmem:s11+$0xFFFFFFF0];
	[tilespmem:s11+$0xFFFFFFE0] =	vst v13  }
0x1e3: {  	v15 =	vld [tilespmem:s13+$0xFFFFFFF0];
	_ =	sdelay $0x2  }
0x1e4: {  	v8 =	vmul.f32 v8, v8;
	v9 =	vmul.f32 v9, v9;
	_ =	sdelay $0x1  }
0x1e5: {  	v8 =	vadd.f32 v9, v8;
	v9 =	vmul.f32 v10, v10;
	v10 =	vsub.f32 v15, v14;
	_ =	sdelay $0x1  }
0x1e6: {  	v8 =	vadd.f32 v9, v8;
	v9 =	vmul.f32 v11, v11;
	v11 =	vld [tilespmem:s11+$0x0];
	[tilespmem:s11+$0xFFFFFFF0] =	vst v10  }
0x1e7: {  	v14 =	vld [tilespmem:s13+$0x0]  }
0x1e8: {  	v8 =	vadd.f32 v9, v8;
	v9 =	vmul.f32 v12, v12;
	_ =	sdelay $0x1  }
0x1e9: {  	v8 =	vadd.f32 v9, v8;
	v9 =	vmul.f32 v13, v13  }
0x1ea: {  	v4 =	vadd.f32 v5, v4;
	v5 =	vmul.f32 v6, v6  }
0x1eb: {  	v6 =	vadd.f32 v9, v8;
	v8 =	vmul.f32 v10, v10;
	v9 =	vsub.f32 v14, v11  }
0x1ec: {  	v4 =	vadd.f32 v5, v4;
	v5 =	vmul.f32 v7, v7  }
0x1ed: {  	v6 =	vadd.f32 v8, v6;
	v7 =	vmul.f32 v9, v9  }
0x1ee: {  	v4 =	vadd.f32 v5, v4  }
0x1ef: {  	v5 =	vadd.f32 v7, v6  }
0x1f0: {  	(xrf2) =	vadd.scan.msk.f32 $0xffff, v4  }
0x1f1: {  	(xrf2) =	vadd.scan.msk.f32 $0xffff, v5;
	_ =	sdelay $0x8  }
0x1f2: {  	v4, _, _ =	vpop (xrf2)  }
0x1f3: {  	v4 =	vbroadcast v4, $0xF;
	v5 =	vmov s8;
	v6, _, _ =	vpop (xrf2)  }
0x1f4: {  	vm0 =	veq.s32 v5, v2;
	v5 =	vmov s9;
	v6 =	vbroadcast v6, $0xF  }
0x1f5: {  	v3 =	vsel vm0, v4, v3;
	vm15 =	veq.s32 v5, v2  }
0x1f6: {  	v5 =	vsel vm15, v6, v3  }
0x1f7: {  	v3 =	vshrl.u32 v5, $0x1;
	v4 =	vmul.f32 $5.000000000e-01, v5  }
0x1f8: {  	v3 =	vsub.s32 $0x5F3759DF, v3  }
0x1f9: {  	v6 =	vmul.f32 v3, v4;
	_ =	sdelay $0x1  }
0x1fa: {  	v6 =	vmul.f32 v3, v6;
	_ =	sdelay $0x1  }
0x1fb: {  	v6 =	vsub.f32 $1.500000000e+00, v6;
	_ =	sdelay $0x1  }
0x1fc: {  	v3 =	vmul.f32 v3, v6;
	_ =	sdelay $0x1  }
0x1fd: {  	v6 =	vmul.f32 v3, v4;
	_ =	sdelay $0x1  }
0x1fe: {  	v6 =	vmul.f32 v6, v3;
	_ =	sdelay $0x1  }
0x1ff: {  	v6 =	vsub.f32 $1.500000000e+00, v6;
	_ =	sdelay $0x1  }
0x200: {  	s10 =	simm.s32 $0x0;
	[tilespmem:s11+$0x0] =	vst v9;
	v3 =	vmul.f32 v6, v3  }
0x201: {  	v9 =	vld [tilespmem:s10+$0x1E0]  }
0x202: {  	v4 =	vmul.f32 v3, v4  }
0x203: {  	v7 =	vld [tilespmem:$0xB0]  }
0x204: {  	s11 =	simm.s32 $0x8;
	v4 =	vmul.f32 v4, v3  }
0x205: {  	v18 =	vld [tilespmem:s11+$0x1E0]  }
0x206: {  	v11 =	vbroadcast v9, $0x1;
	v4 =	vsub.f32 $1.500000000e+00, v4  }
0x207: {  	s12 =	simm.s32 $0x10;
	v10 =	vbroadcast v9, $0x7  }
0x208: {  	v16 =	vmul.f32 v11, v7;
	v11 =	vld [tilespmem:s12+$0x1E0];
	v3 =	vmul.f32 v4, v3  }
0x209: {  	v13 =	vbroadcast v9, $0x3;
	v21 =	vbroadcast v9, $0x5  }
0x20a: {  	v15 =	vbroadcast v18, $0x0;
	v4 =	vld [tilespmem:$0x100];
	v6 =	vmul.f32 v3, v5  }
0x20b: {  	v19 =	vbroadcast v18, $0x2;
	vm0 =	vgt.f32 v5, $0.0e+00;
	v5 =	vbroadcast v9, $0x0  }
0x20c: {  	v22 =	vbroadcast v18, $0x3;
	v24 =	vbroadcast v9, $0x6;
	v8 =	vnsel vm0, $0x0, v6  }
0x20d: {  	v26 =	vbroadcast v11, $0x2;
	v12 =	vmul.f32 v5, v8;
	v5 =	vld [tilespmem:$0x150]  }
0x20e: {  	v29 =	vbroadcast v11, $0x1;
	v3 =	vld [tilespmem:$0x1A0];
	v6 =	vbroadcast v9, $0x2  }
0x20f: {  	v20 =	vmul.f32 v15, v8;
	v23 =	vmul.f32 v19, v4  }
0x210: {  	v15 =	vbroadcast v18, $0x5;
	v14 =	vmul.f32 v6, v4;
	v12 =	vadd.f32 v16, v12  }
0x211: {  	v19 =	vbroadcast v11, $0x0;
	v6 =	vbroadcast v9, $0x4  }
0x212: {  	v16 =	vbroadcast v18, $0x4;
	v12 =	vadd.f32 v12, v14;
	v14 =	vmul.f32 v13, v5  }
0x213: {  	v9 =	vbroadcast v11, $0x7;
	v17 =	vmul.f32 v6, v3  }
0x214: {  	v13 =	vmul.f32 v16, v3;
	v16 =	vbroadcast v18, $0x1;
	v14 =	vadd.f32 v12, v14  }
0x215: {  	s13 =	simm.s32 $0x18;
	v19 =	vmul.f32 v19, v8;
	v6 =	vbroadcast v18, $0x7  }
0x216: {  	v22 =	vmul.f32 v22, v5;
	v25 =	vmul.f32 v16, v7;
	v12 =	vld [tilespmem:s13+$0x1E0];
	v27 =	vadd.f32 v14, v17  }
0x217: {  	v16 =	vbroadcast v11, $0x3;
	v17 =	vmul.f32 v26, v4  }
0x218: {  	v26 =	vbroadcast v11, $0x4;
	v25 =	vadd.f32 v25, v20;
	v27 =	vadd.f32 v27, v21  }
0x219: {  	v28 =	vimm.f32 $0.0e+00;
	v14 =	vbroadcast v11, $0x5;
	v20 =	vbroadcast v18, $0x6  }
0x21a: {  	v18 =	vmul.f32 v26, v3;
	v25 =	vadd.f32 v25, v23;
	v30 =	vmul.f32 v27, v24  }
0x21b: {  	v23 =	vbroadcast v12, $0x0;
	v21 =	vbroadcast v12, $0x7;
	v26 =	vand.u32 $0x7FFFFFFF, v27  }
0x21c: {  	s8 =	simm.s32 $0x80;
	v24 =	vmul.f32 v29, v7;
	v25 =	vadd.f32 v25, v22;
	v22 =	vadd.f32 v30, v28  }
.LBB2_17:
0x21d: {  	s9 =	sshra.s32 s8, $0x2;
	p0 =	sne.s32 s8, $0x7E0;
	s8 =	sadd.s32 $0x20, s8;
	v27 =	vbroadcast v12, $0x2;
	v26 =	vmul.f32 v26, v10;
	v10 =	vmovc v6;
	v6 =	vmovc v9;
	v9 =	vmov v21  }
0x21e: {  	v21 =	vmul.f32 v23, v8;
	v23 =	vbroadcast v12, $0x3;
	v28 =	vld [tilespmem:s9+$0x1E0];
	v25 =	vadd.f32 v25, v13;
	v13 =	vmovc v18  }
0x21f: {  	v18 =	vbroadcast v12, $0x4;
	v24 =	vadd.f32 v24, v19;
	v27 =	vmul.f32 v27, v4  }
.Ltmp7:
0x220: {  	v29 =	vbroadcast v12, $0x5;
	v30 =	vbroadcast v11, $0x6;
	v11 =	vmovc v12;
	v19 =	vmovc v21;
	v25 =	vadd.f32 v25, v15;
	(pc) =	sbr.rel @p0 .LBB2_17-.Ltmp7, $4  }
0x221: {  	v32 =	vmul.f32 v16, v5;
	v16 =	vmovc v23;
	v18 =	vmul.f32 v18, v3;
	v31 =	vadd.f32 v24, v17  }
0x222: {  	v22 =	vadd.f32 v26, v22;
	v24 =	vbroadcast v11, $0x1;
	v15 =	vmovc v14;
	v17 =	vmovc v27;
	v33 =	vmul.f32 v25, v20  }
0x223: {  	v14 =	vmovc v29;
	v26 =	vand.u32 $0x7FFFFFFF, v25;
	v23 =	vbroadcast v28, $0x0;
	v21 =	vbroadcast v28, $0x7;
	v12 =	vmovc v28  }
0x224: {  	v24 =	vmul.f32 v24, v7;
	v25 =	vadd.f32 v31, v32;
	v20 =	vmovc v30;
	v22 =	vadd.f32 v33, v22  }
0x225: {  	_ = 	snop  }
0x226: {  	v27 =	vbroadcast v12, $0x2;
	v60 =	vbroadcast v12, $0x1;
	v19 =	vadd.f32 v24, v19  }
0x227: {  	v10 =	vmul.f32 v26, v10;
	v8 =	vmul.f32 v23, v8;
	v13 =	vadd.f32 v25, v13  }
0x228: {  	v16 =	vmul.f32 v16, v5;
	v7 =	vmul.f32 v60, v7;
	v17 =	vadd.f32 v19, v17  }
0x229: {  	v61 =	vbroadcast v12, $0x3;
	v62 =	vbroadcast v12, $0x4;
	v13 =	vadd.f32 v13, v15  }
0x22a: {  	v4 =	vmul.f32 v27, v4;
	v7 =	vadd.f32 v7, v8;
	v16 =	vadd.f32 v17, v16  }
0x22b: {  	v10 =	vadd.f32 v10, v22;
	v8 =	vbroadcast v11, $0x6;
	v11 =	vmul.f32 v13, v20  }
0x22c: {  	v5 =	vmul.f32 v61, v5;
	v4 =	vadd.f32 v7, v4;
	v16 =	vadd.f32 v16, v18  }
0x22d: {  	v3 =	vmul.f32 v62, v3;
	v7 =	vand.u32 $0x7FFFFFFF, v13;
	v10 =	vadd.f32 v11, v10  }
0x22e: {  	v6 =	vmul.f32 v7, v6;
	v4 =	vadd.f32 v4, v5;
	v7 =	vadd.f32 v16, v14  }
0x22f: {  	v5 =	vbroadcast v12, $0x5  }
0x230: {  	v6 =	vadd.f32 v6, v10;
	v3 =	vadd.f32 v4, v3;
	v8 =	vmul.f32 v7, v8  }
0x231: {  	v4 =	vbroadcast v12, $0x6;
	v7 =	vand.u32 $0x7FFFFFFF, v7  }
0x232: {  	v7 =	vmul.f32 v7, v9;
	v3 =	vadd.f32 v3, v5;
	v6 =	vadd.f32 v8, v6;
	_ =	sdelay $0x1  }
0x233: {  	v4 =	vmul.f32 v3, v4;
	v5 =	vadd.f32 v7, v6  }
0x234: {  	v3 =	vand.u32 $0x7FFFFFFF, v3  }
0x235: {  	v3 =	vmul.f32 v3, v21;
	v4 =	vadd.f32 v4, v5;
	_ =	sdelay $0x1  }
0x236: {  	s8 =	simm.s32 $0x0;
	v3 =	vadd.f32 v3, v4  }
0x237: {  	v4 =	vmov s8  }
0x238: {  	s9 =	simm.s32 $0x3458;
	[tilespmem:$0x58E8] =	vst v3  }
0x239: {  	v7 =	vld [tilespmem:s9+$0x0]  }
0x23a: {  	v10 =	vld [tilespmem:s9+$0xFFFFFFE0]  }
0x23b: {  	v8 =	vld [tilespmem:s9+$0xFFFFFF90]  }
0x23c: {  	v3 =	vld.idx.msk [tilespmem:v4+s2+$0x0], $0xffff  }
0x23d: {  	v63 =	vld [tilespmem:s9+$0xFFFFFFB0]  }
0x23e: {  	v5 =	vld [tilespmem:s9+$0xFFFFFFC0]  }
0x23f: {  	v6 =	vld [tilespmem:s9+$0xFFFFFFA0]  }
0x240: {  	v4 =	vld [tilespmem:s9+$0xFFFFFFF0]  }
0x241: {  	v11 =	vmul.f32 v7, v3;
	v7 =	vld [tilespmem:s9+$0xFFFFFFD0]  }
0x242: {  	v9 =	vmul.f32 v8, v3  }
0x243: {  	s10 =	simm.s32 $0x1;
	s11 =	simm.s32 $0x3458;
	v8 =	vmul.f32 v63, v3;
	v10 =	vmul.f32 v10, v3  }
.LBB2_19:
0x244: {  	p0 =	sne.s32 s10, $0xF  }
0x245: {  	v6 =	vmul.f32 v6, v3;
	v12 =	vmul.f32 v4, v3;
	[tilespmem:s9+$0x0] =	vst v11;
	s11 =	sadd.s32 $0x80, s11;
	s12 =	smov.u32 s10;
	s10 =	sadd.s32 $0x1, s10  }
0x246: {  	v5 =	vmul.f32 v5, v3;
	[tilespmem:s9+$0xFFFFFF90] =	vst v9;
	v3 =	vmul.f32 v7, v3  }
0x247: {  	[tilespmem:s9+$0xFFFFFFE0] =	vst v10  }
0x248: {  	v7 =	vmov s12;
	[tilespmem:s9+$0xFFFFFFB0] =	vst v8  }
0x249: {  	v4 =	vld [tilespmem:s11+$0xFFFFFFF0];
	[tilespmem:s9+$0xFFFFFFC0] =	vst v5  }
0x24a: {  	v8 =	vld [tilespmem:s11+$0x0];
	[tilespmem:s9+$0xFFFFFFD0] =	vst v3  }
0x24b: {  	v5 =	vld [tilespmem:s11+$0xFFFFFFC0];
	[tilespmem:s9+$0xFFFFFFF0] =	vst v12  }
0x24c: {  	v10 =	vld [tilespmem:s11+$0xFFFFFFE0];
	[tilespmem:s9+$0xFFFFFFA0] =	vst v6;
	s9 =	smov.u32 s11  }
0x24d: {  	v3 =	vld.idx.msk [tilespmem:v7+s2+$0x0], $0xffff  }
0x24e: {  	v9 =	vld [tilespmem:s11+$0xFFFFFF90]  }
0x24f: {  	v12 =	vld [tilespmem:s11+$0xFFFFFFB0]  }
.Ltmp8:
0x250: {  	v6 =	vld [tilespmem:s11+$0xFFFFFFA0];
	(pc) =	sbr.rel @p0 .LBB2_19-.Ltmp8, $3  }
0x251: {  	v7 =	vld [tilespmem:s11+$0xFFFFFFD0];
	_ =	sdelay $0x1  }
0x252: {  	v11 =	vmul.f32 v8, v3;
	v9 =	vmul.f32 v9, v3  }
0x253: {  	v10 =	vmul.f32 v10, v3;
	v8 =	vmul.f32 v12, v3  }
0x254: {  	[tilespmem:s9+$0x0] =	vst v11  }
0x255: {  	[tilespmem:s9+$0xFFFFFF90] =	vst v9  }
0x256: {  	v5 =	vmul.f32 v5, v3;
	[tilespmem:s9+$0xFFFFFFE0] =	vst v10  }
0x257: {  	v4 =	vmul.f32 v4, v3;
	[tilespmem:s9+$0xFFFFFFB0] =	vst v8  }
0x258: {  	v7 =	vmul.f32 v7, v3;
	[tilespmem:s9+$0xFFFFFFC0] =	vst v5  }
0x259: {  	v3 =	vmul.f32 v6, v3;
	[tilespmem:s9+$0xFFFFFFF0] =	vst v4  }
0x25a: {  	[tilespmem:s9+$0xFFFFFFD0] =	vst v7  }
0x25b: {  	s11 =	simm.s32 $0x3C58;
	[tilespmem:s9+$0xFFFFFFA0] =	vst v3  }
0x25c: {  	s10 =	simm.s32 $0x1458;
	v3 =	vld [tilespmem:s11+$0xFFFFFF90]  }
0x25d: {  	v4 =	vld [tilespmem:s10+$0xFFFFFF90];
	_ =	sdelay $0x4  }
0x25e: {  	v3 =	vsub.f32 v4, v3;
	_ =	sdelay $0x1  }
0x25f: {  	v4 =	vld [tilespmem:s11+$0xFFFFFFA0];
	[tilespmem:s11+$0xFFFFFF90] =	vst v3  }
0x260: {  	v5 =	vld [tilespmem:s10+$0xFFFFFFA0];
	_ =	sdelay $0x4  }
0x261: {  	v4 =	vsub.f32 v5, v4;
	_ =	sdelay $0x1  }
0x262: {  	v5 =	vld [tilespmem:s11+$0xFFFFFFB0];
	[tilespmem:s11+$0xFFFFFFA0] =	vst v4  }
0x263: {  	v6 =	vld [tilespmem:s10+$0xFFFFFFB0];
	_ =	sdelay $0x4  }
0x264: {  	v5 =	vsub.f32 v6, v5;
	_ =	sdelay $0x1  }
0x265: {  	v6 =	vld [tilespmem:s11+$0xFFFFFFC0];
	[tilespmem:s11+$0xFFFFFFB0] =	vst v5  }
0x266: {  	v7 =	vld [tilespmem:s10+$0xFFFFFFC0];
	_ =	sdelay $0x4  }
0x267: {  	v6 =	vsub.f32 v7, v6;
	_ =	sdelay $0x1  }
0x268: {  	v7 =	vld [tilespmem:s11+$0xFFFFFFD0];
	[tilespmem:s11+$0xFFFFFFC0] =	vst v6  }
0x269: {  	v8 =	vld [tilespmem:s10+$0xFFFFFFD0];
	_ =	sdelay $0x4  }
0x26a: {  	v7 =	vsub.f32 v8, v7;
	_ =	sdelay $0x1  }
0x26b: {  	v3 =	vmul.f32 v3, v3;
	v4 =	vmul.f32 v4, v4;
	v8 =	vld [tilespmem:s11+$0xFFFFFFE0];
	[tilespmem:s11+$0xFFFFFFD0] =	vst v7  }
0x26c: {  	v9 =	vld [tilespmem:s10+$0xFFFFFFE0]  }
0x26d: {  	v3 =	vadd.f32 v4, v3;
	v4 =	vmul.f32 v5, v5;
	_ =	sdelay $0x1  }
0x26e: {  	v3 =	vadd.f32 v4, v3;
	v4 =	vmul.f32 v6, v6;
	_ =	sdelay $0x1  }
0x26f: {  	v4 =	vadd.f32 v4, v3;
	v6 =	vmul.f32 v7, v7;
	v5 =	vsub.f32 v9, v8;
	_ =	sdelay $0x1  }
0x270: {  	s13 =	simm.s32 $0x2;
	s12 =	simm.s32 $0x3C58;
	s9 =	simm.s32 $0x1;
	v3 =	vimm.f32 $0.0e+00;
	v4 =	vadd.f32 v6, v4;
	v6 =	vld [tilespmem:s11+$0xFFFFFFF0];
	[tilespmem:s11+$0xFFFFFFE0] =	vst v5;
	v5 =	vmul.f32 v5, v5  }
.LBB2_21:
0x271: {  	p0 =	sne.s32 s13, $0xF;
	v7 =	vld [tilespmem:s10+$0xFFFFFFF0]  }
0x272: {  	v4 =	vadd.f32 v5, v4;
	_ =	sdelay $0x3  }
0x273: {  	v5 =	vsub.f32 v7, v6;
	_ =	sdelay $0x1  }
0x274: {  	[tilespmem:s11+$0xFFFFFFF0] =	vst v5;
	v5 =	vmul.f32 v5, v5;
	v6 =	vld [tilespmem:s11+$0x0]  }
0x275: {  	v7 =	vld [tilespmem:s10+$0x0]  }
0x276: {  	v4 =	vadd.f32 v5, v4;
	_ =	sdelay $0x3  }
0x277: {  	v5 =	vsub.f32 v7, v6  }
0x278: {  	s11 =	sadd.s32 $0x80, s11  }
0x279: {  	s10 =	sadd.s32 $0x80, s10;
	v6 =	vld [tilespmem:s11+$0xFFFFFF90];
	[tilespmem:s12+$0x0] =	vst v5;
	v5 =	vmul.f32 v5, v5;
	s12 =	smov.u32 s11  }
0x27a: {  	v7 =	vld [tilespmem:s10+$0xFFFFFF90]  }
0x27b: {  	v4 =	vadd.f32 v5, v4;
	_ =	sdelay $0x1  }
0x27c: {  	(xrf2) =	vadd.scan.msk.f32 $0xffff, v4;
	_ =	sdelay $0x1  }
0x27d: {  	v4 =	vsub.f32 v7, v6;
	_ =	sdelay $0x1  }
0x27e: {  	[tilespmem:s11+$0xFFFFFF90] =	vst v4;
	v4 =	vmul.f32 v4, v4;
	v5 =	vld [tilespmem:s11+$0xFFFFFFA0]  }
0x27f: {  	v6 =	vld [tilespmem:s10+$0xFFFFFFA0];
	_ =	sdelay $0x4  }
0x280: {  	v5 =	vsub.f32 v6, v5;
	v6, _, _ =	vpop (xrf2)  }
0x281: {  	v7 =	vmov s8;
	s8 =	smov.u32 s9;
	s9 =	smov.u32 s13;
	v6 =	vbroadcast v6, $0xF  }
0x282: {  	vm0 =	veq.s32 v7, v2;
	[tilespmem:s11+$0xFFFFFFA0] =	vst v5;
	v5 =	vmul.f32 v5, v5;
	v8 =	vld [tilespmem:s11+$0xFFFFFFB0]  }
0x283: {  	v7 =	vld [tilespmem:s10+$0xFFFFFFB0];
	v3 =	vsel vm0, v6, v3  }
0x284: {  	v4 =	vadd.f32 v5, v4;
	_ =	sdelay $0x3  }
0x285: {  	v5 =	vsub.f32 v7, v8;
	_ =	sdelay $0x1  }
0x286: {  	[tilespmem:s11+$0xFFFFFFB0] =	vst v5;
	v5 =	vmul.f32 v5, v5;
	v6 =	vld [tilespmem:s11+$0xFFFFFFC0]  }
0x287: {  	v7 =	vld [tilespmem:s10+$0xFFFFFFC0]  }
0x288: {  	v4 =	vadd.f32 v5, v4;
	_ =	sdelay $0x3  }
0x289: {  	v5 =	vsub.f32 v7, v6;
	_ =	sdelay $0x1  }
0x28a: {  	[tilespmem:s11+$0xFFFFFFC0] =	vst v5;
	v5 =	vmul.f32 v5, v5;
	v6 =	vld [tilespmem:s11+$0xFFFFFFD0]  }
0x28b: {  	v7 =	vld [tilespmem:s10+$0xFFFFFFD0]  }
0x28c: {  	v4 =	vadd.f32 v5, v4;
	_ =	sdelay $0x3  }
0x28d: {  	v5 =	vsub.f32 v7, v6;
	_ =	sdelay $0x1  }
0x28e: {  	[tilespmem:s11+$0xFFFFFFD0] =	vst v5;
	v5 =	vmul.f32 v5, v5;
	v6 =	vld [tilespmem:s11+$0xFFFFFFE0]  }
0x28f: {  	v7 =	vld [tilespmem:s10+$0xFFFFFFE0]  }
0x290: {  	v4 =	vadd.f32 v5, v4;
	_ =	sdelay $0x1  }
.Ltmp9:
0x291: {  	(pc) =	sbr.rel @p0 .LBB2_21-.Ltmp9, $3  }
0x292: {  	_ = 	snop  }
0x293: {  	v5 =	vsub.f32 v7, v6;
	_ =	sdelay $0x1  }
0x294: {  	s13 =	sadd.s32 $0x1, s13;
	[tilespmem:s11+$0xFFFFFFE0] =	vst v5;
	v5 =	vmul.f32 v5, v5;
	v6 =	vld [tilespmem:s11+$0xFFFFFFF0]  }
0x295: {  	v7 =	vld [tilespmem:s10+$0xFFFFFFF0];
	_ =	sdelay $0x4  }
0x296: {  	v6 =	vsub.f32 v7, v6;
	_ =	sdelay $0x1  }
0x297: {  	v7 =	vld [tilespmem:s11+$0x0];
	[tilespmem:s11+$0xFFFFFFF0] =	vst v6  }
0x298: {  	v8 =	vld [tilespmem:s10+$0x0];
	_ =	sdelay $0x4  }
0x299: {  	v7 =	vsub.f32 v8, v7  }
0x29a: {  	s11 =	sadd.s32 $0x80, s11  }
0x29b: {  	s13 =	sadd.s32 $0x80, s10;
	v8 =	vld [tilespmem:s11+$0xFFFFFF90];
	[tilespmem:s12+$0x0] =	vst v7  }
0x29c: {  	v9 =	vld [tilespmem:s13+$0xFFFFFF90];
	_ =	sdelay $0x4  }
0x29d: {  	v8 =	vsub.f32 v9, v8;
	_ =	sdelay $0x1  }
0x29e: {  	v9 =	vld [tilespmem:s11+$0xFFFFFFA0];
	[tilespmem:s11+$0xFFFFFF90] =	vst v8  }
0x29f: {  	v10 =	vld [tilespmem:s13+$0xFFFFFFA0];
	_ =	sdelay $0x4  }
0x2a0: {  	v9 =	vsub.f32 v10, v9;
	_ =	sdelay $0x1  }
0x2a1: {  	v10 =	vld [tilespmem:s11+$0xFFFFFFB0];
	[tilespmem:s11+$0xFFFFFFA0] =	vst v9  }
0x2a2: {  	v11 =	vld [tilespmem:s13+$0xFFFFFFB0];
	_ =	sdelay $0x4  }
0x2a3: {  	v10 =	vsub.f32 v11, v10;
	_ =	sdelay $0x1  }
0x2a4: {  	v11 =	vld [tilespmem:s11+$0xFFFFFFC0];
	[tilespmem:s11+$0xFFFFFFB0] =	vst v10  }
0x2a5: {  	v12 =	vld [tilespmem:s13+$0xFFFFFFC0];
	_ =	sdelay $0x4  }
0x2a6: {  	v11 =	vsub.f32 v12, v11;
	_ =	sdelay $0x1  }
0x2a7: {  	v12 =	vld [tilespmem:s11+$0xFFFFFFD0];
	[tilespmem:s11+$0xFFFFFFC0] =	vst v11  }
0x2a8: {  	v13 =	vld [tilespmem:s13+$0xFFFFFFD0];
	_ =	sdelay $0x4  }
0x2a9: {  	v12 =	vsub.f32 v13, v12;
	_ =	sdelay $0x1  }
0x2aa: {  	v13 =	vld [tilespmem:s11+$0xFFFFFFE0];
	[tilespmem:s11+$0xFFFFFFD0] =	vst v12  }
0x2ab: {  	v14 =	vld [tilespmem:s13+$0xFFFFFFE0];
	_ =	sdelay $0x4  }
0x2ac: {  	v13 =	vsub.f32 v14, v13;
	_ =	sdelay $0x1  }
0x2ad: {  	v14 =	vld [tilespmem:s11+$0xFFFFFFF0];
	[tilespmem:s11+$0xFFFFFFE0] =	vst v13  }
0x2ae: {  	v15 =	vld [tilespmem:s13+$0xFFFFFFF0];
	_ =	sdelay $0x2  }
0x2af: {  	v8 =	vmul.f32 v8, v8;
	v9 =	vmul.f32 v9, v9;
	_ =	sdelay $0x1  }
0x2b0: {  	v8 =	vadd.f32 v9, v8;
	v9 =	vmul.f32 v10, v10;
	v10 =	vsub.f32 v15, v14;
	_ =	sdelay $0x1  }
0x2b1: {  	v8 =	vadd.f32 v9, v8;
	v9 =	vmul.f32 v11, v11;
	v11 =	vld [tilespmem:s11+$0x0];
	[tilespmem:s11+$0xFFFFFFF0] =	vst v10  }
0x2b2: {  	v14 =	vld [tilespmem:s13+$0x0]  }
0x2b3: {  	v8 =	vadd.f32 v9, v8;
	v9 =	vmul.f32 v12, v12;
	_ =	sdelay $0x1  }
0x2b4: {  	v8 =	vadd.f32 v9, v8;
	v9 =	vmul.f32 v13, v13  }
0x2b5: {  	v4 =	vadd.f32 v5, v4;
	v5 =	vmul.f32 v6, v6  }
0x2b6: {  	v6 =	vadd.f32 v9, v8;
	v8 =	vmul.f32 v10, v10;
	v9 =	vsub.f32 v14, v11  }
0x2b7: {  	v4 =	vadd.f32 v5, v4;
	v5 =	vmul.f32 v7, v7  }
0x2b8: {  	v6 =	vadd.f32 v8, v6;
	v7 =	vmul.f32 v9, v9  }
0x2b9: {  	v4 =	vadd.f32 v5, v4  }
0x2ba: {  	v5 =	vadd.f32 v7, v6  }
0x2bb: {  	(xrf2) =	vadd.scan.msk.f32 $0xffff, v4  }
0x2bc: {  	(xrf2) =	vadd.scan.msk.f32 $0xffff, v5;
	_ =	sdelay $0x8  }
0x2bd: {  	v4, _, _ =	vpop (xrf2)  }
0x2be: {  	v4 =	vbroadcast v4, $0xF;
	v5 =	vmov s8;
	v6, _, _ =	vpop (xrf2)  }
0x2bf: {  	vm0 =	veq.s32 v5, v2;
	v5 =	vmov s9;
	v6 =	vbroadcast v6, $0xF  }
0x2c0: {  	v3 =	vsel vm0, v4, v3;
	vm15 =	veq.s32 v5, v2  }
0x2c1: {  	v5 =	vsel vm15, v6, v3  }
0x2c2: {  	v3 =	vshrl.u32 v5, $0x1;
	v4 =	vmul.f32 $5.000000000e-01, v5  }
0x2c3: {  	v3 =	vsub.s32 $0x5F3759DF, v3  }
0x2c4: {  	v6 =	vmul.f32 v3, v4;
	_ =	sdelay $0x1  }
0x2c5: {  	v6 =	vmul.f32 v3, v6;
	_ =	sdelay $0x1  }
0x2c6: {  	v6 =	vsub.f32 $1.500000000e+00, v6;
	_ =	sdelay $0x1  }
0x2c7: {  	v3 =	vmul.f32 v3, v6;
	_ =	sdelay $0x1  }
0x2c8: {  	v6 =	vmul.f32 v3, v4;
	_ =	sdelay $0x1  }
0x2c9: {  	v6 =	vmul.f32 v6, v3;
	_ =	sdelay $0x1  }
0x2ca: {  	v6 =	vsub.f32 $1.500000000e+00, v6;
	_ =	sdelay $0x1  }
0x2cb: {  	s10 =	simm.s32 $0x0;
	[tilespmem:s11+$0x0] =	vst v9;
	v3 =	vmul.f32 v6, v3  }
0x2cc: {  	v9 =	vld [tilespmem:s10+$0x1E0]  }
0x2cd: {  	v4 =	vmul.f32 v3, v4  }
0x2ce: {  	v7 =	vld [tilespmem:$0xC0]  }
0x2cf: {  	s11 =	simm.s32 $0x8;
	v4 =	vmul.f32 v4, v3  }
0x2d0: {  	v18 =	vld [tilespmem:s11+$0x1E0]  }
0x2d1: {  	v11 =	vbroadcast v9, $0x1;
	v4 =	vsub.f32 $1.500000000e+00, v4  }
0x2d2: {  	s12 =	simm.s32 $0x10;
	v10 =	vbroadcast v9, $0x7  }
0x2d3: {  	v16 =	vmul.f32 v11, v7;
	v11 =	vld [tilespmem:s12+$0x1E0];
	v3 =	vmul.f32 v4, v3  }
0x2d4: {  	v13 =	vbroadcast v9, $0x3;
	v21 =	vbroadcast v9, $0x5  }
0x2d5: {  	v15 =	vbroadcast v18, $0x0;
	v4 =	vld [tilespmem:$0x110];
	v6 =	vmul.f32 v3, v5  }
0x2d6: {  	v19 =	vbroadcast v18, $0x2;
	vm0 =	vgt.f32 v5, $0.0e+00;
	v5 =	vbroadcast v9, $0x0  }
0x2d7: {  	v22 =	vbroadcast v18, $0x3;
	v24 =	vbroadcast v9, $0x6;
	v8 =	vnsel vm0, $0x0, v6  }
0x2d8: {  	v26 =	vbroadcast v11, $0x2;
	v12 =	vmul.f32 v5, v8;
	v5 =	vld [tilespmem:$0x160]  }
0x2d9: {  	v29 =	vbroadcast v11, $0x1;
	v3 =	vld [tilespmem:$0x1B0];
	v6 =	vbroadcast v9, $0x2  }
0x2da: {  	v20 =	vmul.f32 v15, v8;
	v23 =	vmul.f32 v19, v4  }
0x2db: {  	v15 =	vbroadcast v18, $0x5;
	v14 =	vmul.f32 v6, v4;
	v12 =	vadd.f32 v16, v12  }
0x2dc: {  	v19 =	vbroadcast v11, $0x0;
	v6 =	vbroadcast v9, $0x4  }
0x2dd: {  	v16 =	vbroadcast v18, $0x4;
	v12 =	vadd.f32 v12, v14;
	v14 =	vmul.f32 v13, v5  }
0x2de: {  	v9 =	vbroadcast v11, $0x7;
	v17 =	vmul.f32 v6, v3  }
0x2df: {  	v13 =	vmul.f32 v16, v3;
	v16 =	vbroadcast v18, $0x1;
	v14 =	vadd.f32 v12, v14  }
0x2e0: {  	s13 =	simm.s32 $0x18;
	v19 =	vmul.f32 v19, v8;
	v6 =	vbroadcast v18, $0x7  }
0x2e1: {  	v22 =	vmul.f32 v22, v5;
	v25 =	vmul.f32 v16, v7;
	v12 =	vld [tilespmem:s13+$0x1E0];
	v27 =	vadd.f32 v14, v17  }
0x2e2: {  	v16 =	vbroadcast v11, $0x3;
	v17 =	vmul.f32 v26, v4  }
0x2e3: {  	v26 =	vbroadcast v11, $0x4;
	v25 =	vadd.f32 v25, v20;
	v27 =	vadd.f32 v27, v21  }
0x2e4: {  	v28 =	vimm.f32 $0.0e+00;
	v14 =	vbroadcast v11, $0x5;
	v20 =	vbroadcast v18, $0x6  }
0x2e5: {  	v18 =	vmul.f32 v26, v3;
	v25 =	vadd.f32 v25, v23;
	v30 =	vmul.f32 v27, v24  }
0x2e6: {  	v23 =	vbroadcast v12, $0x0;
	v21 =	vbroadcast v12, $0x7;
	v26 =	vand.u32 $0x7FFFFFFF, v27  }
0x2e7: {  	s8 =	simm.s32 $0x80;
	v24 =	vmul.f32 v29, v7;
	v25 =	vadd.f32 v25, v22;
	v22 =	vadd.f32 v30, v28  }
.LBB2_23:
0x2e8: {  	s9 =	sshra.s32 s8, $0x2;
	p0 =	sne.s32 s8, $0x7E0;
	s8 =	sadd.s32 $0x20, s8;
	v27 =	vbroadcast v12, $0x2;
	v26 =	vmul.f32 v26, v10;
	v10 =	vmovc v6;
	v6 =	vmovc v9;
	v9 =	vmov v21  }
0x2e9: {  	v21 =	vmul.f32 v23, v8;
	v23 =	vbroadcast v12, $0x3;
	v28 =	vld [tilespmem:s9+$0x1E0];
	v25 =	vadd.f32 v25, v13;
	v13 =	vmovc v18  }
0x2ea: {  	v18 =	vbroadcast v12, $0x4;
	v24 =	vadd.f32 v24, v19;
	v27 =	vmul.f32 v27, v4  }
.Ltmp10:
0x2eb: {  	v29 =	vbroadcast v12, $0x5;
	v30 =	vbroadcast v11, $0x6;
	v11 =	vmovc v12;
	v19 =	vmovc v21;
	v25 =	vadd.f32 v25, v15;
	(pc) =	sbr.rel @p0 .LBB2_23-.Ltmp10, $4  }
0x2ec: {  	v32 =	vmul.f32 v16, v5;
	v16 =	vmovc v23;
	v18 =	vmul.f32 v18, v3;
	v31 =	vadd.f32 v24, v17  }
0x2ed: {  	v22 =	vadd.f32 v26, v22;
	v24 =	vbroadcast v11, $0x1;
	v15 =	vmovc v14;
	v17 =	vmovc v27;
	v33 =	vmul.f32 v25, v20  }
0x2ee: {  	v14 =	vmovc v29;
	v26 =	vand.u32 $0x7FFFFFFF, v25;
	v23 =	vbroadcast v28, $0x0;
	v21 =	vbroadcast v28, $0x7;
	v12 =	vmovc v28  }
0x2ef: {  	v24 =	vmul.f32 v24, v7;
	v25 =	vadd.f32 v31, v32;
	v20 =	vmovc v30;
	v22 =	vadd.f32 v33, v22  }
0x2f0: {  	_ = 	snop  }
0x2f1: {  	v27 =	vbroadcast v12, $0x2;
	v60 =	vbroadcast v12, $0x1;
	v19 =	vadd.f32 v24, v19  }
0x2f2: {  	v10 =	vmul.f32 v26, v10;
	v8 =	vmul.f32 v23, v8;
	v13 =	vadd.f32 v25, v13  }
0x2f3: {  	v16 =	vmul.f32 v16, v5;
	v7 =	vmul.f32 v60, v7;
	v17 =	vadd.f32 v19, v17  }
0x2f4: {  	v61 =	vbroadcast v12, $0x3;
	v62 =	vbroadcast v12, $0x4;
	v13 =	vadd.f32 v13, v15  }
0x2f5: {  	v4 =	vmul.f32 v27, v4;
	v7 =	vadd.f32 v7, v8;
	v16 =	vadd.f32 v17, v16  }
0x2f6: {  	v10 =	vadd.f32 v10, v22;
	v8 =	vbroadcast v11, $0x6;
	v11 =	vmul.f32 v13, v20  }
0x2f7: {  	v5 =	vmul.f32 v61, v5;
	v4 =	vadd.f32 v7, v4;
	v16 =	vadd.f32 v16, v18  }
0x2f8: {  	v3 =	vmul.f32 v62, v3;
	v7 =	vand.u32 $0x7FFFFFFF, v13;
	v10 =	vadd.f32 v11, v10  }
0x2f9: {  	v6 =	vmul.f32 v7, v6;
	v4 =	vadd.f32 v4, v5;
	v7 =	vadd.f32 v16, v14  }
0x2fa: {  	v5 =	vbroadcast v12, $0x5  }
0x2fb: {  	v6 =	vadd.f32 v6, v10;
	v3 =	vadd.f32 v4, v3;
	v8 =	vmul.f32 v7, v8  }
0x2fc: {  	v4 =	vbroadcast v12, $0x6;
	v7 =	vand.u32 $0x7FFFFFFF, v7  }
0x2fd: {  	v7 =	vmul.f32 v7, v9;
	v3 =	vadd.f32 v3, v5;
	v6 =	vadd.f32 v8, v6;
	_ =	sdelay $0x1  }
0x2fe: {  	v4 =	vmul.f32 v3, v4;
	v5 =	vadd.f32 v7, v6  }
0x2ff: {  	v3 =	vand.u32 $0x7FFFFFFF, v3  }
0x300: {  	v3 =	vmul.f32 v3, v21;
	v4 =	vadd.f32 v4, v5;
	_ =	sdelay $0x1  }
0x301: {  	s8 =	simm.s32 $0x0;
	v3 =	vadd.f32 v3, v4  }
0x302: {  	v4 =	vmov s8  }
0x303: {  	s9 =	simm.s32 $0x3C58;
	[tilespmem:$0x58E8] =	vst v3  }
0x304: {  	v7 =	vld [tilespmem:s9+$0x0]  }
0x305: {  	v10 =	vld [tilespmem:s9+$0xFFFFFFE0]  }
0x306: {  	v8 =	vld [tilespmem:s9+$0xFFFFFF90]  }
0x307: {  	v3 =	vld.idx.msk [tilespmem:v4+s2+$0x0], $0xffff  }
0x308: {  	v63 =	vld [tilespmem:s9+$0xFFFFFFB0]  }
0x309: {  	v5 =	vld [tilespmem:s9+$0xFFFFFFC0]  }
0x30a: {  	v6 =	vld [tilespmem:s9+$0xFFFFFFA0]  }
0x30b: {  	v4 =	vld [tilespmem:s9+$0xFFFFFFF0]  }
0x30c: {  	v11 =	vmul.f32 v7, v3;
	v7 =	vld [tilespmem:s9+$0xFFFFFFD0]  }
0x30d: {  	v9 =	vmul.f32 v8, v3  }
0x30e: {  	s10 =	simm.s32 $0x1;
	s11 =	simm.s32 $0x3C58;
	v8 =	vmul.f32 v63, v3;
	v10 =	vmul.f32 v10, v3  }
.LBB2_25:
0x30f: {  	p0 =	sne.s32 s10, $0xF  }
0x310: {  	v6 =	vmul.f32 v6, v3;
	v12 =	vmul.f32 v4, v3;
	[tilespmem:s9+$0x0] =	vst v11;
	s11 =	sadd.s32 $0x80, s11;
	s12 =	smov.u32 s10;
	s10 =	sadd.s32 $0x1, s10  }
0x311: {  	v5 =	vmul.f32 v5, v3;
	[tilespmem:s9+$0xFFFFFF90] =	vst v9;
	v3 =	vmul.f32 v7, v3  }
0x312: {  	[tilespmem:s9+$0xFFFFFFE0] =	vst v10  }
0x313: {  	v7 =	vmov s12;
	[tilespmem:s9+$0xFFFFFFB0] =	vst v8  }
0x314: {  	v4 =	vld [tilespmem:s11+$0xFFFFFFF0];
	[tilespmem:s9+$0xFFFFFFC0] =	vst v5  }
0x315: {  	v8 =	vld [tilespmem:s11+$0x0];
	[tilespmem:s9+$0xFFFFFFD0] =	vst v3  }
0x316: {  	v5 =	vld [tilespmem:s11+$0xFFFFFFC0];
	[tilespmem:s9+$0xFFFFFFF0] =	vst v12  }
0x317: {  	v10 =	vld [tilespmem:s11+$0xFFFFFFE0];
	[tilespmem:s9+$0xFFFFFFA0] =	vst v6;
	s9 =	smov.u32 s11  }
0x318: {  	v3 =	vld.idx.msk [tilespmem:v7+s2+$0x0], $0xffff  }
0x319: {  	v9 =	vld [tilespmem:s11+$0xFFFFFF90]  }
0x31a: {  	v12 =	vld [tilespmem:s11+$0xFFFFFFB0]  }
.Ltmp11:
0x31b: {  	v6 =	vld [tilespmem:s11+$0xFFFFFFA0];
	(pc) =	sbr.rel @p0 .LBB2_25-.Ltmp11, $3  }
0x31c: {  	v7 =	vld [tilespmem:s11+$0xFFFFFFD0];
	_ =	sdelay $0x1  }
0x31d: {  	v11 =	vmul.f32 v8, v3;
	v9 =	vmul.f32 v9, v3  }
0x31e: {  	v10 =	vmul.f32 v10, v3;
	v8 =	vmul.f32 v12, v3  }
0x31f: {  	[tilespmem:s9+$0x0] =	vst v11  }
0x320: {  	[tilespmem:s9+$0xFFFFFF90] =	vst v9  }
0x321: {  	v5 =	vmul.f32 v5, v3;
	[tilespmem:s9+$0xFFFFFFE0] =	vst v10  }
0x322: {  	v4 =	vmul.f32 v4, v3;
	[tilespmem:s9+$0xFFFFFFB0] =	vst v8  }
0x323: {  	v7 =	vmul.f32 v7, v3;
	[tilespmem:s9+$0xFFFFFFC0] =	vst v5  }
0x324: {  	v3 =	vmul.f32 v6, v3;
	[tilespmem:s9+$0xFFFFFFF0] =	vst v4  }
0x325: {  	[tilespmem:s9+$0xFFFFFFD0] =	vst v7  }
0x326: {  	s11 =	simm.s32 $0x4458;
	[tilespmem:s9+$0xFFFFFFA0] =	vst v3  }
0x327: {  	s10 =	simm.s32 $0x1C58;
	v3 =	vld [tilespmem:s11+$0xFFFFFF90]  }
0x328: {  	v4 =	vld [tilespmem:s10+$0xFFFFFF90];
	_ =	sdelay $0x4  }
0x329: {  	v3 =	vsub.f32 v4, v3;
	_ =	sdelay $0x1  }
0x32a: {  	v4 =	vld [tilespmem:s11+$0xFFFFFFA0];
	[tilespmem:s11+$0xFFFFFF90] =	vst v3  }
0x32b: {  	v5 =	vld [tilespmem:s10+$0xFFFFFFA0];
	_ =	sdelay $0x4  }
0x32c: {  	v4 =	vsub.f32 v5, v4;
	_ =	sdelay $0x1  }
0x32d: {  	v5 =	vld [tilespmem:s11+$0xFFFFFFB0];
	[tilespmem:s11+$0xFFFFFFA0] =	vst v4  }
0x32e: {  	v6 =	vld [tilespmem:s10+$0xFFFFFFB0];
	_ =	sdelay $0x4  }
0x32f: {  	v5 =	vsub.f32 v6, v5;
	_ =	sdelay $0x1  }
0x330: {  	v6 =	vld [tilespmem:s11+$0xFFFFFFC0];
	[tilespmem:s11+$0xFFFFFFB0] =	vst v5  }
0x331: {  	v7 =	vld [tilespmem:s10+$0xFFFFFFC0];
	_ =	sdelay $0x4  }
0x332: {  	v6 =	vsub.f32 v7, v6;
	_ =	sdelay $0x1  }
0x333: {  	v7 =	vld [tilespmem:s11+$0xFFFFFFD0];
	[tilespmem:s11+$0xFFFFFFC0] =	vst v6  }
0x334: {  	v8 =	vld [tilespmem:s10+$0xFFFFFFD0];
	_ =	sdelay $0x4  }
0x335: {  	v7 =	vsub.f32 v8, v7;
	_ =	sdelay $0x1  }
0x336: {  	v3 =	vmul.f32 v3, v3;
	v4 =	vmul.f32 v4, v4;
	v8 =	vld [tilespmem:s11+$0xFFFFFFE0];
	[tilespmem:s11+$0xFFFFFFD0] =	vst v7  }
0x337: {  	v9 =	vld [tilespmem:s10+$0xFFFFFFE0]  }
0x338: {  	v3 =	vadd.f32 v4, v3;
	v4 =	vmul.f32 v5, v5;
	_ =	sdelay $0x1  }
0x339: {  	v3 =	vadd.f32 v4, v3;
	v4 =	vmul.f32 v6, v6;
	_ =	sdelay $0x1  }
0x33a: {  	v4 =	vadd.f32 v4, v3;
	v6 =	vmul.f32 v7, v7;
	v5 =	vsub.f32 v9, v8;
	_ =	sdelay $0x1  }
0x33b: {  	s13 =	simm.s32 $0x2;
	s12 =	simm.s32 $0x4458;
	s9 =	simm.s32 $0x1;
	v3 =	vimm.f32 $0.0e+00;
	v4 =	vadd.f32 v6, v4;
	v6 =	vld [tilespmem:s11+$0xFFFFFFF0];
	[tilespmem:s11+$0xFFFFFFE0] =	vst v5;
	v5 =	vmul.f32 v5, v5  }
.LBB2_27:
0x33c: {  	p0 =	sne.s32 s13, $0xF;
	v7 =	vld [tilespmem:s10+$0xFFFFFFF0]  }
0x33d: {  	v4 =	vadd.f32 v5, v4;
	_ =	sdelay $0x3  }
0x33e: {  	v5 =	vsub.f32 v7, v6;
	_ =	sdelay $0x1  }
0x33f: {  	[tilespmem:s11+$0xFFFFFFF0] =	vst v5;
	v5 =	vmul.f32 v5, v5;
	v6 =	vld [tilespmem:s11+$0x0]  }
0x340: {  	v7 =	vld [tilespmem:s10+$0x0]  }
0x341: {  	v4 =	vadd.f32 v5, v4;
	_ =	sdelay $0x3  }
0x342: {  	v5 =	vsub.f32 v7, v6  }
0x343: {  	s11 =	sadd.s32 $0x80, s11  }
0x344: {  	s10 =	sadd.s32 $0x80, s10;
	v6 =	vld [tilespmem:s11+$0xFFFFFF90];
	[tilespmem:s12+$0x0] =	vst v5;
	v5 =	vmul.f32 v5, v5;
	s12 =	smov.u32 s11  }
0x345: {  	v7 =	vld [tilespmem:s10+$0xFFFFFF90]  }
0x346: {  	v4 =	vadd.f32 v5, v4;
	_ =	sdelay $0x1  }
0x347: {  	(xrf2) =	vadd.scan.msk.f32 $0xffff, v4;
	_ =	sdelay $0x1  }
0x348: {  	v4 =	vsub.f32 v7, v6;
	_ =	sdelay $0x1  }
0x349: {  	[tilespmem:s11+$0xFFFFFF90] =	vst v4;
	v4 =	vmul.f32 v4, v4;
	v5 =	vld [tilespmem:s11+$0xFFFFFFA0]  }
0x34a: {  	v6 =	vld [tilespmem:s10+$0xFFFFFFA0];
	_ =	sdelay $0x4  }
0x34b: {  	v5 =	vsub.f32 v6, v5;
	v6, _, _ =	vpop (xrf2)  }
0x34c: {  	v7 =	vmov s8;
	s8 =	smov.u32 s9;
	s9 =	smov.u32 s13;
	v6 =	vbroadcast v6, $0xF  }
0x34d: {  	vm0 =	veq.s32 v7, v2;
	[tilespmem:s11+$0xFFFFFFA0] =	vst v5;
	v5 =	vmul.f32 v5, v5;
	v8 =	vld [tilespmem:s11+$0xFFFFFFB0]  }
0x34e: {  	v7 =	vld [tilespmem:s10+$0xFFFFFFB0];
	v3 =	vsel vm0, v6, v3  }
0x34f: {  	v4 =	vadd.f32 v5, v4;
	_ =	sdelay $0x3  }
0x350: {  	v5 =	vsub.f32 v7, v8;
	_ =	sdelay $0x1  }
0x351: {  	[tilespmem:s11+$0xFFFFFFB0] =	vst v5;
	v5 =	vmul.f32 v5, v5;
	v6 =	vld [tilespmem:s11+$0xFFFFFFC0]  }
0x352: {  	v7 =	vld [tilespmem:s10+$0xFFFFFFC0]  }
0x353: {  	v4 =	vadd.f32 v5, v4;
	_ =	sdelay $0x3  }
0x354: {  	v5 =	vsub.f32 v7, v6;
	_ =	sdelay $0x1  }
0x355: {  	[tilespmem:s11+$0xFFFFFFC0] =	vst v5;
	v5 =	vmul.f32 v5, v5;
	v6 =	vld [tilespmem:s11+$0xFFFFFFD0]  }
0x356: {  	v7 =	vld [tilespmem:s10+$0xFFFFFFD0]  }
0x357: {  	v4 =	vadd.f32 v5, v4;
	_ =	sdelay $0x3  }
0x358: {  	v5 =	vsub.f32 v7, v6;
	_ =	sdelay $0x1  }
0x359: {  	[tilespmem:s11+$0xFFFFFFD0] =	vst v5;
	v5 =	vmul.f32 v5, v5;
	v6 =	vld [tilespmem:s11+$0xFFFFFFE0]  }
0x35a: {  	v7 =	vld [tilespmem:s10+$0xFFFFFFE0]  }
0x35b: {  	v4 =	vadd.f32 v5, v4;
	_ =	sdelay $0x1  }
.Ltmp12:
0x35c: {  	(pc) =	sbr.rel @p0 .LBB2_27-.Ltmp12, $3  }
0x35d: {  	_ = 	snop  }
0x35e: {  	v5 =	vsub.f32 v7, v6;
	_ =	sdelay $0x1  }
0x35f: {  	s13 =	sadd.s32 $0x1, s13;
	[tilespmem:s11+$0xFFFFFFE0] =	vst v5;
	v5 =	vmul.f32 v5, v5;
	v6 =	vld [tilespmem:s11+$0xFFFFFFF0]  }
0x360: {  	v7 =	vld [tilespmem:s10+$0xFFFFFFF0];
	_ =	sdelay $0x4  }
0x361: {  	v6 =	vsub.f32 v7, v6;
	_ =	sdelay $0x1  }
0x362: {  	v7 =	vld [tilespmem:s11+$0x0];
	[tilespmem:s11+$0xFFFFFFF0] =	vst v6  }
0x363: {  	v8 =	vld [tilespmem:s10+$0x0];
	_ =	sdelay $0x4  }
0x364: {  	v7 =	vsub.f32 v8, v7  }
0x365: {  	s11 =	sadd.s32 $0x80, s11  }
0x366: {  	s13 =	sadd.s32 $0x80, s10;
	v8 =	vld [tilespmem:s11+$0xFFFFFF90];
	[tilespmem:s12+$0x0] =	vst v7  }
0x367: {  	v9 =	vld [tilespmem:s13+$0xFFFFFF90];
	_ =	sdelay $0x4  }
0x368: {  	v8 =	vsub.f32 v9, v8;
	_ =	sdelay $0x1  }
0x369: {  	v9 =	vld [tilespmem:s11+$0xFFFFFFA0];
	[tilespmem:s11+$0xFFFFFF90] =	vst v8  }
0x36a: {  	v10 =	vld [tilespmem:s13+$0xFFFFFFA0];
	_ =	sdelay $0x4  }
0x36b: {  	v9 =	vsub.f32 v10, v9;
	_ =	sdelay $0x1  }
0x36c: {  	v10 =	vld [tilespmem:s11+$0xFFFFFFB0];
	[tilespmem:s11+$0xFFFFFFA0] =	vst v9  }
0x36d: {  	v11 =	vld [tilespmem:s13+$0xFFFFFFB0];
	_ =	sdelay $0x4  }
0x36e: {  	v10 =	vsub.f32 v11, v10;
	_ =	sdelay $0x1  }
0x36f: {  	v11 =	vld [tilespmem:s11+$0xFFFFFFC0];
	[tilespmem:s11+$0xFFFFFFB0] =	vst v10  }
0x370: {  	v12 =	vld [tilespmem:s13+$0xFFFFFFC0];
	_ =	sdelay $0x4  }
0x371: {  	v11 =	vsub.f32 v12, v11;
	_ =	sdelay $0x1  }
0x372: {  	v12 =	vld [tilespmem:s11+$0xFFFFFFD0];
	[tilespmem:s11+$0xFFFFFFC0] =	vst v11  }
0x373: {  	v13 =	vld [tilespmem:s13+$0xFFFFFFD0];
	_ =	sdelay $0x4  }
0x374: {  	v12 =	vsub.f32 v13, v12;
	_ =	sdelay $0x1  }
0x375: {  	v13 =	vld [tilespmem:s11+$0xFFFFFFE0];
	[tilespmem:s11+$0xFFFFFFD0] =	vst v12  }
0x376: {  	v14 =	vld [tilespmem:s13+$0xFFFFFFE0];
	_ =	sdelay $0x4  }
0x377: {  	v13 =	vsub.f32 v14, v13;
	_ =	sdelay $0x1  }
0x378: {  	v14 =	vld [tilespmem:s11+$0xFFFFFFF0];
	[tilespmem:s11+$0xFFFFFFE0] =	vst v13  }
0x379: {  	v15 =	vld [tilespmem:s13+$0xFFFFFFF0];
	_ =	sdelay $0x2  }
0x37a: {  	v8 =	vmul.f32 v8, v8;
	v9 =	vmul.f32 v9, v9;
	_ =	sdelay $0x1  }
0x37b: {  	v8 =	vadd.f32 v9, v8;
	v9 =	vmul.f32 v10, v10;
	v10 =	vsub.f32 v15, v14;
	_ =	sdelay $0x1  }
0x37c: {  	v8 =	vadd.f32 v9, v8;
	v9 =	vmul.f32 v11, v11;
	v11 =	vld [tilespmem:s11+$0x0];
	[tilespmem:s11+$0xFFFFFFF0] =	vst v10  }
0x37d: {  	v14 =	vld [tilespmem:s13+$0x0]  }
0x37e: {  	v8 =	vadd.f32 v9, v8;
	v9 =	vmul.f32 v12, v12;
	_ =	sdelay $0x1  }
0x37f: {  	v8 =	vadd.f32 v9, v8;
	v9 =	vmul.f32 v13, v13  }
0x380: {  	v4 =	vadd.f32 v5, v4;
	v5 =	vmul.f32 v6, v6  }
0x381: {  	v6 =	vadd.f32 v9, v8;
	v8 =	vmul.f32 v10, v10;
	v9 =	vsub.f32 v14, v11  }
0x382: {  	v4 =	vadd.f32 v5, v4;
	v5 =	vmul.f32 v7, v7  }
0x383: {  	v6 =	vadd.f32 v8, v6;
	v7 =	vmul.f32 v9, v9  }
0x384: {  	v4 =	vadd.f32 v5, v4  }
0x385: {  	v5 =	vadd.f32 v7, v6  }
0x386: {  	(xrf2) =	vadd.scan.msk.f32 $0xffff, v4  }
0x387: {  	(xrf2) =	vadd.scan.msk.f32 $0xffff, v5;
	_ =	sdelay $0x8  }
0x388: {  	v4, _, _ =	vpop (xrf2)  }
0x389: {  	v4 =	vbroadcast v4, $0xF;
	v5 =	vmov s8;
	v6, _, _ =	vpop (xrf2)  }
0x38a: {  	vm0 =	veq.s32 v5, v2;
	v5 =	vmov s9;
	v6 =	vbroadcast v6, $0xF  }
0x38b: {  	v3 =	vsel vm0, v4, v3;
	vm15 =	veq.s32 v5, v2  }
0x38c: {  	v5 =	vsel vm15, v6, v3  }
0x38d: {  	v3 =	vshrl.u32 v5, $0x1;
	v4 =	vmul.f32 $5.000000000e-01, v5  }
0x38e: {  	v3 =	vsub.s32 $0x5F3759DF, v3  }
0x38f: {  	v6 =	vmul.f32 v3, v4;
	_ =	sdelay $0x1  }
0x390: {  	v6 =	vmul.f32 v3, v6;
	_ =	sdelay $0x1  }
0x391: {  	v6 =	vsub.f32 $1.500000000e+00, v6;
	_ =	sdelay $0x1  }
0x392: {  	v3 =	vmul.f32 v3, v6;
	_ =	sdelay $0x1  }
0x393: {  	v6 =	vmul.f32 v3, v4;
	_ =	sdelay $0x1  }
0x394: {  	v6 =	vmul.f32 v6, v3;
	_ =	sdelay $0x1  }
0x395: {  	v6 =	vsub.f32 $1.500000000e+00, v6;
	_ =	sdelay $0x1  }
0x396: {  	s10 =	simm.s32 $0x0;
	[tilespmem:s11+$0x0] =	vst v9;
	v3 =	vmul.f32 v6, v3  }
0x397: {  	v9 =	vld [tilespmem:s10+$0x1E0]  }
0x398: {  	v4 =	vmul.f32 v3, v4  }
0x399: {  	v7 =	vld [tilespmem:$0xD0]  }
0x39a: {  	s11 =	simm.s32 $0x8;
	v4 =	vmul.f32 v4, v3  }
0x39b: {  	v18 =	vld [tilespmem:s11+$0x1E0]  }
0x39c: {  	v11 =	vbroadcast v9, $0x1;
	v4 =	vsub.f32 $1.500000000e+00, v4  }
0x39d: {  	s12 =	simm.s32 $0x10;
	v10 =	vbroadcast v9, $0x7  }
0x39e: {  	v16 =	vmul.f32 v11, v7;
	v11 =	vld [tilespmem:s12+$0x1E0];
	v3 =	vmul.f32 v4, v3  }
0x39f: {  	v13 =	vbroadcast v9, $0x3;
	v21 =	vbroadcast v9, $0x5  }
0x3a0: {  	v15 =	vbroadcast v18, $0x0;
	v4 =	vld [tilespmem:$0x120];
	v6 =	vmul.f32 v3, v5  }
0x3a1: {  	v19 =	vbroadcast v18, $0x2;
	vm0 =	vgt.f32 v5, $0.0e+00;
	v5 =	vbroadcast v9, $0x0  }
0x3a2: {  	v22 =	vbroadcast v18, $0x3;
	v24 =	vbroadcast v9, $0x6;
	v8 =	vnsel vm0, $0x0, v6  }
0x3a3: {  	v26 =	vbroadcast v11, $0x2;
	v12 =	vmul.f32 v5, v8;
	v5 =	vld [tilespmem:$0x170]  }
0x3a4: {  	v29 =	vbroadcast v11, $0x1;
	v3 =	vld [tilespmem:$0x1C0];
	v6 =	vbroadcast v9, $0x2  }
0x3a5: {  	v20 =	vmul.f32 v15, v8;
	v23 =	vmul.f32 v19, v4  }
0x3a6: {  	v15 =	vbroadcast v18, $0x5;
	v14 =	vmul.f32 v6, v4;
	v12 =	vadd.f32 v16, v12  }
0x3a7: {  	v19 =	vbroadcast v11, $0x0;
	v6 =	vbroadcast v9, $0x4  }
0x3a8: {  	v16 =	vbroadcast v18, $0x4;
	v12 =	vadd.f32 v12, v14;
	v14 =	vmul.f32 v13, v5  }
0x3a9: {  	v9 =	vbroadcast v11, $0x7;
	v17 =	vmul.f32 v6, v3  }
0x3aa: {  	v13 =	vmul.f32 v16, v3;
	v16 =	vbroadcast v18, $0x1;
	v14 =	vadd.f32 v12, v14  }
0x3ab: {  	s13 =	simm.s32 $0x18;
	v19 =	vmul.f32 v19, v8;
	v6 =	vbroadcast v18, $0x7  }
0x3ac: {  	v22 =	vmul.f32 v22, v5;
	v25 =	vmul.f32 v16, v7;
	v12 =	vld [tilespmem:s13+$0x1E0];
	v27 =	vadd.f32 v14, v17  }
0x3ad: {  	v16 =	vbroadcast v11, $0x3;
	v17 =	vmul.f32 v26, v4  }
0x3ae: {  	v26 =	vbroadcast v11, $0x4;
	v25 =	vadd.f32 v25, v20;
	v27 =	vadd.f32 v27, v21  }
0x3af: {  	v28 =	vimm.f32 $0.0e+00;
	v14 =	vbroadcast v11, $0x5;
	v20 =	vbroadcast v18, $0x6  }
0x3b0: {  	v18 =	vmul.f32 v26, v3;
	v25 =	vadd.f32 v25, v23;
	v30 =	vmul.f32 v27, v24  }
0x3b1: {  	v23 =	vbroadcast v12, $0x0;
	v21 =	vbroadcast v12, $0x7;
	v26 =	vand.u32 $0x7FFFFFFF, v27  }
0x3b2: {  	s8 =	simm.s32 $0x80;
	v24 =	vmul.f32 v29, v7;
	v25 =	vadd.f32 v25, v22;
	v22 =	vadd.f32 v30, v28  }
.LBB2_29:
0x3b3: {  	s9 =	sshra.s32 s8, $0x2;
	p0 =	sne.s32 s8, $0x7E0;
	s8 =	sadd.s32 $0x20, s8;
	v27 =	vbroadcast v12, $0x2;
	v26 =	vmul.f32 v26, v10;
	v10 =	vmovc v6;
	v6 =	vmovc v9;
	v9 =	vmov v21  }
0x3b4: {  	v21 =	vmul.f32 v23, v8;
	v23 =	vbroadcast v12, $0x3;
	v28 =	vld [tilespmem:s9+$0x1E0];
	v25 =	vadd.f32 v25, v13;
	v13 =	vmovc v18  }
0x3b5: {  	v18 =	vbroadcast v12, $0x4;
	v24 =	vadd.f32 v24, v19;
	v27 =	vmul.f32 v27, v4  }
.Ltmp13:
0x3b6: {  	v29 =	vbroadcast v12, $0x5;
	v30 =	vbroadcast v11, $0x6;
	v11 =	vmovc v12;
	v19 =	vmovc v21;
	v25 =	vadd.f32 v25, v15;
	(pc) =	sbr.rel @p0 .LBB2_29-.Ltmp13, $4  }
0x3b7: {  	v32 =	vmul.f32 v16, v5;
	v16 =	vmovc v23;
	v18 =	vmul.f32 v18, v3;
	v31 =	vadd.f32 v24, v17  }
0x3b8: {  	v22 =	vadd.f32 v26, v22;
	v24 =	vbroadcast v11, $0x1;
	v15 =	vmovc v14;
	v17 =	vmovc v27;
	v33 =	vmul.f32 v25, v20  }
0x3b9: {  	v14 =	vmovc v29;
	v26 =	vand.u32 $0x7FFFFFFF, v25;
	v23 =	vbroadcast v28, $0x0;
	v21 =	vbroadcast v28, $0x7;
	v12 =	vmovc v28  }
0x3ba: {  	v24 =	vmul.f32 v24, v7;
	v25 =	vadd.f32 v31, v32;
	v20 =	vmovc v30;
	v22 =	vadd.f32 v33, v22  }
0x3bb: {  	_ = 	snop  }
0x3bc: {  	v27 =	vbroadcast v12, $0x2;
	v60 =	vbroadcast v12, $0x1;
	v19 =	vadd.f32 v24, v19  }
0x3bd: {  	v10 =	vmul.f32 v26, v10;
	v8 =	vmul.f32 v23, v8;
	v13 =	vadd.f32 v25, v13  }
0x3be: {  	v16 =	vmul.f32 v16, v5;
	v7 =	vmul.f32 v60, v7;
	v17 =	vadd.f32 v19, v17  }
0x3bf: {  	v61 =	vbroadcast v12, $0x3;
	v62 =	vbroadcast v12, $0x4;
	v13 =	vadd.f32 v13, v15  }
0x3c0: {  	v4 =	vmul.f32 v27, v4;
	v7 =	vadd.f32 v7, v8;
	v16 =	vadd.f32 v17, v16  }
0x3c1: {  	v10 =	vadd.f32 v10, v22;
	v8 =	vbroadcast v11, $0x6;
	v11 =	vmul.f32 v13, v20  }
0x3c2: {  	v5 =	vmul.f32 v61, v5;
	v4 =	vadd.f32 v7, v4;
	v16 =	vadd.f32 v16, v18  }
0x3c3: {  	v3 =	vmul.f32 v62, v3;
	v7 =	vand.u32 $0x7FFFFFFF, v13;
	v10 =	vadd.f32 v11, v10  }
0x3c4: {  	v6 =	vmul.f32 v7, v6;
	v4 =	vadd.f32 v4, v5;
	v7 =	vadd.f32 v16, v14  }
0x3c5: {  	v5 =	vbroadcast v12, $0x5  }
0x3c6: {  	v6 =	vadd.f32 v6, v10;
	v3 =	vadd.f32 v4, v3;
	v8 =	vmul.f32 v7, v8  }
0x3c7: {  	v4 =	vbroadcast v12, $0x6;
	v7 =	vand.u32 $0x7FFFFFFF, v7  }
0x3c8: {  	v7 =	vmul.f32 v7, v9;
	v3 =	vadd.f32 v3, v5;
	v6 =	vadd.f32 v8, v6;
	_ =	sdelay $0x1  }
0x3c9: {  	v4 =	vmul.f32 v3, v4;
	v5 =	vadd.f32 v7, v6  }
0x3ca: {  	v3 =	vand.u32 $0x7FFFFFFF, v3  }
0x3cb: {  	v3 =	vmul.f32 v3, v21;
	v4 =	vadd.f32 v4, v5;
	_ =	sdelay $0x1  }
0x3cc: {  	s8 =	simm.s32 $0x0;
	v3 =	vadd.f32 v3, v4  }
0x3cd: {  	v4 =	vmov s8  }
0x3ce: {  	s9 =	simm.s32 $0x4458;
	[tilespmem:$0x58E8] =	vst v3  }
0x3cf: {  	v7 =	vld [tilespmem:s9+$0x0]  }
0x3d0: {  	v10 =	vld [tilespmem:s9+$0xFFFFFFE0]  }
0x3d1: {  	v8 =	vld [tilespmem:s9+$0xFFFFFF90]  }
0x3d2: {  	v3 =	vld.idx.msk [tilespmem:v4+s2+$0x0], $0xffff  }
0x3d3: {  	v63 =	vld [tilespmem:s9+$0xFFFFFFB0]  }
0x3d4: {  	v5 =	vld [tilespmem:s9+$0xFFFFFFC0]  }
0x3d5: {  	v6 =	vld [tilespmem:s9+$0xFFFFFFA0]  }
0x3d6: {  	v4 =	vld [tilespmem:s9+$0xFFFFFFF0]  }
0x3d7: {  	v11 =	vmul.f32 v7, v3;
	v7 =	vld [tilespmem:s9+$0xFFFFFFD0]  }
0x3d8: {  	v9 =	vmul.f32 v8, v3  }
0x3d9: {  	s10 =	simm.s32 $0x1;
	s11 =	simm.s32 $0x4458;
	v8 =	vmul.f32 v63, v3;
	v10 =	vmul.f32 v10, v3  }
.LBB2_31:
0x3da: {  	p0 =	sne.s32 s10, $0xF  }
0x3db: {  	v6 =	vmul.f32 v6, v3;
	v12 =	vmul.f32 v4, v3;
	[tilespmem:s9+$0x0] =	vst v11;
	s11 =	sadd.s32 $0x80, s11;
	s12 =	smov.u32 s10;
	s10 =	sadd.s32 $0x1, s10  }
0x3dc: {  	v5 =	vmul.f32 v5, v3;
	[tilespmem:s9+$0xFFFFFF90] =	vst v9;
	v3 =	vmul.f32 v7, v3  }
0x3dd: {  	[tilespmem:s9+$0xFFFFFFE0] =	vst v10  }
0x3de: {  	v7 =	vmov s12;
	[tilespmem:s9+$0xFFFFFFB0] =	vst v8  }
0x3df: {  	v4 =	vld [tilespmem:s11+$0xFFFFFFF0];
	[tilespmem:s9+$0xFFFFFFC0] =	vst v5  }
0x3e0: {  	v8 =	vld [tilespmem:s11+$0x0];
	[tilespmem:s9+$0xFFFFFFD0] =	vst v3  }
0x3e1: {  	v5 =	vld [tilespmem:s11+$0xFFFFFFC0];
	[tilespmem:s9+$0xFFFFFFF0] =	vst v12  }
0x3e2: {  	v10 =	vld [tilespmem:s11+$0xFFFFFFE0];
	[tilespmem:s9+$0xFFFFFFA0] =	vst v6;
	s9 =	smov.u32 s11  }
0x3e3: {  	v3 =	vld.idx.msk [tilespmem:v7+s2+$0x0], $0xffff  }
0x3e4: {  	v9 =	vld [tilespmem:s11+$0xFFFFFF90]  }
0x3e5: {  	v12 =	vld [tilespmem:s11+$0xFFFFFFB0]  }
.Ltmp14:
0x3e6: {  	v6 =	vld [tilespmem:s11+$0xFFFFFFA0];
	(pc) =	sbr.rel @p0 .LBB2_31-.Ltmp14, $3  }
0x3e7: {  	v7 =	vld [tilespmem:s11+$0xFFFFFFD0];
	_ =	sdelay $0x1  }
0x3e8: {  	v11 =	vmul.f32 v8, v3;
	v9 =	vmul.f32 v9, v3  }
0x3e9: {  	v10 =	vmul.f32 v10, v3;
	v8 =	vmul.f32 v12, v3  }
0x3ea: {  	[tilespmem:s9+$0x0] =	vst v11  }
0x3eb: {  	[tilespmem:s9+$0xFFFFFF90] =	vst v9  }
0x3ec: {  	v5 =	vmul.f32 v5, v3;
	[tilespmem:s9+$0xFFFFFFE0] =	vst v10  }
0x3ed: {  	v4 =	vmul.f32 v4, v3;
	[tilespmem:s9+$0xFFFFFFB0] =	vst v8  }
0x3ee: {  	v7 =	vmul.f32 v7, v3;
	[tilespmem:s9+$0xFFFFFFC0] =	vst v5  }
0x3ef: {  	v3 =	vmul.f32 v6, v3;
	[tilespmem:s9+$0xFFFFFFF0] =	vst v4  }
0x3f0: {  	[tilespmem:s9+$0xFFFFFFD0] =	vst v7  }
0x3f1: {  	s11 =	simm.s32 $0x4C58;
	[tilespmem:s9+$0xFFFFFFA0] =	vst v3  }
0x3f2: {  	s10 =	simm.s32 $0x2458;
	v3 =	vld [tilespmem:s11+$0xFFFFFF90]  }
0x3f3: {  	v4 =	vld [tilespmem:s10+$0xFFFFFF90];
	_ =	sdelay $0x4  }
0x3f4: {  	v3 =	vsub.f32 v4, v3;
	_ =	sdelay $0x1  }
0x3f5: {  	v4 =	vld [tilespmem:s11+$0xFFFFFFA0];
	[tilespmem:s11+$0xFFFFFF90] =	vst v3  }
0x3f6: {  	v5 =	vld [tilespmem:s10+$0xFFFFFFA0];
	_ =	sdelay $0x4  }
0x3f7: {  	v4 =	vsub.f32 v5, v4;
	_ =	sdelay $0x1  }
0x3f8: {  	v5 =	vld [tilespmem:s11+$0xFFFFFFB0];
	[tilespmem:s11+$0xFFFFFFA0] =	vst v4  }
0x3f9: {  	v6 =	vld [tilespmem:s10+$0xFFFFFFB0];
	_ =	sdelay $0x4  }
0x3fa: {  	v5 =	vsub.f32 v6, v5;
	_ =	sdelay $0x1  }
0x3fb: {  	v6 =	vld [tilespmem:s11+$0xFFFFFFC0];
	[tilespmem:s11+$0xFFFFFFB0] =	vst v5  }
0x3fc: {  	v7 =	vld [tilespmem:s10+$0xFFFFFFC0];
	_ =	sdelay $0x4  }
0x3fd: {  	v6 =	vsub.f32 v7, v6;
	_ =	sdelay $0x1  }
0x3fe: {  	v7 =	vld [tilespmem:s11+$0xFFFFFFD0];
	[tilespmem:s11+$0xFFFFFFC0] =	vst v6  }
0x3ff: {  	v8 =	vld [tilespmem:s10+$0xFFFFFFD0];
	_ =	sdelay $0x4  }
0x400: {  	v7 =	vsub.f32 v8, v7;
	_ =	sdelay $0x1  }
0x401: {  	v3 =	vmul.f32 v3, v3;
	v4 =	vmul.f32 v4, v4;
	v8 =	vld [tilespmem:s11+$0xFFFFFFE0];
	[tilespmem:s11+$0xFFFFFFD0] =	vst v7  }
0x402: {  	v9 =	vld [tilespmem:s10+$0xFFFFFFE0]  }
0x403: {  	v3 =	vadd.f32 v4, v3;
	v4 =	vmul.f32 v5, v5;
	_ =	sdelay $0x1  }
0x404: {  	v3 =	vadd.f32 v4, v3;
	v4 =	vmul.f32 v6, v6;
	_ =	sdelay $0x1  }
0x405: {  	v4 =	vadd.f32 v4, v3;
	v6 =	vmul.f32 v7, v7;
	v5 =	vsub.f32 v9, v8;
	_ =	sdelay $0x1  }
0x406: {  	s13 =	simm.s32 $0x2;
	s12 =	simm.s32 $0x4C58;
	s9 =	simm.s32 $0x1;
	v3 =	vimm.f32 $0.0e+00;
	v4 =	vadd.f32 v6, v4;
	v6 =	vld [tilespmem:s11+$0xFFFFFFF0];
	[tilespmem:s11+$0xFFFFFFE0] =	vst v5;
	v5 =	vmul.f32 v5, v5  }
.LBB2_33:
0x407: {  	p0 =	sne.s32 s13, $0xF;
	v7 =	vld [tilespmem:s10+$0xFFFFFFF0]  }
0x408: {  	v4 =	vadd.f32 v5, v4;
	_ =	sdelay $0x3  }
0x409: {  	v5 =	vsub.f32 v7, v6;
	_ =	sdelay $0x1  }
0x40a: {  	[tilespmem:s11+$0xFFFFFFF0] =	vst v5;
	v5 =	vmul.f32 v5, v5;
	v6 =	vld [tilespmem:s11+$0x0]  }
0x40b: {  	v7 =	vld [tilespmem:s10+$0x0]  }
0x40c: {  	v4 =	vadd.f32 v5, v4;
	_ =	sdelay $0x3  }
0x40d: {  	v5 =	vsub.f32 v7, v6  }
0x40e: {  	s11 =	sadd.s32 $0x80, s11  }
0x40f: {  	s10 =	sadd.s32 $0x80, s10;
	v6 =	vld [tilespmem:s11+$0xFFFFFF90];
	[tilespmem:s12+$0x0] =	vst v5;
	v5 =	vmul.f32 v5, v5;
	s12 =	smov.u32 s11  }
0x410: {  	v7 =	vld [tilespmem:s10+$0xFFFFFF90]  }
0x411: {  	v4 =	vadd.f32 v5, v4;
	_ =	sdelay $0x1  }
0x412: {  	(xrf2) =	vadd.scan.msk.f32 $0xffff, v4;
	_ =	sdelay $0x1  }
0x413: {  	v4 =	vsub.f32 v7, v6;
	_ =	sdelay $0x1  }
0x414: {  	[tilespmem:s11+$0xFFFFFF90] =	vst v4;
	v4 =	vmul.f32 v4, v4;
	v5 =	vld [tilespmem:s11+$0xFFFFFFA0]  }
0x415: {  	v6 =	vld [tilespmem:s10+$0xFFFFFFA0];
	_ =	sdelay $0x4  }
0x416: {  	v5 =	vsub.f32 v6, v5;
	v6, _, _ =	vpop (xrf2)  }
0x417: {  	v7 =	vmov s8;
	s8 =	smov.u32 s9;
	s9 =	smov.u32 s13;
	v6 =	vbroadcast v6, $0xF  }
0x418: {  	vm0 =	veq.s32 v7, v2;
	[tilespmem:s11+$0xFFFFFFA0] =	vst v5;
	v5 =	vmul.f32 v5, v5;
	v8 =	vld [tilespmem:s11+$0xFFFFFFB0]  }
0x419: {  	v7 =	vld [tilespmem:s10+$0xFFFFFFB0];
	v3 =	vsel vm0, v6, v3  }
0x41a: {  	v4 =	vadd.f32 v5, v4;
	_ =	sdelay $0x3  }
0x41b: {  	v5 =	vsub.f32 v7, v8;
	_ =	sdelay $0x1  }
0x41c: {  	[tilespmem:s11+$0xFFFFFFB0] =	vst v5;
	v5 =	vmul.f32 v5, v5;
	v6 =	vld [tilespmem:s11+$0xFFFFFFC0]  }
0x41d: {  	v7 =	vld [tilespmem:s10+$0xFFFFFFC0]  }
0x41e: {  	v4 =	vadd.f32 v5, v4;
	_ =	sdelay $0x3  }
0x41f: {  	v5 =	vsub.f32 v7, v6;
	_ =	sdelay $0x1  }
0x420: {  	[tilespmem:s11+$0xFFFFFFC0] =	vst v5;
	v5 =	vmul.f32 v5, v5;
	v6 =	vld [tilespmem:s11+$0xFFFFFFD0]  }
0x421: {  	v7 =	vld [tilespmem:s10+$0xFFFFFFD0]  }
0x422: {  	v4 =	vadd.f32 v5, v4;
	_ =	sdelay $0x3  }
0x423: {  	v5 =	vsub.f32 v7, v6;
	_ =	sdelay $0x1  }
0x424: {  	[tilespmem:s11+$0xFFFFFFD0] =	vst v5;
	v5 =	vmul.f32 v5, v5;
	v6 =	vld [tilespmem:s11+$0xFFFFFFE0]  }
0x425: {  	v7 =	vld [tilespmem:s10+$0xFFFFFFE0]  }
0x426: {  	v4 =	vadd.f32 v5, v4;
	_ =	sdelay $0x1  }
.Ltmp15:
0x427: {  	(pc) =	sbr.rel @p0 .LBB2_33-.Ltmp15, $3  }
0x428: {  	_ = 	snop  }
0x429: {  	v5 =	vsub.f32 v7, v6;
	_ =	sdelay $0x1  }
0x42a: {  	s13 =	sadd.s32 $0x1, s13;
	[tilespmem:s11+$0xFFFFFFE0] =	vst v5;
	v5 =	vmul.f32 v5, v5;
	v6 =	vld [tilespmem:s11+$0xFFFFFFF0]  }
0x42b: {  	v7 =	vld [tilespmem:s10+$0xFFFFFFF0];
	_ =	sdelay $0x4  }
0x42c: {  	v6 =	vsub.f32 v7, v6;
	_ =	sdelay $0x1  }
0x42d: {  	v7 =	vld [tilespmem:s11+$0x0];
	[tilespmem:s11+$0xFFFFFFF0] =	vst v6  }
0x42e: {  	v8 =	vld [tilespmem:s10+$0x0];
	_ =	sdelay $0x4  }
0x42f: {  	v7 =	vsub.f32 v8, v7  }
0x430: {  	s11 =	sadd.s32 $0x80, s11  }
0x431: {  	s13 =	sadd.s32 $0x80, s10;
	v8 =	vld [tilespmem:s11+$0xFFFFFF90];
	[tilespmem:s12+$0x0] =	vst v7  }
0x432: {  	v9 =	vld [tilespmem:s13+$0xFFFFFF90];
	_ =	sdelay $0x4  }
0x433: {  	v8 =	vsub.f32 v9, v8;
	_ =	sdelay $0x1  }
0x434: {  	v9 =	vld [tilespmem:s11+$0xFFFFFFA0];
	[tilespmem:s11+$0xFFFFFF90] =	vst v8  }
0x435: {  	v10 =	vld [tilespmem:s13+$0xFFFFFFA0];
	_ =	sdelay $0x4  }
0x436: {  	v9 =	vsub.f32 v10, v9;
	_ =	sdelay $0x1  }
0x437: {  	v10 =	vld [tilespmem:s11+$0xFFFFFFB0];
	[tilespmem:s11+$0xFFFFFFA0] =	vst v9  }
0x438: {  	v11 =	vld [tilespmem:s13+$0xFFFFFFB0];
	_ =	sdelay $0x4  }
0x439: {  	v10 =	vsub.f32 v11, v10;
	_ =	sdelay $0x1  }
0x43a: {  	v11 =	vld [tilespmem:s11+$0xFFFFFFC0];
	[tilespmem:s11+$0xFFFFFFB0] =	vst v10  }
0x43b: {  	v12 =	vld [tilespmem:s13+$0xFFFFFFC0];
	_ =	sdelay $0x4  }
0x43c: {  	v11 =	vsub.f32 v12, v11;
	_ =	sdelay $0x1  }
0x43d: {  	v12 =	vld [tilespmem:s11+$0xFFFFFFD0];
	[tilespmem:s11+$0xFFFFFFC0] =	vst v11  }
0x43e: {  	v13 =	vld [tilespmem:s13+$0xFFFFFFD0];
	_ =	sdelay $0x4  }
0x43f: {  	v12 =	vsub.f32 v13, v12;
	_ =	sdelay $0x1  }
0x440: {  	v13 =	vld [tilespmem:s11+$0xFFFFFFE0];
	[tilespmem:s11+$0xFFFFFFD0] =	vst v12  }
0x441: {  	v14 =	vld [tilespmem:s13+$0xFFFFFFE0];
	_ =	sdelay $0x4  }
0x442: {  	v13 =	vsub.f32 v14, v13;
	_ =	sdelay $0x1  }
0x443: {  	v14 =	vld [tilespmem:s11+$0xFFFFFFF0];
	[tilespmem:s11+$0xFFFFFFE0] =	vst v13  }
0x444: {  	v15 =	vld [tilespmem:s13+$0xFFFFFFF0];
	_ =	sdelay $0x2  }
0x445: {  	v8 =	vmul.f32 v8, v8;
	v9 =	vmul.f32 v9, v9;
	_ =	sdelay $0x1  }
0x446: {  	v8 =	vadd.f32 v9, v8;
	v9 =	vmul.f32 v10, v10;
	v10 =	vsub.f32 v15, v14;
	_ =	sdelay $0x1  }
0x447: {  	v8 =	vadd.f32 v9, v8;
	v9 =	vmul.f32 v11, v11;
	v11 =	vld [tilespmem:s11+$0x0];
	[tilespmem:s11+$0xFFFFFFF0] =	vst v10  }
0x448: {  	v14 =	vld [tilespmem:s13+$0x0]  }
0x449: {  	v8 =	vadd.f32 v9, v8;
	v9 =	vmul.f32 v12, v12;
	_ =	sdelay $0x1  }
0x44a: {  	v8 =	vadd.f32 v9, v8;
	v9 =	vmul.f32 v13, v13  }
0x44b: {  	v4 =	vadd.f32 v5, v4;
	v5 =	vmul.f32 v6, v6  }
0x44c: {  	v6 =	vadd.f32 v9, v8;
	v8 =	vmul.f32 v10, v10;
	v9 =	vsub.f32 v14, v11  }
0x44d: {  	v4 =	vadd.f32 v5, v4;
	v5 =	vmul.f32 v7, v7  }
0x44e: {  	v6 =	vadd.f32 v8, v6;
	v7 =	vmul.f32 v9, v9  }
0x44f: {  	v4 =	vadd.f32 v5, v4  }
0x450: {  	v5 =	vadd.f32 v7, v6  }
0x451: {  	(xrf2) =	vadd.scan.msk.f32 $0xffff, v4  }
0x452: {  	(xrf2) =	vadd.scan.msk.f32 $0xffff, v5;
	_ =	sdelay $0x8  }
0x453: {  	v4, _, _ =	vpop (xrf2)  }
0x454: {  	v4 =	vbroadcast v4, $0xF;
	v5 =	vmov s8;
	v6, _, _ =	vpop (xrf2)  }
0x455: {  	vm0 =	veq.s32 v5, v2;
	v5 =	vmov s9;
	v6 =	vbroadcast v6, $0xF  }
0x456: {  	v3 =	vsel vm0, v4, v3;
	vm15 =	veq.s32 v5, v2  }
0x457: {  	v5 =	vsel vm15, v6, v3  }
0x458: {  	v3 =	vshrl.u32 v5, $0x1;
	v4 =	vmul.f32 $5.000000000e-01, v5  }
0x459: {  	v3 =	vsub.s32 $0x5F3759DF, v3  }
0x45a: {  	v6 =	vmul.f32 v3, v4;
	_ =	sdelay $0x1  }
0x45b: {  	v6 =	vmul.f32 v3, v6;
	_ =	sdelay $0x1  }
0x45c: {  	v6 =	vsub.f32 $1.500000000e+00, v6;
	_ =	sdelay $0x1  }
0x45d: {  	v3 =	vmul.f32 v3, v6;
	_ =	sdelay $0x1  }
0x45e: {  	v6 =	vmul.f32 v3, v4;
	_ =	sdelay $0x1  }
0x45f: {  	v6 =	vmul.f32 v6, v3;
	_ =	sdelay $0x1  }
0x460: {  	v6 =	vsub.f32 $1.500000000e+00, v6;
	_ =	sdelay $0x1  }
0x461: {  	s10 =	simm.s32 $0x0;
	[tilespmem:s11+$0x0] =	vst v9;
	v3 =	vmul.f32 v6, v3  }
0x462: {  	v9 =	vld [tilespmem:s10+$0x1E0]  }
0x463: {  	v4 =	vmul.f32 v3, v4  }
0x464: {  	v7 =	vld [tilespmem:$0xE0]  }
0x465: {  	s11 =	simm.s32 $0x8;
	v4 =	vmul.f32 v4, v3  }
0x466: {  	v18 =	vld [tilespmem:s11+$0x1E0]  }
0x467: {  	v11 =	vbroadcast v9, $0x1;
	v4 =	vsub.f32 $1.500000000e+00, v4  }
0x468: {  	s12 =	simm.s32 $0x10;
	v10 =	vbroadcast v9, $0x7  }
0x469: {  	v16 =	vmul.f32 v11, v7;
	v11 =	vld [tilespmem:s12+$0x1E0];
	v3 =	vmul.f32 v4, v3  }
0x46a: {  	v13 =	vbroadcast v9, $0x3;
	v21 =	vbroadcast v9, $0x5  }
0x46b: {  	v15 =	vbroadcast v18, $0x0;
	v4 =	vld [tilespmem:$0x130];
	v6 =	vmul.f32 v3, v5  }
0x46c: {  	v19 =	vbroadcast v18, $0x2;
	vm0 =	vgt.f32 v5, $0.0e+00;
	v5 =	vbroadcast v9, $0x0  }
0x46d: {  	v22 =	vbroadcast v18, $0x3;
	v24 =	vbroadcast v9, $0x6;
	v8 =	vnsel vm0, $0x0, v6  }
0x46e: {  	v26 =	vbroadcast v11, $0x2;
	v12 =	vmul.f32 v5, v8;
	v5 =	vld [tilespmem:$0x180]  }
0x46f: {  	v29 =	vbroadcast v11, $0x1;
	v3 =	vld [tilespmem:$0x1D0];
	v6 =	vbroadcast v9, $0x2  }
0x470: {  	v20 =	vmul.f32 v15, v8;
	v23 =	vmul.f32 v19, v4  }
0x471: {  	v15 =	vbroadcast v18, $0x5;
	v14 =	vmul.f32 v6, v4;
	v12 =	vadd.f32 v16, v12  }
0x472: {  	v19 =	vbroadcast v11, $0x0;
	v6 =	vbroadcast v9, $0x4  }
0x473: {  	v16 =	vbroadcast v18, $0x4;
	v12 =	vadd.f32 v12, v14;
	v14 =	vmul.f32 v13, v5  }
0x474: {  	v9 =	vbroadcast v11, $0x7;
	v17 =	vmul.f32 v6, v3  }
0x475: {  	v13 =	vmul.f32 v16, v3;
	v16 =	vbroadcast v18, $0x1;
	v14 =	vadd.f32 v12, v14  }
0x476: {  	s13 =	simm.s32 $0x18;
	v19 =	vmul.f32 v19, v8;
	v6 =	vbroadcast v18, $0x7  }
0x477: {  	v22 =	vmul.f32 v22, v5;
	v25 =	vmul.f32 v16, v7;
	v12 =	vld [tilespmem:s13+$0x1E0];
	v27 =	vadd.f32 v14, v17  }
0x478: {  	v16 =	vbroadcast v11, $0x3;
	v17 =	vmul.f32 v26, v4  }
0x479: {  	v26 =	vbroadcast v11, $0x4;
	v25 =	vadd.f32 v25, v20;
	v27 =	vadd.f32 v27, v21  }
0x47a: {  	v28 =	vimm.f32 $0.0e+00;
	v14 =	vbroadcast v11, $0x5;
	v20 =	vbroadcast v18, $0x6  }
0x47b: {  	v18 =	vmul.f32 v26, v3;
	v25 =	vadd.f32 v25, v23;
	v30 =	vmul.f32 v27, v24  }
0x47c: {  	v23 =	vbroadcast v12, $0x0;
	v21 =	vbroadcast v12, $0x7;
	v26 =	vand.u32 $0x7FFFFFFF, v27  }
0x47d: {  	s8 =	simm.s32 $0x80;
	v24 =	vmul.f32 v29, v7;
	v25 =	vadd.f32 v25, v22;
	v22 =	vadd.f32 v30, v28  }
.LBB2_35:
0x47e: {  	s9 =	sshra.s32 s8, $0x2;
	p0 =	sne.s32 s8, $0x7E0;
	s8 =	sadd.s32 $0x20, s8;
	v27 =	vbroadcast v12, $0x2;
	v26 =	vmul.f32 v26, v10;
	v10 =	vmovc v6;
	v6 =	vmovc v9;
	v9 =	vmov v21  }
0x47f: {  	v21 =	vmul.f32 v23, v8;
	v23 =	vbroadcast v12, $0x3;
	v28 =	vld [tilespmem:s9+$0x1E0];
	v25 =	vadd.f32 v25, v13;
	v13 =	vmovc v18  }
0x480: {  	v18 =	vbroadcast v12, $0x4;
	v24 =	vadd.f32 v24, v19;
	v27 =	vmul.f32 v27, v4  }
.Ltmp16:
0x481: {  	v29 =	vbroadcast v12, $0x5;
	v30 =	vbroadcast v11, $0x6;
	v11 =	vmovc v12;
	v19 =	vmovc v21;
	v25 =	vadd.f32 v25, v15;
	(pc) =	sbr.rel @p0 .LBB2_35-.Ltmp16, $4  }
0x482: {  	v32 =	vmul.f32 v16, v5;
	v16 =	vmovc v23;
	v18 =	vmul.f32 v18, v3;
	v31 =	vadd.f32 v24, v17  }
0x483: {  	v22 =	vadd.f32 v26, v22;
	v24 =	vbroadcast v11, $0x1;
	v15 =	vmovc v14;
	v17 =	vmovc v27;
	v33 =	vmul.f32 v25, v20  }
0x484: {  	v14 =	vmovc v29;
	v26 =	vand.u32 $0x7FFFFFFF, v25;
	v23 =	vbroadcast v28, $0x0;
	v21 =	vbroadcast v28, $0x7;
	v12 =	vmovc v28  }
0x485: {  	v24 =	vmul.f32 v24, v7;
	v25 =	vadd.f32 v31, v32;
	v20 =	vmovc v30;
	v22 =	vadd.f32 v33, v22  }
0x486: {  	_ = 	snop  }
0x487: {  	v27 =	vbroadcast v12, $0x2;
	v60 =	vbroadcast v12, $0x1;
	v19 =	vadd.f32 v24, v19  }
0x488: {  	v10 =	vmul.f32 v26, v10;
	v8 =	vmul.f32 v23, v8;
	v13 =	vadd.f32 v25, v13  }
0x489: {  	v16 =	vmul.f32 v16, v5;
	v7 =	vmul.f32 v60, v7;
	v17 =	vadd.f32 v19, v17  }
0x48a: {  	v61 =	vbroadcast v12, $0x3;
	v62 =	vbroadcast v12, $0x4;
	v13 =	vadd.f32 v13, v15  }
0x48b: {  	v4 =	vmul.f32 v27, v4;
	v7 =	vadd.f32 v7, v8;
	v16 =	vadd.f32 v17, v16  }
0x48c: {  	v10 =	vadd.f32 v10, v22;
	v8 =	vbroadcast v11, $0x6;
	v11 =	vmul.f32 v13, v20  }
0x48d: {  	v5 =	vmul.f32 v61, v5;
	v4 =	vadd.f32 v7, v4;
	v16 =	vadd.f32 v16, v18  }
0x48e: {  	v3 =	vmul.f32 v62, v3;
	v7 =	vand.u32 $0x7FFFFFFF, v13;
	v10 =	vadd.f32 v11, v10  }
0x48f: {  	v6 =	vmul.f32 v7, v6;
	v4 =	vadd.f32 v4, v5;
	v7 =	vadd.f32 v16, v14  }
0x490: {  	v5 =	vbroadcast v12, $0x5  }
0x491: {  	v6 =	vadd.f32 v6, v10;
	v3 =	vadd.f32 v4, v3;
	v8 =	vmul.f32 v7, v8  }
0x492: {  	v4 =	vbroadcast v12, $0x6;
	v7 =	vand.u32 $0x7FFFFFFF, v7  }
0x493: {  	v7 =	vmul.f32 v7, v9;
	v3 =	vadd.f32 v3, v5;
	v6 =	vadd.f32 v8, v6;
	_ =	sdelay $0x1  }
0x494: {  	v4 =	vmul.f32 v3, v4;
	v5 =	vadd.f32 v7, v6  }
0x495: {  	v3 =	vand.u32 $0x7FFFFFFF, v3  }
0x496: {  	v3 =	vmul.f32 v3, v21;
	v4 =	vadd.f32 v4, v5;
	_ =	sdelay $0x1  }
0x497: {  	s8 =	simm.s32 $0x0;
	v3 =	vadd.f32 v3, v4  }
0x498: {  	v4 =	vmov s8  }
0x499: {  	s8 =	simm.s32 $0x4C58;
	[tilespmem:$0x58E8] =	vst v3  }
0x49a: {  	v7 =	vld [tilespmem:s8+$0x0]  }
0x49b: {  	v10 =	vld [tilespmem:s8+$0xFFFFFFE0]  }
0x49c: {  	v8 =	vld [tilespmem:s8+$0xFFFFFF90]  }
0x49d: {  	v3 =	vld.idx.msk [tilespmem:v4+s2+$0x0], $0xffff  }
0x49e: {  	v63 =	vld [tilespmem:s8+$0xFFFFFFB0]  }
0x49f: {  	v5 =	vld [tilespmem:s8+$0xFFFFFFC0]  }
0x4a0: {  	v6 =	vld [tilespmem:s8+$0xFFFFFFA0]  }
0x4a1: {  	v4 =	vld [tilespmem:s8+$0xFFFFFFF0]  }
0x4a2: {  	v11 =	vmul.f32 v7, v3;
	v7 =	vld [tilespmem:s8+$0xFFFFFFD0]  }
0x4a3: {  	v9 =	vmul.f32 v8, v3  }
0x4a4: {  	s9 =	simm.s32 $0x1;
	s10 =	simm.s32 $0x4C58;
	v8 =	vmul.f32 v63, v3;
	v10 =	vmul.f32 v10, v3  }
.LBB2_37:
0x4a5: {  	p0 =	sne.s32 s9, $0xF  }
0x4a6: {  	v6 =	vmul.f32 v6, v3;
	v12 =	vmul.f32 v4, v3;
	[tilespmem:s8+$0x0] =	vst v11;
	s10 =	sadd.s32 $0x80, s10;
	s11 =	smov.u32 s9;
	s9 =	sadd.s32 $0x1, s9  }
0x4a7: {  	v5 =	vmul.f32 v5, v3;
	[tilespmem:s8+$0xFFFFFF90] =	vst v9;
	v3 =	vmul.f32 v7, v3  }
0x4a8: {  	[tilespmem:s8+$0xFFFFFFE0] =	vst v10  }
0x4a9: {  	v7 =	vmov s11;
	[tilespmem:s8+$0xFFFFFFB0] =	vst v8  }
0x4aa: {  	v4 =	vld [tilespmem:s10+$0xFFFFFFF0];
	[tilespmem:s8+$0xFFFFFFC0] =	vst v5  }
0x4ab: {  	v8 =	vld [tilespmem:s10+$0x0];
	[tilespmem:s8+$0xFFFFFFD0] =	vst v3  }
0x4ac: {  	v5 =	vld [tilespmem:s10+$0xFFFFFFC0];
	[tilespmem:s8+$0xFFFFFFF0] =	vst v12  }
0x4ad: {  	v10 =	vld [tilespmem:s10+$0xFFFFFFE0];
	[tilespmem:s8+$0xFFFFFFA0] =	vst v6;
	s8 =	smov.u32 s10  }
0x4ae: {  	v3 =	vld.idx.msk [tilespmem:v7+s2+$0x0], $0xffff  }
0x4af: {  	v9 =	vld [tilespmem:s10+$0xFFFFFF90]  }
0x4b0: {  	v12 =	vld [tilespmem:s10+$0xFFFFFFB0]  }
.Ltmp17:
0x4b1: {  	v6 =	vld [tilespmem:s10+$0xFFFFFFA0];
	(pc) =	sbr.rel @p0 .LBB2_37-.Ltmp17, $3  }
0x4b2: {  	v7 =	vld [tilespmem:s10+$0xFFFFFFD0];
	_ =	sdelay $0x1  }
0x4b3: {  	v11 =	vmul.f32 v8, v3;
	v9 =	vmul.f32 v9, v3  }
0x4b4: {  	v10 =	vmul.f32 v10, v3;
	v8 =	vmul.f32 v12, v3  }
0x4b5: {  	[tilespmem:s8+$0x0] =	vst v11  }
0x4b6: {  	[tilespmem:s8+$0xFFFFFF90] =	vst v9  }
0x4b7: {  	v5 =	vmul.f32 v5, v3;
	[tilespmem:s8+$0xFFFFFFE0] =	vst v10  }
0x4b8: {  	v4 =	vmul.f32 v4, v3;
	[tilespmem:s8+$0xFFFFFFB0] =	vst v8  }
0x4b9: {  	v7 =	vmul.f32 v7, v3;
	[tilespmem:s8+$0xFFFFFFC0] =	vst v5  }
0x4ba: {  	v3 =	vmul.f32 v6, v3;
	[tilespmem:s8+$0xFFFFFFF0] =	vst v4  }
0x4bb: {  	s7 =	sshll.u32 s7, $0x4;
	[tilespmem:s8+$0xFFFFFFD0] =	vst v7  }
0x4bc: {  	s7 =	sadd.s32 s20, s7;
	[tilespmem:s8+$0xFFFFFFA0] =	vst v3  }
0x4bd: {  	[hbm4b:s7+s0] =	stream.linear.scatter [tilespmem:s21], [sflag:$0x2], $0x2800, $0x38;
	[tilespmem:$0x1C4F8] =	vst v63  }
0x4be: {  	_ =	swait.ge [sflag:s29], $0x2800  }
0x4bf: {  	[sflag:s29] =	ssyncset.done $0x0  }
0x4c0: {  	[sflag:s29] =	ssyncadd.s32 $0xFFFFD800  }
0x4c1: {  	[spmem:s22] =	stream.indirect.scatter.add.f32 [tilespmem:s21], [sflag:$0x2], $0x80, s0, s30, $0xb8;
	[tilespmem:$0x1C4F8] =	vst v63  }
0x4c2: {  	s6 =	sadd.s32 $0x1, s6;
	_ =	swait.ge [sflag:s29], $0x2800  }
0x4c3: {  	p0 =	sne.s32 s6, $0x7D;
	[sflag:s29] =	ssyncset.done $0x0  }
.Ltmp18:
0x4c4: {  	[sflag:s29] =	ssyncadd.s32 $0xFFFFD800;
	(pc) =	sbr.rel @p0 .LBB2_8-.Ltmp18, $4  }
0x4c5: {  	[spmem:s23] =	stream.indirect.scatter.add.f32 [tilespmem:s3], [sflag:$0x2], $0x10, s0, s30, $0xb8;
	[tilespmem:$0x1C4F8] =	vst v63  }
0x4c6: {  	_ =	swait.ge [sflag:s29], $0x500  }
0x4c7: {  	[sflag:s29] =	ssyncset.done $0x0  }
0x4c8: {  	[sflag:s29] =	ssyncadd.s32 $0xFFFFFB00  }
0x4c9: {  	[bflag:$0x0] =	sbarrier.arrive $0xFFFF  }
0x4ca: {  	s5 =	rddreg [dreg:$0x1a]  }
0x4cb: {  	[tilespmem:s25], [sflag:$0x2] =	stream.linear.gather [spmem:s5], $0x2800, $0x38;
	[tilespmem:$0x1C4F8] =	vst v63  }
0x4cc: {  	_ =	swait.ge [sflag:s29], $0x2800  }
0x4cd: {  	[sflag:s29] =	ssyncset.done $0x0  }
0x4ce: {  	s8 =	rddreg [dreg:$0x7];
	[sflag:s29] =	ssyncadd.s32 $0xFFFFD800  }
0x4cf: {  	[hbm4b:s8+s0] =	stream.linear.scatter [tilespmem:s25], [sflag:$0x2], $0x2800, $0x38;
	[tilespmem:$0x1C4F8] =	vst v63  }
0x4d0: {  	_ =	swait.ge [sflag:s29], $0x2800  }
0x4d1: {  	[sflag:s29] =	ssyncset.done $0x0  }
0x4d2: {  	s9 =	rddreg [dreg:$0x1b];
	[sflag:s29] =	ssyncadd.s32 $0xFFFFD800  }
0x4d3: {  	[tilespmem:s25], [sflag:$0x2] =	stream.linear.gather [spmem:s9], $0x2800, $0x38;
	[tilespmem:$0x1C4F8] =	vst v63  }
0x4d4: {  	_ =	swait.ge [sflag:s29], $0x2800  }
0x4d5: {  	[sflag:s29] =	ssyncset.done $0x0  }
0x4d6: {  	s10 =	rddreg [dreg:$0x8];
	[sflag:s29] =	ssyncadd.s32 $0xFFFFD800  }
0x4d7: {  	[hbm4b:s10+s0] =	stream.linear.scatter [tilespmem:s25], [sflag:$0x2], $0x2800, $0x38;
	[tilespmem:$0x1C4F8] =	vst v63  }
0x4d8: {  	_ =	swait.ge [sflag:s29], $0x2800  }
0x4d9: {  	[sflag:s29] =	ssyncset.done $0x0  }
0x4da: {  	[sflag:s29] =	ssyncadd.s32 $0xFFFFD800  }
0x4db: {  	[tilespmem:s25], [sflag:$0x2] =	stream.linear.gather [spmem:s15], $0x2800, $0x38;
	[tilespmem:$0x1C4F8] =	vst v63  }
0x4dc: {  	_ =	swait.ge [sflag:s29], $0x2800  }
0x4dd: {  	[sflag:s29] =	ssyncset.done $0x0  }
0x4de: {  	s11 =	rddreg [dreg:$0x9];
	[sflag:s29] =	ssyncadd.s32 $0xFFFFD800  }
0x4df: {  	[hbm4b:s11+s0] =	stream.linear.scatter [tilespmem:s25], [sflag:$0x2], $0x2800, $0x38;
	[tilespmem:$0x1C4F8] =	vst v63  }
0x4e0: {  	_ =	swait.ge [sflag:s29], $0x2800  }
0x4e1: {  	[sflag:s29] =	ssyncset.done $0x0  }
0x4e2: {  	[sflag:s29] =	ssyncadd.s32 $0xFFFFD800  }
0x4e3: {  	[tilespmem:s25], [sflag:$0x2] =	stream.linear.gather [spmem:s17], $0x2800, $0x38;
	[tilespmem:$0x1C4F8] =	vst v63  }
0x4e4: {  	_ =	swait.ge [sflag:s29], $0x2800  }
0x4e5: {  	[sflag:s29] =	ssyncset.done $0x0  }
0x4e6: {  	s12 =	rddreg [dreg:$0xa];
	[sflag:s29] =	ssyncadd.s32 $0xFFFFD800  }
0x4e7: {  	[hbm4b:s12+s0] =	stream.linear.scatter [tilespmem:s25], [sflag:$0x2], $0x2800, $0x38;
	[tilespmem:$0x1C4F8] =	vst v63  }
0x4e8: {  	_ =	swait.ge [sflag:s29], $0x2800  }
0x4e9: {  	[sflag:s29] =	ssyncset.done $0x0  }
0x4ea: {  	s11 =	rddreg [dreg:$0x1c];
	[sflag:s29] =	ssyncadd.s32 $0xFFFFD800  }
0x4eb: {  	[tilespmem:s25], [sflag:$0x2] =	stream.linear.gather [spmem:s11], $0x2800, $0x38;
	[tilespmem:$0x1C4F8] =	vst v63  }
0x4ec: {  	_ =	swait.ge [sflag:s29], $0x2800  }
0x4ed: {  	[sflag:s29] =	ssyncset.done $0x0  }
0x4ee: {  	s13 =	rddreg [dreg:$0xb];
	[sflag:s29] =	ssyncadd.s32 $0xFFFFD800  }
0x4ef: {  	[hbm4b:s13+s0] =	stream.linear.scatter [tilespmem:s25], [sflag:$0x2], $0x2800, $0x38;
	[tilespmem:$0x1C4F8] =	vst v63  }
0x4f0: {  	_ =	swait.ge [sflag:s29], $0x2800  }
0x4f1: {  	[sflag:s29] =	ssyncset.done $0x0  }
0x4f2: {  	s7 =	smov.u32 s15;
	s15 =	rddreg [dreg:$0x1d];
	[sflag:s29] =	ssyncadd.s32 $0xFFFFD800  }
0x4f3: {  	[tilespmem:s25], [sflag:$0x2] =	stream.linear.gather [spmem:s15], $0x2800, $0x38;
	[tilespmem:$0x1C4F8] =	vst v63  }
0x4f4: {  	_ =	swait.ge [sflag:s29], $0x2800  }
0x4f5: {  	[sflag:s29] =	ssyncset.done $0x0  }
0x4f6: {  	s9 =	smov.u32 s17;
	s17 =	rddreg [dreg:$0xc];
	[sflag:s29] =	ssyncadd.s32 $0xFFFFD800  }
0x4f7: {  	[hbm4b:s17+s0] =	stream.linear.scatter [tilespmem:s25], [sflag:$0x2], $0x2800, $0x38;
	[tilespmem:$0x1C4F8] =	vst v63  }
0x4f8: {  	_ =	swait.ge [sflag:s29], $0x2800  }
0x4f9: {  	[sflag:s29] =	ssyncset.done $0x0  }
0x4fa: {  	s6 =	rddreg [dreg:$0x1e];
	[sflag:s29] =	ssyncadd.s32 $0xFFFFD800  }
0x4fb: {  	[tilespmem:s25], [sflag:$0x2] =	stream.linear.gather [spmem:s6], $0x2800, $0x38;
	[tilespmem:$0x1C4F8] =	vst v63  }
0x4fc: {  	_ =	swait.ge [sflag:s29], $0x2800  }
0x4fd: {  	[sflag:s29] =	ssyncset.done $0x0  }
0x4fe: {  	s8 =	rddreg [dreg:$0xd];
	[sflag:s29] =	ssyncadd.s32 $0xFFFFD800  }
0x4ff: {  	[hbm4b:s8+s0] =	stream.linear.scatter [tilespmem:s25], [sflag:$0x2], $0x2800, $0x38;
	[tilespmem:$0x1C4F8] =	vst v63  }
0x500: {  	_ =	swait.ge [sflag:s29], $0x2800  }
0x501: {  	[sflag:s29] =	ssyncset.done $0x0  }
0x502: {  	s10 =	rddreg [dreg:$0x1f];
	[sflag:s29] =	ssyncadd.s32 $0xFFFFD800  }
0x503: {  	[tilespmem:s25], [sflag:$0x2] =	stream.linear.gather [spmem:s10], $0x2800, $0x38;
	[tilespmem:$0x1C4F8] =	vst v63  }
0x504: {  	_ =	swait.ge [sflag:s29], $0x2800  }
0x505: {  	[sflag:s29] =	ssyncset.done $0x0  }
0x506: {  	s12 =	rddreg [dreg:$0xe];
	[sflag:s29] =	ssyncadd.s32 $0xFFFFD800  }
0x507: {  	[hbm4b:s12+s0] =	stream.linear.scatter [tilespmem:s25], [sflag:$0x2], $0x2800, $0x38;
	[tilespmem:$0x1C4F8] =	vst v63  }
0x508: {  	_ =	swait.ge [sflag:s29], $0x2800  }
0x509: {  	s13 =	sld [smem:$0x7F3]  }
0x50a: {  	[sflag:s29] =	ssyncset.done $0x0  }
0x50b: {  	[sflag:s29] =	ssyncadd.s32 $0xFFFFD800  }
0x50c: {  	[tilespmem:s24], [sflag:$0x2] =	stream.linear.gather [spmem:s13], $0x400, $0x38;
	[tilespmem:$0x1C4F8] =	vst v63  }
0x50d: {  	_ =	swait.ge [sflag:s29], $0x400  }
0x50e: {  	[sflag:s29] =	ssyncset.done $0x0  }
0x50f: {  	s15 =	rddreg [dreg:$0xf];
	[sflag:s29] =	ssyncadd.s32 $0xFFFFFC00  }
0x510: {  	[hbm4b:s15+s0] =	stream.linear.scatter [tilespmem:s24], [sflag:$0x2], $0x400, $0x38;
	[tilespmem:$0x1C4F8] =	vst v63  }
0x511: {  	_ =	swait.ge [sflag:s29], $0x400  }
0x512: {  	s10 =	sld [smem:$0x7FC]  }
0x513: {  	[sflag:s29] =	ssyncset.done $0x0  }
0x514: {  	[sflag:s29] =	ssyncadd.s32 $0xFFFFFC00  }
0x515: {  	[tilespmem:s24], [sflag:$0x2] =	stream.linear.gather [spmem:s10], $0x400, $0x38;
	[tilespmem:$0x1C4F8] =	vst v63  }
0x516: {  	_ =	swait.ge [sflag:s29], $0x400  }
0x517: {  	[sflag:s29] =	ssyncset.done $0x0  }
0x518: {  	s17 =	rddreg [dreg:$0x10];
	[sflag:s29] =	ssyncadd.s32 $0xFFFFFC00  }
0x519: {  	[hbm4b:s17+s0] =	stream.linear.scatter [tilespmem:s24], [sflag:$0x2], $0x400, $0x38;
	[tilespmem:$0x1C4F8] =	vst v63  }
0x51a: {  	_ =	swait.ge [sflag:s29], $0x400  }
0x51b: {  	s6 =	sld [smem:$0x7F4]  }
0x51c: {  	[sflag:s29] =	ssyncset.done $0x0  }
0x51d: {  	[sflag:s29] =	ssyncadd.s32 $0xFFFFFC00  }
0x51e: {  	[tilespmem:s24], [sflag:$0x2] =	stream.linear.gather [spmem:s6], $0x400, $0x38;
	[tilespmem:$0x1C4F8] =	vst v63  }
0x51f: {  	_ =	swait.ge [sflag:s29], $0x400  }
0x520: {  	[sflag:s29] =	ssyncset.done $0x0  }
0x521: {  	s8 =	rddreg [dreg:$0x11];
	[sflag:s29] =	ssyncadd.s32 $0xFFFFFC00  }
0x522: {  	[hbm4b:s8+s0] =	stream.linear.scatter [tilespmem:s24], [sflag:$0x2], $0x400, $0x38;
	[tilespmem:$0x1C4F8] =	vst v63  }
0x523: {  	_ =	swait.ge [sflag:s29], $0x400  }
0x524: {  	s12 =	sld [smem:$0x7F5]  }
0x525: {  	[sflag:s29] =	ssyncset.done $0x0  }
0x526: {  	[sflag:s29] =	ssyncadd.s32 $0xFFFFFC00  }
0x527: {  	[tilespmem:s24], [sflag:$0x2] =	stream.linear.gather [spmem:s12], $0x400, $0x38;
	[tilespmem:$0x1C4F8] =	vst v63  }
0x528: {  	_ =	swait.ge [sflag:s29], $0x400  }
0x529: {  	[sflag:s29] =	ssyncset.done $0x0  }
0x52a: {  	s13 =	rddreg [dreg:$0x12];
	[sflag:s29] =	ssyncadd.s32 $0xFFFFFC00  }
0x52b: {  	[hbm4b:s13+s0] =	stream.linear.scatter [tilespmem:s24], [sflag:$0x2], $0x400, $0x38;
	[tilespmem:$0x1C4F8] =	vst v63  }
0x52c: {  	_ =	swait.ge [sflag:s29], $0x400  }
0x52d: {  	s15 =	sld [smem:$0x7F6]  }
0x52e: {  	[sflag:s29] =	ssyncset.done $0x0  }
0x52f: {  	[sflag:s29] =	ssyncadd.s32 $0xFFFFFC00  }
0x530: {  	[tilespmem:s24], [sflag:$0x2] =	stream.linear.gather [spmem:s15], $0x400, $0x38;
	[tilespmem:$0x1C4F8] =	vst v63  }
0x531: {  	_ =	swait.ge [sflag:s29], $0x400  }
0x532: {  	[sflag:s29] =	ssyncset.done $0x0  }
0x533: {  	s17 =	rddreg [dreg:$0x13];
	[sflag:s29] =	ssyncadd.s32 $0xFFFFFC00  }
0x534: {  	[hbm4b:s17+s0] =	stream.linear.scatter [tilespmem:s24], [sflag:$0x2], $0x400, $0x38;
	[tilespmem:$0x1C4F8] =	vst v63  }
0x535: {  	_ =	swait.ge [sflag:s29], $0x400  }
0x536: {  	s8 =	sld [smem:$0x7FD]  }
0x537: {  	[sflag:s29] =	ssyncset.done $0x0  }
0x538: {  	[sflag:s29] =	ssyncadd.s32 $0xFFFFFC00  }
0x539: {  	[tilespmem:s24], [sflag:$0x2] =	stream.linear.gather [spmem:s8], $0x400, $0x38;
	[tilespmem:$0x1C4F8] =	vst v63  }
0x53a: {  	_ =	swait.ge [sflag:s29], $0x400  }
0x53b: {  	[sflag:s29] =	ssyncset.done $0x0  }
0x53c: {  	s6 =	rddreg [dreg:$0x14];
	[sflag:s29] =	ssyncadd.s32 $0xFFFFFC00  }
0x53d: {  	[hbm4b:s6+s0] =	stream.linear.scatter [tilespmem:s24], [sflag:$0x2], $0x400, $0x38;
	[tilespmem:$0x1C4F8] =	vst v63  }
0x53e: {  	_ =	swait.ge [sflag:s29], $0x400  }
0x53f: {  	s12 =	sld [smem:$0x7F7]  }
0x540: {  	[sflag:s29] =	ssyncset.done $0x0  }
0x541: {  	[sflag:s29] =	ssyncadd.s32 $0xFFFFFC00  }
0x542: {  	[tilespmem:s24], [sflag:$0x2] =	stream.linear.gather [spmem:s12], $0x400, $0x38;
	[tilespmem:$0x1C4F8] =	vst v63  }
0x543: {  	_ =	swait.ge [sflag:s29], $0x400  }
0x544: {  	[sflag:s29] =	ssyncset.done $0x0  }
0x545: {  	s13 =	rddreg [dreg:$0x15];
	[sflag:s29] =	ssyncadd.s32 $0xFFFFFC00  }
0x546: {  	[hbm4b:s13+s0] =	stream.linear.scatter [tilespmem:s24], [sflag:$0x2], $0x400, $0x38;
	[tilespmem:$0x1C4F8] =	vst v63  }
0x547: {  	_ =	swait.ge [sflag:s29], $0x400  }
0x548: {  	s15 =	sld [smem:$0x7F8]  }
0x549: {  	[sflag:s29] =	ssyncset.done $0x0  }
0x54a: {  	[sflag:s29] =	ssyncadd.s32 $0xFFFFFC00  }
0x54b: {  	[tilespmem:s24], [sflag:$0x2] =	stream.linear.gather [spmem:s15], $0x400, $0x38;
	[tilespmem:$0x1C4F8] =	vst v63  }
0x54c: {  	_ =	swait.ge [sflag:s29], $0x400  }
0x54d: {  	[sflag:s29] =	ssyncset.done $0x0  }
0x54e: {  	s17 =	rddreg [dreg:$0x16];
	[sflag:s29] =	ssyncadd.s32 $0xFFFFFC00  }
0x54f: {  	[hbm4b:s17+s0] =	stream.linear.scatter [tilespmem:s24], [sflag:$0x2], $0x400, $0x38;
	[tilespmem:$0x1C4F8] =	vst v63  }
0x550: {  	_ =	swait.ge [sflag:s29], $0x400  }
0x551: {  	s6 =	sld [smem:$0x7F9]  }
0x552: {  	[sflag:s29] =	ssyncset.done $0x0  }
0x553: {  	[sflag:s29] =	ssyncadd.s32 $0xFFFFFC00  }
0x554: {  	[tilespmem:s24], [sflag:$0x2] =	stream.linear.gather [spmem:s6], $0x400, $0x38;
	[tilespmem:$0x1C4F8] =	vst v63  }
0x555: {  	_ =	swait.ge [sflag:s29], $0x400  }
0x556: {  	[sflag:s29] =	ssyncset.done $0x0  }
0x557: {  	s12 =	rddreg [dreg:$0x17];
	[sflag:s29] =	ssyncadd.s32 $0xFFFFFC00  }
0x558: {  	[hbm4b:s12+s0] =	stream.linear.scatter [tilespmem:s24], [sflag:$0x2], $0x400, $0x38;
	[tilespmem:$0x1C4F8] =	vst v63  }
0x559: {  	_ =	swait.ge [sflag:s29], $0x400  }
0x55a: {  	s13 =	sld [smem:$0x7FA]  }
0x55b: {  	[sflag:s29] =	ssyncset.done $0x0  }
0x55c: {  	[sflag:s29] =	ssyncadd.s32 $0xFFFFFC00  }
0x55d: {  	[tilespmem:s24], [sflag:$0x2] =	stream.linear.gather [spmem:s13], $0x400, $0x38;
	[tilespmem:$0x1C4F8] =	vst v63  }
0x55e: {  	_ =	swait.ge [sflag:s29], $0x400  }
0x55f: {  	[sflag:s29] =	ssyncset.done $0x0  }
0x560: {  	s15 =	rddreg [dreg:$0x18];
	[sflag:s29] =	ssyncadd.s32 $0xFFFFFC00  }
0x561: {  	[hbm4b:s15+s0] =	stream.linear.scatter [tilespmem:s24], [sflag:$0x2], $0x400, $0x38;
	[tilespmem:$0x1C4F8] =	vst v63  }
0x562: {  	_ =	swait.ge [sflag:s29], $0x400  }
0x563: {  	s17 =	sld [smem:$0x7FB];
	_ =	sdelay $0x1  }
0x564: {  	s4 =	sadd.s32 $0x1, s4  }
0x565: {  	p0 =	sne.s32 s4, s17  }
.Ltmp19:
0x566: {  	_ = 	snop;
	(pc) =	sbr.rel @p0 .LBB2_1-.Ltmp19, $3  }
0x567: {  	_ =	sdelay $0x1  }
0x568: {  	[sflag:s29] =	ssyncset.done $0x0  }
0x569: {  	[sflag:s29] =	ssyncadd.s32 $0xFFFFFC00  }
0x56a: {  	_ =	sfence.sel $0x180000  }
0x56b: {  	[bflag:$0x0] =	sbarrier.arrive $0xFFFF  }
0x56c: {  	_ =	strace $0x90000047  }
0x56d: {  	s0 =	stileid.u32;
	[bflag:$0x2] =	sbarrier.arrive $0xFFFF  }
0x56e: {  	p0 =	sne.s32 s0, $0x0;
	s0 =	rddreg [dreg:$0x6]  }
0x56f: {  	s0 =	sadd.s32 @!p0 $0x100000, s0  }
0x570: {  	[sflag:s0] =	ssyncadd.tile.s32 @!p0 $0x1;
	_ =	shalt  }
.Lfunc_end2:
_tile_overlayer_lowered:
.L_overlay_start_2:
0x571: {  	(tag) =	ssettag $0x2  }
0x572: {  	s0 =	rddreg [dreg:$0x0];
	s2 =	stileid.u32  }
0x573: {  	s1 =	rddreg [dreg:$0x1];
	p0 =	sne.s32 s2, $0x0  }
0x574: {  	s3 =	rddreg [dreg:$0x2];
	[bflag:$0x3] =	sbarrier.arrive $0xFFFF;
	s2 =	simm.s32 @!p0 $0x1C02  }
0x575: {  	[timem:s3], [sflag:s2] =	dma.local @!p0 [hbm:s0], s1  }
0x576: {  	s0 =	simm.s32 @!p0 $0x2  }
0x577: {  	_ =	swait.ge @!p0 [sflag:s0], s1  }
0x578: {  	s1 =	ssub.s32 @!p0 $0x0, s1;
	[sflag:s0] =	ssyncset.done @!p0 $0x0  }
0x579: {  	[sflag:s0] =	ssyncadd.s32 @!p0 s1  }
0x57a: {  	[bflag:$0x3] =	sbarrier.arrive $0xFFFF  }
0x57b: {  	_ =	shalt  }

</sc_bundles>
